<compile_context>
chip_gen: v7x
topology: tpu7x:2x2x1
jax: 0.10.2.dev20260603
libtpu: 0.0.44.dev20260713+nightly
codegen_flags: <defaults>
</compile_context>

<pallas_src>
import functools

import numpy as np
import jax
import jax.numpy as jnp
from jax import lax
from jax.experimental import pallas as pl
from jax.experimental.pallas import tpu as pltpu
from jax.experimental.pallas import tpu_sc as plsc

_N = 100000
_D = 16
_NC = 2
_NS = 16
_NW = _NC * _NS
_SUB = 128
_RD = 4
_KS = 3
_KC = 6
_RPS = 6272
_NACC = _RPS * _NS
_ROWS = _NACC * _D // 128

_FRAC0 = 0.655
_QUANT = 3072

_SC_PARAMS = pltpu.CompilerParams(use_tc_tiling_on_sc=False)


def _split_epw(e):
    epw0 = max(2 * _QUANT, -(-int(_FRAC0 * e / _NS) // _QUANT) * _QUANT)
    rest = max(0, e - _NS * epw0)
    epw1 = max(2 * _QUANT, -(-rest // (_NS * _QUANT)) * _QUANT)
    return epw0, epw1


def _sum_kernel(epw0, epw1):
    k = _KS
    n0 = epw0 // (k * _SUB)
    n1 = epw1 // (k * _SUB)
    assert n0 % _RD == 0 and n1 % _RD == 0 and min(n0, n1) >= 2 * _RD
    mesh = plsc.VectorSubcoreMesh(core_axis_name="c", subcore_axis_name="s")

    ch = k * _SUB

    def body(x_h, ei_h, z2_h, out_h, acc, src_v, dst_v, rows_v,
             isem, gsem, ssem):
        c = lax.axis_index("c")
        s = lax.axis_index("s")
        r0 = s * _RPS
        epw_sel = jnp.where(c == 0, epw0, epw1)
        woff = c * (_NS * epw0) + s * epw_sel
        nblk = jnp.where(c == 0, (n0 - 4) // _RD, (n1 - 4) // _RD)

        def fire_idx(g, b):
            pltpu.async_copy(ei_h.at[0, pl.ds(woff + g * ch, ch)], src_v[b],
                             isem[b])
            pltpu.async_copy(ei_h.at[1, pl.ds(woff + g * ch, ch)], dst_v[b],
                             isem[b])

        def wait_idx(b):
            pltpu.make_async_copy(ei_h.at[0, pl.ds(0, ch)], src_v[b],
                                  isem[b]).wait()
            pltpu.make_async_copy(ei_h.at[0, pl.ds(0, ch)], dst_v[b],
                                  isem[b]).wait()

        def fire_gathers(b):
            pltpu.async_copy(x_h.at[src_v[b]], rows_v[b], gsem[b])

        def wait_gathers(b):
            pltpu.make_async_copy(x_h.at[pl.ds(0, ch)], rows_v[b],
                                  gsem[b]).wait()

        def fire_scatters(b):
            pltpu.async_copy(rows_v[b], acc.at[dst_v[b]], ssem[b], add=True)

        def wait_scatters(b):
            pltpu.make_async_copy(rows_v[b], acc.at[pl.ds(0, ch)],
                                  ssem[b]).wait()

        pltpu.sync_copy(z2_h.at[pl.ds(r0, _RPS)], acc.at[pl.ds(r0, _RPS)])
        plsc.subcore_barrier()

        fire_idx(0, 0)
        fire_idx(1, 1)
        fire_idx(2, 2)
        wait_idx(0)
        fire_gathers(0)
        fire_idx(3, 3)
        wait_idx(1)
        fire_gathers(1)
        wait_gathers(0)
        fire_scatters(0)

        def blk(i0, carry):
            for r in range(_RD):
                g = 2 + i0 * _RD + r
                wait_scatters(r)
                fire_idx(g + 2, r)
                wait_idx((2 + r) % _RD)
                fire_gathers((2 + r) % _RD)
                wait_gathers((1 + r) % _RD)
                fire_scatters((1 + r) % _RD)
            return carry

        lax.fori_loop(0, nblk, blk, 0)

        wait_scatters(0)
        wait_idx(2)
        fire_gathers(2)
        wait_gathers(1)
        fire_scatters(1)
        wait_scatters(1)
        wait_idx(3)
        fire_gathers(3)
        wait_gathers(2)
        fire_scatters(2)
        wait_gathers(3)
        fire_scatters(3)
        wait_scatters(2)
        wait_scatters(3)

        plsc.subcore_barrier()
        pltpu.sync_copy(acc.at[pl.ds(r0, _RPS)], out_h.at[c, pl.ds(r0, _RPS)])

    return pl.kernel(
        body,
        out_type=jax.ShapeDtypeStruct((_NC, _NACC, _D), jnp.float32),
        mesh=mesh,
        scratch_types=[
            pltpu.VMEM_SHARED((_NACC, _D), jnp.float32),
            [pltpu.VMEM((k * _SUB,), jnp.int32) for _ in range(_RD)],
            [pltpu.VMEM((k * _SUB,), jnp.int32) for _ in range(_RD)],
            [pltpu.VMEM((k * _SUB, _D), jnp.float32) for _ in range(_RD)],
            [pltpu.SemaphoreType.DMA for _ in range(_RD)],
            [pltpu.SemaphoreType.DMA for _ in range(_RD)],
            [pltpu.SemaphoreType.DMA for _ in range(_RD)],
        ],
        compiler_params=_SC_PARAMS,
    )


def _count_kernel(epw0, epw1):
    k = _KC
    n0 = epw0 // (k * _SUB)
    n1 = epw1 // (k * _SUB)
    assert n0 % _RD == 0 and n1 % _RD == 0 and min(n0, n1) >= 2 * _RD
    mesh = plsc.VectorSubcoreMesh(core_axis_name="c", subcore_axis_name="s")

    ch = k * _SUB

    def body(ei_h, z1_h, ones_h, cnt_h, cacc, dst_v, ones_v, isem, ssem):
        c = lax.axis_index("c")
        s = lax.axis_index("s")
        r0 = s * _RPS
        epw_sel = jnp.where(c == 0, epw0, epw1)
        woff = c * (_NS * epw0) + s * epw_sel
        nblk = jnp.where(c == 0, (n0 - 4) // _RD, (n1 - 4) // _RD)

        def fire_idx(g, b):
            pltpu.async_copy(ei_h.at[1, pl.ds(woff + g * ch, ch)], dst_v[b],
                             isem[b])

        def wait_idx(b):
            pltpu.make_async_copy(ei_h.at[1, pl.ds(0, ch)], dst_v[b],
                                  isem[b]).wait()

        def fire_scatters(b):
            pltpu.async_copy(ones_v, cacc.at[dst_v[b]], ssem[b], add=True)

        def wait_scatters(b):
            pltpu.make_async_copy(ones_v, cacc.at[pl.ds(0, ch)],
                                  ssem[b]).wait()

        pltpu.sync_copy(z1_h.at[pl.ds(r0, _RPS)], cacc.at[pl.ds(r0, _RPS)])
        pltpu.sync_copy(ones_h, ones_v)
        plsc.subcore_barrier()

        fire_idx(0, 0)
        fire_idx(1, 1)
        fire_idx(2, 2)
        wait_idx(0)
        fire_scatters(0)
        fire_idx(3, 3)
        wait_idx(1)
        fire_scatters(1)

        def blk(i0, carry):
            for r in range(_RD):
                g = 2 + i0 * _RD + r
                wait_scatters(r)
                fire_idx(g + 2, r)
                wait_idx((2 + r) % _RD)
                fire_scatters((2 + r) % _RD)
            return carry

        lax.fori_loop(0, nblk, blk, 0)

        wait_scatters(0)
        wait_idx(2)
        fire_scatters(2)
        wait_scatters(1)
        wait_idx(3)
        fire_scatters(3)
        wait_scatters(2)
        wait_scatters(3)

        plsc.subcore_barrier()
        pltpu.sync_copy(cacc.at[pl.ds(r0, _RPS)], cnt_h.at[c, pl.ds(r0, _RPS)])

    return pl.kernel(
        body,
        out_type=jax.ShapeDtypeStruct((_NC, _NACC), jnp.float32),
        mesh=mesh,
        scratch_types=[
            pltpu.VMEM_SHARED((_NACC,), jnp.float32),
            [pltpu.VMEM((k * _SUB,), jnp.int32) for _ in range(_RD)],
            pltpu.VMEM((k * _SUB,), jnp.float32),
            [pltpu.SemaphoreType.DMA for _ in range(_RD)],
            [pltpu.SemaphoreType.DMA for _ in range(_RD)],
        ],
        compiler_params=_SC_PARAMS,
    )


def _dense_body(p_ref, x_ref, c8_ref, s_ref, wl_ref, wr_ref, b_ref, o_ref):
    hi = jax.lax.Precision.HIGHEST
    cexp = jnp.dot(c8_ref[0] + c8_ref[1], s_ref[...], precision=hi,
                   preferred_element_type=jnp.float32)
    agg = (p_ref[0] + p_ref[1]) / jnp.maximum(cexp, 1.0)
    o_ref[...] = (
        jnp.dot(agg, wl_ref[...], precision=hi, preferred_element_type=jnp.float32)
        + jnp.dot(x_ref[...], wr_ref[...], precision=hi,
                  preferred_element_type=jnp.float32)
        + b_ref[...]
    )


_BR = 1568


def _dense(p, xr, c8, smat, wlb, wrb, bias):
    grid = (_ROWS // _BR,)
    return pl.pallas_call(
        _dense_body,
        grid=grid,
        in_specs=[
            pl.BlockSpec((_NC, _BR, 128), lambda i: (0, i, 0)),
            pl.BlockSpec((_BR, 128), lambda i: (i, 0)),
            pl.BlockSpec((_NC, _BR, 8), lambda i: (0, i, 0)),
            pl.BlockSpec((8, 128), lambda i: (0, 0)),
            pl.BlockSpec((128, 128), lambda i: (0, 0)),
            pl.BlockSpec((128, 128), lambda i: (0, 0)),
            pl.BlockSpec((1, 128), lambda i: (0, 0)),
        ],
        out_specs=pl.BlockSpec((_BR, 128), lambda i: (i, 0)),
        out_shape=jax.ShapeDtypeStruct((_ROWS, 128), jnp.float32),
    )(p, xr, c8, smat, wlb, wrb, bias)


def kernel(x, edge_index, Wl0, bl0, Wr0, Wlin0, blin0, Wl1, bl1, Wr1, Wlin1,
           blin1, Wl2, bl2, Wr2, Wlin2, blin2):
    ei = edge_index.astype(jnp.int32)
    e = ei.shape[1]
    epw0, epw1 = _split_epw(e)
    pad = jnp.broadcast_to(jnp.array([[0], [_N]], jnp.int32),
                           (2, _NS * (epw0 + epw1) - e))
    ei2 = jnp.concatenate([ei, pad], axis=1)

    z2 = jnp.zeros((_NACC, _D), jnp.float32)
    z1 = jnp.zeros((_NACC,), jnp.float32)
    ones = jnp.ones((_KC * _SUB,), jnp.float32)

    eye8 = jnp.eye(8, dtype=jnp.float32)
    smat_np = np.zeros((8, 128), np.float32)
    for i in range(8):
        smat_np[i, 16 * i:16 * (i + 1)] = 1.0
    smat = jnp.asarray(smat_np)

    params = [(Wl0, bl0, Wr0, Wlin0, blin0), (Wl1, bl1, Wr1, Wlin1, blin1),
              (Wl2, bl2, Wr2, Wlin2, blin2)]

    sc_sum = _sum_kernel(epw0, epw1)
    cnt = _count_kernel(epw0, epw1)(ei2, z1, ones)
    c8 = cnt.reshape(_NC, _ROWS, 8)

    xl = jnp.concatenate([x, jnp.zeros((_NACC - _N, _D), jnp.float32)])
    for (Wl, bl, Wr, Wlin, blin) in params:
        p = sc_sum(xl, ei2, z2)
        wlb = jnp.kron(eye8, Wl)
        wrb = jnp.kron(eye8, Wr + Wlin)
        bias = jnp.tile(bl + blin, 8).reshape(1, 128)
        xp = _dense(p.reshape(_NC, _ROWS, 128), xl.reshape(_ROWS, 128), c8,
                    smat, wlb, wrb, bias)
        xl = xp.reshape(_NACC, _D)
    return xl[:_N]

# --- scband reference (transcript-rebuilt; emitter-appended) ---
"""Pipeline reference for scband-net6-29755533427164 (READ-ONLY COPY).

The authoritative reference and input builder live on the scoring server;
editing this copy changes nothing except your own understanding.
"""

import jax, jax.numpy as jnp
import numpy as np

N = 100000
E = 3200000
D = 16
L = 3


def setup_inputs(seed: int = 0) -> dict:
    key = jax.random.key(seed)
    ks = jax.random.split(key, 2 + 5 * L)
    inp = {}
    inp['x'] = jax.random.normal(ks[0], (N, D), dtype=jnp.float32)
    inp['edge_index'] = jax.random.randint(ks[1], (2, E), 0, N, dtype=jnp.int64)
    s = 1.0 / np.sqrt(D)
    for i in range(L):
        base = 2 + 5 * i
        inp[f'Wl{i}'] = jax.random.normal(ks[base + 0], (D, D), dtype=jnp.float32) * s
        inp[f'bl{i}'] = jnp.zeros((D,), dtype=jnp.float32)
        inp[f'Wr{i}'] = jax.random.normal(ks[base + 1], (D, D), dtype=jnp.float32) * s
        inp[f'Wlin{i}'] = jax.random.normal(ks[base + 2], (D, D), dtype=jnp.float32) * s
        inp[f'blin{i}'] = jnp.zeros((D,), dtype=jnp.float32)
    return inp


def _sage_layer(x, src, dst, Wl, bl, Wr, Wlin, blin):
    # PyG SAGEConv (aggr='mean'): out = lin_l(mean_j x_j) + lin_r(x_i)
    msg = x[src]
    summed = jax.ops.segment_sum(msg, dst, num_segments=N)
    cnt = jax.ops.segment_sum(jnp.ones((src.shape[0],), x.dtype), dst, num_segments=N)
    agg = summed / jnp.clip(cnt, 1.0)[:, None]
    conv = agg @ Wl + bl + x @ Wr
    lin = x @ Wlin + blin
    return conv + lin


def reference(x, edge_index, Wl0, bl0, Wr0, Wlin0, blin0, Wl1, bl1, Wr1, Wlin1, blin1, Wl2, bl2, Wr2, Wlin2, blin2):
    src = edge_index[0]
    dst = edge_index[1]
    params = [(Wl0, bl0, Wr0, Wlin0, blin0), (Wl1, bl1, Wr1, Wlin1, blin1), (Wl2, bl2, Wr2, Wlin2, blin2)]
    for (Wl, bl, Wr, Wlin, blin) in params:
        x = _sage_layer(x, src, dst, Wl, bl, Wr, Wlin, blin)
    return x

if __name__ == "__main__":
    import jax
    _d = setup_inputs()
    print(jax.jit(kernel)(*tuple(_d.values())))

</pallas_src>

<mosaic_0001>
#map = affine_map<(d0, d1) -> (0, 0)>
#map1 = affine_map<(d0, d1) -> (0, 0, 0)>
module attributes {stable_mosaic.version = 14 : i64} {
  func.func @body(%arg0: i32, %arg1: i32, %arg2: memref<100352x16xf32, #tpu.memory_space<hbm>>, %arg3: memref<2x3244032xi32, #tpu.memory_space<hbm>>, %arg4: memref<100352x16xf32, #tpu.memory_space<hbm>>, %arg5: memref<2x100352x16xf32, #tpu.memory_space<hbm>>, %arg6: memref<100352x16xf32, #tpu.memory_space<vmem_shared>>, %arg7: memref<384xi32, #tpu.memory_space<vmem>>, %arg8: memref<384xi32, #tpu.memory_space<vmem>>, %arg9: memref<384xi32, #tpu.memory_space<vmem>>, %arg10: memref<384xi32, #tpu.memory_space<vmem>>, %arg11: memref<384xi32, #tpu.memory_space<vmem>>, %arg12: memref<384xi32, #tpu.memory_space<vmem>>, %arg13: memref<384xi32, #tpu.memory_space<vmem>>, %arg14: memref<384xi32, #tpu.memory_space<vmem>>, %arg15: memref<384x16xf32, #tpu.memory_space<vmem>>, %arg16: memref<384x16xf32, #tpu.memory_space<vmem>>, %arg17: memref<384x16xf32, #tpu.memory_space<vmem>>, %arg18: memref<384x16xf32, #tpu.memory_space<vmem>>, %arg19: memref<!tpu.dma_semaphore, #tpu.memory_space<semaphore_mem>>, %arg20: memref<!tpu.dma_semaphore, #tpu.memory_space<semaphore_mem>>, %arg21: memref<!tpu.dma_semaphore, #tpu.memory_space<semaphore_mem>>, %arg22: memref<!tpu.dma_semaphore, #tpu.memory_space<semaphore_mem>>, %arg23: memref<!tpu.dma_semaphore, #tpu.memory_space<semaphore_mem>>, %arg24: memref<!tpu.dma_semaphore, #tpu.memory_space<semaphore_mem>>, %arg25: memref<!tpu.dma_semaphore, #tpu.memory_space<semaphore_mem>>, %arg26: memref<!tpu.dma_semaphore, #tpu.memory_space<semaphore_mem>>, %arg27: memref<!tpu.dma_semaphore, #tpu.memory_space<semaphore_mem>>, %arg28: memref<!tpu.dma_semaphore, #tpu.memory_space<semaphore_mem>>, %arg29: memref<!tpu.dma_semaphore, #tpu.memory_space<semaphore_mem>>, %arg30: memref<!tpu.dma_semaphore, #tpu.memory_space<semaphore_mem>>) attributes {dimension_semantics = [#tpu.dimension_semantics<core_parallel>, #tpu.dimension_semantics<subcore_parallel>], iteration_bounds = array<i64: 2, 16>, scalar_prefetch = 0 : i64, scratch_operands = 25 : i64, tpu.core_type = #tpu.core_type<sc_vector_subcore>, window_params = [{transform_indices = #map}, {transform_indices = #map}, {transform_indices = #map}, {transform_indices = #map1}]} {
    %mul3A = arith.constant 6272 : i32
    %mul3A_0 = arith.muli %arg1, %mul3A : i32
    %eq3A = arith.constant 0 : i32
    %eq3A_1 = arith.cmpi eq, %arg0, %eq3A : i32
    %jit3A = arith.constant 132096 : i32
    %jit3A_2 = arith.constant 70656 : i32
    %select_n3A = arith.select %eq3A_1, %jit3A, %jit3A_2 : i32
    %mul3A_3 = arith.constant 2113536 : i32
    %mul3A_4 = arith.muli %arg0, %mul3A_3 : i32
    %mul3A_5 = arith.muli %arg1, %select_n3A : i32
    %add3A = arith.addi %mul3A_4, %mul3A_5 : i32
    %eq3A_6 = arith.constant 0 : i32
    %eq3A_7 = arith.cmpi eq, %arg0, %eq3A_6 : i32
    %jit3A_8 = arith.constant 85 : i32
    %jit3A_9 = arith.constant 45 : i32
    %select_n3A_10 = arith.select %eq3A_7, %jit3A_8, %jit3A_9 : i32
    "tpu.region"() ({
      %run_scoped3A = tpu.sem_alloc : memref<!tpu.dma_semaphore, #tpu.memory_space<semaphore_mem>>
      %dma_start3A_203 = arith.constant 0 : i32
      %dma_start3A_204 = tpu.memref_slice %arg6[%mul3A_0, %dma_start3A_203] : memref<100352x16xf32, #tpu.memory_space<vmem_shared>> -> memref<6272x16xf32, #tpu.memory_space<vmem_shared>>
      %dma_start3A_205 = arith.constant 0 : i32
      %dma_start3A_206 = tpu.memref_slice %arg4[%mul3A_0, %dma_start3A_205] : memref<100352x16xf32, #tpu.memory_space<hbm>> -> memref<6272x16xf32, #tpu.memory_space<hbm>>
      tpu.enqueue_dma source(%dma_start3A_206 : memref<6272x16xf32, #tpu.memory_space<hbm>>) target(%dma_start3A_204 : memref<6272x16xf32, #tpu.memory_space<vmem_shared>>) target_semaphore(%run_scoped3A : memref<!tpu.dma_semaphore, #tpu.memory_space<semaphore_mem>>)
      %dma_wait3A_207 = arith.constant 0 : i32
      %dma_wait3A_208 = tpu.memref_slice %arg6[%mul3A_0, %dma_wait3A_207] : memref<100352x16xf32, #tpu.memory_space<vmem_shared>> -> memref<6272x16xf32, #tpu.memory_space<vmem_shared>>
      %dma_wait3A_209 = arith.constant 0 : i32
      %dma_wait3A_210 = tpu.memref_slice %arg4[%mul3A_0, %dma_wait3A_209] : memref<100352x16xf32, #tpu.memory_space<hbm>> -> memref<6272x16xf32, #tpu.memory_space<hbm>>
      tpu.wait_dma2 semaphore(%run_scoped3A : memref<!tpu.dma_semaphore, #tpu.memory_space<semaphore_mem>>) src(%dma_wait3A_210 : memref<6272x16xf32, #tpu.memory_space<hbm>>) dst(%dma_wait3A_208 : memref<6272x16xf32, #tpu.memory_space<vmem_shared>>)
      tpu.yield
    }) : () -> ()
    %barrier3A = arith.constant 0 : index
    tpu.barrier barrier_id(%barrier3A)
    %add3A_11 = arith.constant 0 : i32
    %add3A_12 = arith.addi %add3A, %add3A_11 : i32
    %dma_start3A = arith.constant 0 : i32
    %dma_start3A_13 = tpu.memref_slice %arg3[%dma_start3A, %add3A_12] : memref<2x3244032xi32, #tpu.memory_space<hbm>> -> memref<1x384xi32, #tpu.memory_space<hbm>>
    %dma_start3A_14 = tpu.memref_squeeze %dma_start3A_13 : memref<1x384xi32, #tpu.memory_space<hbm>> -> memref<384xi32, #tpu.memory_space<hbm>>
    %dma_start3A_15 = tpu.memref_slice %arg3[%dma_start3A, %add3A_12] : memref<2x3244032xi32, #tpu.memory_space<hbm>> -> memref<1x384xi32, #tpu.memory_space<hbm>>
    %dma_start3A_16 = tpu.memref_squeeze %dma_start3A_15 : memref<1x384xi32, #tpu.memory_space<hbm>> -> memref<384xi32, #tpu.memory_space<hbm>>
    tpu.enqueue_dma source(%dma_start3A_16 : memref<384xi32, #tpu.memory_space<hbm>>) target(%arg7 : memref<384xi32, #tpu.memory_space<vmem>>) target_semaphore(%arg19 : memref<!tpu.dma_semaphore, #tpu.memory_space<semaphore_mem>>)
    %add3A_17 = arith.constant 0 : i32
    %add3A_18 = arith.addi %add3A, %add3A_17 : i32
    %dma_start3A_19 = arith.constant 1 : i32
    %dma_start3A_20 = tpu.memref_slice %arg3[%dma_start3A_19, %add3A_18] : memref<2x3244032xi32, #tpu.memory_space<hbm>> -> memref<1x384xi32, #tpu.memory_space<hbm>>
    %dma_start3A_21 = tpu.memref_squeeze %dma_start3A_20 : memref<1x384xi32, #tpu.memory_space<hbm>> -> memref<384xi32, #tpu.memory_space<hbm>>
    %dma_start3A_22 = tpu.memref_slice %arg3[%dma_start3A_19, %add3A_18] : memref<2x3244032xi32, #tpu.memory_space<hbm>> -> memref<1x384xi32, #tpu.memory_space<hbm>>
    %dma_start3A_23 = tpu.memref_squeeze %dma_start3A_22 : memref<1x384xi32, #tpu.memory_space<hbm>> -> memref<384xi32, #tpu.memory_space<hbm>>
    tpu.enqueue_dma source(%dma_start3A_23 : memref<384xi32, #tpu.memory_space<hbm>>) target(%arg11 : memref<384xi32, #tpu.memory_space<vmem>>) target_semaphore(%arg19 : memref<!tpu.dma_semaphore, #tpu.memory_space<semaphore_mem>>)
    %add3A_24 = arith.constant 384 : i32
    %add3A_25 = arith.addi %add3A, %add3A_24 : i32
    %dma_start3A_26 = arith.constant 0 : i32
    %dma_start3A_27 = tpu.memref_slice %arg3[%dma_start3A_26, %add3A_25] : memref<2x3244032xi32, #tpu.memory_space<hbm>> -> memref<1x384xi32, #tpu.memory_space<hbm>>
    %dma_start3A_28 = tpu.memref_squeeze %dma_start3A_27 : memref<1x384xi32, #tpu.memory_space<hbm>> -> memref<384xi32, #tpu.memory_space<hbm>>
    %dma_start3A_29 = tpu.memref_slice %arg3[%dma_start3A_26, %add3A_25] : memref<2x3244032xi32, #tpu.memory_space<hbm>> -> memref<1x384xi32, #tpu.memory_space<hbm>>
    %dma_start3A_30 = tpu.memref_squeeze %dma_start3A_29 : memref<1x384xi32, #tpu.memory_space<hbm>> -> memref<384xi32, #tpu.memory_space<hbm>>
    tpu.enqueue_dma source(%dma_start3A_30 : memref<384xi32, #tpu.memory_space<hbm>>) target(%arg8 : memref<384xi32, #tpu.memory_space<vmem>>) target_semaphore(%arg20 : memref<!tpu.dma_semaphore, #tpu.memory_space<semaphore_mem>>)
    %add3A_31 = arith.constant 384 : i32
    %add3A_32 = arith.addi %add3A, %add3A_31 : i32
    %dma_start3A_33 = arith.constant 1 : i32
    %dma_start3A_34 = tpu.memref_slice %arg3[%dma_start3A_33, %add3A_32] : memref<2x3244032xi32, #tpu.memory_space<hbm>> -> memref<1x384xi32, #tpu.memory_space<hbm>>
    %dma_start3A_35 = tpu.memref_squeeze %dma_start3A_34 : memref<1x384xi32, #tpu.memory_space<hbm>> -> memref<384xi32, #tpu.memory_space<hbm>>
    %dma_start3A_36 = tpu.memref_slice %arg3[%dma_start3A_33, %add3A_32] : memref<2x3244032xi32, #tpu.memory_space<hbm>> -> memref<1x384xi32, #tpu.memory_space<hbm>>
    %dma_start3A_37 = tpu.memref_squeeze %dma_start3A_36 : memref<1x384xi32, #tpu.memory_space<hbm>> -> memref<384xi32, #tpu.memory_space<hbm>>
    tpu.enqueue_dma source(%dma_start3A_37 : memref<384xi32, #tpu.memory_space<hbm>>) target(%arg12 : memref<384xi32, #tpu.memory_space<vmem>>) target_semaphore(%arg20 : memref<!tpu.dma_semaphore, #tpu.memory_space<semaphore_mem>>)
    %add3A_38 = arith.constant 768 : i32
    %add3A_39 = arith.addi %add3A, %add3A_38 : i32
    %dma_start3A_40 = arith.constant 0 : i32
    %dma_start3A_41 = tpu.memref_slice %arg3[%dma_start3A_40, %add3A_39] : memref<2x3244032xi32, #tpu.memory_space<hbm>> -> memref<1x384xi32, #tpu.memory_space<hbm>>
    %dma_start3A_42 = tpu.memref_squeeze %dma_start3A_41 : memref<1x384xi32, #tpu.memory_space<hbm>> -> memref<384xi32, #tpu.memory_space<hbm>>
    %dma_start3A_43 = tpu.memref_slice %arg3[%dma_start3A_40, %add3A_39] : memref<2x3244032xi32, #tpu.memory_space<hbm>> -> memref<1x384xi32, #tpu.memory_space<hbm>>
    %dma_start3A_44 = tpu.memref_squeeze %dma_start3A_43 : memref<1x384xi32, #tpu.memory_space<hbm>> -> memref<384xi32, #tpu.memory_space<hbm>>
    tpu.enqueue_dma source(%dma_start3A_44 : memref<384xi32, #tpu.memory_space<hbm>>) target(%arg9 : memref<384xi32, #tpu.memory_space<vmem>>) target_semaphore(%arg21 : memref<!tpu.dma_semaphore, #tpu.memory_space<semaphore_mem>>)
    %add3A_45 = arith.constant 768 : i32
    %add3A_46 = arith.addi %add3A, %add3A_45 : i32
    %dma_start3A_47 = arith.constant 1 : i32
    %dma_start3A_48 = tpu.memref_slice %arg3[%dma_start3A_47, %add3A_46] : memref<2x3244032xi32, #tpu.memory_space<hbm>> -> memref<1x384xi32, #tpu.memory_space<hbm>>
    %dma_start3A_49 = tpu.memref_squeeze %dma_start3A_48 : memref<1x384xi32, #tpu.memory_space<hbm>> -> memref<384xi32, #tpu.memory_space<hbm>>
    %dma_start3A_50 = tpu.memref_slice %arg3[%dma_start3A_47, %add3A_46] : memref<2x3244032xi32, #tpu.memory_space<hbm>> -> memref<1x384xi32, #tpu.memory_space<hbm>>
    %dma_start3A_51 = tpu.memref_squeeze %dma_start3A_50 : memref<1x384xi32, #tpu.memory_space<hbm>> -> memref<384xi32, #tpu.memory_space<hbm>>
    tpu.enqueue_dma source(%dma_start3A_51 : memref<384xi32, #tpu.memory_space<hbm>>) target(%arg13 : memref<384xi32, #tpu.memory_space<vmem>>) target_semaphore(%arg21 : memref<!tpu.dma_semaphore, #tpu.memory_space<semaphore_mem>>)
    %dma_wait3A = arith.constant 0 : i32
    %dma_wait3A_52 = arith.constant 0 : i32
    %dma_wait3A_53 = tpu.memref_slice %arg3[%dma_wait3A, %dma_wait3A_52] : memref<2x3244032xi32, #tpu.memory_space<hbm>> -> memref<1x384xi32, #tpu.memory_space<hbm>>
    %dma_wait3A_54 = tpu.memref_squeeze %dma_wait3A_53 : memref<1x384xi32, #tpu.memory_space<hbm>> -> memref<384xi32, #tpu.memory_space<hbm>>
    %dma_wait3A_55 = arith.constant 0 : i32
    %dma_wait3A_56 = tpu.memref_slice %arg3[%dma_wait3A, %dma_wait3A_55] : memref<2x3244032xi32, #tpu.memory_space<hbm>> -> memref<1x384xi32, #tpu.memory_space<hbm>>
    %dma_wait3A_57 = tpu.memref_squeeze %dma_wait3A_56 : memref<1x384xi32, #tpu.memory_space<hbm>> -> memref<384xi32, #tpu.memory_space<hbm>>
    tpu.wait_dma2 semaphore(%arg19 : memref<!tpu.dma_semaphore, #tpu.memory_space<semaphore_mem>>) src(%dma_wait3A_57 : memref<384xi32, #tpu.memory_space<hbm>>) dst(%arg7 : memref<384xi32, #tpu.memory_space<vmem>>)
    %dma_wait3A_58 = arith.constant 0 : i32
    %dma_wait3A_59 = arith.constant 0 : i32
    %dma_wait3A_60 = tpu.memref_slice %arg3[%dma_wait3A_58, %dma_wait3A_59] : memref<2x3244032xi32, #tpu.memory_space<hbm>> -> memref<1x384xi32, #tpu.memory_space<hbm>>
    %dma_wait3A_61 = tpu.memref_squeeze %dma_wait3A_60 : memref<1x384xi32, #tpu.memory_space<hbm>> -> memref<384xi32, #tpu.memory_space<hbm>>
    %dma_wait3A_62 = arith.constant 0 : i32
    %dma_wait3A_63 = tpu.memref_slice %arg3[%dma_wait3A_58, %dma_wait3A_62] : memref<2x3244032xi32, #tpu.memory_space<hbm>> -> memref<1x384xi32, #tpu.memory_space<hbm>>
    %dma_wait3A_64 = tpu.memref_squeeze %dma_wait3A_63 : memref<1x384xi32, #tpu.memory_space<hbm>> -> memref<384xi32, #tpu.memory_space<hbm>>
    tpu.wait_dma2 semaphore(%arg19 : memref<!tpu.dma_semaphore, #tpu.memory_space<semaphore_mem>>) src(%dma_wait3A_64 : memref<384xi32, #tpu.memory_space<hbm>>) dst(%arg11 : memref<384xi32, #tpu.memory_space<vmem>>)
    %dma_start3A_65 = arith.constant 0 : i32
    %dma_start3A_66 = arith.constant 0 : i32
    %dma_start3A_67 = tpu.memref_slice %arg2[%dma_start3A_65, %dma_start3A_66] : memref<100352x16xf32, #tpu.memory_space<hbm>> -> memref<100352x16xf32, #tpu.memory_space<hbm>>
    tpu.enqueue_indirect_dma source(%dma_start3A_67 : memref<100352x16xf32, #tpu.memory_space<hbm>>) target(%arg15 : memref<384x16xf32, #tpu.memory_space<vmem>>) offsets(%arg7 : memref<384xi32, #tpu.memory_space<vmem>>) semaphore(%arg23 : memref<!tpu.dma_semaphore, #tpu.memory_space<semaphore_mem>>)
    %add3A_68 = arith.constant 1152 : i32
    %add3A_69 = arith.addi %add3A, %add3A_68 : i32
    %dma_start3A_70 = arith.constant 0 : i32
    %dma_start3A_71 = tpu.memref_slice %arg3[%dma_start3A_70, %add3A_69] : memref<2x3244032xi32, #tpu.memory_space<hbm>> -> memref<1x384xi32, #tpu.memory_space<hbm>>
    %dma_start3A_72 = tpu.memref_squeeze %dma_start3A_71 : memref<1x384xi32, #tpu.memory_space<hbm>> -> memref<384xi32, #tpu.memory_space<hbm>>
    %dma_start3A_73 = tpu.memref_slice %arg3[%dma_start3A_70, %add3A_69] : memref<2x3244032xi32, #tpu.memory_space<hbm>> -> memref<1x384xi32, #tpu.memory_space<hbm>>
    %dma_start3A_74 = tpu.memref_squeeze %dma_start3A_73 : memref<1x384xi32, #tpu.memory_space<hbm>> -> memref<384xi32, #tpu.memory_space<hbm>>
    tpu.enqueue_dma source(%dma_start3A_74 : memref<384xi32, #tpu.memory_space<hbm>>) target(%arg10 : memref<384xi32, #tpu.memory_space<vmem>>) target_semaphore(%arg22 : memref<!tpu.dma_semaphore, #tpu.memory_space<semaphore_mem>>)
    %add3A_75 = arith.constant 1152 : i32
    %add3A_76 = arith.addi %add3A, %add3A_75 : i32
    %dma_start3A_77 = arith.constant 1 : i32
    %dma_start3A_78 = tpu.memref_slice %arg3[%dma_start3A_77, %add3A_76] : memref<2x3244032xi32, #tpu.memory_space<hbm>> -> memref<1x384xi32, #tpu.memory_space<hbm>>
    %dma_start3A_79 = tpu.memref_squeeze %dma_start3A_78 : memref<1x384xi32, #tpu.memory_space<hbm>> -> memref<384xi32, #tpu.memory_space<hbm>>
    %dma_start3A_80 = tpu.memref_slice %arg3[%dma_start3A_77, %add3A_76] : memref<2x3244032xi32, #tpu.memory_space<hbm>> -> memref<1x384xi32, #tpu.memory_space<hbm>>
    %dma_start3A_81 = tpu.memref_squeeze %dma_start3A_80 : memref<1x384xi32, #tpu.memory_space<hbm>> -> memref<384xi32, #tpu.memory_space<hbm>>
    tpu.enqueue_dma source(%dma_start3A_81 : memref<384xi32, #tpu.memory_space<hbm>>) target(%arg14 : memref<384xi32, #tpu.memory_space<vmem>>) target_semaphore(%arg22 : memref<!tpu.dma_semaphore, #tpu.memory_space<semaphore_mem>>)
    %dma_wait3A_82 = arith.constant 0 : i32
    %dma_wait3A_83 = arith.constant 0 : i32
    %dma_wait3A_84 = tpu.memref_slice %arg3[%dma_wait3A_82, %dma_wait3A_83] : memref<2x3244032xi32, #tpu.memory_space<hbm>> -> memref<1x384xi32, #tpu.memory_space<hbm>>
    %dma_wait3A_85 = tpu.memref_squeeze %dma_wait3A_84 : memref<1x384xi32, #tpu.memory_space<hbm>> -> memref<384xi32, #tpu.memory_space<hbm>>
    %dma_wait3A_86 = arith.constant 0 : i32
    %dma_wait3A_87 = tpu.memref_slice %arg3[%dma_wait3A_82, %dma_wait3A_86] : memref<2x3244032xi32, #tpu.memory_space<hbm>> -> memref<1x384xi32, #tpu.memory_space<hbm>>
    %dma_wait3A_88 = tpu.memref_squeeze %dma_wait3A_87 : memref<1x384xi32, #tpu.memory_space<hbm>> -> memref<384xi32, #tpu.memory_space<hbm>>
    tpu.wait_dma2 semaphore(%arg20 : memref<!tpu.dma_semaphore, #tpu.memory_space<semaphore_mem>>) src(%dma_wait3A_88 : memref<384xi32, #tpu.memory_space<hbm>>) dst(%arg8 : memref<384xi32, #tpu.memory_space<vmem>>)
    %dma_wait3A_89 = arith.constant 0 : i32
    %dma_wait3A_90 = arith.constant 0 : i32
    %dma_wait3A_91 = tpu.memref_slice %arg3[%dma_wait3A_89, %dma_wait3A_90] : memref<2x3244032xi32, #tpu.memory_space<hbm>> -> memref<1x384xi32, #tpu.memory_space<hbm>>
    %dma_wait3A_92 = tpu.memref_squeeze %dma_wait3A_91 : memref<1x384xi32, #tpu.memory_space<hbm>> -> memref<384xi32, #tpu.memory_space<hbm>>
    %dma_wait3A_93 = arith.constant 0 : i32
    %dma_wait3A_94 = tpu.memref_slice %arg3[%dma_wait3A_89, %dma_wait3A_93] : memref<2x3244032xi32, #tpu.memory_space<hbm>> -> memref<1x384xi32, #tpu.memory_space<hbm>>
    %dma_wait3A_95 = tpu.memref_squeeze %dma_wait3A_94 : memref<1x384xi32, #tpu.memory_space<hbm>> -> memref<384xi32, #tpu.memory_space<hbm>>
    tpu.wait_dma2 semaphore(%arg20 : memref<!tpu.dma_semaphore, #tpu.memory_space<semaphore_mem>>) src(%dma_wait3A_95 : memref<384xi32, #tpu.memory_space<hbm>>) dst(%arg12 : memref<384xi32, #tpu.memory_space<vmem>>)
    %dma_start3A_96 = arith.constant 0 : i32
    %dma_start3A_97 = arith.constant 0 : i32
    %dma_start3A_98 = tpu.memref_slice %arg2[%dma_start3A_96, %dma_start3A_97] : memref<100352x16xf32, #tpu.memory_space<hbm>> -> memref<100352x16xf32, #tpu.memory_space<hbm>>
    tpu.enqueue_indirect_dma source(%dma_start3A_98 : memref<100352x16xf32, #tpu.memory_space<hbm>>) target(%arg16 : memref<384x16xf32, #tpu.memory_space<vmem>>) offsets(%arg8 : memref<384xi32, #tpu.memory_space<vmem>>) semaphore(%arg24 : memref<!tpu.dma_semaphore, #tpu.memory_space<semaphore_mem>>)
    %dma_wait3A_99 = arith.constant 0 : i32
    %dma_wait3A_100 = arith.constant 0 : i32
    %dma_wait3A_101 = tpu.memref_slice %arg2[%dma_wait3A_99, %dma_wait3A_100] : memref<100352x16xf32, #tpu.memory_space<hbm>> -> memref<384x16xf32, #tpu.memory_space<hbm>>
    %dma_wait3A_102 = arith.constant 0 : i32
    %dma_wait3A_103 = arith.constant 0 : i32
    %dma_wait3A_104 = tpu.memref_slice %arg2[%dma_wait3A_102, %dma_wait3A_103] : memref<100352x16xf32, #tpu.memory_space<hbm>> -> memref<384x16xf32, #tpu.memory_space<hbm>>
    tpu.wait_dma2 semaphore(%arg23 : memref<!tpu.dma_semaphore, #tpu.memory_space<semaphore_mem>>) src(%dma_wait3A_104 : memref<384x16xf32, #tpu.memory_space<hbm>>) dst(%arg15 : memref<384x16xf32, #tpu.memory_space<vmem>>)
    %dma_start3A_105 = arith.constant 0 : i32
    %dma_start3A_106 = arith.constant 0 : i32
    %dma_start3A_107 = tpu.memref_slice %arg6[%dma_start3A_105, %dma_start3A_106] : memref<100352x16xf32, #tpu.memory_space<vmem_shared>> -> memref<100352x16xf32, #tpu.memory_space<vmem_shared>>
    tpu.enqueue_indirect_dma source(%arg15 : memref<384x16xf32, #tpu.memory_space<vmem>>) target(%dma_start3A_107 : memref<100352x16xf32, #tpu.memory_space<vmem_shared>>) offsets(%arg11 : memref<384xi32, #tpu.memory_space<vmem>>) semaphore(%arg27 : memref<!tpu.dma_semaphore, #tpu.memory_space<semaphore_mem>>) {add = true}
    %while3A = arith.constant 0 : i32
    %while3A_108 = arith.constant 0 : i32
    %while3A_109 = arith.subi %select_n3A_10, %while3A_108 : i32
    %while3A_110 = arith.addi %while3A_108, %while3A_109 : i32
    %while3A_111 = arith.constant 1 : i32
    %while3A_112 = arith.divsi %while3A_109, %while3A_111 : i32
    %while3A_113 = arith.muli %while3A_112, %while3A_111 : i32
    %while3A_114 = arith.addi %while3A_108, %while3A_113 : i32
    %while3A_115 = arith.constant 1 : i32
    scf.for %while3A_203 = %while3A_108 to %while3A_114 step %while3A_115  : i32 {
      %mul3A_204 = arith.constant 4 : i32
      %mul3A_205 = arith.muli %while3A_203, %mul3A_204 : i32
      %add3A_206 = arith.constant 2 : i32
      %add3A_207 = arith.addi %add3A_206, %mul3A_205 : i32
      %add3A_208 = arith.constant 0 : i32
      %add3A_209 = arith.addi %add3A_207, %add3A_208 : i32
      %dma_wait3A_210 = arith.constant 0 : i32
      %dma_wait3A_211 = arith.constant 0 : i32
      %dma_wait3A_212 = tpu.memref_slice %arg6[%dma_wait3A_210, %dma_wait3A_211] : memref<100352x16xf32, #tpu.memory_space<vmem_shared>> -> memref<384x16xf32, #tpu.memory_space<vmem_shared>>
      %dma_wait3A_213 = arith.constant 0 : i32
      %dma_wait3A_214 = arith.constant 0 : i32
      %dma_wait3A_215 = tpu.memref_slice %arg6[%dma_wait3A_213, %dma_wait3A_214] : memref<100352x16xf32, #tpu.memory_space<vmem_shared>> -> memref<384x16xf32, #tpu.memory_space<vmem_shared>>
      tpu.wait_dma2 semaphore(%arg27 : memref<!tpu.dma_semaphore, #tpu.memory_space<semaphore_mem>>) src(%arg15 : memref<384x16xf32, #tpu.memory_space<vmem>>) dst(%dma_wait3A_215 : memref<384x16xf32, #tpu.memory_space<vmem_shared>>)
      %add3A_216 = arith.constant 2 : i32
      %add3A_217 = arith.addi %add3A_209, %add3A_216 : i32
      %mul3A_218 = arith.constant 384 : i32
      %mul3A_219 = arith.muli %add3A_217, %mul3A_218 : i32
      %add3A_220 = arith.addi %add3A, %mul3A_219 : i32
      %dma_start3A_221 = arith.constant 0 : i32
      %dma_start3A_222 = tpu.memref_slice %arg3[%dma_start3A_221, %add3A_220] : memref<2x3244032xi32, #tpu.memory_space<hbm>> -> memref<1x384xi32, #tpu.memory_space<hbm>>
      %dma_start3A_223 = tpu.memref_squeeze %dma_start3A_222 : memref<1x384xi32, #tpu.memory_space<hbm>> -> memref<384xi32, #tpu.memory_space<hbm>>
      %dma_start3A_224 = tpu.memref_slice %arg3[%dma_start3A_221, %add3A_220] : memref<2x3244032xi32, #tpu.memory_space<hbm>> -> memref<1x384xi32, #tpu.memory_space<hbm>>
      %dma_start3A_225 = tpu.memref_squeeze %dma_start3A_224 : memref<1x384xi32, #tpu.memory_space<hbm>> -> memref<384xi32, #tpu.memory_space<hbm>>
      tpu.enqueue_dma source(%dma_start3A_225 : memref<384xi32, #tpu.memory_space<hbm>>) target(%arg7 : memref<384xi32, #tpu.memory_space<vmem>>) target_semaphore(%arg19 : memref<!tpu.dma_semaphore, #tpu.memory_space<semaphore_mem>>)
      %mul3A_226 = arith.constant 384 : i32
      %mul3A_227 = arith.muli %add3A_217, %mul3A_226 : i32
      %add3A_228 = arith.addi %add3A, %mul3A_227 : i32
      %dma_start3A_229 = arith.constant 1 : i32
      %dma_start3A_230 = tpu.memref_slice %arg3[%dma_start3A_229, %add3A_228] : memref<2x3244032xi32, #tpu.memory_space<hbm>> -> memref<1x384xi32, #tpu.memory_space<hbm>>
      %dma_start3A_231 = tpu.memref_squeeze %dma_start3A_230 : memref<1x384xi32, #tpu.memory_space<hbm>> -> memref<384xi32, #tpu.memory_space<hbm>>
      %dma_start3A_232 = tpu.memref_slice %arg3[%dma_start3A_229, %add3A_228] : memref<2x3244032xi32, #tpu.memory_space<hbm>> -> memref<1x384xi32, #tpu.memory_space<hbm>>
      %dma_start3A_233 = tpu.memref_squeeze %dma_start3A_232 : memref<1x384xi32, #tpu.memory_space<hbm>> -> memref<384xi32, #tpu.memory_space<hbm>>
      tpu.enqueue_dma source(%dma_start3A_233 : memref<384xi32, #tpu.memory_space<hbm>>) target(%arg11 : memref<384xi32, #tpu.memory_space<vmem>>) target_semaphore(%arg19 : memref<!tpu.dma_semaphore, #tpu.memory_space<semaphore_mem>>)
      %dma_wait3A_234 = arith.constant 0 : i32
      %dma_wait3A_235 = arith.constant 0 : i32
      %dma_wait3A_236 = tpu.memref_slice %arg3[%dma_wait3A_234, %dma_wait3A_235] : memref<2x3244032xi32, #tpu.memory_space<hbm>> -> memref<1x384xi32, #tpu.memory_space<hbm>>
      %dma_wait3A_237 = tpu.memref_squeeze %dma_wait3A_236 : memref<1x384xi32, #tpu.memory_space<hbm>> -> memref<384xi32, #tpu.memory_space<hbm>>
      %dma_wait3A_238 = arith.constant 0 : i32
      %dma_wait3A_239 = tpu.memref_slice %arg3[%dma_wait3A_234, %dma_wait3A_238] : memref<2x3244032xi32, #tpu.memory_space<hbm>> -> memref<1x384xi32, #tpu.memory_space<hbm>>
      %dma_wait3A_240 = tpu.memref_squeeze %dma_wait3A_239 : memref<1x384xi32, #tpu.memory_space<hbm>> -> memref<384xi32, #tpu.memory_space<hbm>>
      tpu.wait_dma2 semaphore(%arg21 : memref<!tpu.dma_semaphore, #tpu.memory_space<semaphore_mem>>) src(%dma_wait3A_240 : memref<384xi32, #tpu.memory_space<hbm>>) dst(%arg9 : memref<384xi32, #tpu.memory_space<vmem>>)
      %dma_wait3A_241 = arith.constant 0 : i32
      %dma_wait3A_242 = arith.constant 0 : i32
      %dma_wait3A_243 = tpu.memref_slice %arg3[%dma_wait3A_241, %dma_wait3A_242] : memref<2x3244032xi32, #tpu.memory_space<hbm>> -> memref<1x384xi32, #tpu.memory_space<hbm>>
      %dma_wait3A_244 = tpu.memref_squeeze %dma_wait3A_243 : memref<1x384xi32, #tpu.memory_space<hbm>> -> memref<384xi32, #tpu.memory_space<hbm>>
      %dma_wait3A_245 = arith.constant 0 : i32
      %dma_wait3A_246 = tpu.memref_slice %arg3[%dma_wait3A_241, %dma_wait3A_245] : memref<2x3244032xi32, #tpu.memory_space<hbm>> -> memref<1x384xi32, #tpu.memory_space<hbm>>
      %dma_wait3A_247 = tpu.memref_squeeze %dma_wait3A_246 : memref<1x384xi32, #tpu.memory_space<hbm>> -> memref<384xi32, #tpu.memory_space<hbm>>
      tpu.wait_dma2 semaphore(%arg21 : memref<!tpu.dma_semaphore, #tpu.memory_space<semaphore_mem>>) src(%dma_wait3A_247 : memref<384xi32, #tpu.memory_space<hbm>>) dst(%arg13 : memref<384xi32, #tpu.memory_space<vmem>>)
      %dma_start3A_248 = arith.constant 0 : i32
      %dma_start3A_249 = arith.constant 0 : i32
      %dma_start3A_250 = tpu.memref_slice %arg2[%dma_start3A_248, %dma_start3A_249] : memref<100352x16xf32, #tpu.memory_space<hbm>> -> memref<100352x16xf32, #tpu.memory_space<hbm>>
      tpu.enqueue_indirect_dma source(%dma_start3A_250 : memref<100352x16xf32, #tpu.memory_space<hbm>>) target(%arg17 : memref<384x16xf32, #tpu.memory_space<vmem>>) offsets(%arg9 : memref<384xi32, #tpu.memory_space<vmem>>) semaphore(%arg25 : memref<!tpu.dma_semaphore, #tpu.memory_space<semaphore_mem>>)
      %dma_wait3A_251 = arith.constant 0 : i32
      %dma_wait3A_252 = arith.constant 0 : i32
      %dma_wait3A_253 = tpu.memref_slice %arg2[%dma_wait3A_251, %dma_wait3A_252] : memref<100352x16xf32, #tpu.memory_space<hbm>> -> memref<384x16xf32, #tpu.memory_space<hbm>>
      %dma_wait3A_254 = arith.constant 0 : i32
      %dma_wait3A_255 = arith.constant 0 : i32
      %dma_wait3A_256 = tpu.memref_slice %arg2[%dma_wait3A_254, %dma_wait3A_255] : memref<100352x16xf32, #tpu.memory_space<hbm>> -> memref<384x16xf32, #tpu.memory_space<hbm>>
      tpu.wait_dma2 semaphore(%arg24 : memref<!tpu.dma_semaphore, #tpu.memory_space<semaphore_mem>>) src(%dma_wait3A_256 : memref<384x16xf32, #tpu.memory_space<hbm>>) dst(%arg16 : memref<384x16xf32, #tpu.memory_space<vmem>>)
      %dma_start3A_257 = arith.constant 0 : i32
      %dma_start3A_258 = arith.constant 0 : i32
      %dma_start3A_259 = tpu.memref_slice %arg6[%dma_start3A_257, %dma_start3A_258] : memref<100352x16xf32, #tpu.memory_space<vmem_shared>> -> memref<100352x16xf32, #tpu.memory_space<vmem_shared>>
      tpu.enqueue_indirect_dma source(%arg16 : memref<384x16xf32, #tpu.memory_space<vmem>>) target(%dma_start3A_259 : memref<100352x16xf32, #tpu.memory_space<vmem_shared>>) offsets(%arg12 : memref<384xi32, #tpu.memory_space<vmem>>) semaphore(%arg28 : memref<!tpu.dma_semaphore, #tpu.memory_space<semaphore_mem>>) {add = true}
      %mul3A_260 = arith.constant 4 : i32
      %mul3A_261 = arith.muli %while3A_203, %mul3A_260 : i32
      %add3A_262 = arith.constant 2 : i32
      %add3A_263 = arith.addi %add3A_262, %mul3A_261 : i32
      %add3A_264 = arith.constant 1 : i32
      %add3A_265 = arith.addi %add3A_263, %add3A_264 : i32
      %dma_wait3A_266 = arith.constant 0 : i32
      %dma_wait3A_267 = arith.constant 0 : i32
      %dma_wait3A_268 = tpu.memref_slice %arg6[%dma_wait3A_266, %dma_wait3A_267] : memref<100352x16xf32, #tpu.memory_space<vmem_shared>> -> memref<384x16xf32, #tpu.memory_space<vmem_shared>>
      %dma_wait3A_269 = arith.constant 0 : i32
      %dma_wait3A_270 = arith.constant 0 : i32
      %dma_wait3A_271 = tpu.memref_slice %arg6[%dma_wait3A_269, %dma_wait3A_270] : memref<100352x16xf32, #tpu.memory_space<vmem_shared>> -> memref<384x16xf32, #tpu.memory_space<vmem_shared>>
      tpu.wait_dma2 semaphore(%arg28 : memref<!tpu.dma_semaphore, #tpu.memory_space<semaphore_mem>>) src(%arg16 : memref<384x16xf32, #tpu.memory_space<vmem>>) dst(%dma_wait3A_271 : memref<384x16xf32, #tpu.memory_space<vmem_shared>>)
      %add3A_272 = arith.constant 2 : i32
      %add3A_273 = arith.addi %add3A_265, %add3A_272 : i32
      %mul3A_274 = arith.constant 384 : i32
      %mul3A_275 = arith.muli %add3A_273, %mul3A_274 : i32
      %add3A_276 = arith.addi %add3A, %mul3A_275 : i32
      %dma_start3A_277 = arith.constant 0 : i32
      %dma_start3A_278 = tpu.memref_slice %arg3[%dma_start3A_277, %add3A_276] : memref<2x3244032xi32, #tpu.memory_space<hbm>> -> memref<1x384xi32, #tpu.memory_space<hbm>>
      %dma_start3A_279 = tpu.memref_squeeze %dma_start3A_278 : memref<1x384xi32, #tpu.memory_space<hbm>> -> memref<384xi32, #tpu.memory_space<hbm>>
      %dma_start3A_280 = tpu.memref_slice %arg3[%dma_start3A_277, %add3A_276] : memref<2x3244032xi32, #tpu.memory_space<hbm>> -> memref<1x384xi32, #tpu.memory_space<hbm>>
      %dma_start3A_281 = tpu.memref_squeeze %dma_start3A_280 : memref<1x384xi32, #tpu.memory_space<hbm>> -> memref<384xi32, #tpu.memory_space<hbm>>
      tpu.enqueue_dma source(%dma_start3A_281 : memref<384xi32, #tpu.memory_space<hbm>>) target(%arg8 : memref<384xi32, #tpu.memory_space<vmem>>) target_semaphore(%arg20 : memref<!tpu.dma_semaphore, #tpu.memory_space<semaphore_mem>>)
      %mul3A_282 = arith.constant 384 : i32
      %mul3A_283 = arith.muli %add3A_273, %mul3A_282 : i32
      %add3A_284 = arith.addi %add3A, %mul3A_283 : i32
      %dma_start3A_285 = arith.constant 1 : i32
      %dma_start3A_286 = tpu.memref_slice %arg3[%dma_start3A_285, %add3A_284] : memref<2x3244032xi32, #tpu.memory_space<hbm>> -> memref<1x384xi32, #tpu.memory_space<hbm>>
      %dma_start3A_287 = tpu.memref_squeeze %dma_start3A_286 : memref<1x384xi32, #tpu.memory_space<hbm>> -> memref<384xi32, #tpu.memory_space<hbm>>
      %dma_start3A_288 = tpu.memref_slice %arg3[%dma_start3A_285, %add3A_284] : memref<2x3244032xi32, #tpu.memory_space<hbm>> -> memref<1x384xi32, #tpu.memory_space<hbm>>
      %dma_start3A_289 = tpu.memref_squeeze %dma_start3A_288 : memref<1x384xi32, #tpu.memory_space<hbm>> -> memref<384xi32, #tpu.memory_space<hbm>>
      tpu.enqueue_dma source(%dma_start3A_289 : memref<384xi32, #tpu.memory_space<hbm>>) target(%arg12 : memref<384xi32, #tpu.memory_space<vmem>>) target_semaphore(%arg20 : memref<!tpu.dma_semaphore, #tpu.memory_space<semaphore_mem>>)
      %dma_wait3A_290 = arith.constant 0 : i32
      %dma_wait3A_291 = arith.constant 0 : i32
      %dma_wait3A_292 = tpu.memref_slice %arg3[%dma_wait3A_290, %dma_wait3A_291] : memref<2x3244032xi32, #tpu.memory_space<hbm>> -> memref<1x384xi32, #tpu.memory_space<hbm>>
      %dma_wait3A_293 = tpu.memref_squeeze %dma_wait3A_292 : memref<1x384xi32, #tpu.memory_space<hbm>> -> memref<384xi32, #tpu.memory_space<hbm>>
      %dma_wait3A_294 = arith.constant 0 : i32
      %dma_wait3A_295 = tpu.memref_slice %arg3[%dma_wait3A_290, %dma_wait3A_294] : memref<2x3244032xi32, #tpu.memory_space<hbm>> -> memref<1x384xi32, #tpu.memory_space<hbm>>
      %dma_wait3A_296 = tpu.memref_squeeze %dma_wait3A_295 : memref<1x384xi32, #tpu.memory_space<hbm>> -> memref<384xi32, #tpu.memory_space<hbm>>
      tpu.wait_dma2 semaphore(%arg22 : memref<!tpu.dma_semaphore, #tpu.memory_space<semaphore_mem>>) src(%dma_wait3A_296 : memref<384xi32, #tpu.memory_space<hbm>>) dst(%arg10 : memref<384xi32, #tpu.memory_space<vmem>>)
      %dma_wait3A_297 = arith.constant 0 : i32
      %dma_wait3A_298 = arith.constant 0 : i32
      %dma_wait3A_299 = tpu.memref_slice %arg3[%dma_wait3A_297, %dma_wait3A_298] : memref<2x3244032xi32, #tpu.memory_space<hbm>> -> memref<1x384xi32, #tpu.memory_space<hbm>>
      %dma_wait3A_300 = tpu.memref_squeeze %dma_wait3A_299 : memref<1x384xi32, #tpu.memory_space<hbm>> -> memref<384xi32, #tpu.memory_space<hbm>>
      %dma_wait3A_301 = arith.constant 0 : i32
      %dma_wait3A_302 = tpu.memref_slice %arg3[%dma_wait3A_297, %dma_wait3A_301] : memref<2x3244032xi32, #tpu.memory_space<hbm>> -> memref<1x384xi32, #tpu.memory_space<hbm>>
      %dma_wait3A_303 = tpu.memref_squeeze %dma_wait3A_302 : memref<1x384xi32, #tpu.memory_space<hbm>> -> memref<384xi32, #tpu.memory_space<hbm>>
      tpu.wait_dma2 semaphore(%arg22 : memref<!tpu.dma_semaphore, #tpu.memory_space<semaphore_mem>>) src(%dma_wait3A_303 : memref<384xi32, #tpu.memory_space<hbm>>) dst(%arg14 : memref<384xi32, #tpu.memory_space<vmem>>)
      %dma_start3A_304 = arith.constant 0 : i32
      %dma_start3A_305 = arith.constant 0 : i32
      %dma_start3A_306 = tpu.memref_slice %arg2[%dma_start3A_304, %dma_start3A_305] : memref<100352x16xf32, #tpu.memory_space<hbm>> -> memref<100352x16xf32, #tpu.memory_space<hbm>>
      tpu.enqueue_indirect_dma source(%dma_start3A_306 : memref<100352x16xf32, #tpu.memory_space<hbm>>) target(%arg18 : memref<384x16xf32, #tpu.memory_space<vmem>>) offsets(%arg10 : memref<384xi32, #tpu.memory_space<vmem>>) semaphore(%arg26 : memref<!tpu.dma_semaphore, #tpu.memory_space<semaphore_mem>>)
      %dma_wait3A_307 = arith.constant 0 : i32
      %dma_wait3A_308 = arith.constant 0 : i32
      %dma_wait3A_309 = tpu.memref_slice %arg2[%dma_wait3A_307, %dma_wait3A_308] : memref<100352x16xf32, #tpu.memory_space<hbm>> -> memref<384x16xf32, #tpu.memory_space<hbm>>
      %dma_wait3A_310 = arith.constant 0 : i32
      %dma_wait3A_311 = arith.constant 0 : i32
      %dma_wait3A_312 = tpu.memref_slice %arg2[%dma_wait3A_310, %dma_wait3A_311] : memref<100352x16xf32, #tpu.memory_space<hbm>> -> memref<384x16xf32, #tpu.memory_space<hbm>>
      tpu.wait_dma2 semaphore(%arg25 : memref<!tpu.dma_semaphore, #tpu.memory_space<semaphore_mem>>) src(%dma_wait3A_312 : memref<384x16xf32, #tpu.memory_space<hbm>>) dst(%arg17 : memref<384x16xf32, #tpu.memory_space<vmem>>)
      %dma_start3A_313 = arith.constant 0 : i32
      %dma_start3A_314 = arith.constant 0 : i32
      %dma_start3A_315 = tpu.memref_slice %arg6[%dma_start3A_313, %dma_start3A_314] : memref<100352x16xf32, #tpu.memory_space<vmem_shared>> -> memref<100352x16xf32, #tpu.memory_space<vmem_shared>>
      tpu.enqueue_indirect_dma source(%arg17 : memref<384x16xf32, #tpu.memory_space<vmem>>) target(%dma_start3A_315 : memref<100352x16xf32, #tpu.memory_space<vmem_shared>>) offsets(%arg13 : memref<384xi32, #tpu.memory_space<vmem>>) semaphore(%arg29 : memref<!tpu.dma_semaphore, #tpu.memory_space<semaphore_mem>>) {add = true}
      %mul3A_316 = arith.constant 4 : i32
      %mul3A_317 = arith.muli %while3A_203, %mul3A_316 : i32
      %add3A_318 = arith.constant 2 : i32
      %add3A_319 = arith.addi %add3A_318, %mul3A_317 : i32
      %add3A_320 = arith.constant 2 : i32
      %add3A_321 = arith.addi %add3A_319, %add3A_320 : i32
      %dma_wait3A_322 = arith.constant 0 : i32
      %dma_wait3A_323 = arith.constant 0 : i32
      %dma_wait3A_324 = tpu.memref_slice %arg6[%dma_wait3A_322, %dma_wait3A_323] : memref<100352x16xf32, #tpu.memory_space<vmem_shared>> -> memref<384x16xf32, #tpu.memory_space<vmem_shared>>
      %dma_wait3A_325 = arith.constant 0 : i32
      %dma_wait3A_326 = arith.constant 0 : i32
      %dma_wait3A_327 = tpu.memref_slice %arg6[%dma_wait3A_325, %dma_wait3A_326] : memref<100352x16xf32, #tpu.memory_space<vmem_shared>> -> memref<384x16xf32, #tpu.memory_space<vmem_shared>>
      tpu.wait_dma2 semaphore(%arg29 : memref<!tpu.dma_semaphore, #tpu.memory_space<semaphore_mem>>) src(%arg17 : memref<384x16xf32, #tpu.memory_space<vmem>>) dst(%dma_wait3A_327 : memref<384x16xf32, #tpu.memory_space<vmem_shared>>)
      %add3A_328 = arith.constant 2 : i32
      %add3A_329 = arith.addi %add3A_321, %add3A_328 : i32
      %mul3A_330 = arith.constant 384 : i32
      %mul3A_331 = arith.muli %add3A_329, %mul3A_330 : i32
      %add3A_332 = arith.addi %add3A, %mul3A_331 : i32
      %dma_start3A_333 = arith.constant 0 : i32
      %dma_start3A_334 = tpu.memref_slice %arg3[%dma_start3A_333, %add3A_332] : memref<2x3244032xi32, #tpu.memory_space<hbm>> -> memref<1x384xi32, #tpu.memory_space<hbm>>
      %dma_start3A_335 = tpu.memref_squeeze %dma_start3A_334 : memref<1x384xi32, #tpu.memory_space<hbm>> -> memref<384xi32, #tpu.memory_space<hbm>>
      %dma_start3A_336 = tpu.memref_slice %arg3[%dma_start3A_333, %add3A_332] : memref<2x3244032xi32, #tpu.memory_space<hbm>> -> memref<1x384xi32, #tpu.memory_space<hbm>>
      %dma_start3A_337 = tpu.memref_squeeze %dma_start3A_336 : memref<1x384xi32, #tpu.memory_space<hbm>> -> memref<384xi32, #tpu.memory_space<hbm>>
      tpu.enqueue_dma source(%dma_start3A_337 : memref<384xi32, #tpu.memory_space<hbm>>) target(%arg9 : memref<384xi32, #tpu.memory_space<vmem>>) target_semaphore(%arg21 : memref<!tpu.dma_semaphore, #tpu.memory_space<semaphore_mem>>)
      %mul3A_338 = arith.constant 384 : i32
      %mul3A_339 = arith.muli %add3A_329, %mul3A_338 : i32
      %add3A_340 = arith.addi %add3A, %mul3A_339 : i32
      %dma_start3A_341 = arith.constant 1 : i32
      %dma_start3A_342 = tpu.memref_slice %arg3[%dma_start3A_341, %add3A_340] : memref<2x3244032xi32, #tpu.memory_space<hbm>> -> memref<1x384xi32, #tpu.memory_space<hbm>>
      %dma_start3A_343 = tpu.memref_squeeze %dma_start3A_342 : memref<1x384xi32, #tpu.memory_space<hbm>> -> memref<384xi32, #tpu.memory_space<hbm>>
      %dma_start3A_344 = tpu.memref_slice %arg3[%dma_start3A_341, %add3A_340] : memref<2x3244032xi32, #tpu.memory_space<hbm>> -> memref<1x384xi32, #tpu.memory_space<hbm>>
      %dma_start3A_345 = tpu.memref_squeeze %dma_start3A_344 : memref<1x384xi32, #tpu.memory_space<hbm>> -> memref<384xi32, #tpu.memory_space<hbm>>
      tpu.enqueue_dma source(%dma_start3A_345 : memref<384xi32, #tpu.memory_space<hbm>>) target(%arg13 : memref<384xi32, #tpu.memory_space<vmem>>) target_semaphore(%arg21 : memref<!tpu.dma_semaphore, #tpu.memory_space<semaphore_mem>>)
      %dma_wait3A_346 = arith.constant 0 : i32
      %dma_wait3A_347 = arith.constant 0 : i32
      %dma_wait3A_348 = tpu.memref_slice %arg3[%dma_wait3A_346, %dma_wait3A_347] : memref<2x3244032xi32, #tpu.memory_space<hbm>> -> memref<1x384xi32, #tpu.memory_space<hbm>>
      %dma_wait3A_349 = tpu.memref_squeeze %dma_wait3A_348 : memref<1x384xi32, #tpu.memory_space<hbm>> -> memref<384xi32, #tpu.memory_space<hbm>>
      %dma_wait3A_350 = arith.constant 0 : i32
      %dma_wait3A_351 = tpu.memref_slice %arg3[%dma_wait3A_346, %dma_wait3A_350] : memref<2x3244032xi32, #tpu.memory_space<hbm>> -> memref<1x384xi32, #tpu.memory_space<hbm>>
      %dma_wait3A_352 = tpu.memref_squeeze %dma_wait3A_351 : memref<1x384xi32, #tpu.memory_space<hbm>> -> memref<384xi32, #tpu.memory_space<hbm>>
      tpu.wait_dma2 semaphore(%arg19 : memref<!tpu.dma_semaphore, #tpu.memory_space<semaphore_mem>>) src(%dma_wait3A_352 : memref<384xi32, #tpu.memory_space<hbm>>) dst(%arg7 : memref<384xi32, #tpu.memory_space<vmem>>)
      %dma_wait3A_353 = arith.constant 0 : i32
      %dma_wait3A_354 = arith.constant 0 : i32
      %dma_wait3A_355 = tpu.memref_slice %arg3[%dma_wait3A_353, %dma_wait3A_354] : memref<2x3244032xi32, #tpu.memory_space<hbm>> -> memref<1x384xi32, #tpu.memory_space<hbm>>
      %dma_wait3A_356 = tpu.memref_squeeze %dma_wait3A_355 : memref<1x384xi32, #tpu.memory_space<hbm>> -> memref<384xi32, #tpu.memory_space<hbm>>
      %dma_wait3A_357 = arith.constant 0 : i32
      %dma_wait3A_358 = tpu.memref_slice %arg3[%dma_wait3A_353, %dma_wait3A_357] : memref<2x3244032xi32, #tpu.memory_space<hbm>> -> memref<1x384xi32, #tpu.memory_space<hbm>>
      %dma_wait3A_359 = tpu.memref_squeeze %dma_wait3A_358 : memref<1x384xi32, #tpu.memory_space<hbm>> -> memref<384xi32, #tpu.memory_space<hbm>>
      tpu.wait_dma2 semaphore(%arg19 : memref<!tpu.dma_semaphore, #tpu.memory_space<semaphore_mem>>) src(%dma_wait3A_359 : memref<384xi32, #tpu.memory_space<hbm>>) dst(%arg11 : memref<384xi32, #tpu.memory_space<vmem>>)
      %dma_start3A_360 = arith.constant 0 : i32
      %dma_start3A_361 = arith.constant 0 : i32
      %dma_start3A_362 = tpu.memref_slice %arg2[%dma_start3A_360, %dma_start3A_361] : memref<100352x16xf32, #tpu.memory_space<hbm>> -> memref<100352x16xf32, #tpu.memory_space<hbm>>
      tpu.enqueue_indirect_dma source(%dma_start3A_362 : memref<100352x16xf32, #tpu.memory_space<hbm>>) target(%arg15 : memref<384x16xf32, #tpu.memory_space<vmem>>) offsets(%arg7 : memref<384xi32, #tpu.memory_space<vmem>>) semaphore(%arg23 : memref<!tpu.dma_semaphore, #tpu.memory_space<semaphore_mem>>)
      %dma_wait3A_363 = arith.constant 0 : i32
      %dma_wait3A_364 = arith.constant 0 : i32
      %dma_wait3A_365 = tpu.memref_slice %arg2[%dma_wait3A_363, %dma_wait3A_364] : memref<100352x16xf32, #tpu.memory_space<hbm>> -> memref<384x16xf32, #tpu.memory_space<hbm>>
      %dma_wait3A_366 = arith.constant 0 : i32
      %dma_wait3A_367 = arith.constant 0 : i32
      %dma_wait3A_368 = tpu.memref_slice %arg2[%dma_wait3A_366, %dma_wait3A_367] : memref<100352x16xf32, #tpu.memory_space<hbm>> -> memref<384x16xf32, #tpu.memory_space<hbm>>
      tpu.wait_dma2 semaphore(%arg26 : memref<!tpu.dma_semaphore, #tpu.memory_space<semaphore_mem>>) src(%dma_wait3A_368 : memref<384x16xf32, #tpu.memory_space<hbm>>) dst(%arg18 : memref<384x16xf32, #tpu.memory_space<vmem>>)
      %dma_start3A_369 = arith.constant 0 : i32
      %dma_start3A_370 = arith.constant 0 : i32
      %dma_start3A_371 = tpu.memref_slice %arg6[%dma_start3A_369, %dma_start3A_370] : memref<100352x16xf32, #tpu.memory_space<vmem_shared>> -> memref<100352x16xf32, #tpu.memory_space<vmem_shared>>
      tpu.enqueue_indirect_dma source(%arg18 : memref<384x16xf32, #tpu.memory_space<vmem>>) target(%dma_start3A_371 : memref<100352x16xf32, #tpu.memory_space<vmem_shared>>) offsets(%arg14 : memref<384xi32, #tpu.memory_space<vmem>>) semaphore(%arg30 : memref<!tpu.dma_semaphore, #tpu.memory_space<semaphore_mem>>) {add = true}
      %mul3A_372 = arith.constant 4 : i32
      %mul3A_373 = arith.muli %while3A_203, %mul3A_372 : i32
      %add3A_374 = arith.constant 2 : i32
      %add3A_375 = arith.addi %add3A_374, %mul3A_373 : i32
      %add3A_376 = arith.constant 3 : i32
      %add3A_377 = arith.addi %add3A_375, %add3A_376 : i32
      %dma_wait3A_378 = arith.constant 0 : i32
      %dma_wait3A_379 = arith.constant 0 : i32
      %dma_wait3A_380 = tpu.memref_slice %arg6[%dma_wait3A_378, %dma_wait3A_379] : memref<100352x16xf32, #tpu.memory_space<vmem_shared>> -> memref<384x16xf32, #tpu.memory_space<vmem_shared>>
      %dma_wait3A_381 = arith.constant 0 : i32
      %dma_wait3A_382 = arith.constant 0 : i32
      %dma_wait3A_383 = tpu.memref_slice %arg6[%dma_wait3A_381, %dma_wait3A_382] : memref<100352x16xf32, #tpu.memory_space<vmem_shared>> -> memref<384x16xf32, #tpu.memory_space<vmem_shared>>
      tpu.wait_dma2 semaphore(%arg30 : memref<!tpu.dma_semaphore, #tpu.memory_space<semaphore_mem>>) src(%arg18 : memref<384x16xf32, #tpu.memory_space<vmem>>) dst(%dma_wait3A_383 : memref<384x16xf32, #tpu.memory_space<vmem_shared>>)
      %add3A_384 = arith.constant 2 : i32
      %add3A_385 = arith.addi %add3A_377, %add3A_384 : i32
      %mul3A_386 = arith.constant 384 : i32
      %mul3A_387 = arith.muli %add3A_385, %mul3A_386 : i32
      %add3A_388 = arith.addi %add3A, %mul3A_387 : i32
      %dma_start3A_389 = arith.constant 0 : i32
      %dma_start3A_390 = tpu.memref_slice %arg3[%dma_start3A_389, %add3A_388] : memref<2x3244032xi32, #tpu.memory_space<hbm>> -> memref<1x384xi32, #tpu.memory_space<hbm>>
      %dma_start3A_391 = tpu.memref_squeeze %dma_start3A_390 : memref<1x384xi32, #tpu.memory_space<hbm>> -> memref<384xi32, #tpu.memory_space<hbm>>
      %dma_start3A_392 = tpu.memref_slice %arg3[%dma_start3A_389, %add3A_388] : memref<2x3244032xi32, #tpu.memory_space<hbm>> -> memref<1x384xi32, #tpu.memory_space<hbm>>
      %dma_start3A_393 = tpu.memref_squeeze %dma_start3A_392 : memref<1x384xi32, #tpu.memory_space<hbm>> -> memref<384xi32, #tpu.memory_space<hbm>>
      tpu.enqueue_dma source(%dma_start3A_393 : memref<384xi32, #tpu.memory_space<hbm>>) target(%arg10 : memref<384xi32, #tpu.memory_space<vmem>>) target_semaphore(%arg22 : memref<!tpu.dma_semaphore, #tpu.memory_space<semaphore_mem>>)
      %mul3A_394 = arith.constant 384 : i32
      %mul3A_395 = arith.muli %add3A_385, %mul3A_394 : i32
      %add3A_396 = arith.addi %add3A, %mul3A_395 : i32
      %dma_start3A_397 = arith.constant 1 : i32
      %dma_start3A_398 = tpu.memref_slice %arg3[%dma_start3A_397, %add3A_396] : memref<2x3244032xi32, #tpu.memory_space<hbm>> -> memref<1x384xi32, #tpu.memory_space<hbm>>
      %dma_start3A_399 = tpu.memref_squeeze %dma_start3A_398 : memref<1x384xi32, #tpu.memory_space<hbm>> -> memref<384xi32, #tpu.memory_space<hbm>>
      %dma_start3A_400 = tpu.memref_slice %arg3[%dma_start3A_397, %add3A_396] : memref<2x3244032xi32, #tpu.memory_space<hbm>> -> memref<1x384xi32, #tpu.memory_space<hbm>>
      %dma_start3A_401 = tpu.memref_squeeze %dma_start3A_400 : memref<1x384xi32, #tpu.memory_space<hbm>> -> memref<384xi32, #tpu.memory_space<hbm>>
      tpu.enqueue_dma source(%dma_start3A_401 : memref<384xi32, #tpu.memory_space<hbm>>) target(%arg14 : memref<384xi32, #tpu.memory_space<vmem>>) target_semaphore(%arg22 : memref<!tpu.dma_semaphore, #tpu.memory_space<semaphore_mem>>)
      %dma_wait3A_402 = arith.constant 0 : i32
      %dma_wait3A_403 = arith.constant 0 : i32
      %dma_wait3A_404 = tpu.memref_slice %arg3[%dma_wait3A_402, %dma_wait3A_403] : memref<2x3244032xi32, #tpu.memory_space<hbm>> -> memref<1x384xi32, #tpu.memory_space<hbm>>
      %dma_wait3A_405 = tpu.memref_squeeze %dma_wait3A_404 : memref<1x384xi32, #tpu.memory_space<hbm>> -> memref<384xi32, #tpu.memory_space<hbm>>
      %dma_wait3A_406 = arith.constant 0 : i32
      %dma_wait3A_407 = tpu.memref_slice %arg3[%dma_wait3A_402, %dma_wait3A_406] : memref<2x3244032xi32, #tpu.memory_space<hbm>> -> memref<1x384xi32, #tpu.memory_space<hbm>>
      %dma_wait3A_408 = tpu.memref_squeeze %dma_wait3A_407 : memref<1x384xi32, #tpu.memory_space<hbm>> -> memref<384xi32, #tpu.memory_space<hbm>>
      tpu.wait_dma2 semaphore(%arg20 : memref<!tpu.dma_semaphore, #tpu.memory_space<semaphore_mem>>) src(%dma_wait3A_408 : memref<384xi32, #tpu.memory_space<hbm>>) dst(%arg8 : memref<384xi32, #tpu.memory_space<vmem>>)
      %dma_wait3A_409 = arith.constant 0 : i32
      %dma_wait3A_410 = arith.constant 0 : i32
      %dma_wait3A_411 = tpu.memref_slice %arg3[%dma_wait3A_409, %dma_wait3A_410] : memref<2x3244032xi32, #tpu.memory_space<hbm>> -> memref<1x384xi32, #tpu.memory_space<hbm>>
      %dma_wait3A_412 = tpu.memref_squeeze %dma_wait3A_411 : memref<1x384xi32, #tpu.memory_space<hbm>> -> memref<384xi32, #tpu.memory_space<hbm>>
      %dma_wait3A_413 = arith.constant 0 : i32
      %dma_wait3A_414 = tpu.memref_slice %arg3[%dma_wait3A_409, %dma_wait3A_413] : memref<2x3244032xi32, #tpu.memory_space<hbm>> -> memref<1x384xi32, #tpu.memory_space<hbm>>
      %dma_wait3A_415 = tpu.memref_squeeze %dma_wait3A_414 : memref<1x384xi32, #tpu.memory_space<hbm>> -> memref<384xi32, #tpu.memory_space<hbm>>
      tpu.wait_dma2 semaphore(%arg20 : memref<!tpu.dma_semaphore, #tpu.memory_space<semaphore_mem>>) src(%dma_wait3A_415 : memref<384xi32, #tpu.memory_space<hbm>>) dst(%arg12 : memref<384xi32, #tpu.memory_space<vmem>>)
      %dma_start3A_416 = arith.constant 0 : i32
      %dma_start3A_417 = arith.constant 0 : i32
      %dma_start3A_418 = tpu.memref_slice %arg2[%dma_start3A_416, %dma_start3A_417] : memref<100352x16xf32, #tpu.memory_space<hbm>> -> memref<100352x16xf32, #tpu.memory_space<hbm>>
      tpu.enqueue_indirect_dma source(%dma_start3A_418 : memref<100352x16xf32, #tpu.memory_space<hbm>>) target(%arg16 : memref<384x16xf32, #tpu.memory_space<vmem>>) offsets(%arg8 : memref<384xi32, #tpu.memory_space<vmem>>) semaphore(%arg24 : memref<!tpu.dma_semaphore, #tpu.memory_space<semaphore_mem>>)
      %dma_wait3A_419 = arith.constant 0 : i32
      %dma_wait3A_420 = arith.constant 0 : i32
      %dma_wait3A_421 = tpu.memref_slice %arg2[%dma_wait3A_419, %dma_wait3A_420] : memref<100352x16xf32, #tpu.memory_space<hbm>> -> memref<384x16xf32, #tpu.memory_space<hbm>>
      %dma_wait3A_422 = arith.constant 0 : i32
      %dma_wait3A_423 = arith.constant 0 : i32
      %dma_wait3A_424 = tpu.memref_slice %arg2[%dma_wait3A_422, %dma_wait3A_423] : memref<100352x16xf32, #tpu.memory_space<hbm>> -> memref<384x16xf32, #tpu.memory_space<hbm>>
      tpu.wait_dma2 semaphore(%arg23 : memref<!tpu.dma_semaphore, #tpu.memory_space<semaphore_mem>>) src(%dma_wait3A_424 : memref<384x16xf32, #tpu.memory_space<hbm>>) dst(%arg15 : memref<384x16xf32, #tpu.memory_space<vmem>>)
      %dma_start3A_425 = arith.constant 0 : i32
      %dma_start3A_426 = arith.constant 0 : i32
      %dma_start3A_427 = tpu.memref_slice %arg6[%dma_start3A_425, %dma_start3A_426] : memref<100352x16xf32, #tpu.memory_space<vmem_shared>> -> memref<100352x16xf32, #tpu.memory_space<vmem_shared>>
      tpu.enqueue_indirect_dma source(%arg15 : memref<384x16xf32, #tpu.memory_space<vmem>>) target(%dma_start3A_427 : memref<100352x16xf32, #tpu.memory_space<vmem_shared>>) offsets(%arg11 : memref<384xi32, #tpu.memory_space<vmem>>) semaphore(%arg27 : memref<!tpu.dma_semaphore, #tpu.memory_space<semaphore_mem>>) {add = true}
    }
    %while3A_116 = arith.constant 1 : i32
    scf.for %while3A_203 = %while3A_114 to %while3A_110 step %while3A_116  : i32 {
      %mul3A_204 = arith.constant 4 : i32
      %mul3A_205 = arith.muli %while3A_203, %mul3A_204 : i32
      %add3A_206 = arith.constant 2 : i32
      %add3A_207 = arith.addi %add3A_206, %mul3A_205 : i32
      %add3A_208 = arith.constant 0 : i32
      %add3A_209 = arith.addi %add3A_207, %add3A_208 : i32
      %dma_wait3A_210 = arith.constant 0 : i32
      %dma_wait3A_211 = arith.constant 0 : i32
      %dma_wait3A_212 = tpu.memref_slice %arg6[%dma_wait3A_210, %dma_wait3A_211] : memref<100352x16xf32, #tpu.memory_space<vmem_shared>> -> memref<384x16xf32, #tpu.memory_space<vmem_shared>>
      %dma_wait3A_213 = arith.constant 0 : i32
      %dma_wait3A_214 = arith.constant 0 : i32
      %dma_wait3A_215 = tpu.memref_slice %arg6[%dma_wait3A_213, %dma_wait3A_214] : memref<100352x16xf32, #tpu.memory_space<vmem_shared>> -> memref<384x16xf32, #tpu.memory_space<vmem_shared>>
      tpu.wait_dma2 semaphore(%arg27 : memref<!tpu.dma_semaphore, #tpu.memory_space<semaphore_mem>>) src(%arg15 : memref<384x16xf32, #tpu.memory_space<vmem>>) dst(%dma_wait3A_215 : memref<384x16xf32, #tpu.memory_space<vmem_shared>>)
      %add3A_216 = arith.constant 2 : i32
      %add3A_217 = arith.addi %add3A_209, %add3A_216 : i32
      %mul3A_218 = arith.constant 384 : i32
      %mul3A_219 = arith.muli %add3A_217, %mul3A_218 : i32
      %add3A_220 = arith.addi %add3A, %mul3A_219 : i32
      %dma_start3A_221 = arith.constant 0 : i32
      %dma_start3A_222 = tpu.memref_slice %arg3[%dma_start3A_221, %add3A_220] : memref<2x3244032xi32, #tpu.memory_space<hbm>> -> memref<1x384xi32, #tpu.memory_space<hbm>>
      %dma_start3A_223 = tpu.memref_squeeze %dma_start3A_222 : memref<1x384xi32, #tpu.memory_space<hbm>> -> memref<384xi32, #tpu.memory_space<hbm>>
      %dma_start3A_224 = tpu.memref_slice %arg3[%dma_start3A_221, %add3A_220] : memref<2x3244032xi32, #tpu.memory_space<hbm>> -> memref<1x384xi32, #tpu.memory_space<hbm>>
      %dma_start3A_225 = tpu.memref_squeeze %dma_start3A_224 : memref<1x384xi32, #tpu.memory_space<hbm>> -> memref<384xi32, #tpu.memory_space<hbm>>
      tpu.enqueue_dma source(%dma_start3A_225 : memref<384xi32, #tpu.memory_space<hbm>>) target(%arg7 : memref<384xi32, #tpu.memory_space<vmem>>) target_semaphore(%arg19 : memref<!tpu.dma_semaphore, #tpu.memory_space<semaphore_mem>>)
      %mul3A_226 = arith.constant 384 : i32
      %mul3A_227 = arith.muli %add3A_217, %mul3A_226 : i32
      %add3A_228 = arith.addi %add3A, %mul3A_227 : i32
      %dma_start3A_229 = arith.constant 1 : i32
      %dma_start3A_230 = tpu.memref_slice %arg3[%dma_start3A_229, %add3A_228] : memref<2x3244032xi32, #tpu.memory_space<hbm>> -> memref<1x384xi32, #tpu.memory_space<hbm>>
      %dma_start3A_231 = tpu.memref_squeeze %dma_start3A_230 : memref<1x384xi32, #tpu.memory_space<hbm>> -> memref<384xi32, #tpu.memory_space<hbm>>
      %dma_start3A_232 = tpu.memref_slice %arg3[%dma_start3A_229, %add3A_228] : memref<2x3244032xi32, #tpu.memory_space<hbm>> -> memref<1x384xi32, #tpu.memory_space<hbm>>
      %dma_start3A_233 = tpu.memref_squeeze %dma_start3A_232 : memref<1x384xi32, #tpu.memory_space<hbm>> -> memref<384xi32, #tpu.memory_space<hbm>>
      tpu.enqueue_dma source(%dma_start3A_233 : memref<384xi32, #tpu.memory_space<hbm>>) target(%arg11 : memref<384xi32, #tpu.memory_space<vmem>>) target_semaphore(%arg19 : memref<!tpu.dma_semaphore, #tpu.memory_space<semaphore_mem>>)
      %dma_wait3A_234 = arith.constant 0 : i32
      %dma_wait3A_235 = arith.constant 0 : i32
      %dma_wait3A_236 = tpu.memref_slice %arg3[%dma_wait3A_234, %dma_wait3A_235] : memref<2x3244032xi32, #tpu.memory_space<hbm>> -> memref<1x384xi32, #tpu.memory_space<hbm>>
      %dma_wait3A_237 = tpu.memref_squeeze %dma_wait3A_236 : memref<1x384xi32, #tpu.memory_space<hbm>> -> memref<384xi32, #tpu.memory_space<hbm>>
      %dma_wait3A_238 = arith.constant 0 : i32
      %dma_wait3A_239 = tpu.memref_slice %arg3[%dma_wait3A_234, %dma_wait3A_238] : memref<2x3244032xi32, #tpu.memory_space<hbm>> -> memref<1x384xi32, #tpu.memory_space<hbm>>
      %dma_wait3A_240 = tpu.memref_squeeze %dma_wait3A_239 : memref<1x384xi32, #tpu.memory_space<hbm>> -> memref<384xi32, #tpu.memory_space<hbm>>
      tpu.wait_dma2 semaphore(%arg21 : memref<!tpu.dma_semaphore, #tpu.memory_space<semaphore_mem>>) src(%dma_wait3A_240 : memref<384xi32, #tpu.memory_space<hbm>>) dst(%arg9 : memref<384xi32, #tpu.memory_space<vmem>>)
      %dma_wait3A_241 = arith.constant 0 : i32
      %dma_wait3A_242 = arith.constant 0 : i32
      %dma_wait3A_243 = tpu.memref_slice %arg3[%dma_wait3A_241, %dma_wait3A_242] : memref<2x3244032xi32, #tpu.memory_space<hbm>> -> memref<1x384xi32, #tpu.memory_space<hbm>>
      %dma_wait3A_244 = tpu.memref_squeeze %dma_wait3A_243 : memref<1x384xi32, #tpu.memory_space<hbm>> -> memref<384xi32, #tpu.memory_space<hbm>>
      %dma_wait3A_245 = arith.constant 0 : i32
      %dma_wait3A_246 = tpu.memref_slice %arg3[%dma_wait3A_241, %dma_wait3A_245] : memref<2x3244032xi32, #tpu.memory_space<hbm>> -> memref<1x384xi32, #tpu.memory_space<hbm>>
      %dma_wait3A_247 = tpu.memref_squeeze %dma_wait3A_246 : memref<1x384xi32, #tpu.memory_space<hbm>> -> memref<384xi32, #tpu.memory_space<hbm>>
      tpu.wait_dma2 semaphore(%arg21 : memref<!tpu.dma_semaphore, #tpu.memory_space<semaphore_mem>>) src(%dma_wait3A_247 : memref<384xi32, #tpu.memory_space<hbm>>) dst(%arg13 : memref<384xi32, #tpu.memory_space<vmem>>)
      %dma_start3A_248 = arith.constant 0 : i32
      %dma_start3A_249 = arith.constant 0 : i32
      %dma_start3A_250 = tpu.memref_slice %arg2[%dma_start3A_248, %dma_start3A_249] : memref<100352x16xf32, #tpu.memory_space<hbm>> -> memref<100352x16xf32, #tpu.memory_space<hbm>>
      tpu.enqueue_indirect_dma source(%dma_start3A_250 : memref<100352x16xf32, #tpu.memory_space<hbm>>) target(%arg17 : memref<384x16xf32, #tpu.memory_space<vmem>>) offsets(%arg9 : memref<384xi32, #tpu.memory_space<vmem>>) semaphore(%arg25 : memref<!tpu.dma_semaphore, #tpu.memory_space<semaphore_mem>>)
      %dma_wait3A_251 = arith.constant 0 : i32
      %dma_wait3A_252 = arith.constant 0 : i32
      %dma_wait3A_253 = tpu.memref_slice %arg2[%dma_wait3A_251, %dma_wait3A_252] : memref<100352x16xf32, #tpu.memory_space<hbm>> -> memref<384x16xf32, #tpu.memory_space<hbm>>
      %dma_wait3A_254 = arith.constant 0 : i32
      %dma_wait3A_255 = arith.constant 0 : i32
      %dma_wait3A_256 = tpu.memref_slice %arg2[%dma_wait3A_254, %dma_wait3A_255] : memref<100352x16xf32, #tpu.memory_space<hbm>> -> memref<384x16xf32, #tpu.memory_space<hbm>>
      tpu.wait_dma2 semaphore(%arg24 : memref<!tpu.dma_semaphore, #tpu.memory_space<semaphore_mem>>) src(%dma_wait3A_256 : memref<384x16xf32, #tpu.memory_space<hbm>>) dst(%arg16 : memref<384x16xf32, #tpu.memory_space<vmem>>)
      %dma_start3A_257 = arith.constant 0 : i32
      %dma_start3A_258 = arith.constant 0 : i32
      %dma_start3A_259 = tpu.memref_slice %arg6[%dma_start3A_257, %dma_start3A_258] : memref<100352x16xf32, #tpu.memory_space<vmem_shared>> -> memref<100352x16xf32, #tpu.memory_space<vmem_shared>>
      tpu.enqueue_indirect_dma source(%arg16 : memref<384x16xf32, #tpu.memory_space<vmem>>) target(%dma_start3A_259 : memref<100352x16xf32, #tpu.memory_space<vmem_shared>>) offsets(%arg12 : memref<384xi32, #tpu.memory_space<vmem>>) semaphore(%arg28 : memref<!tpu.dma_semaphore, #tpu.memory_space<semaphore_mem>>) {add = true}
      %mul3A_260 = arith.constant 4 : i32
      %mul3A_261 = arith.muli %while3A_203, %mul3A_260 : i32
      %add3A_262 = arith.constant 2 : i32
      %add3A_263 = arith.addi %add3A_262, %mul3A_261 : i32
      %add3A_264 = arith.constant 1 : i32
      %add3A_265 = arith.addi %add3A_263, %add3A_264 : i32
      %dma_wait3A_266 = arith.constant 0 : i32
      %dma_wait3A_267 = arith.constant 0 : i32
      %dma_wait3A_268 = tpu.memref_slice %arg6[%dma_wait3A_266, %dma_wait3A_267] : memref<100352x16xf32, #tpu.memory_space<vmem_shared>> -> memref<384x16xf32, #tpu.memory_space<vmem_shared>>
      %dma_wait3A_269 = arith.constant 0 : i32
      %dma_wait3A_270 = arith.constant 0 : i32
      %dma_wait3A_271 = tpu.memref_slice %arg6[%dma_wait3A_269, %dma_wait3A_270] : memref<100352x16xf32, #tpu.memory_space<vmem_shared>> -> memref<384x16xf32, #tpu.memory_space<vmem_shared>>
      tpu.wait_dma2 semaphore(%arg28 : memref<!tpu.dma_semaphore, #tpu.memory_space<semaphore_mem>>) src(%arg16 : memref<384x16xf32, #tpu.memory_space<vmem>>) dst(%dma_wait3A_271 : memref<384x16xf32, #tpu.memory_space<vmem_shared>>)
      %add3A_272 = arith.constant 2 : i32
      %add3A_273 = arith.addi %add3A_265, %add3A_272 : i32
      %mul3A_274 = arith.constant 384 : i32
      %mul3A_275 = arith.muli %add3A_273, %mul3A_274 : i32
      %add3A_276 = arith.addi %add3A, %mul3A_275 : i32
      %dma_start3A_277 = arith.constant 0 : i32
      %dma_start3A_278 = tpu.memref_slice %arg3[%dma_start3A_277, %add3A_276] : memref<2x3244032xi32, #tpu.memory_space<hbm>> -> memref<1x384xi32, #tpu.memory_space<hbm>>
      %dma_start3A_279 = tpu.memref_squeeze %dma_start3A_278 : memref<1x384xi32, #tpu.memory_space<hbm>> -> memref<384xi32, #tpu.memory_space<hbm>>
      %dma_start3A_280 = tpu.memref_slice %arg3[%dma_start3A_277, %add3A_276] : memref<2x3244032xi32, #tpu.memory_space<hbm>> -> memref<1x384xi32, #tpu.memory_space<hbm>>
      %dma_start3A_281 = tpu.memref_squeeze %dma_start3A_280 : memref<1x384xi32, #tpu.memory_space<hbm>> -> memref<384xi32, #tpu.memory_space<hbm>>
      tpu.enqueue_dma source(%dma_start3A_281 : memref<384xi32, #tpu.memory_space<hbm>>) target(%arg8 : memref<384xi32, #tpu.memory_space<vmem>>) target_semaphore(%arg20 : memref<!tpu.dma_semaphore, #tpu.memory_space<semaphore_mem>>)
      %mul3A_282 = arith.constant 384 : i32
      %mul3A_283 = arith.muli %add3A_273, %mul3A_282 : i32
      %add3A_284 = arith.addi %add3A, %mul3A_283 : i32
      %dma_start3A_285 = arith.constant 1 : i32
      %dma_start3A_286 = tpu.memref_slice %arg3[%dma_start3A_285, %add3A_284] : memref<2x3244032xi32, #tpu.memory_space<hbm>> -> memref<1x384xi32, #tpu.memory_space<hbm>>
      %dma_start3A_287 = tpu.memref_squeeze %dma_start3A_286 : memref<1x384xi32, #tpu.memory_space<hbm>> -> memref<384xi32, #tpu.memory_space<hbm>>
      %dma_start3A_288 = tpu.memref_slice %arg3[%dma_start3A_285, %add3A_284] : memref<2x3244032xi32, #tpu.memory_space<hbm>> -> memref<1x384xi32, #tpu.memory_space<hbm>>
      %dma_start3A_289 = tpu.memref_squeeze %dma_start3A_288 : memref<1x384xi32, #tpu.memory_space<hbm>> -> memref<384xi32, #tpu.memory_space<hbm>>
      tpu.enqueue_dma source(%dma_start3A_289 : memref<384xi32, #tpu.memory_space<hbm>>) target(%arg12 : memref<384xi32, #tpu.memory_space<vmem>>) target_semaphore(%arg20 : memref<!tpu.dma_semaphore, #tpu.memory_space<semaphore_mem>>)
      %dma_wait3A_290 = arith.constant 0 : i32
      %dma_wait3A_291 = arith.constant 0 : i32
      %dma_wait3A_292 = tpu.memref_slice %arg3[%dma_wait3A_290, %dma_wait3A_291] : memref<2x3244032xi32, #tpu.memory_space<hbm>> -> memref<1x384xi32, #tpu.memory_space<hbm>>
      %dma_wait3A_293 = tpu.memref_squeeze %dma_wait3A_292 : memref<1x384xi32, #tpu.memory_space<hbm>> -> memref<384xi32, #tpu.memory_space<hbm>>
      %dma_wait3A_294 = arith.constant 0 : i32
      %dma_wait3A_295 = tpu.memref_slice %arg3[%dma_wait3A_290, %dma_wait3A_294] : memref<2x3244032xi32, #tpu.memory_space<hbm>> -> memref<1x384xi32, #tpu.memory_space<hbm>>
      %dma_wait3A_296 = tpu.memref_squeeze %dma_wait3A_295 : memref<1x384xi32, #tpu.memory_space<hbm>> -> memref<384xi32, #tpu.memory_space<hbm>>
      tpu.wait_dma2 semaphore(%arg22 : memref<!tpu.dma_semaphore, #tpu.memory_space<semaphore_mem>>) src(%dma_wait3A_296 : memref<384xi32, #tpu.memory_space<hbm>>) dst(%arg10 : memref<384xi32, #tpu.memory_space<vmem>>)
      %dma_wait3A_297 = arith.constant 0 : i32
      %dma_wait3A_298 = arith.constant 0 : i32
      %dma_wait3A_299 = tpu.memref_slice %arg3[%dma_wait3A_297, %dma_wait3A_298] : memref<2x3244032xi32, #tpu.memory_space<hbm>> -> memref<1x384xi32, #tpu.memory_space<hbm>>
      %dma_wait3A_300 = tpu.memref_squeeze %dma_wait3A_299 : memref<1x384xi32, #tpu.memory_space<hbm>> -> memref<384xi32, #tpu.memory_space<hbm>>
      %dma_wait3A_301 = arith.constant 0 : i32
      %dma_wait3A_302 = tpu.memref_slice %arg3[%dma_wait3A_297, %dma_wait3A_301] : memref<2x3244032xi32, #tpu.memory_space<hbm>> -> memref<1x384xi32, #tpu.memory_space<hbm>>
      %dma_wait3A_303 = tpu.memref_squeeze %dma_wait3A_302 : memref<1x384xi32, #tpu.memory_space<hbm>> -> memref<384xi32, #tpu.memory_space<hbm>>
      tpu.wait_dma2 semaphore(%arg22 : memref<!tpu.dma_semaphore, #tpu.memory_space<semaphore_mem>>) src(%dma_wait3A_303 : memref<384xi32, #tpu.memory_space<hbm>>) dst(%arg14 : memref<384xi32, #tpu.memory_space<vmem>>)
      %dma_start3A_304 = arith.constant 0 : i32
      %dma_start3A_305 = arith.constant 0 : i32
      %dma_start3A_306 = tpu.memref_slice %arg2[%dma_start3A_304, %dma_start3A_305] : memref<100352x16xf32, #tpu.memory_space<hbm>> -> memref<100352x16xf32, #tpu.memory_space<hbm>>
      tpu.enqueue_indirect_dma source(%dma_start3A_306 : memref<100352x16xf32, #tpu.memory_space<hbm>>) target(%arg18 : memref<384x16xf32, #tpu.memory_space<vmem>>) offsets(%arg10 : memref<384xi32, #tpu.memory_space<vmem>>) semaphore(%arg26 : memref<!tpu.dma_semaphore, #tpu.memory_space<semaphore_mem>>)
      %dma_wait3A_307 = arith.constant 0 : i32
      %dma_wait3A_308 = arith.constant 0 : i32
      %dma_wait3A_309 = tpu.memref_slice %arg2[%dma_wait3A_307, %dma_wait3A_308] : memref<100352x16xf32, #tpu.memory_space<hbm>> -> memref<384x16xf32, #tpu.memory_space<hbm>>
      %dma_wait3A_310 = arith.constant 0 : i32
      %dma_wait3A_311 = arith.constant 0 : i32
      %dma_wait3A_312 = tpu.memref_slice %arg2[%dma_wait3A_310, %dma_wait3A_311] : memref<100352x16xf32, #tpu.memory_space<hbm>> -> memref<384x16xf32, #tpu.memory_space<hbm>>
      tpu.wait_dma2 semaphore(%arg25 : memref<!tpu.dma_semaphore, #tpu.memory_space<semaphore_mem>>) src(%dma_wait3A_312 : memref<384x16xf32, #tpu.memory_space<hbm>>) dst(%arg17 : memref<384x16xf32, #tpu.memory_space<vmem>>)
      %dma_start3A_313 = arith.constant 0 : i32
      %dma_start3A_314 = arith.constant 0 : i32
      %dma_start3A_315 = tpu.memref_slice %arg6[%dma_start3A_313, %dma_start3A_314] : memref<100352x16xf32, #tpu.memory_space<vmem_shared>> -> memref<100352x16xf32, #tpu.memory_space<vmem_shared>>
      tpu.enqueue_indirect_dma source(%arg17 : memref<384x16xf32, #tpu.memory_space<vmem>>) target(%dma_start3A_315 : memref<100352x16xf32, #tpu.memory_space<vmem_shared>>) offsets(%arg13 : memref<384xi32, #tpu.memory_space<vmem>>) semaphore(%arg29 : memref<!tpu.dma_semaphore, #tpu.memory_space<semaphore_mem>>) {add = true}
      %mul3A_316 = arith.constant 4 : i32
      %mul3A_317 = arith.muli %while3A_203, %mul3A_316 : i32
      %add3A_318 = arith.constant 2 : i32
      %add3A_319 = arith.addi %add3A_318, %mul3A_317 : i32
      %add3A_320 = arith.constant 2 : i32
      %add3A_321 = arith.addi %add3A_319, %add3A_320 : i32
      %dma_wait3A_322 = arith.constant 0 : i32
      %dma_wait3A_323 = arith.constant 0 : i32
      %dma_wait3A_324 = tpu.memref_slice %arg6[%dma_wait3A_322, %dma_wait3A_323] : memref<100352x16xf32, #tpu.memory_space<vmem_shared>> -> memref<384x16xf32, #tpu.memory_space<vmem_shared>>
      %dma_wait3A_325 = arith.constant 0 : i32
      %dma_wait3A_326 = arith.constant 0 : i32
      %dma_wait3A_327 = tpu.memref_slice %arg6[%dma_wait3A_325, %dma_wait3A_326] : memref<100352x16xf32, #tpu.memory_space<vmem_shared>> -> memref<384x16xf32, #tpu.memory_space<vmem_shared>>
      tpu.wait_dma2 semaphore(%arg29 : memref<!tpu.dma_semaphore, #tpu.memory_space<semaphore_mem>>) src(%arg17 : memref<384x16xf32, #tpu.memory_space<vmem>>) dst(%dma_wait3A_327 : memref<384x16xf32, #tpu.memory_space<vmem_shared>>)
      %add3A_328 = arith.constant 2 : i32
      %add3A_329 = arith.addi %add3A_321, %add3A_328 : i32
      %mul3A_330 = arith.constant 384 : i32
      %mul3A_331 = arith.muli %add3A_329, %mul3A_330 : i32
      %add3A_332 = arith.addi %add3A, %mul3A_331 : i32
      %dma_start3A_333 = arith.constant 0 : i32
      %dma_start3A_334 = tpu.memref_slice %arg3[%dma_start3A_333, %add3A_332] : memref<2x3244032xi32, #tpu.memory_space<hbm>> -> memref<1x384xi32, #tpu.memory_space<hbm>>
      %dma_start3A_335 = tpu.memref_squeeze %dma_start3A_334 : memref<1x384xi32, #tpu.memory_space<hbm>> -> memref<384xi32, #tpu.memory_space<hbm>>
      %dma_start3A_336 = tpu.memref_slice %arg3[%dma_start3A_333, %add3A_332] : memref<2x3244032xi32, #tpu.memory_space<hbm>> -> memref<1x384xi32, #tpu.memory_space<hbm>>
      %dma_start3A_337 = tpu.memref_squeeze %dma_start3A_336 : memref<1x384xi32, #tpu.memory_space<hbm>> -> memref<384xi32, #tpu.memory_space<hbm>>
      tpu.enqueue_dma source(%dma_start3A_337 : memref<384xi32, #tpu.memory_space<hbm>>) target(%arg9 : memref<384xi32, #tpu.memory_space<vmem>>) target_semaphore(%arg21 : memref<!tpu.dma_semaphore, #tpu.memory_space<semaphore_mem>>)
      %mul3A_338 = arith.constant 384 : i32
      %mul3A_339 = arith.muli %add3A_329, %mul3A_338 : i32
      %add3A_340 = arith.addi %add3A, %mul3A_339 : i32
      %dma_start3A_341 = arith.constant 1 : i32
      %dma_start3A_342 = tpu.memref_slice %arg3[%dma_start3A_341, %add3A_340] : memref<2x3244032xi32, #tpu.memory_space<hbm>> -> memref<1x384xi32, #tpu.memory_space<hbm>>
      %dma_start3A_343 = tpu.memref_squeeze %dma_start3A_342 : memref<1x384xi32, #tpu.memory_space<hbm>> -> memref<384xi32, #tpu.memory_space<hbm>>
      %dma_start3A_344 = tpu.memref_slice %arg3[%dma_start3A_341, %add3A_340] : memref<2x3244032xi32, #tpu.memory_space<hbm>> -> memref<1x384xi32, #tpu.memory_space<hbm>>
      %dma_start3A_345 = tpu.memref_squeeze %dma_start3A_344 : memref<1x384xi32, #tpu.memory_space<hbm>> -> memref<384xi32, #tpu.memory_space<hbm>>
      tpu.enqueue_dma source(%dma_start3A_345 : memref<384xi32, #tpu.memory_space<hbm>>) target(%arg13 : memref<384xi32, #tpu.memory_space<vmem>>) target_semaphore(%arg21 : memref<!tpu.dma_semaphore, #tpu.memory_space<semaphore_mem>>)
      %dma_wait3A_346 = arith.constant 0 : i32
      %dma_wait3A_347 = arith.constant 0 : i32
      %dma_wait3A_348 = tpu.memref_slice %arg3[%dma_wait3A_346, %dma_wait3A_347] : memref<2x3244032xi32, #tpu.memory_space<hbm>> -> memref<1x384xi32, #tpu.memory_space<hbm>>
      %dma_wait3A_349 = tpu.memref_squeeze %dma_wait3A_348 : memref<1x384xi32, #tpu.memory_space<hbm>> -> memref<384xi32, #tpu.memory_space<hbm>>
      %dma_wait3A_350 = arith.constant 0 : i32
      %dma_wait3A_351 = tpu.memref_slice %arg3[%dma_wait3A_346, %dma_wait3A_350] : memref<2x3244032xi32, #tpu.memory_space<hbm>> -> memref<1x384xi32, #tpu.memory_space<hbm>>
      %dma_wait3A_352 = tpu.memref_squeeze %dma_wait3A_351 : memref<1x384xi32, #tpu.memory_space<hbm>> -> memref<384xi32, #tpu.memory_space<hbm>>
      tpu.wait_dma2 semaphore(%arg19 : memref<!tpu.dma_semaphore, #tpu.memory_space<semaphore_mem>>) src(%dma_wait3A_352 : memref<384xi32, #tpu.memory_space<hbm>>) dst(%arg7 : memref<384xi32, #tpu.memory_space<vmem>>)
      %dma_wait3A_353 = arith.constant 0 : i32
      %dma_wait3A_354 = arith.constant 0 : i32
      %dma_wait3A_355 = tpu.memref_slice %arg3[%dma_wait3A_353, %dma_wait3A_354] : memref<2x3244032xi32, #tpu.memory_space<hbm>> -> memref<1x384xi32, #tpu.memory_space<hbm>>
      %dma_wait3A_356 = tpu.memref_squeeze %dma_wait3A_355 : memref<1x384xi32, #tpu.memory_space<hbm>> -> memref<384xi32, #tpu.memory_space<hbm>>
      %dma_wait3A_357 = arith.constant 0 : i32
      %dma_wait3A_358 = tpu.memref_slice %arg3[%dma_wait3A_353, %dma_wait3A_357] : memref<2x3244032xi32, #tpu.memory_space<hbm>> -> memref<1x384xi32, #tpu.memory_space<hbm>>
      %dma_wait3A_359 = tpu.memref_squeeze %dma_wait3A_358 : memref<1x384xi32, #tpu.memory_space<hbm>> -> memref<384xi32, #tpu.memory_space<hbm>>
      tpu.wait_dma2 semaphore(%arg19 : memref<!tpu.dma_semaphore, #tpu.memory_space<semaphore_mem>>) src(%dma_wait3A_359 : memref<384xi32, #tpu.memory_space<hbm>>) dst(%arg11 : memref<384xi32, #tpu.memory_space<vmem>>)
      %dma_start3A_360 = arith.constant 0 : i32
      %dma_start3A_361 = arith.constant 0 : i32
      %dma_start3A_362 = tpu.memref_slice %arg2[%dma_start3A_360, %dma_start3A_361] : memref<100352x16xf32, #tpu.memory_space<hbm>> -> memref<100352x16xf32, #tpu.memory_space<hbm>>
      tpu.enqueue_indirect_dma source(%dma_start3A_362 : memref<100352x16xf32, #tpu.memory_space<hbm>>) target(%arg15 : memref<384x16xf32, #tpu.memory_space<vmem>>) offsets(%arg7 : memref<384xi32, #tpu.memory_space<vmem>>) semaphore(%arg23 : memref<!tpu.dma_semaphore, #tpu.memory_space<semaphore_mem>>)
      %dma_wait3A_363 = arith.constant 0 : i32
      %dma_wait3A_364 = arith.constant 0 : i32
      %dma_wait3A_365 = tpu.memref_slice %arg2[%dma_wait3A_363, %dma_wait3A_364] : memref<100352x16xf32, #tpu.memory_space<hbm>> -> memref<384x16xf32, #tpu.memory_space<hbm>>
      %dma_wait3A_366 = arith.constant 0 : i32
      %dma_wait3A_367 = arith.constant 0 : i32
      %dma_wait3A_368 = tpu.memref_slice %arg2[%dma_wait3A_366, %dma_wait3A_367] : memref<100352x16xf32, #tpu.memory_space<hbm>> -> memref<384x16xf32, #tpu.memory_space<hbm>>
      tpu.wait_dma2 semaphore(%arg26 : memref<!tpu.dma_semaphore, #tpu.memory_space<semaphore_mem>>) src(%dma_wait3A_368 : memref<384x16xf32, #tpu.memory_space<hbm>>) dst(%arg18 : memref<384x16xf32, #tpu.memory_space<vmem>>)
      %dma_start3A_369 = arith.constant 0 : i32
      %dma_start3A_370 = arith.constant 0 : i32
      %dma_start3A_371 = tpu.memref_slice %arg6[%dma_start3A_369, %dma_start3A_370] : memref<100352x16xf32, #tpu.memory_space<vmem_shared>> -> memref<100352x16xf32, #tpu.memory_space<vmem_shared>>
      tpu.enqueue_indirect_dma source(%arg18 : memref<384x16xf32, #tpu.memory_space<vmem>>) target(%dma_start3A_371 : memref<100352x16xf32, #tpu.memory_space<vmem_shared>>) offsets(%arg14 : memref<384xi32, #tpu.memory_space<vmem>>) semaphore(%arg30 : memref<!tpu.dma_semaphore, #tpu.memory_space<semaphore_mem>>) {add = true}
      %mul3A_372 = arith.constant 4 : i32
      %mul3A_373 = arith.muli %while3A_203, %mul3A_372 : i32
      %add3A_374 = arith.constant 2 : i32
      %add3A_375 = arith.addi %add3A_374, %mul3A_373 : i32
      %add3A_376 = arith.constant 3 : i32
      %add3A_377 = arith.addi %add3A_375, %add3A_376 : i32
      %dma_wait3A_378 = arith.constant 0 : i32
      %dma_wait3A_379 = arith.constant 0 : i32
      %dma_wait3A_380 = tpu.memref_slice %arg6[%dma_wait3A_378, %dma_wait3A_379] : memref<100352x16xf32, #tpu.memory_space<vmem_shared>> -> memref<384x16xf32, #tpu.memory_space<vmem_shared>>
      %dma_wait3A_381 = arith.constant 0 : i32
      %dma_wait3A_382 = arith.constant 0 : i32
      %dma_wait3A_383 = tpu.memref_slice %arg6[%dma_wait3A_381, %dma_wait3A_382] : memref<100352x16xf32, #tpu.memory_space<vmem_shared>> -> memref<384x16xf32, #tpu.memory_space<vmem_shared>>
      tpu.wait_dma2 semaphore(%arg30 : memref<!tpu.dma_semaphore, #tpu.memory_space<semaphore_mem>>) src(%arg18 : memref<384x16xf32, #tpu.memory_space<vmem>>) dst(%dma_wait3A_383 : memref<384x16xf32, #tpu.memory_space<vmem_shared>>)
      %add3A_384 = arith.constant 2 : i32
      %add3A_385 = arith.addi %add3A_377, %add3A_384 : i32
      %mul3A_386 = arith.constant 384 : i32
      %mul3A_387 = arith.muli %add3A_385, %mul3A_386 : i32
      %add3A_388 = arith.addi %add3A, %mul3A_387 : i32
      %dma_start3A_389 = arith.constant 0 : i32
      %dma_start3A_390 = tpu.memref_slice %arg3[%dma_start3A_389, %add3A_388] : memref<2x3244032xi32, #tpu.memory_space<hbm>> -> memref<1x384xi32, #tpu.memory_space<hbm>>
      %dma_start3A_391 = tpu.memref_squeeze %dma_start3A_390 : memref<1x384xi32, #tpu.memory_space<hbm>> -> memref<384xi32, #tpu.memory_space<hbm>>
      %dma_start3A_392 = tpu.memref_slice %arg3[%dma_start3A_389, %add3A_388] : memref<2x3244032xi32, #tpu.memory_space<hbm>> -> memref<1x384xi32, #tpu.memory_space<hbm>>
      %dma_start3A_393 = tpu.memref_squeeze %dma_start3A_392 : memref<1x384xi32, #tpu.memory_space<hbm>> -> memref<384xi32, #tpu.memory_space<hbm>>
      tpu.enqueue_dma source(%dma_start3A_393 : memref<384xi32, #tpu.memory_space<hbm>>) target(%arg10 : memref<384xi32, #tpu.memory_space<vmem>>) target_semaphore(%arg22 : memref<!tpu.dma_semaphore, #tpu.memory_space<semaphore_mem>>)
      %mul3A_394 = arith.constant 384 : i32
      %mul3A_395 = arith.muli %add3A_385, %mul3A_394 : i32
      %add3A_396 = arith.addi %add3A, %mul3A_395 : i32
      %dma_start3A_397 = arith.constant 1 : i32
      %dma_start3A_398 = tpu.memref_slice %arg3[%dma_start3A_397, %add3A_396] : memref<2x3244032xi32, #tpu.memory_space<hbm>> -> memref<1x384xi32, #tpu.memory_space<hbm>>
      %dma_start3A_399 = tpu.memref_squeeze %dma_start3A_398 : memref<1x384xi32, #tpu.memory_space<hbm>> -> memref<384xi32, #tpu.memory_space<hbm>>
      %dma_start3A_400 = tpu.memref_slice %arg3[%dma_start3A_397, %add3A_396] : memref<2x3244032xi32, #tpu.memory_space<hbm>> -> memref<1x384xi32, #tpu.memory_space<hbm>>
      %dma_start3A_401 = tpu.memref_squeeze %dma_start3A_400 : memref<1x384xi32, #tpu.memory_space<hbm>> -> memref<384xi32, #tpu.memory_space<hbm>>
      tpu.enqueue_dma source(%dma_start3A_401 : memref<384xi32, #tpu.memory_space<hbm>>) target(%arg14 : memref<384xi32, #tpu.memory_space<vmem>>) target_semaphore(%arg22 : memref<!tpu.dma_semaphore, #tpu.memory_space<semaphore_mem>>)
      %dma_wait3A_402 = arith.constant 0 : i32
      %dma_wait3A_403 = arith.constant 0 : i32
      %dma_wait3A_404 = tpu.memref_slice %arg3[%dma_wait3A_402, %dma_wait3A_403] : memref<2x3244032xi32, #tpu.memory_space<hbm>> -> memref<1x384xi32, #tpu.memory_space<hbm>>
      %dma_wait3A_405 = tpu.memref_squeeze %dma_wait3A_404 : memref<1x384xi32, #tpu.memory_space<hbm>> -> memref<384xi32, #tpu.memory_space<hbm>>
      %dma_wait3A_406 = arith.constant 0 : i32
      %dma_wait3A_407 = tpu.memref_slice %arg3[%dma_wait3A_402, %dma_wait3A_406] : memref<2x3244032xi32, #tpu.memory_space<hbm>> -> memref<1x384xi32, #tpu.memory_space<hbm>>
      %dma_wait3A_408 = tpu.memref_squeeze %dma_wait3A_407 : memref<1x384xi32, #tpu.memory_space<hbm>> -> memref<384xi32, #tpu.memory_space<hbm>>
      tpu.wait_dma2 semaphore(%arg20 : memref<!tpu.dma_semaphore, #tpu.memory_space<semaphore_mem>>) src(%dma_wait3A_408 : memref<384xi32, #tpu.memory_space<hbm>>) dst(%arg8 : memref<384xi32, #tpu.memory_space<vmem>>)
      %dma_wait3A_409 = arith.constant 0 : i32
      %dma_wait3A_410 = arith.constant 0 : i32
      %dma_wait3A_411 = tpu.memref_slice %arg3[%dma_wait3A_409, %dma_wait3A_410] : memref<2x3244032xi32, #tpu.memory_space<hbm>> -> memref<1x384xi32, #tpu.memory_space<hbm>>
      %dma_wait3A_412 = tpu.memref_squeeze %dma_wait3A_411 : memref<1x384xi32, #tpu.memory_space<hbm>> -> memref<384xi32, #tpu.memory_space<hbm>>
      %dma_wait3A_413 = arith.constant 0 : i32
      %dma_wait3A_414 = tpu.memref_slice %arg3[%dma_wait3A_409, %dma_wait3A_413] : memref<2x3244032xi32, #tpu.memory_space<hbm>> -> memref<1x384xi32, #tpu.memory_space<hbm>>
      %dma_wait3A_415 = tpu.memref_squeeze %dma_wait3A_414 : memref<1x384xi32, #tpu.memory_space<hbm>> -> memref<384xi32, #tpu.memory_space<hbm>>
      tpu.wait_dma2 semaphore(%arg20 : memref<!tpu.dma_semaphore, #tpu.memory_space<semaphore_mem>>) src(%dma_wait3A_415 : memref<384xi32, #tpu.memory_space<hbm>>) dst(%arg12 : memref<384xi32, #tpu.memory_space<vmem>>)
      %dma_start3A_416 = arith.constant 0 : i32
      %dma_start3A_417 = arith.constant 0 : i32
      %dma_start3A_418 = tpu.memref_slice %arg2[%dma_start3A_416, %dma_start3A_417] : memref<100352x16xf32, #tpu.memory_space<hbm>> -> memref<100352x16xf32, #tpu.memory_space<hbm>>
      tpu.enqueue_indirect_dma source(%dma_start3A_418 : memref<100352x16xf32, #tpu.memory_space<hbm>>) target(%arg16 : memref<384x16xf32, #tpu.memory_space<vmem>>) offsets(%arg8 : memref<384xi32, #tpu.memory_space<vmem>>) semaphore(%arg24 : memref<!tpu.dma_semaphore, #tpu.memory_space<semaphore_mem>>)
      %dma_wait3A_419 = arith.constant 0 : i32
      %dma_wait3A_420 = arith.constant 0 : i32
      %dma_wait3A_421 = tpu.memref_slice %arg2[%dma_wait3A_419, %dma_wait3A_420] : memref<100352x16xf32, #tpu.memory_space<hbm>> -> memref<384x16xf32, #tpu.memory_space<hbm>>
      %dma_wait3A_422 = arith.constant 0 : i32
      %dma_wait3A_423 = arith.constant 0 : i32
      %dma_wait3A_424 = tpu.memref_slice %arg2[%dma_wait3A_422, %dma_wait3A_423] : memref<100352x16xf32, #tpu.memory_space<hbm>> -> memref<384x16xf32, #tpu.memory_space<hbm>>
      tpu.wait_dma2 semaphore(%arg23 : memref<!tpu.dma_semaphore, #tpu.memory_space<semaphore_mem>>) src(%dma_wait3A_424 : memref<384x16xf32, #tpu.memory_space<hbm>>) dst(%arg15 : memref<384x16xf32, #tpu.memory_space<vmem>>)
      %dma_start3A_425 = arith.constant 0 : i32
      %dma_start3A_426 = arith.constant 0 : i32
      %dma_start3A_427 = tpu.memref_slice %arg6[%dma_start3A_425, %dma_start3A_426] : memref<100352x16xf32, #tpu.memory_space<vmem_shared>> -> memref<100352x16xf32, #tpu.memory_space<vmem_shared>>
      tpu.enqueue_indirect_dma source(%arg15 : memref<384x16xf32, #tpu.memory_space<vmem>>) target(%dma_start3A_427 : memref<100352x16xf32, #tpu.memory_space<vmem_shared>>) offsets(%arg11 : memref<384xi32, #tpu.memory_space<vmem>>) semaphore(%arg27 : memref<!tpu.dma_semaphore, #tpu.memory_space<semaphore_mem>>) {add = true}
    }
    %dma_wait3A_117 = arith.constant 0 : i32
    %dma_wait3A_118 = arith.constant 0 : i32
    %dma_wait3A_119 = tpu.memref_slice %arg6[%dma_wait3A_117, %dma_wait3A_118] : memref<100352x16xf32, #tpu.memory_space<vmem_shared>> -> memref<384x16xf32, #tpu.memory_space<vmem_shared>>
    %dma_wait3A_120 = arith.constant 0 : i32
    %dma_wait3A_121 = arith.constant 0 : i32
    %dma_wait3A_122 = tpu.memref_slice %arg6[%dma_wait3A_120, %dma_wait3A_121] : memref<100352x16xf32, #tpu.memory_space<vmem_shared>> -> memref<384x16xf32, #tpu.memory_space<vmem_shared>>
    tpu.wait_dma2 semaphore(%arg27 : memref<!tpu.dma_semaphore, #tpu.memory_space<semaphore_mem>>) src(%arg15 : memref<384x16xf32, #tpu.memory_space<vmem>>) dst(%dma_wait3A_122 : memref<384x16xf32, #tpu.memory_space<vmem_shared>>)
    %dma_wait3A_123 = arith.constant 0 : i32
    %dma_wait3A_124 = arith.constant 0 : i32
    %dma_wait3A_125 = tpu.memref_slice %arg3[%dma_wait3A_123, %dma_wait3A_124] : memref<2x3244032xi32, #tpu.memory_space<hbm>> -> memref<1x384xi32, #tpu.memory_space<hbm>>
    %dma_wait3A_126 = tpu.memref_squeeze %dma_wait3A_125 : memref<1x384xi32, #tpu.memory_space<hbm>> -> memref<384xi32, #tpu.memory_space<hbm>>
    %dma_wait3A_127 = arith.constant 0 : i32
    %dma_wait3A_128 = tpu.memref_slice %arg3[%dma_wait3A_123, %dma_wait3A_127] : memref<2x3244032xi32, #tpu.memory_space<hbm>> -> memref<1x384xi32, #tpu.memory_space<hbm>>
    %dma_wait3A_129 = tpu.memref_squeeze %dma_wait3A_128 : memref<1x384xi32, #tpu.memory_space<hbm>> -> memref<384xi32, #tpu.memory_space<hbm>>
    tpu.wait_dma2 semaphore(%arg21 : memref<!tpu.dma_semaphore, #tpu.memory_space<semaphore_mem>>) src(%dma_wait3A_129 : memref<384xi32, #tpu.memory_space<hbm>>) dst(%arg9 : memref<384xi32, #tpu.memory_space<vmem>>)
    %dma_wait3A_130 = arith.constant 0 : i32
    %dma_wait3A_131 = arith.constant 0 : i32
    %dma_wait3A_132 = tpu.memref_slice %arg3[%dma_wait3A_130, %dma_wait3A_131] : memref<2x3244032xi32, #tpu.memory_space<hbm>> -> memref<1x384xi32, #tpu.memory_space<hbm>>
    %dma_wait3A_133 = tpu.memref_squeeze %dma_wait3A_132 : memref<1x384xi32, #tpu.memory_space<hbm>> -> memref<384xi32, #tpu.memory_space<hbm>>
    %dma_wait3A_134 = arith.constant 0 : i32
    %dma_wait3A_135 = tpu.memref_slice %arg3[%dma_wait3A_130, %dma_wait3A_134] : memref<2x3244032xi32, #tpu.memory_space<hbm>> -> memref<1x384xi32, #tpu.memory_space<hbm>>
    %dma_wait3A_136 = tpu.memref_squeeze %dma_wait3A_135 : memref<1x384xi32, #tpu.memory_space<hbm>> -> memref<384xi32, #tpu.memory_space<hbm>>
    tpu.wait_dma2 semaphore(%arg21 : memref<!tpu.dma_semaphore, #tpu.memory_space<semaphore_mem>>) src(%dma_wait3A_136 : memref<384xi32, #tpu.memory_space<hbm>>) dst(%arg13 : memref<384xi32, #tpu.memory_space<vmem>>)
    %dma_start3A_137 = arith.constant 0 : i32
    %dma_start3A_138 = arith.constant 0 : i32
    %dma_start3A_139 = tpu.memref_slice %arg2[%dma_start3A_137, %dma_start3A_138] : memref<100352x16xf32, #tpu.memory_space<hbm>> -> memref<100352x16xf32, #tpu.memory_space<hbm>>
    tpu.enqueue_indirect_dma source(%dma_start3A_139 : memref<100352x16xf32, #tpu.memory_space<hbm>>) target(%arg17 : memref<384x16xf32, #tpu.memory_space<vmem>>) offsets(%arg9 : memref<384xi32, #tpu.memory_space<vmem>>) semaphore(%arg25 : memref<!tpu.dma_semaphore, #tpu.memory_space<semaphore_mem>>)
    %dma_wait3A_140 = arith.constant 0 : i32
    %dma_wait3A_141 = arith.constant 0 : i32
    %dma_wait3A_142 = tpu.memref_slice %arg2[%dma_wait3A_140, %dma_wait3A_141] : memref<100352x16xf32, #tpu.memory_space<hbm>> -> memref<384x16xf32, #tpu.memory_space<hbm>>
    %dma_wait3A_143 = arith.constant 0 : i32
    %dma_wait3A_144 = arith.constant 0 : i32
    %dma_wait3A_145 = tpu.memref_slice %arg2[%dma_wait3A_143, %dma_wait3A_144] : memref<100352x16xf32, #tpu.memory_space<hbm>> -> memref<384x16xf32, #tpu.memory_space<hbm>>
    tpu.wait_dma2 semaphore(%arg24 : memref<!tpu.dma_semaphore, #tpu.memory_space<semaphore_mem>>) src(%dma_wait3A_145 : memref<384x16xf32, #tpu.memory_space<hbm>>) dst(%arg16 : memref<384x16xf32, #tpu.memory_space<vmem>>)
    %dma_start3A_146 = arith.constant 0 : i32
    %dma_start3A_147 = arith.constant 0 : i32
    %dma_start3A_148 = tpu.memref_slice %arg6[%dma_start3A_146, %dma_start3A_147] : memref<100352x16xf32, #tpu.memory_space<vmem_shared>> -> memref<100352x16xf32, #tpu.memory_space<vmem_shared>>
    tpu.enqueue_indirect_dma source(%arg16 : memref<384x16xf32, #tpu.memory_space<vmem>>) target(%dma_start3A_148 : memref<100352x16xf32, #tpu.memory_space<vmem_shared>>) offsets(%arg12 : memref<384xi32, #tpu.memory_space<vmem>>) semaphore(%arg28 : memref<!tpu.dma_semaphore, #tpu.memory_space<semaphore_mem>>) {add = true}
    %dma_wait3A_149 = arith.constant 0 : i32
    %dma_wait3A_150 = arith.constant 0 : i32
    %dma_wait3A_151 = tpu.memref_slice %arg6[%dma_wait3A_149, %dma_wait3A_150] : memref<100352x16xf32, #tpu.memory_space<vmem_shared>> -> memref<384x16xf32, #tpu.memory_space<vmem_shared>>
    %dma_wait3A_152 = arith.constant 0 : i32
    %dma_wait3A_153 = arith.constant 0 : i32
    %dma_wait3A_154 = tpu.memref_slice %arg6[%dma_wait3A_152, %dma_wait3A_153] : memref<100352x16xf32, #tpu.memory_space<vmem_shared>> -> memref<384x16xf32, #tpu.memory_space<vmem_shared>>
    tpu.wait_dma2 semaphore(%arg28 : memref<!tpu.dma_semaphore, #tpu.memory_space<semaphore_mem>>) src(%arg16 : memref<384x16xf32, #tpu.memory_space<vmem>>) dst(%dma_wait3A_154 : memref<384x16xf32, #tpu.memory_space<vmem_shared>>)
    %dma_wait3A_155 = arith.constant 0 : i32
    %dma_wait3A_156 = arith.constant 0 : i32
    %dma_wait3A_157 = tpu.memref_slice %arg3[%dma_wait3A_155, %dma_wait3A_156] : memref<2x3244032xi32, #tpu.memory_space<hbm>> -> memref<1x384xi32, #tpu.memory_space<hbm>>
    %dma_wait3A_158 = tpu.memref_squeeze %dma_wait3A_157 : memref<1x384xi32, #tpu.memory_space<hbm>> -> memref<384xi32, #tpu.memory_space<hbm>>
    %dma_wait3A_159 = arith.constant 0 : i32
    %dma_wait3A_160 = tpu.memref_slice %arg3[%dma_wait3A_155, %dma_wait3A_159] : memref<2x3244032xi32, #tpu.memory_space<hbm>> -> memref<1x384xi32, #tpu.memory_space<hbm>>
    %dma_wait3A_161 = tpu.memref_squeeze %dma_wait3A_160 : memref<1x384xi32, #tpu.memory_space<hbm>> -> memref<384xi32, #tpu.memory_space<hbm>>
    tpu.wait_dma2 semaphore(%arg22 : memref<!tpu.dma_semaphore, #tpu.memory_space<semaphore_mem>>) src(%dma_wait3A_161 : memref<384xi32, #tpu.memory_space<hbm>>) dst(%arg10 : memref<384xi32, #tpu.memory_space<vmem>>)
    %dma_wait3A_162 = arith.constant 0 : i32
    %dma_wait3A_163 = arith.constant 0 : i32
    %dma_wait3A_164 = tpu.memref_slice %arg3[%dma_wait3A_162, %dma_wait3A_163] : memref<2x3244032xi32, #tpu.memory_space<hbm>> -> memref<1x384xi32, #tpu.memory_space<hbm>>
    %dma_wait3A_165 = tpu.memref_squeeze %dma_wait3A_164 : memref<1x384xi32, #tpu.memory_space<hbm>> -> memref<384xi32, #tpu.memory_space<hbm>>
    %dma_wait3A_166 = arith.constant 0 : i32
    %dma_wait3A_167 = tpu.memref_slice %arg3[%dma_wait3A_162, %dma_wait3A_166] : memref<2x3244032xi32, #tpu.memory_space<hbm>> -> memref<1x384xi32, #tpu.memory_space<hbm>>
    %dma_wait3A_168 = tpu.memref_squeeze %dma_wait3A_167 : memref<1x384xi32, #tpu.memory_space<hbm>> -> memref<384xi32, #tpu.memory_space<hbm>>
    tpu.wait_dma2 semaphore(%arg22 : memref<!tpu.dma_semaphore, #tpu.memory_space<semaphore_mem>>) src(%dma_wait3A_168 : memref<384xi32, #tpu.memory_space<hbm>>) dst(%arg14 : memref<384xi32, #tpu.memory_space<vmem>>)
    %dma_start3A_169 = arith.constant 0 : i32
    %dma_start3A_170 = arith.constant 0 : i32
    %dma_start3A_171 = tpu.memref_slice %arg2[%dma_start3A_169, %dma_start3A_170] : memref<100352x16xf32, #tpu.memory_space<hbm>> -> memref<100352x16xf32, #tpu.memory_space<hbm>>
    tpu.enqueue_indirect_dma source(%dma_start3A_171 : memref<100352x16xf32, #tpu.memory_space<hbm>>) target(%arg18 : memref<384x16xf32, #tpu.memory_space<vmem>>) offsets(%arg10 : memref<384xi32, #tpu.memory_space<vmem>>) semaphore(%arg26 : memref<!tpu.dma_semaphore, #tpu.memory_space<semaphore_mem>>)
    %dma_wait3A_172 = arith.constant 0 : i32
    %dma_wait3A_173 = arith.constant 0 : i32
    %dma_wait3A_174 = tpu.memref_slice %arg2[%dma_wait3A_172, %dma_wait3A_173] : memref<100352x16xf32, #tpu.memory_space<hbm>> -> memref<384x16xf32, #tpu.memory_space<hbm>>
    %dma_wait3A_175 = arith.constant 0 : i32
    %dma_wait3A_176 = arith.constant 0 : i32
    %dma_wait3A_177 = tpu.memref_slice %arg2[%dma_wait3A_175, %dma_wait3A_176] : memref<100352x16xf32, #tpu.memory_space<hbm>> -> memref<384x16xf32, #tpu.memory_space<hbm>>
    tpu.wait_dma2 semaphore(%arg25 : memref<!tpu.dma_semaphore, #tpu.memory_space<semaphore_mem>>) src(%dma_wait3A_177 : memref<384x16xf32, #tpu.memory_space<hbm>>) dst(%arg17 : memref<384x16xf32, #tpu.memory_space<vmem>>)
    %dma_start3A_178 = arith.constant 0 : i32
    %dma_start3A_179 = arith.constant 0 : i32
    %dma_start3A_180 = tpu.memref_slice %arg6[%dma_start3A_178, %dma_start3A_179] : memref<100352x16xf32, #tpu.memory_space<vmem_shared>> -> memref<100352x16xf32, #tpu.memory_space<vmem_shared>>
    tpu.enqueue_indirect_dma source(%arg17 : memref<384x16xf32, #tpu.memory_space<vmem>>) target(%dma_start3A_180 : memref<100352x16xf32, #tpu.memory_space<vmem_shared>>) offsets(%arg13 : memref<384xi32, #tpu.memory_space<vmem>>) semaphore(%arg29 : memref<!tpu.dma_semaphore, #tpu.memory_space<semaphore_mem>>) {add = true}
    %dma_wait3A_181 = arith.constant 0 : i32
    %dma_wait3A_182 = arith.constant 0 : i32
    %dma_wait3A_183 = tpu.memref_slice %arg2[%dma_wait3A_181, %dma_wait3A_182] : memref<100352x16xf32, #tpu.memory_space<hbm>> -> memref<384x16xf32, #tpu.memory_space<hbm>>
    %dma_wait3A_184 = arith.constant 0 : i32
    %dma_wait3A_185 = arith.constant 0 : i32
    %dma_wait3A_186 = tpu.memref_slice %arg2[%dma_wait3A_184, %dma_wait3A_185] : memref<100352x16xf32, #tpu.memory_space<hbm>> -> memref<384x16xf32, #tpu.memory_space<hbm>>
    tpu.wait_dma2 semaphore(%arg26 : memref<!tpu.dma_semaphore, #tpu.memory_space<semaphore_mem>>) src(%dma_wait3A_186 : memref<384x16xf32, #tpu.memory_space<hbm>>) dst(%arg18 : memref<384x16xf32, #tpu.memory_space<vmem>>)
    %dma_start3A_187 = arith.constant 0 : i32
    %dma_start3A_188 = arith.constant 0 : i32
    %dma_start3A_189 = tpu.memref_slice %arg6[%dma_start3A_187, %dma_start3A_188] : memref<100352x16xf32, #tpu.memory_space<vmem_shared>> -> memref<100352x16xf32, #tpu.memory_space<vmem_shared>>
    tpu.enqueue_indirect_dma source(%arg18 : memref<384x16xf32, #tpu.memory_space<vmem>>) target(%dma_start3A_189 : memref<100352x16xf32, #tpu.memory_space<vmem_shared>>) offsets(%arg14 : memref<384xi32, #tpu.memory_space<vmem>>) semaphore(%arg30 : memref<!tpu.dma_semaphore, #tpu.memory_space<semaphore_mem>>) {add = true}
    %dma_wait3A_190 = arith.constant 0 : i32
    %dma_wait3A_191 = arith.constant 0 : i32
    %dma_wait3A_192 = tpu.memref_slice %arg6[%dma_wait3A_190, %dma_wait3A_191] : memref<100352x16xf32, #tpu.memory_space<vmem_shared>> -> memref<384x16xf32, #tpu.memory_space<vmem_shared>>
    %dma_wait3A_193 = arith.constant 0 : i32
    %dma_wait3A_194 = arith.constant 0 : i32
    %dma_wait3A_195 = tpu.memref_slice %arg6[%dma_wait3A_193, %dma_wait3A_194] : memref<100352x16xf32, #tpu.memory_space<vmem_shared>> -> memref<384x16xf32, #tpu.memory_space<vmem_shared>>
    tpu.wait_dma2 semaphore(%arg29 : memref<!tpu.dma_semaphore, #tpu.memory_space<semaphore_mem>>) src(%arg17 : memref<384x16xf32, #tpu.memory_space<vmem>>) dst(%dma_wait3A_195 : memref<384x16xf32, #tpu.memory_space<vmem_shared>>)
    %dma_wait3A_196 = arith.constant 0 : i32
    %dma_wait3A_197 = arith.constant 0 : i32
    %dma_wait3A_198 = tpu.memref_slice %arg6[%dma_wait3A_196, %dma_wait3A_197] : memref<100352x16xf32, #tpu.memory_space<vmem_shared>> -> memref<384x16xf32, #tpu.memory_space<vmem_shared>>
    %dma_wait3A_199 = arith.constant 0 : i32
    %dma_wait3A_200 = arith.constant 0 : i32
    %dma_wait3A_201 = tpu.memref_slice %arg6[%dma_wait3A_199, %dma_wait3A_200] : memref<100352x16xf32, #tpu.memory_space<vmem_shared>> -> memref<384x16xf32, #tpu.memory_space<vmem_shared>>
    tpu.wait_dma2 semaphore(%arg30 : memref<!tpu.dma_semaphore, #tpu.memory_space<semaphore_mem>>) src(%arg18 : memref<384x16xf32, #tpu.memory_space<vmem>>) dst(%dma_wait3A_201 : memref<384x16xf32, #tpu.memory_space<vmem_shared>>)
    %barrier3A_202 = arith.constant 0 : index
    tpu.barrier barrier_id(%barrier3A_202)
    "tpu.region"() ({
      %run_scoped3A = tpu.sem_alloc : memref<!tpu.dma_semaphore, #tpu.memory_space<semaphore_mem>>
      %dma_start3A_203 = arith.constant 0 : i32
      %dma_start3A_204 = tpu.memref_slice %arg5[%arg0, %mul3A_0, %dma_start3A_203] : memref<2x100352x16xf32, #tpu.memory_space<hbm>> -> memref<1x6272x16xf32, #tpu.memory_space<hbm>>
      %dma_start3A_205 = tpu.memref_squeeze %dma_start3A_204 : memref<1x6272x16xf32, #tpu.memory_space<hbm>> -> memref<6272x16xf32, #tpu.memory_space<hbm>>
      %dma_start3A_206 = arith.constant 0 : i32
      %dma_start3A_207 = tpu.memref_slice %arg6[%mul3A_0, %dma_start3A_206] : memref<100352x16xf32, #tpu.memory_space<vmem_shared>> -> memref<6272x16xf32, #tpu.memory_space<vmem_shared>>
      tpu.enqueue_dma source(%dma_start3A_207 : memref<6272x16xf32, #tpu.memory_space<vmem_shared>>) target(%dma_start3A_205 : memref<6272x16xf32, #tpu.memory_space<hbm>>) target_semaphore(%run_scoped3A : memref<!tpu.dma_semaphore, #tpu.memory_space<semaphore_mem>>)
      %dma_wait3A_208 = arith.constant 0 : i32
      %dma_wait3A_209 = tpu.memref_slice %arg5[%arg0, %mul3A_0, %dma_wait3A_208] : memref<2x100352x16xf32, #tpu.memory_space<hbm>> -> memref<1x6272x16xf32, #tpu.memory_space<hbm>>
      %dma_wait3A_210 = tpu.memref_squeeze %dma_wait3A_209 : memref<1x6272x16xf32, #tpu.memory_space<hbm>> -> memref<6272x16xf32, #tpu.memory_space<hbm>>
      %dma_wait3A_211 = arith.constant 0 : i32
      %dma_wait3A_212 = tpu.memref_slice %arg6[%mul3A_0, %dma_wait3A_211] : memref<100352x16xf32, #tpu.memory_space<vmem_shared>> -> memref<6272x16xf32, #tpu.memory_space<vmem_shared>>
      tpu.wait_dma2 semaphore(%run_scoped3A : memref<!tpu.dma_semaphore, #tpu.memory_space<semaphore_mem>>) src(%dma_wait3A_212 : memref<6272x16xf32, #tpu.memory_space<vmem_shared>>) dst(%dma_wait3A_210 : memref<6272x16xf32, #tpu.memory_space<hbm>>)
      tpu.yield
    }) : () -> ()
    return
  }
}

#map = affine_map<(d0, d1) -> (0, 0)>
#map1 = affine_map<(d0, d1) -> (0, 0, 0)>
module attributes {stable_mosaic.version = 14 : i64} {
  func.func @body(%arg0: i32, %arg1: i32, %arg2: memref<100352x16xf32, #tpu.memory_space<hbm>>, %arg3: memref<2x3244032xi32, #tpu.memory_space<hbm>>, %arg4: memref<100352x16xf32, #tpu.memory_space<hbm>>, %arg5: memref<2x100352x16xf32, #tpu.memory_space<hbm>>, %arg6: memref<100352x16xf32, #tpu.memory_space<vmem_shared>>, %arg7: memref<384xi32, #tpu.memory_space<vmem>>, %arg8: memref<384xi32, #tpu.memory_space<vmem>>, %arg9: memref<384xi32, #tpu.memory_space<vmem>>, %arg10: memref<384xi32, #tpu.memory_space<vmem>>, %arg11: memref<384xi32, #tpu.memory_space<vmem>>, %arg12: memref<384xi32, #tpu.memory_space<vmem>>, %arg13: memref<384xi32, #tpu.memory_space<vmem>>, %arg14: memref<384xi32, #tpu.memory_space<vmem>>, %arg15: memref<384x16xf32, #tpu.memory_space<vmem>>, %arg16: memref<384x16xf32, #tpu.memory_space<vmem>>, %arg17: memref<384x16xf32, #tpu.memory_space<vmem>>, %arg18: memref<384x16xf32, #tpu.memory_space<vmem>>, %arg19: memref<!tpu.dma_semaphore, #tpu.memory_space<semaphore_mem>>, %arg20: memref<!tpu.dma_semaphore, #tpu.memory_space<semaphore_mem>>, %arg21: memref<!tpu.dma_semaphore, #tpu.memory_space<semaphore_mem>>, %arg22: memref<!tpu.dma_semaphore, #tpu.memory_space<semaphore_mem>>, %arg23: memref<!tpu.dma_semaphore, #tpu.memory_space<semaphore_mem>>, %arg24: memref<!tpu.dma_semaphore, #tpu.memory_space<semaphore_mem>>, %arg25: memref<!tpu.dma_semaphore, #tpu.memory_space<semaphore_mem>>, %arg26: memref<!tpu.dma_semaphore, #tpu.memory_space<semaphore_mem>>, %arg27: memref<!tpu.dma_semaphore, #tpu.memory_space<semaphore_mem>>, %arg28: memref<!tpu.dma_semaphore, #tpu.memory_space<semaphore_mem>>, %arg29: memref<!tpu.dma_semaphore, #tpu.memory_space<semaphore_mem>>, %arg30: memref<!tpu.dma_semaphore, #tpu.memory_space<semaphore_mem>>) attributes {dimension_semantics = [#tpu.dimension_semantics<core_parallel>, #tpu.dimension_semantics<subcore_parallel>], iteration_bounds = array<i64: 2, 16>, scalar_prefetch = 0 : i64, scratch_operands = 25 : i64, tpu.core_type = #tpu.core_type<sc_vector_subcore>, window_params = [{transform_indices = #map}, {transform_indices = #map}, {transform_indices = #map}, {transform_indices = #map1}]} {
    %mul3A = arith.constant 6272 : i32
    %mul3A_0 = arith.muli %arg1, %mul3A : i32
    %eq3A = arith.constant 0 : i32
    %eq3A_1 = arith.cmpi eq, %arg0, %eq3A : i32
    %jit3A = arith.constant 132096 : i32
    %jit3A_2 = arith.constant 70656 : i32
    %select_n3A = arith.select %eq3A_1, %jit3A, %jit3A_2 : i32
    %mul3A_3 = arith.constant 2113536 : i32
    %mul3A_4 = arith.muli %arg0, %mul3A_3 : i32
    %mul3A_5 = arith.muli %arg1, %select_n3A : i32
    %add3A = arith.addi %mul3A_4, %mul3A_5 : i32
    %eq3A_6 = arith.constant 0 : i32
    %eq3A_7 = arith.cmpi eq, %arg0, %eq3A_6 : i32
    %jit3A_8 = arith.constant 85 : i32
    %jit3A_9 = arith.constant 45 : i32
    %select_n3A_10 = arith.select %eq3A_7, %jit3A_8, %jit3A_9 : i32
    "tpu.region"() ({
      %run_scoped3A = tpu.sem_alloc : memref<!tpu.dma_semaphore, #tpu.memory_space<semaphore_mem>>
      %dma_start3A_203 = arith.constant 0 : i32
      %dma_start3A_204 = tpu.memref_slice %arg6[%mul3A_0, %dma_start3A_203] : memref<100352x16xf32, #tpu.memory_space<vmem_shared>> -> memref<6272x16xf32, #tpu.memory_space<vmem_shared>>
      %dma_start3A_205 = arith.constant 0 : i32
      %dma_start3A_206 = tpu.memref_slice %arg4[%mul3A_0, %dma_start3A_205] : memref<100352x16xf32, #tpu.memory_space<hbm>> -> memref<6272x16xf32, #tpu.memory_space<hbm>>
      tpu.enqueue_dma source(%dma_start3A_206 : memref<6272x16xf32, #tpu.memory_space<hbm>>) target(%dma_start3A_204 : memref<6272x16xf32, #tpu.memory_space<vmem_shared>>) target_semaphore(%run_scoped3A : memref<!tpu.dma_semaphore, #tpu.memory_space<semaphore_mem>>)
      %dma_wait3A_207 = arith.constant 0 : i32
      %dma_wait3A_208 = tpu.memref_slice %arg6[%mul3A_0, %dma_wait3A_207] : memref<100352x16xf32, #tpu.memory_space<vmem_shared>> -> memref<6272x16xf32, #tpu.memory_space<vmem_shared>>
      %dma_wait3A_209 = arith.constant 0 : i32
      %dma_wait3A_210 = tpu.memref_slice %arg4[%mul3A_0, %dma_wait3A_209] : memref<100352x16xf32, #tpu.memory_space<hbm>> -> memref<6272x16xf32, #tpu.memory_space<hbm>>
      tpu.wait_dma2 semaphore(%run_scoped3A : memref<!tpu.dma_semaphore, #tpu.memory_space<semaphore_mem>>) src(%dma_wait3A_210 : memref<6272x16xf32, #tpu.memory_space<hbm>>) dst(%dma_wait3A_208 : memref<6272x16xf32, #tpu.memory_space<vmem_shared>>)
      tpu.yield
    }) : () -> ()
    %barrier3A = arith.constant 0 : index
    tpu.barrier barrier_id(%barrier3A)
    %add3A_11 = arith.constant 0 : i32
    %add3A_12 = arith.addi %add3A, %add3A_11 : i32
    %dma_start3A = arith.constant 0 : i32
    %dma_start3A_13 = tpu.memref_slice %arg3[%dma_start3A, %add3A_12] : memref<2x3244032xi32, #tpu.memory_space<hbm>> -> memref<1x384xi32, #tpu.memory_space<hbm>>
    %dma_start3A_14 = tpu.memref_squeeze %dma_start3A_13 : memref<1x384xi32, #tpu.memory_space<hbm>> -> memref<384xi32, #tpu.memory_space<hbm>>
    %dma_start3A_15 = tpu.memref_slice %arg3[%dma_start3A, %add3A_12] : memref<2x3244032xi32, #tpu.memory_space<hbm>> -> memref<1x384xi32, #tpu.memory_space<hbm>>
    %dma_start3A_16 = tpu.memref_squeeze %dma_start3A_15 : memref<1x384xi32, #tpu.memory_space<hbm>> -> memref<384xi32, #tpu.memory_space<hbm>>
    tpu.enqueue_dma source(%dma_start3A_16 : memref<384xi32, #tpu.memory_space<hbm>>) target(%arg7 : memref<384xi32, #tpu.memory_space<vmem>>) target_semaphore(%arg19 : memref<!tpu.dma_semaphore, #tpu.memory_space<semaphore_mem>>)
    %add3A_17 = arith.constant 0 : i32
    %add3A_18 = arith.addi %add3A, %add3A_17 : i32
    %dma_start3A_19 = arith.constant 1 : i32
    %dma_start3A_20 = tpu.memref_slice %arg3[%dma_start3A_19, %add3A_18] : memref<2x3244032xi32, #tpu.memory_space<hbm>> -> memref<1x384xi32, #tpu.memory_space<hbm>>
    %dma_start3A_21 = tpu.memref_squeeze %dma_start3A_20 : memref<1x384xi32, #tpu.memory_space<hbm>> -> memref<384xi32, #tpu.memory_space<hbm>>
    %dma_start3A_22 = tpu.memref_slice %arg3[%dma_start3A_19, %add3A_18] : memref<2x3244032xi32, #tpu.memory_space<hbm>> -> memref<1x384xi32, #tpu.memory_space<hbm>>
    %dma_start3A_23 = tpu.memref_squeeze %dma_start3A_22 : memref<1x384xi32, #tpu.memory_space<hbm>> -> memref<384xi32, #tpu.memory_space<hbm>>
    tpu.enqueue_dma source(%dma_start3A_23 : memref<384xi32, #tpu.memory_space<hbm>>) target(%arg11 : memref<384xi32, #tpu.memory_space<vmem>>) target_semaphore(%arg19 : memref<!tpu.dma_semaphore, #tpu.memory_space<semaphore_mem>>)
    %add3A_24 = arith.constant 384 : i32
    %add3A_25 = arith.addi %add3A, %add3A_24 : i32
    %dma_start3A_26 = arith.constant 0 : i32
    %dma_start3A_27 = tpu.memref_slice %arg3[%dma_start3A_26, %add3A_25] : memref<2x3244032xi32, #tpu.memory_space<hbm>> -> memref<1x384xi32, #tpu.memory_space<hbm>>
    %dma_start3A_28 = tpu.memref_squeeze %dma_start3A_27 : memref<1x384xi32, #tpu.memory_space<hbm>> -> memref<384xi32, #tpu.memory_space<hbm>>
    %dma_start3A_29 = tpu.memref_slice %arg3[%dma_start3A_26, %add3A_25] : memref<2x3244032xi32, #tpu.memory_space<hbm>> -> memref<1x384xi32, #tpu.memory_space<hbm>>
    %dma_start3A_30 = tpu.memref_squeeze %dma_start3A_29 : memref<1x384xi32, #tpu.memory_space<hbm>> -> memref<384xi32, #tpu.memory_space<hbm>>
    tpu.enqueue_dma source(%dma_start3A_30 : memref<384xi32, #tpu.memory_space<hbm>>) target(%arg8 : memref<384xi32, #tpu.memory_space<vmem>>) target_semaphore(%arg20 : memref<!tpu.dma_semaphore, #tpu.memory_space<semaphore_mem>>)
    %add3A_31 = arith.constant 384 : i32
    %add3A_32 = arith.addi %add3A, %add3A_31 : i32
    %dma_start3A_33 = arith.constant 1 : i32
    %dma_start3A_34 = tpu.memref_slice %arg3[%dma_start3A_33, %add3A_32] : memref<2x3244032xi32, #tpu.memory_space<hbm>> -> memref<1x384xi32, #tpu.memory_space<hbm>>
    %dma_start3A_35 = tpu.memref_squeeze %dma_start3A_34 : memref<1x384xi32, #tpu.memory_space<hbm>> -> memref<384xi32, #tpu.memory_space<hbm>>
    %dma_start3A_36 = tpu.memref_slice %arg3[%dma_start3A_33, %add3A_32] : memref<2x3244032xi32, #tpu.memory_space<hbm>> -> memref<1x384xi32, #tpu.memory_space<hbm>>
    %dma_start3A_37 = tpu.memref_squeeze %dma_start3A_36 : memref<1x384xi32, #tpu.memory_space<hbm>> -> memref<384xi32, #tpu.memory_space<hbm>>
    tpu.enqueue_dma source(%dma_start3A_37 : memref<384xi32, #tpu.memory_space<hbm>>) target(%arg12 : memref<384xi32, #tpu.memory_space<vmem>>) target_semaphore(%arg20 : memref<!tpu.dma_semaphore, #tpu.memory_space<semaphore_mem>>)
    %add3A_38 = arith.constant 768 : i32
    %add3A_39 = arith.addi %add3A, %add3A_38 : i32
    %dma_start3A_40 = arith.constant 0 : i32
    %dma_start3A_41 = tpu.memref_slice %arg3[%dma_start3A_40, %add3A_39] : memref<2x3244032xi32, #tpu.memory_space<hbm>> -> memref<1x384xi32, #tpu.memory_space<hbm>>
    %dma_start3A_42 = tpu.memref_squeeze %dma_start3A_41 : memref<1x384xi32, #tpu.memory_space<hbm>> -> memref<384xi32, #tpu.memory_space<hbm>>
    %dma_start3A_43 = tpu.memref_slice %arg3[%dma_start3A_40, %add3A_39] : memref<2x3244032xi32, #tpu.memory_space<hbm>> -> memref<1x384xi32, #tpu.memory_space<hbm>>
    %dma_start3A_44 = tpu.memref_squeeze %dma_start3A_43 : memref<1x384xi32, #tpu.memory_space<hbm>> -> memref<384xi32, #tpu.memory_space<hbm>>
    tpu.enqueue_dma source(%dma_start3A_44 : memref<384xi32, #tpu.memory_space<hbm>>) target(%arg9 : memref<384xi32, #tpu.memory_space<vmem>>) target_semaphore(%arg21 : memref<!tpu.dma_semaphore, #tpu.memory_space<semaphore_mem>>)
    %add3A_45 = arith.constant 768 : i32
    %add3A_46 = arith.addi %add3A, %add3A_45 : i32
    %dma_start3A_47 = arith.constant 1 : i32
    %dma_start3A_48 = tpu.memref_slice %arg3[%dma_start3A_47, %add3A_46] : memref<2x3244032xi32, #tpu.memory_space<hbm>> -> memref<1x384xi32, #tpu.memory_space<hbm>>
    %dma_start3A_49 = tpu.memref_squeeze %dma_start3A_48 : memref<1x384xi32, #tpu.memory_space<hbm>> -> memref<384xi32, #tpu.memory_space<hbm>>
    %dma_start3A_50 = tpu.memref_slice %arg3[%dma_start3A_47, %add3A_46] : memref<2x3244032xi32, #tpu.memory_space<hbm>> -> memref<1x384xi32, #tpu.memory_space<hbm>>
    %dma_start3A_51 = tpu.memref_squeeze %dma_start3A_50 : memref<1x384xi32, #tpu.memory_space<hbm>> -> memref<384xi32, #tpu.memory_space<hbm>>
    tpu.enqueue_dma source(%dma_start3A_51 : memref<384xi32, #tpu.memory_space<hbm>>) target(%arg13 : memref<384xi32, #tpu.memory_space<vmem>>) target_semaphore(%arg21 : memref<!tpu.dma_semaphore, #tpu.memory_space<semaphore_mem>>)
    %dma_wait3A = arith.constant 0 : i32
    %dma_wait3A_52 = arith.constant 0 : i32
    %dma_wait3A_53 = tpu.memref_slice %arg3[%dma_wait3A, %dma_wait3A_52] : memref<2x3244032xi32, #tpu.memory_space<hbm>> -> memref<1x384xi32, #tpu.memory_space<hbm>>
    %dma_wait3A_54 = tpu.memref_squeeze %dma_wait3A_53 : memref<1x384xi32, #tpu.memory_space<hbm>> -> memref<384xi32, #tpu.memory_space<hbm>>
    %dma_wait3A_55 = arith.constant 0 : i32
    %dma_wait3A_56 = tpu.memref_slice %arg3[%dma_wait3A, %dma_wait3A_55] : memref<2x3244032xi32, #tpu.memory_space<hbm>> -> memref<1x384xi32, #tpu.memory_space<hbm>>
    %dma_wait3A_57 = tpu.memref_squeeze %dma_wait3A_56 : memref<1x384xi32, #tpu.memory_space<hbm>> -> memref<384xi32, #tpu.memory_space<hbm>>
    tpu.wait_dma2 semaphore(%arg19 : memref<!tpu.dma_semaphore, #tpu.memory_space<semaphore_mem>>) src(%dma_wait3A_57 : memref<384xi32, #tpu.memory_space<hbm>>) dst(%arg7 : memref<384xi32, #tpu.memory_space<vmem>>)
    %dma_wait3A_58 = arith.constant 0 : i32
    %dma_wait3A_59 = arith.constant 0 : i32
    %dma_wait3A_60 = tpu.memref_slice %arg3[%dma_wait3A_58, %dma_wait3A_59] : memref<2x3244032xi32, #tpu.memory_space<hbm>> -> memref<1x384xi32, #tpu.memory_space<hbm>>
    %dma_wait3A_61 = tpu.memref_squeeze %dma_wait3A_60 : memref<1x384xi32, #tpu.memory_space<hbm>> -> memref<384xi32, #tpu.memory_space<hbm>>
    %dma_wait3A_62 = arith.constant 0 : i32
    %dma_wait3A_63 = tpu.memref_slice %arg3[%dma_wait3A_58, %dma_wait3A_62] : memref<2x3244032xi32, #tpu.memory_space<hbm>> -> memref<1x384xi32, #tpu.memory_space<hbm>>
    %dma_wait3A_64 = tpu.memref_squeeze %dma_wait3A_63 : memref<1x384xi32, #tpu.memory_space<hbm>> -> memref<384xi32, #tpu.memory_space<hbm>>
    tpu.wait_dma2 semaphore(%arg19 : memref<!tpu.dma_semaphore, #tpu.memory_space<semaphore_mem>>) src(%dma_wait3A_64 : memref<384xi32, #tpu.memory_space<hbm>>) dst(%arg11 : memref<384xi32, #tpu.memory_space<vmem>>)
    %dma_start3A_65 = arith.constant 0 : i32
    %dma_start3A_66 = arith.constant 0 : i32
    %dma_start3A_67 = tpu.memref_slice %arg2[%dma_start3A_65, %dma_start3A_66] : memref<100352x16xf32, #tpu.memory_space<hbm>> -> memref<100352x16xf32, #tpu.memory_space<hbm>>
    tpu.enqueue_indirect_dma source(%dma_start3A_67 : memref<100352x16xf32, #tpu.memory_space<hbm>>) target(%arg15 : memref<384x16xf32, #tpu.memory_space<vmem>>) offsets(%arg7 : memref<384xi32, #tpu.memory_space<vmem>>) semaphore(%arg23 : memref<!tpu.dma_semaphore, #tpu.memory_space<semaphore_mem>>)
    %add3A_68 = arith.constant 1152 : i32
    %add3A_69 = arith.addi %add3A, %add3A_68 : i32
    %dma_start3A_70 = arith.constant 0 : i32
    %dma_start3A_71 = tpu.memref_slice %arg3[%dma_start3A_70, %add3A_69] : memref<2x3244032xi32, #tpu.memory_space<hbm>> -> memref<1x384xi32, #tpu.memory_space<hbm>>
    %dma_start3A_72 = tpu.memref_squeeze %dma_start3A_71 : memref<1x384xi32, #tpu.memory_space<hbm>> -> memref<384xi32, #tpu.memory_space<hbm>>
    %dma_start3A_73 = tpu.memref_slice %arg3[%dma_start3A_70, %add3A_69] : memref<2x3244032xi32, #tpu.memory_space<hbm>> -> memref<1x384xi32, #tpu.memory_space<hbm>>
    %dma_start3A_74 = tpu.memref_squeeze %dma_start3A_73 : memref<1x384xi32, #tpu.memory_space<hbm>> -> memref<384xi32, #tpu.memory_space<hbm>>
    tpu.enqueue_dma source(%dma_start3A_74 : memref<384xi32, #tpu.memory_space<hbm>>) target(%arg10 : memref<384xi32, #tpu.memory_space<vmem>>) target_semaphore(%arg22 : memref<!tpu.dma_semaphore, #tpu.memory_space<semaphore_mem>>)
    %add3A_75 = arith.constant 1152 : i32
    %add3A_76 = arith.addi %add3A, %add3A_75 : i32
    %dma_start3A_77 = arith.constant 1 : i32
    %dma_start3A_78 = tpu.memref_slice %arg3[%dma_start3A_77, %add3A_76] : memref<2x3244032xi32, #tpu.memory_space<hbm>> -> memref<1x384xi32, #tpu.memory_space<hbm>>
    %dma_start3A_79 = tpu.memref_squeeze %dma_start3A_78 : memref<1x384xi32, #tpu.memory_space<hbm>> -> memref<384xi32, #tpu.memory_space<hbm>>
    %dma_start3A_80 = tpu.memref_slice %arg3[%dma_start3A_77, %add3A_76] : memref<2x3244032xi32, #tpu.memory_space<hbm>> -> memref<1x384xi32, #tpu.memory_space<hbm>>
    %dma_start3A_81 = tpu.memref_squeeze %dma_start3A_80 : memref<1x384xi32, #tpu.memory_space<hbm>> -> memref<384xi32, #tpu.memory_space<hbm>>
    tpu.enqueue_dma source(%dma_start3A_81 : memref<384xi32, #tpu.memory_space<hbm>>) target(%arg14 : memref<384xi32, #tpu.memory_space<vmem>>) target_semaphore(%arg22 : memref<!tpu.dma_semaphore, #tpu.memory_space<semaphore_mem>>)
    %dma_wait3A_82 = arith.constant 0 : i32
    %dma_wait3A_83 = arith.constant 0 : i32
    %dma_wait3A_84 = tpu.memref_slice %arg3[%dma_wait3A_82, %dma_wait3A_83] : memref<2x3244032xi32, #tpu.memory_space<hbm>> -> memref<1x384xi32, #tpu.memory_space<hbm>>
    %dma_wait3A_85 = tpu.memref_squeeze %dma_wait3A_84 : memref<1x384xi32, #tpu.memory_space<hbm>> -> memref<384xi32, #tpu.memory_space<hbm>>
    %dma_wait3A_86 = arith.constant 0 : i32
    %dma_wait3A_87 = tpu.memref_slice %arg3[%dma_wait3A_82, %dma_wait3A_86] : memref<2x3244032xi32, #tpu.memory_space<hbm>> -> memref<1x384xi32, #tpu.memory_space<hbm>>
    %dma_wait3A_88 = tpu.memref_squeeze %dma_wait3A_87 : memref<1x384xi32, #tpu.memory_space<hbm>> -> memref<384xi32, #tpu.memory_space<hbm>>
    tpu.wait_dma2 semaphore(%arg20 : memref<!tpu.dma_semaphore, #tpu.memory_space<semaphore_mem>>) src(%dma_wait3A_88 : memref<384xi32, #tpu.memory_space<hbm>>) dst(%arg8 : memref<384xi32, #tpu.memory_space<vmem>>)
    %dma_wait3A_89 = arith.constant 0 : i32
    %dma_wait3A_90 = arith.constant 0 : i32
    %dma_wait3A_91 = tpu.memref_slice %arg3[%dma_wait3A_89, %dma_wait3A_90] : memref<2x3244032xi32, #tpu.memory_space<hbm>> -> memref<1x384xi32, #tpu.memory_space<hbm>>
    %dma_wait3A_92 = tpu.memref_squeeze %dma_wait3A_91 : memref<1x384xi32, #tpu.memory_space<hbm>> -> memref<384xi32, #tpu.memory_space<hbm>>
    %dma_wait3A_93 = arith.constant 0 : i32
    %dma_wait3A_94 = tpu.memref_slice %arg3[%dma_wait3A_89, %dma_wait3A_93] : memref<2x3244032xi32, #tpu.memory_space<hbm>> -> memref<1x384xi32, #tpu.memory_space<hbm>>
    %dma_wait3A_95 = tpu.memref_squeeze %dma_wait3A_94 : memref<1x384xi32, #tpu.memory_space<hbm>> -> memref<384xi32, #tpu.memory_space<hbm>>
    tpu.wait_dma2 semaphore(%arg20 : memref<!tpu.dma_semaphore, #tpu.memory_space<semaphore_mem>>) src(%dma_wait3A_95 : memref<384xi32, #tpu.memory_space<hbm>>) dst(%arg12 : memref<384xi32, #tpu.memory_space<vmem>>)
    %dma_start3A_96 = arith.constant 0 : i32
    %dma_start3A_97 = arith.constant 0 : i32
    %dma_start3A_98 = tpu.memref_slice %arg2[%dma_start3A_96, %dma_start3A_97] : memref<100352x16xf32, #tpu.memory_space<hbm>> -> memref<100352x16xf32, #tpu.memory_space<hbm>>
    tpu.enqueue_indirect_dma source(%dma_start3A_98 : memref<100352x16xf32, #tpu.memory_space<hbm>>) target(%arg16 : memref<384x16xf32, #tpu.memory_space<vmem>>) offsets(%arg8 : memref<384xi32, #tpu.memory_space<vmem>>) semaphore(%arg24 : memref<!tpu.dma_semaphore, #tpu.memory_space<semaphore_mem>>)
    %dma_wait3A_99 = arith.constant 0 : i32
    %dma_wait3A_100 = arith.constant 0 : i32
    %dma_wait3A_101 = tpu.memref_slice %arg2[%dma_wait3A_99, %dma_wait3A_100] : memref<100352x16xf32, #tpu.memory_space<hbm>> -> memref<384x16xf32, #tpu.memory_space<hbm>>
    %dma_wait3A_102 = arith.constant 0 : i32
    %dma_wait3A_103 = arith.constant 0 : i32
    %dma_wait3A_104 = tpu.memref_slice %arg2[%dma_wait3A_102, %dma_wait3A_103] : memref<100352x16xf32, #tpu.memory_space<hbm>> -> memref<384x16xf32, #tpu.memory_space<hbm>>
    tpu.wait_dma2 semaphore(%arg23 : memref<!tpu.dma_semaphore, #tpu.memory_space<semaphore_mem>>) src(%dma_wait3A_104 : memref<384x16xf32, #tpu.memory_space<hbm>>) dst(%arg15 : memref<384x16xf32, #tpu.memory_space<vmem>>)
    %dma_start3A_105 = arith.constant 0 : i32
    %dma_start3A_106 = arith.constant 0 : i32
    %dma_start3A_107 = tpu.memref_slice %arg6[%dma_start3A_105, %dma_start3A_106] : memref<100352x16xf32, #tpu.memory_space<vmem_shared>> -> memref<100352x16xf32, #tpu.memory_space<vmem_shared>>
    tpu.enqueue_indirect_dma source(%arg15 : memref<384x16xf32, #tpu.memory_space<vmem>>) target(%dma_start3A_107 : memref<100352x16xf32, #tpu.memory_space<vmem_shared>>) offsets(%arg11 : memref<384xi32, #tpu.memory_space<vmem>>) semaphore(%arg27 : memref<!tpu.dma_semaphore, #tpu.memory_space<semaphore_mem>>) {add = true}
    %while3A = arith.constant 0 : i32
    %while3A_108 = arith.constant 0 : i32
    %while3A_109 = arith.subi %select_n3A_10, %while3A_108 : i32
    %while3A_110 = arith.addi %while3A_108, %while3A_109 : i32
    %while3A_111 = arith.constant 1 : i32
    %while3A_112 = arith.divsi %while3A_109, %while3A_111 : i32
    %while3A_113 = arith.muli %while3A_112, %while3A_111 : i32
    %while3A_114 = arith.addi %while3A_108, %while3A_113 : i32
    %while3A_115 = arith.constant 1 : i32
    scf.for %while3A_203 = %while3A_108 to %while3A_114 step %while3A_115  : i32 {
      %mul3A_204 = arith.constant 4 : i32
      %mul3A_205 = arith.muli %while3A_203, %mul3A_204 : i32
      %add3A_206 = arith.constant 2 : i32
      %add3A_207 = arith.addi %add3A_206, %mul3A_205 : i32
      %add3A_208 = arith.constant 0 : i32
      %add3A_209 = arith.addi %add3A_207, %add3A_208 : i32
      %dma_wait3A_210 = arith.constant 0 : i32
      %dma_wait3A_211 = arith.constant 0 : i32
      %dma_wait3A_212 = tpu.memref_slice %arg6[%dma_wait3A_210, %dma_wait3A_211] : memref<100352x16xf32, #tpu.memory_space<vmem_shared>> -> memref<384x16xf32, #tpu.memory_space<vmem_shared>>
      %dma_wait3A_213 = arith.constant 0 : i32
      %dma_wait3A_214 = arith.constant 0 : i32
      %dma_wait3A_215 = tpu.memref_slice %arg6[%dma_wait3A_213, %dma_wait3A_214] : memref<100352x16xf32, #tpu.memory_space<vmem_shared>> -> memref<384x16xf32, #tpu.memory_space<vmem_shared>>
      tpu.wait_dma2 semaphore(%arg27 : memref<!tpu.dma_semaphore, #tpu.memory_space<semaphore_mem>>) src(%arg15 : memref<384x16xf32, #tpu.memory_space<vmem>>) dst(%dma_wait3A_215 : memref<384x16xf32, #tpu.memory_space<vmem_shared>>)
      %add3A_216 = arith.constant 2 : i32
      %add3A_217 = arith.addi %add3A_209, %add3A_216 : i32
      %mul3A_218 = arith.constant 384 : i32
      %mul3A_219 = arith.muli %add3A_217, %mul3A_218 : i32
      %add3A_220 = arith.addi %add3A, %mul3A_219 : i32
      %dma_start3A_221 = arith.constant 0 : i32
      %dma_start3A_222 = tpu.memref_slice %arg3[%dma_start3A_221, %add3A_220] : memref<2x3244032xi32, #tpu.memory_space<hbm>> -> memref<1x384xi32, #tpu.memory_space<hbm>>
      %dma_start3A_223 = tpu.memref_squeeze %dma_start3A_222 : memref<1x384xi32, #tpu.memory_space<hbm>> -> memref<384xi32, #tpu.memory_space<hbm>>
      %dma_start3A_224 = tpu.memref_slice %arg3[%dma_start3A_221, %add3A_220] : memref<2x3244032xi32, #tpu.memory_space<hbm>> -> memref<1x384xi32, #tpu.memory_space<hbm>>
      %dma_start3A_225 = tpu.memref_squeeze %dma_start3A_224 : memref<1x384xi32, #tpu.memory_space<hbm>> -> memref<384xi32, #tpu.memory_space<hbm>>
      tpu.enqueue_dma source(%dma_start3A_225 : memref<384xi32, #tpu.memory_space<hbm>>) target(%arg7 : memref<384xi32, #tpu.memory_space<vmem>>) target_semaphore(%arg19 : memref<!tpu.dma_semaphore, #tpu.memory_space<semaphore_mem>>)
      %mul3A_226 = arith.constant 384 : i32
      %mul3A_227 = arith.muli %add3A_217, %mul3A_226 : i32
      %add3A_228 = arith.addi %add3A, %mul3A_227 : i32
      %dma_start3A_229 = arith.constant 1 : i32
      %dma_start3A_230 = tpu.memref_slice %arg3[%dma_start3A_229, %add3A_228] : memref<2x3244032xi32, #tpu.memory_space<hbm>> -> memref<1x384xi32, #tpu.memory_space<hbm>>
      %dma_start3A_231 = tpu.memref_squeeze %dma_start3A_230 : memref<1x384xi32, #tpu.memory_space<hbm>> -> memref<384xi32, #tpu.memory_space<hbm>>
      %dma_start3A_232 = tpu.memref_slice %arg3[%dma_start3A_229, %add3A_228] : memref<2x3244032xi32, #tpu.memory_space<hbm>> -> memref<1x384xi32, #tpu.memory_space<hbm>>
      %dma_start3A_233 = tpu.memref_squeeze %dma_start3A_232 : memref<1x384xi32, #tpu.memory_space<hbm>> -> memref<384xi32, #tpu.memory_space<hbm>>
      tpu.enqueue_dma source(%dma_start3A_233 : memref<384xi32, #tpu.memory_space<hbm>>) target(%arg11 : memref<384xi32, #tpu.memory_space<vmem>>) target_semaphore(%arg19 : memref<!tpu.dma_semaphore, #tpu.memory_space<semaphore_mem>>)
      %dma_wait3A_234 = arith.constant 0 : i32
      %dma_wait3A_235 = arith.constant 0 : i32
      %dma_wait3A_236 = tpu.memref_slice %arg3[%dma_wait3A_234, %dma_wait3A_235] : memref<2x3244032xi32, #tpu.memory_space<hbm>> -> memref<1x384xi32, #tpu.memory_space<hbm>>
      %dma_wait3A_237 = tpu.memref_squeeze %dma_wait3A_236 : memref<1x384xi32, #tpu.memory_space<hbm>> -> memref<384xi32, #tpu.memory_space<hbm>>
      %dma_wait3A_238 = arith.constant 0 : i32
      %dma_wait3A_239 = tpu.memref_slice %arg3[%dma_wait3A_234, %dma_wait3A_238] : memref<2x3244032xi32, #tpu.memory_space<hbm>> -> memref<1x384xi32, #tpu.memory_space<hbm>>
      %dma_wait3A_240 = tpu.memref_squeeze %dma_wait3A_239 : memref<1x384xi32, #tpu.memory_space<hbm>> -> memref<384xi32, #tpu.memory_space<hbm>>
      tpu.wait_dma2 semaphore(%arg21 : memref<!tpu.dma_semaphore, #tpu.memory_space<semaphore_mem>>) src(%dma_wait3A_240 : memref<384xi32, #tpu.memory_space<hbm>>) dst(%arg9 : memref<384xi32, #tpu.memory_space<vmem>>)
      %dma_wait3A_241 = arith.constant 0 : i32
      %dma_wait3A_242 = arith.constant 0 : i32
      %dma_wait3A_243 = tpu.memref_slice %arg3[%dma_wait3A_241, %dma_wait3A_242] : memref<2x3244032xi32, #tpu.memory_space<hbm>> -> memref<1x384xi32, #tpu.memory_space<hbm>>
      %dma_wait3A_244 = tpu.memref_squeeze %dma_wait3A_243 : memref<1x384xi32, #tpu.memory_space<hbm>> -> memref<384xi32, #tpu.memory_space<hbm>>
      %dma_wait3A_245 = arith.constant 0 : i32
      %dma_wait3A_246 = tpu.memref_slice %arg3[%dma_wait3A_241, %dma_wait3A_245] : memref<2x3244032xi32, #tpu.memory_space<hbm>> -> memref<1x384xi32, #tpu.memory_space<hbm>>
      %dma_wait3A_247 = tpu.memref_squeeze %dma_wait3A_246 : memref<1x384xi32, #tpu.memory_space<hbm>> -> memref<384xi32, #tpu.memory_space<hbm>>
      tpu.wait_dma2 semaphore(%arg21 : memref<!tpu.dma_semaphore, #tpu.memory_space<semaphore_mem>>) src(%dma_wait3A_247 : memref<384xi32, #tpu.memory_space<hbm>>) dst(%arg13 : memref<384xi32, #tpu.memory_space<vmem>>)
      %dma_start3A_248 = arith.constant 0 : i32
      %dma_start3A_249 = arith.constant 0 : i32
      %dma_start3A_250 = tpu.memref_slice %arg2[%dma_start3A_248, %dma_start3A_249] : memref<100352x16xf32, #tpu.memory_space<hbm>> -> memref<100352x16xf32, #tpu.memory_space<hbm>>
      tpu.enqueue_indirect_dma source(%dma_start3A_250 : memref<100352x16xf32, #tpu.memory_space<hbm>>) target(%arg17 : memref<384x16xf32, #tpu.memory_space<vmem>>) offsets(%arg9 : memref<384xi32, #tpu.memory_space<vmem>>) semaphore(%arg25 : memref<!tpu.dma_semaphore, #tpu.memory_space<semaphore_mem>>)
      %dma_wait3A_251 = arith.constant 0 : i32
      %dma_wait3A_252 = arith.constant 0 : i32
      %dma_wait3A_253 = tpu.memref_slice %arg2[%dma_wait3A_251, %dma_wait3A_252] : memref<100352x16xf32, #tpu.memory_space<hbm>> -> memref<384x16xf32, #tpu.memory_space<hbm>>
      %dma_wait3A_254 = arith.constant 0 : i32
      %dma_wait3A_255 = arith.constant 0 : i32
      %dma_wait3A_256 = tpu.memref_slice %arg2[%dma_wait3A_254, %dma_wait3A_255] : memref<100352x16xf32, #tpu.memory_space<hbm>> -> memref<384x16xf32, #tpu.memory_space<hbm>>
      tpu.wait_dma2 semaphore(%arg24 : memref<!tpu.dma_semaphore, #tpu.memory_space<semaphore_mem>>) src(%dma_wait3A_256 : memref<384x16xf32, #tpu.memory_space<hbm>>) dst(%arg16 : memref<384x16xf32, #tpu.memory_space<vmem>>)
      %dma_start3A_257 = arith.constant 0 : i32
      %dma_start3A_258 = arith.constant 0 : i32
      %dma_start3A_259 = tpu.memref_slice %arg6[%dma_start3A_257, %dma_start3A_258] : memref<100352x16xf32, #tpu.memory_space<vmem_shared>> -> memref<100352x16xf32, #tpu.memory_space<vmem_shared>>
      tpu.enqueue_indirect_dma source(%arg16 : memref<384x16xf32, #tpu.memory_space<vmem>>) target(%dma_start3A_259 : memref<100352x16xf32, #tpu.memory_space<vmem_shared>>) offsets(%arg12 : memref<384xi32, #tpu.memory_space<vmem>>) semaphore(%arg28 : memref<!tpu.dma_semaphore, #tpu.memory_space<semaphore_mem>>) {add = true}
      %mul3A_260 = arith.constant 4 : i32
      %mul3A_261 = arith.muli %while3A_203, %mul3A_260 : i32
      %add3A_262 = arith.constant 2 : i32
      %add3A_263 = arith.addi %add3A_262, %mul3A_261 : i32
      %add3A_264 = arith.constant 1 : i32
      %add3A_265 = arith.addi %add3A_263, %add3A_264 : i32
      %dma_wait3A_266 = arith.constant 0 : i32
      %dma_wait3A_267 = arith.constant 0 : i32
      %dma_wait3A_268 = tpu.memref_slice %arg6[%dma_wait3A_266, %dma_wait3A_267] : memref<100352x16xf32, #tpu.memory_space<vmem_shared>> -> memref<384x16xf32, #tpu.memory_space<vmem_shared>>
      %dma_wait3A_269 = arith.constant 0 : i32
      %dma_wait3A_270 = arith.constant 0 : i32
      %dma_wait3A_271 = tpu.memref_slice %arg6[%dma_wait3A_269, %dma_wait3A_270] : memref<100352x16xf32, #tpu.memory_space<vmem_shared>> -> memref<384x16xf32, #tpu.memory_space<vmem_shared>>
      tpu.wait_dma2 semaphore(%arg28 : memref<!tpu.dma_semaphore, #tpu.memory_space<semaphore_mem>>) src(%arg16 : memref<384x16xf32, #tpu.memory_space<vmem>>) dst(%dma_wait3A_271 : memref<384x16xf32, #tpu.memory_space<vmem_shared>>)
      %add3A_272 = arith.constant 2 : i32
      %add3A_273 = arith.addi %add3A_265, %add3A_272 : i32
      %mul3A_274 = arith.constant 384 : i32
      %mul3A_275 = arith.muli %add3A_273, %mul3A_274 : i32
      %add3A_276 = arith.addi %add3A, %mul3A_275 : i32
      %dma_start3A_277 = arith.constant 0 : i32
      %dma_start3A_278 = tpu.memref_slice %arg3[%dma_start3A_277, %add3A_276] : memref<2x3244032xi32, #tpu.memory_space<hbm>> -> memref<1x384xi32, #tpu.memory_space<hbm>>
      %dma_start3A_279 = tpu.memref_squeeze %dma_start3A_278 : memref<1x384xi32, #tpu.memory_space<hbm>> -> memref<384xi32, #tpu.memory_space<hbm>>
      %dma_start3A_280 = tpu.memref_slice %arg3[%dma_start3A_277, %add3A_276] : memref<2x3244032xi32, #tpu.memory_space<hbm>> -> memref<1x384xi32, #tpu.memory_space<hbm>>
      %dma_start3A_281 = tpu.memref_squeeze %dma_start3A_280 : memref<1x384xi32, #tpu.memory_space<hbm>> -> memref<384xi32, #tpu.memory_space<hbm>>
      tpu.enqueue_dma source(%dma_start3A_281 : memref<384xi32, #tpu.memory_space<hbm>>) target(%arg8 : memref<384xi32, #tpu.memory_space<vmem>>) target_semaphore(%arg20 : memref<!tpu.dma_semaphore, #tpu.memory_space<semaphore_mem>>)
      %mul3A_282 = arith.constant 384 : i32
      %mul3A_283 = arith.muli %add3A_273, %mul3A_282 : i32
      %add3A_284 = arith.addi %add3A, %mul3A_283 : i32
      %dma_start3A_285 = arith.constant 1 : i32
      %dma_start3A_286 = tpu.memref_slice %arg3[%dma_start3A_285, %add3A_284] : memref<2x3244032xi32, #tpu.memory_space<hbm>> -> memref<1x384xi32, #tpu.memory_space<hbm>>
      %dma_start3A_287 = tpu.memref_squeeze %dma_start3A_286 : memref<1x384xi32, #tpu.memory_space<hbm>> -> memref<384xi32, #tpu.memory_space<hbm>>
      %dma_start3A_288 = tpu.memref_slice %arg3[%dma_start3A_285, %add3A_284] : memref<2x3244032xi32, #tpu.memory_space<hbm>> -> memref<1x384xi32, #tpu.memory_space<hbm>>
      %dma_start3A_289 = tpu.memref_squeeze %dma_start3A_288 : memref<1x384xi32, #tpu.memory_space<hbm>> -> memref<384xi32, #tpu.memory_space<hbm>>
      tpu.enqueue_dma source(%dma_start3A_289 : memref<384xi32, #tpu.memory_space<hbm>>) target(%arg12 : memref<384xi32, #tpu.memory_space<vmem>>) target_semaphore(%arg20 : memref<!tpu.dma_semaphore, #tpu.memory_space<semaphore_mem>>)
      %dma_wait3A_290 = arith.constant 0 : i32
      %dma_wait3A_291 = arith.constant 0 : i32
      %dma_wait3A_292 = tpu.memref_slice %arg3[%dma_wait3A_290, %dma_wait3A_291] : memref<2x3244032xi32, #tpu.memory_space<hbm>> -> memref<1x384xi32, #tpu.memory_space<hbm>>
      %dma_wait3A_293 = tpu.memref_squeeze %dma_wait3A_292 : memref<1x384xi32, #tpu.memory_space<hbm>> -> memref<384xi32, #tpu.memory_space<hbm>>
      %dma_wait3A_294 = arith.constant 0 : i32
      %dma_wait3A_295 = tpu.memref_slice %arg3[%dma_wait3A_290, %dma_wait3A_294] : memref<2x3244032xi32, #tpu.memory_space<hbm>> -> memref<1x384xi32, #tpu.memory_space<hbm>>
      %dma_wait3A_296 = tpu.memref_squeeze %dma_wait3A_295 : memref<1x384xi32, #tpu.memory_space<hbm>> -> memref<384xi32, #tpu.memory_space<hbm>>
      tpu.wait_dma2 semaphore(%arg22 : memref<!tpu.dma_semaphore, #tpu.memory_space<semaphore_mem>>) src(%dma_wait3A_296 : memref<384xi32, #tpu.memory_space<hbm>>) dst(%arg10 : memref<384xi32, #tpu.memory_space<vmem>>)
      %dma_wait3A_297 = arith.constant 0 : i32
      %dma_wait3A_298 = arith.constant 0 : i32
      %dma_wait3A_299 = tpu.memref_slice %arg3[%dma_wait3A_297, %dma_wait3A_298] : memref<2x3244032xi32, #tpu.memory_space<hbm>> -> memref<1x384xi32, #tpu.memory_space<hbm>>
      %dma_wait3A_300 = tpu.memref_squeeze %dma_wait3A_299 : memref<1x384xi32, #tpu.memory_space<hbm>> -> memref<384xi32, #tpu.memory_space<hbm>>
      %dma_wait3A_301 = arith.constant 0 : i32
      %dma_wait3A_302 = tpu.memref_slice %arg3[%dma_wait3A_297, %dma_wait3A_301] : memref<2x3244032xi32, #tpu.memory_space<hbm>> -> memref<1x384xi32, #tpu.memory_space<hbm>>
      %dma_wait3A_303 = tpu.memref_squeeze %dma_wait3A_302 : memref<1x384xi32, #tpu.memory_space<hbm>> -> memref<384xi32, #tpu.memory_space<hbm>>
      tpu.wait_dma2 semaphore(%arg22 : memref<!tpu.dma_semaphore, #tpu.memory_space<semaphore_mem>>) src(%dma_wait3A_303 : memref<384xi32, #tpu.memory_space<hbm>>) dst(%arg14 : memref<384xi32, #tpu.memory_space<vmem>>)
      %dma_start3A_304 = arith.constant 0 : i32
      %dma_start3A_305 = arith.constant 0 : i32
      %dma_start3A_306 = tpu.memref_slice %arg2[%dma_start3A_304, %dma_start3A_305] : memref<100352x16xf32, #tpu.memory_space<hbm>> -> memref<100352x16xf32, #tpu.memory_space<hbm>>
      tpu.enqueue_indirect_dma source(%dma_start3A_306 : memref<100352x16xf32, #tpu.memory_space<hbm>>) target(%arg18 : memref<384x16xf32, #tpu.memory_space<vmem>>) offsets(%arg10 : memref<384xi32, #tpu.memory_space<vmem>>) semaphore(%arg26 : memref<!tpu.dma_semaphore, #tpu.memory_space<semaphore_mem>>)
      %dma_wait3A_307 = arith.constant 0 : i32
      %dma_wait3A_308 = arith.constant 0 : i32
      %dma_wait3A_309 = tpu.memref_slice %arg2[%dma_wait3A_307, %dma_wait3A_308] : memref<100352x16xf32, #tpu.memory_space<hbm>> -> memref<384x16xf32, #tpu.memory_space<hbm>>
      %dma_wait3A_310 = arith.constant 0 : i32
      %dma_wait3A_311 = arith.constant 0 : i32
      %dma_wait3A_312 = tpu.memref_slice %arg2[%dma_wait3A_310, %dma_wait3A_311] : memref<100352x16xf32, #tpu.memory_space<hbm>> -> memref<384x16xf32, #tpu.memory_space<hbm>>
      tpu.wait_dma2 semaphore(%arg25 : memref<!tpu.dma_semaphore, #tpu.memory_space<semaphore_mem>>) src(%dma_wait3A_312 : memref<384x16xf32, #tpu.memory_space<hbm>>) dst(%arg17 : memref<384x16xf32, #tpu.memory_space<vmem>>)
      %dma_start3A_313 = arith.constant 0 : i32
      %dma_start3A_314 = arith.constant 0 : i32
      %dma_start3A_315 = tpu.memref_slice %arg6[%dma_start3A_313, %dma_start3A_314] : memref<100352x16xf32, #tpu.memory_space<vmem_shared>> -> memref<100352x16xf32, #tpu.memory_space<vmem_shared>>
      tpu.enqueue_indirect_dma source(%arg17 : memref<384x16xf32, #tpu.memory_space<vmem>>) target(%dma_start3A_315 : memref<100352x16xf32, #tpu.memory_space<vmem_shared>>) offsets(%arg13 : memref<384xi32, #tpu.memory_space<vmem>>) semaphore(%arg29 : memref<!tpu.dma_semaphore, #tpu.memory_space<semaphore_mem>>) {add = true}
      %mul3A_316 = arith.constant 4 : i32
      %mul3A_317 = arith.muli %while3A_203, %mul3A_316 : i32
      %add3A_318 = arith.constant 2 : i32
      %add3A_319 = arith.addi %add3A_318, %mul3A_317 : i32
      %add3A_320 = arith.constant 2 : i32
      %add3A_321 = arith.addi %add3A_319, %add3A_320 : i32
      %dma_wait3A_322 = arith.constant 0 : i32
      %dma_wait3A_323 = arith.constant 0 : i32
      %dma_wait3A_324 = tpu.memref_slice %arg6[%dma_wait3A_322, %dma_wait3A_323] : memref<100352x16xf32, #tpu.memory_space<vmem_shared>> -> memref<384x16xf32, #tpu.memory_space<vmem_shared>>
      %dma_wait3A_325 = arith.constant 0 : i32
      %dma_wait3A_326 = arith.constant 0 : i32
      %dma_wait3A_327 = tpu.memref_slice %arg6[%dma_wait3A_325, %dma_wait3A_326] : memref<100352x16xf32, #tpu.memory_space<vmem_shared>> -> memref<384x16xf32, #tpu.memory_space<vmem_shared>>
      tpu.wait_dma2 semaphore(%arg29 : memref<!tpu.dma_semaphore, #tpu.memory_space<semaphore_mem>>) src(%arg17 : memref<384x16xf32, #tpu.memory_space<vmem>>) dst(%dma_wait3A_327 : memref<384x16xf32, #tpu.memory_space<vmem_shared>>)
      %add3A_328 = arith.constant 2 : i32
      %add3A_329 = arith.addi %add3A_321, %add3A_328 : i32
      %mul3A_330 = arith.constant 384 : i32
      %mul3A_331 = arith.muli %add3A_329, %mul3A_330 : i32
      %add3A_332 = arith.addi %add3A, %mul3A_331 : i32
      %dma_start3A_333 = arith.constant 0 : i32
      %dma_start3A_334 = tpu.memref_slice %arg3[%dma_start3A_333, %add3A_332] : memref<2x3244032xi32, #tpu.memory_space<hbm>> -> memref<1x384xi32, #tpu.memory_space<hbm>>
      %dma_start3A_335 = tpu.memref_squeeze %dma_start3A_334 : memref<1x384xi32, #tpu.memory_space<hbm>> -> memref<384xi32, #tpu.memory_space<hbm>>
      %dma_start3A_336 = tpu.memref_slice %arg3[%dma_start3A_333, %add3A_332] : memref<2x3244032xi32, #tpu.memory_space<hbm>> -> memref<1x384xi32, #tpu.memory_space<hbm>>
      %dma_start3A_337 = tpu.memref_squeeze %dma_start3A_336 : memref<1x384xi32, #tpu.memory_space<hbm>> -> memref<384xi32, #tpu.memory_space<hbm>>
      tpu.enqueue_dma source(%dma_start3A_337 : memref<384xi32, #tpu.memory_space<hbm>>) target(%arg9 : memref<384xi32, #tpu.memory_space<vmem>>) target_semaphore(%arg21 : memref<!tpu.dma_semaphore, #tpu.memory_space<semaphore_mem>>)
      %mul3A_338 = arith.constant 384 : i32
      %mul3A_339 = arith.muli %add3A_329, %mul3A_338 : i32
      %add3A_340 = arith.addi %add3A, %mul3A_339 : i32
      %dma_start3A_341 = arith.constant 1 : i32
      %dma_start3A_342 = tpu.memref_slice %arg3[%dma_start3A_341, %add3A_340] : memref<2x3244032xi32, #tpu.memory_space<hbm>> -> memref<1x384xi32, #tpu.memory_space<hbm>>
      %dma_start3A_343 = tpu.memref_squeeze %dma_start3A_342 : memref<1x384xi32, #tpu.memory_space<hbm>> -> memref<384xi32, #tpu.memory_space<hbm>>
      %dma_start3A_344 = tpu.memref_slice %arg3[%dma_start3A_341, %add3A_340] : memref<2x3244032xi32, #tpu.memory_space<hbm>> -> memref<1x384xi32, #tpu.memory_space<hbm>>
      %dma_start3A_345 = tpu.memref_squeeze %dma_start3A_344 : memref<1x384xi32, #tpu.memory_space<hbm>> -> memref<384xi32, #tpu.memory_space<hbm>>
      tpu.enqueue_dma source(%dma_start3A_345 : memref<384xi32, #tpu.memory_space<hbm>>) target(%arg13 : memref<384xi32, #tpu.memory_space<vmem>>) target_semaphore(%arg21 : memref<!tpu.dma_semaphore, #tpu.memory_space<semaphore_mem>>)
      %dma_wait3A_346 = arith.constant 0 : i32
      %dma_wait3A_347 = arith.constant 0 : i32
      %dma_wait3A_348 = tpu.memref_slice %arg3[%dma_wait3A_346, %dma_wait3A_347] : memref<2x3244032xi32, #tpu.memory_space<hbm>> -> memref<1x384xi32, #tpu.memory_space<hbm>>
      %dma_wait3A_349 = tpu.memref_squeeze %dma_wait3A_348 : memref<1x384xi32, #tpu.memory_space<hbm>> -> memref<384xi32, #tpu.memory_space<hbm>>
      %dma_wait3A_350 = arith.constant 0 : i32
      %dma_wait3A_351 = tpu.memref_slice %arg3[%dma_wait3A_346, %dma_wait3A_350] : memref<2x3244032xi32, #tpu.memory_space<hbm>> -> memref<1x384xi32, #tpu.memory_space<hbm>>
      %dma_wait3A_352 = tpu.memref_squeeze %dma_wait3A_351 : memref<1x384xi32, #tpu.memory_space<hbm>> -> memref<384xi32, #tpu.memory_space<hbm>>
      tpu.wait_dma2 semaphore(%arg19 : memref<!tpu.dma_semaphore, #tpu.memory_space<semaphore_mem>>) src(%dma_wait3A_352 : memref<384xi32, #tpu.memory_space<hbm>>) dst(%arg7 : memref<384xi32, #tpu.memory_space<vmem>>)
      %dma_wait3A_353 = arith.constant 0 : i32
      %dma_wait3A_354 = arith.constant 0 : i32
      %dma_wait3A_355 = tpu.memref_slice %arg3[%dma_wait3A_353, %dma_wait3A_354] : memref<2x3244032xi32, #tpu.memory_space<hbm>> -> memref<1x384xi32, #tpu.memory_space<hbm>>
      %dma_wait3A_356 = tpu.memref_squeeze %dma_wait3A_355 : memref<1x384xi32, #tpu.memory_space<hbm>> -> memref<384xi32, #tpu.memory_space<hbm>>
      %dma_wait3A_357 = arith.constant 0 : i32
      %dma_wait3A_358 = tpu.memref_slice %arg3[%dma_wait3A_353, %dma_wait3A_357] : memref<2x3244032xi32, #tpu.memory_space<hbm>> -> memref<1x384xi32, #tpu.memory_space<hbm>>
      %dma_wait3A_359 = tpu.memref_squeeze %dma_wait3A_358 : memref<1x384xi32, #tpu.memory_space<hbm>> -> memref<384xi32, #tpu.memory_space<hbm>>
      tpu.wait_dma2 semaphore(%arg19 : memref<!tpu.dma_semaphore, #tpu.memory_space<semaphore_mem>>) src(%dma_wait3A_359 : memref<384xi32, #tpu.memory_space<hbm>>) dst(%arg11 : memref<384xi32, #tpu.memory_space<vmem>>)
      %dma_start3A_360 = arith.constant 0 : i32
      %dma_start3A_361 = arith.constant 0 : i32
      %dma_start3A_362 = tpu.memref_slice %arg2[%dma_start3A_360, %dma_start3A_361] : memref<100352x16xf32, #tpu.memory_space<hbm>> -> memref<100352x16xf32, #tpu.memory_space<hbm>>
      tpu.enqueue_indirect_dma source(%dma_start3A_362 : memref<100352x16xf32, #tpu.memory_space<hbm>>) target(%arg15 : memref<384x16xf32, #tpu.memory_space<vmem>>) offsets(%arg7 : memref<384xi32, #tpu.memory_space<vmem>>) semaphore(%arg23 : memref<!tpu.dma_semaphore, #tpu.memory_space<semaphore_mem>>)
      %dma_wait3A_363 = arith.constant 0 : i32
      %dma_wait3A_364 = arith.constant 0 : i32
      %dma_wait3A_365 = tpu.memref_slice %arg2[%dma_wait3A_363, %dma_wait3A_364] : memref<100352x16xf32, #tpu.memory_space<hbm>> -> memref<384x16xf32, #tpu.memory_space<hbm>>
      %dma_wait3A_366 = arith.constant 0 : i32
      %dma_wait3A_367 = arith.constant 0 : i32
      %dma_wait3A_368 = tpu.memref_slice %arg2[%dma_wait3A_366, %dma_wait3A_367] : memref<100352x16xf32, #tpu.memory_space<hbm>> -> memref<384x16xf32, #tpu.memory_space<hbm>>
      tpu.wait_dma2 semaphore(%arg26 : memref<!tpu.dma_semaphore, #tpu.memory_space<semaphore_mem>>) src(%dma_wait3A_368 : memref<384x16xf32, #tpu.memory_space<hbm>>) dst(%arg18 : memref<384x16xf32, #tpu.memory_space<vmem>>)
      %dma_start3A_369 = arith.constant 0 : i32
      %dma_start3A_370 = arith.constant 0 : i32
      %dma_start3A_371 = tpu.memref_slice %arg6[%dma_start3A_369, %dma_start3A_370] : memref<100352x16xf32, #tpu.memory_space<vmem_shared>> -> memref<100352x16xf32, #tpu.memory_space<vmem_shared>>
      tpu.enqueue_indirect_dma source(%arg18 : memref<384x16xf32, #tpu.memory_space<vmem>>) target(%dma_start3A_371 : memref<100352x16xf32, #tpu.memory_space<vmem_shared>>) offsets(%arg14 : memref<384xi32, #tpu.memory_space<vmem>>) semaphore(%arg30 : memref<!tpu.dma_semaphore, #tpu.memory_space<semaphore_mem>>) {add = true}
      %mul3A_372 = arith.constant 4 : i32
      %mul3A_373 = arith.muli %while3A_203, %mul3A_372 : i32
      %add3A_374 = arith.constant 2 : i32
      %add3A_375 = arith.addi %add3A_374, %mul3A_373 : i32
      %add3A_376 = arith.constant 3 : i32
      %add3A_377 = arith.addi %add3A_375, %add3A_376 : i32
      %dma_wait3A_378 = arith.constant 0 : i32
      %dma_wait3A_379 = arith.constant 0 : i32
      %dma_wait3A_380 = tpu.memref_slice %arg6[%dma_wait3A_378, %dma_wait3A_379] : memref<100352x16xf32, #tpu.memory_space<vmem_shared>> -> memref<384x16xf32, #tpu.memory_space<vmem_shared>>
      %dma_wait3A_381 = arith.constant 0 : i32
      %dma_wait3A_382 = arith.constant 0 : i32
      %dma_wait3A_383 = tpu.memref_slice %arg6[%dma_wait3A_381, %dma_wait3A_382] : memref<100352x16xf32, #tpu.memory_space<vmem_shared>> -> memref<384x16xf32, #tpu.memory_space<vmem_shared>>
      tpu.wait_dma2 semaphore(%arg30 : memref<!tpu.dma_semaphore, #tpu.memory_space<semaphore_mem>>) src(%arg18 : memref<384x16xf32, #tpu.memory_space<vmem>>) dst(%dma_wait3A_383 : memref<384x16xf32, #tpu.memory_space<vmem_shared>>)
      %add3A_384 = arith.constant 2 : i32
      %add3A_385 = arith.addi %add3A_377, %add3A_384 : i32
      %mul3A_386 = arith.constant 384 : i32
      %mul3A_387 = arith.muli %add3A_385, %mul3A_386 : i32
      %add3A_388 = arith.addi %add3A, %mul3A_387 : i32
      %dma_start3A_389 = arith.constant 0 : i32
      %dma_start3A_390 = tpu.memref_slice %arg3[%dma_start3A_389, %add3A_388] : memref<2x3244032xi32, #tpu.memory_space<hbm>> -> memref<1x384xi32, #tpu.memory_space<hbm>>
      %dma_start3A_391 = tpu.memref_squeeze %dma_start3A_390 : memref<1x384xi32, #tpu.memory_space<hbm>> -> memref<384xi32, #tpu.memory_space<hbm>>
      %dma_start3A_392 = tpu.memref_slice %arg3[%dma_start3A_389, %add3A_388] : memref<2x3244032xi32, #tpu.memory_space<hbm>> -> memref<1x384xi32, #tpu.memory_space<hbm>>
      %dma_start3A_393 = tpu.memref_squeeze %dma_start3A_392 : memref<1x384xi32, #tpu.memory_space<hbm>> -> memref<384xi32, #tpu.memory_space<hbm>>
      tpu.enqueue_dma source(%dma_start3A_393 : memref<384xi32, #tpu.memory_space<hbm>>) target(%arg10 : memref<384xi32, #tpu.memory_space<vmem>>) target_semaphore(%arg22 : memref<!tpu.dma_semaphore, #tpu.memory_space<semaphore_mem>>)
      %mul3A_394 = arith.constant 384 : i32
      %mul3A_395 = arith.muli %add3A_385, %mul3A_394 : i32
      %add3A_396 = arith.addi %add3A, %mul3A_395 : i32
      %dma_start3A_397 = arith.constant 1 : i32
      %dma_start3A_398 = tpu.memref_slice %arg3[%dma_start3A_397, %add3A_396] : memref<2x3244032xi32, #tpu.memory_space<hbm>> -> memref<1x384xi32, #tpu.memory_space<hbm>>
      %dma_start3A_399 = tpu.memref_squeeze %dma_start3A_398 : memref<1x384xi32, #tpu.memory_space<hbm>> -> memref<384xi32, #tpu.memory_space<hbm>>
      %dma_start3A_400 = tpu.memref_slice %arg3[%dma_start3A_397, %add3A_396] : memref<2x3244032xi32, #tpu.memory_space<hbm>> -> memref<1x384xi32, #tpu.memory_space<hbm>>
      %dma_start3A_401 = tpu.memref_squeeze %dma_start3A_400 : memref<1x384xi32, #tpu.memory_space<hbm>> -> memref<384xi32, #tpu.memory_space<hbm>>
      tpu.enqueue_dma source(%dma_start3A_401 : memref<384xi32, #tpu.memory_space<hbm>>) target(%arg14 : memref<384xi32, #tpu.memory_space<vmem>>) target_semaphore(%arg22 : memref<!tpu.dma_semaphore, #tpu.memory_space<semaphore_mem>>)
      %dma_wait3A_402 = arith.constant 0 : i32
      %dma_wait3A_403 = arith.constant 0 : i32
      %dma_wait3A_404 = tpu.memref_slice %arg3[%dma_wait3A_402, %dma_wait3A_403] : memref<2x3244032xi32, #tpu.memory_space<hbm>> -> memref<1x384xi32, #tpu.memory_space<hbm>>
      %dma_wait3A_405 = tpu.memref_squeeze %dma_wait3A_404 : memref<1x384xi32, #tpu.memory_space<hbm>> -> memref<384xi32, #tpu.memory_space<hbm>>
      %dma_wait3A_406 = arith.constant 0 : i32
      %dma_wait3A_407 = tpu.memref_slice %arg3[%dma_wait3A_402, %dma_wait3A_406] : memref<2x3244032xi32, #tpu.memory_space<hbm>> -> memref<1x384xi32, #tpu.memory_space<hbm>>
      %dma_wait3A_408 = tpu.memref_squeeze %dma_wait3A_407 : memref<1x384xi32, #tpu.memory_space<hbm>> -> memref<384xi32, #tpu.memory_space<hbm>>
      tpu.wait_dma2 semaphore(%arg20 : memref<!tpu.dma_semaphore, #tpu.memory_space<semaphore_mem>>) src(%dma_wait3A_408 : memref<384xi32, #tpu.memory_space<hbm>>) dst(%arg8 : memref<384xi32, #tpu.memory_space<vmem>>)
      %dma_wait3A_409 = arith.constant 0 : i32
      %dma_wait3A_410 = arith.constant 0 : i32
      %dma_wait3A_411 = tpu.memref_slice %arg3[%dma_wait3A_409, %dma_wait3A_410] : memref<2x3244032xi32, #tpu.memory_space<hbm>> -> memref<1x384xi32, #tpu.memory_space<hbm>>
      %dma_wait3A_412 = tpu.memref_squeeze %dma_wait3A_411 : memref<1x384xi32, #tpu.memory_space<hbm>> -> memref<384xi32, #tpu.memory_space<hbm>>
      %dma_wait3A_413 = arith.constant 0 : i32
      %dma_wait3A_414 = tpu.memref_slice %arg3[%dma_wait3A_409, %dma_wait3A_413] : memref<2x3244032xi32, #tpu.memory_space<hbm>> -> memref<1x384xi32, #tpu.memory_space<hbm>>
      %dma_wait3A_415 = tpu.memref_squeeze %dma_wait3A_414 : memref<1x384xi32, #tpu.memory_space<hbm>> -> memref<384xi32, #tpu.memory_space<hbm>>
      tpu.wait_dma2 semaphore(%arg20 : memref<!tpu.dma_semaphore, #tpu.memory_space<semaphore_mem>>) src(%dma_wait3A_415 : memref<384xi32, #tpu.memory_space<hbm>>) dst(%arg12 : memref<384xi32, #tpu.memory_space<vmem>>)
      %dma_start3A_416 = arith.constant 0 : i32
      %dma_start3A_417 = arith.constant 0 : i32
      %dma_start3A_418 = tpu.memref_slice %arg2[%dma_start3A_416, %dma_start3A_417] : memref<100352x16xf32, #tpu.memory_space<hbm>> -> memref<100352x16xf32, #tpu.memory_space<hbm>>
      tpu.enqueue_indirect_dma source(%dma_start3A_418 : memref<100352x16xf32, #tpu.memory_space<hbm>>) target(%arg16 : memref<384x16xf32, #tpu.memory_space<vmem>>) offsets(%arg8 : memref<384xi32, #tpu.memory_space<vmem>>) semaphore(%arg24 : memref<!tpu.dma_semaphore, #tpu.memory_space<semaphore_mem>>)
      %dma_wait3A_419 = arith.constant 0 : i32
      %dma_wait3A_420 = arith.constant 0 : i32
      %dma_wait3A_421 = tpu.memref_slice %arg2[%dma_wait3A_419, %dma_wait3A_420] : memref<100352x16xf32, #tpu.memory_space<hbm>> -> memref<384x16xf32, #tpu.memory_space<hbm>>
      %dma_wait3A_422 = arith.constant 0 : i32
      %dma_wait3A_423 = arith.constant 0 : i32
      %dma_wait3A_424 = tpu.memref_slice %arg2[%dma_wait3A_422, %dma_wait3A_423] : memref<100352x16xf32, #tpu.memory_space<hbm>> -> memref<384x16xf32, #tpu.memory_space<hbm>>
      tpu.wait_dma2 semaphore(%arg23 : memref<!tpu.dma_semaphore, #tpu.memory_space<semaphore_mem>>) src(%dma_wait3A_424 : memref<384x16xf32, #tpu.memory_space<hbm>>) dst(%arg15 : memref<384x16xf32, #tpu.memory_space<vmem>>)
      %dma_start3A_425 = arith.constant 0 : i32
      %dma_start3A_426 = arith.constant 0 : i32
      %dma_start3A_427 = tpu.memref_slice %arg6[%dma_start3A_425, %dma_start3A_426] : memref<100352x16xf32, #tpu.memory_space<vmem_shared>> -> memref<100352x16xf32, #tpu.memory_space<vmem_shared>>
      tpu.enqueue_indirect_dma source(%arg15 : memref<384x16xf32, #tpu.memory_space<vmem>>) target(%dma_start3A_427 : memref<100352x16xf32, #tpu.memory_space<vmem_shared>>) offsets(%arg11 : memref<384xi32, #tpu.memory_space<vmem>>) semaphore(%arg27 : memref<!tpu.dma_semaphore, #tpu.memory_space<semaphore_mem>>) {add = true}
    }
    %while3A_116 = arith.constant 1 : i32
    scf.for %while3A_203 = %while3A_114 to %while3A_110 step %while3A_116  : i32 {
      %mul3A_204 = arith.constant 4 : i32
      %mul3A_205 = arith.muli %while3A_203, %mul3A_204 : i32
      %add3A_206 = arith.constant 2 : i32
      %add3A_207 = arith.addi %add3A_206, %mul3A_205 : i32
      %add3A_208 = arith.constant 0 : i32
      %add3A_209 = arith.addi %add3A_207, %add3A_208 : i32
      %dma_wait3A_210 = arith.constant 0 : i32
      %dma_wait3A_211 = arith.constant 0 : i32
      %dma_wait3A_212 = tpu.memref_slice %arg6[%dma_wait3A_210, %dma_wait3A_211] : memref<100352x16xf32, #tpu.memory_space<vmem_shared>> -> memref<384x16xf32, #tpu.memory_space<vmem_shared>>
      %dma_wait3A_213 = arith.constant 0 : i32
      %dma_wait3A_214 = arith.constant 0 : i32
      %dma_wait3A_215 = tpu.memref_slice %arg6[%dma_wait3A_213, %dma_wait3A_214] : memref<100352x16xf32, #tpu.memory_space<vmem_shared>> -> memref<384x16xf32, #tpu.memory_space<vmem_shared>>
      tpu.wait_dma2 semaphore(%arg27 : memref<!tpu.dma_semaphore, #tpu.memory_space<semaphore_mem>>) src(%arg15 : memref<384x16xf32, #tpu.memory_space<vmem>>) dst(%dma_wait3A_215 : memref<384x16xf32, #tpu.memory_space<vmem_shared>>)
      %add3A_216 = arith.constant 2 : i32
      %add3A_217 = arith.addi %add3A_209, %add3A_216 : i32
      %mul3A_218 = arith.constant 384 : i32
      %mul3A_219 = arith.muli %add3A_217, %mul3A_218 : i32
      %add3A_220 = arith.addi %add3A, %mul3A_219 : i32
      %dma_start3A_221 = arith.constant 0 : i32
      %dma_start3A_222 = tpu.memref_slice %arg3[%dma_start3A_221, %add3A_220] : memref<2x3244032xi32, #tpu.memory_space<hbm>> -> memref<1x384xi32, #tpu.memory_space<hbm>>
      %dma_start3A_223 = tpu.memref_squeeze %dma_start3A_222 : memref<1x384xi32, #tpu.memory_space<hbm>> -> memref<384xi32, #tpu.memory_space<hbm>>
      %dma_start3A_224 = tpu.memref_slice %arg3[%dma_start3A_221, %add3A_220] : memref<2x3244032xi32, #tpu.memory_space<hbm>> -> memref<1x384xi32, #tpu.memory_space<hbm>>
      %dma_start3A_225 = tpu.memref_squeeze %dma_start3A_224 : memref<1x384xi32, #tpu.memory_space<hbm>> -> memref<384xi32, #tpu.memory_space<hbm>>
      tpu.enqueue_dma source(%dma_start3A_225 : memref<384xi32, #tpu.memory_space<hbm>>) target(%arg7 : memref<384xi32, #tpu.memory_space<vmem>>) target_semaphore(%arg19 : memref<!tpu.dma_semaphore, #tpu.memory_space<semaphore_mem>>)
      %mul3A_226 = arith.constant 384 : i32
      %mul3A_227 = arith.muli %add3A_217, %mul3A_226 : i32
      %add3A_228 = arith.addi %add3A, %mul3A_227 : i32
      %dma_start3A_229 = arith.constant 1 : i32
      %dma_start3A_230 = tpu.memref_slice %arg3[%dma_start3A_229, %add3A_228] : memref<2x3244032xi32, #tpu.memory_space<hbm>> -> memref<1x384xi32, #tpu.memory_space<hbm>>
      %dma_start3A_231 = tpu.memref_squeeze %dma_start3A_230 : memref<1x384xi32, #tpu.memory_space<hbm>> -> memref<384xi32, #tpu.memory_space<hbm>>
      %dma_start3A_232 = tpu.memref_slice %arg3[%dma_start3A_229, %add3A_228] : memref<2x3244032xi32, #tpu.memory_space<hbm>> -> memref<1x384xi32, #tpu.memory_space<hbm>>
      %dma_start3A_233 = tpu.memref_squeeze %dma_start3A_232 : memref<1x384xi32, #tpu.memory_space<hbm>> -> memref<384xi32, #tpu.memory_space<hbm>>
      tpu.enqueue_dma source(%dma_start3A_233 : memref<384xi32, #tpu.memory_space<hbm>>) target(%arg11 : memref<384xi32, #tpu.memory_space<vmem>>) target_semaphore(%arg19 : memref<!tpu.dma_semaphore, #tpu.memory_space<semaphore_mem>>)
      %dma_wait3A_234 = arith.constant 0 : i32
      %dma_wait3A_235 = arith.constant 0 : i32
      %dma_wait3A_236 = tpu.memref_slice %arg3[%dma_wait3A_234, %dma_wait3A_235] : memref<2x3244032xi32, #tpu.memory_space<hbm>> -> memref<1x384xi32, #tpu.memory_space<hbm>>
      %dma_wait3A_237 = tpu.memref_squeeze %dma_wait3A_236 : memref<1x384xi32, #tpu.memory_space<hbm>> -> memref<384xi32, #tpu.memory_space<hbm>>
      %dma_wait3A_238 = arith.constant 0 : i32
      %dma_wait3A_239 = tpu.memref_slice %arg3[%dma_wait3A_234, %dma_wait3A_238] : memref<2x3244032xi32, #tpu.memory_space<hbm>> -> memref<1x384xi32, #tpu.memory_space<hbm>>
      %dma_wait3A_240 = tpu.memref_squeeze %dma_wait3A_239 : memref<1x384xi32, #tpu.memory_space<hbm>> -> memref<384xi32, #tpu.memory_space<hbm>>
      tpu.wait_dma2 semaphore(%arg21 : memref<!tpu.dma_semaphore, #tpu.memory_space<semaphore_mem>>) src(%dma_wait3A_240 : memref<384xi32, #tpu.memory_space<hbm>>) dst(%arg9 : memref<384xi32, #tpu.memory_space<vmem>>)
      %dma_wait3A_241 = arith.constant 0 : i32
      %dma_wait3A_242 = arith.constant 0 : i32
      %dma_wait3A_243 = tpu.memref_slice %arg3[%dma_wait3A_241, %dma_wait3A_242] : memref<2x3244032xi32, #tpu.memory_space<hbm>> -> memref<1x384xi32, #tpu.memory_space<hbm>>
      %dma_wait3A_244 = tpu.memref_squeeze %dma_wait3A_243 : memref<1x384xi32, #tpu.memory_space<hbm>> -> memref<384xi32, #tpu.memory_space<hbm>>
      %dma_wait3A_245 = arith.constant 0 : i32
      %dma_wait3A_246 = tpu.memref_slice %arg3[%dma_wait3A_241, %dma_wait3A_245] : memref<2x3244032xi32, #tpu.memory_space<hbm>> -> memref<1x384xi32, #tpu.memory_space<hbm>>
      %dma_wait3A_247 = tpu.memref_squeeze %dma_wait3A_246 : memref<1x384xi32, #tpu.memory_space<hbm>> -> memref<384xi32, #tpu.memory_space<hbm>>
      tpu.wait_dma2 semaphore(%arg21 : memref<!tpu.dma_semaphore, #tpu.memory_space<semaphore_mem>>) src(%dma_wait3A_247 : memref<384xi32, #tpu.memory_space<hbm>>) dst(%arg13 : memref<384xi32, #tpu.memory_space<vmem>>)
      %dma_start3A_248 = arith.constant 0 : i32
      %dma_start3A_249 = arith.constant 0 : i32
      %dma_start3A_250 = tpu.memref_slice %arg2[%dma_start3A_248, %dma_start3A_249] : memref<100352x16xf32, #tpu.memory_space<hbm>> -> memref<100352x16xf32, #tpu.memory_space<hbm>>
      tpu.enqueue_indirect_dma source(%dma_start3A_250 : memref<100352x16xf32, #tpu.memory_space<hbm>>) target(%arg17 : memref<384x16xf32, #tpu.memory_space<vmem>>) offsets(%arg9 : memref<384xi32, #tpu.memory_space<vmem>>) semaphore(%arg25 : memref<!tpu.dma_semaphore, #tpu.memory_space<semaphore_mem>>)
      %dma_wait3A_251 = arith.constant 0 : i32
      %dma_wait3A_252 = arith.constant 0 : i32
      %dma_wait3A_253 = tpu.memref_slice %arg2[%dma_wait3A_251, %dma_wait3A_252] : memref<100352x16xf32, #tpu.memory_space<hbm>> -> memref<384x16xf32, #tpu.memory_space<hbm>>
      %dma_wait3A_254 = arith.constant 0 : i32
      %dma_wait3A_255 = arith.constant 0 : i32
      %dma_wait3A_256 = tpu.memref_slice %arg2[%dma_wait3A_254, %dma_wait3A_255] : memref<100352x16xf32, #tpu.memory_space<hbm>> -> memref<384x16xf32, #tpu.memory_space<hbm>>
      tpu.wait_dma2 semaphore(%arg24 : memref<!tpu.dma_semaphore, #tpu.memory_space<semaphore_mem>>) src(%dma_wait3A_256 : memref<384x16xf32, #tpu.memory_space<hbm>>) dst(%arg16 : memref<384x16xf32, #tpu.memory_space<vmem>>)
      %dma_start3A_257 = arith.constant 0 : i32
      %dma_start3A_258 = arith.constant 0 : i32
      %dma_start3A_259 = tpu.memref_slice %arg6[%dma_start3A_257, %dma_start3A_258] : memref<100352x16xf32, #tpu.memory_space<vmem_shared>> -> memref<100352x16xf32, #tpu.memory_space<vmem_shared>>
      tpu.enqueue_indirect_dma source(%arg16 : memref<384x16xf32, #tpu.memory_space<vmem>>) target(%dma_start3A_259 : memref<100352x16xf32, #tpu.memory_space<vmem_shared>>) offsets(%arg12 : memref<384xi32, #tpu.memory_space<vmem>>) semaphore(%arg28 : memref<!tpu.dma_semaphore, #tpu.memory_space<semaphore_mem>>) {add = true}
      %mul3A_260 = arith.constant 4 : i32
      %mul3A_261 = arith.muli %while3A_203, %mul3A_260 : i32
      %add3A_262 = arith.constant 2 : i32
      %add3A_263 = arith.addi %add3A_262, %mul3A_261 : i32
      %add3A_264 = arith.constant 1 : i32
      %add3A_265 = arith.addi %add3A_263, %add3A_264 : i32
      %dma_wait3A_266 = arith.constant 0 : i32
      %dma_wait3A_267 = arith.constant 0 : i32
      %dma_wait3A_268 = tpu.memref_slice %arg6[%dma_wait3A_266, %dma_wait3A_267] : memref<100352x16xf32, #tpu.memory_space<vmem_shared>> -> memref<384x16xf32, #tpu.memory_space<vmem_shared>>
      %dma_wait3A_269 = arith.constant 0 : i32
      %dma_wait3A_270 = arith.constant 0 : i32
      %dma_wait3A_271 = tpu.memref_slice %arg6[%dma_wait3A_269, %dma_wait3A_270] : memref<100352x16xf32, #tpu.memory_space<vmem_shared>> -> memref<384x16xf32, #tpu.memory_space<vmem_shared>>
      tpu.wait_dma2 semaphore(%arg28 : memref<!tpu.dma_semaphore, #tpu.memory_space<semaphore_mem>>) src(%arg16 : memref<384x16xf32, #tpu.memory_space<vmem>>) dst(%dma_wait3A_271 : memref<384x16xf32, #tpu.memory_space<vmem_shared>>)
      %add3A_272 = arith.constant 2 : i32
      %add3A_273 = arith.addi %add3A_265, %add3A_272 : i32
      %mul3A_274 = arith.constant 384 : i32
      %mul3A_275 = arith.muli %add3A_273, %mul3A_274 : i32
      %add3A_276 = arith.addi %add3A, %mul3A_275 : i32
      %dma_start3A_277 = arith.constant 0 : i32
      %dma_start3A_278 = tpu.memref_slice %arg3[%dma_start3A_277, %add3A_276] : memref<2x3244032xi32, #tpu.memory_space<hbm>> -> memref<1x384xi32, #tpu.memory_space<hbm>>
      %dma_start3A_279 = tpu.memref_squeeze %dma_start3A_278 : memref<1x384xi32, #tpu.memory_space<hbm>> -> memref<384xi32, #tpu.memory_space<hbm>>
      %dma_start3A_280 = tpu.memref_slice %arg3[%dma_start3A_277, %add3A_276] : memref<2x3244032xi32, #tpu.memory_space<hbm>> -> memref<1x384xi32, #tpu.memory_space<hbm>>
      %dma_start3A_281 = tpu.memref_squeeze %dma_start3A_280 : memref<1x384xi32, #tpu.memory_space<hbm>> -> memref<384xi32, #tpu.memory_space<hbm>>
      tpu.enqueue_dma source(%dma_start3A_281 : memref<384xi32, #tpu.memory_space<hbm>>) target(%arg8 : memref<384xi32, #tpu.memory_space<vmem>>) target_semaphore(%arg20 : memref<!tpu.dma_semaphore, #tpu.memory_space<semaphore_mem>>)
      %mul3A_282 = arith.constant 384 : i32
      %mul3A_283 = arith.muli %add3A_273, %mul3A_282 : i32
      %add3A_284 = arith.addi %add3A, %mul3A_283 : i32
      %dma_start3A_285 = arith.constant 1 : i32
      %dma_start3A_286 = tpu.memref_slice %arg3[%dma_start3A_285, %add3A_284] : memref<2x3244032xi32, #tpu.memory_space<hbm>> -> memref<1x384xi32, #tpu.memory_space<hbm>>
      %dma_start3A_287 = tpu.memref_squeeze %dma_start3A_286 : memref<1x384xi32, #tpu.memory_space<hbm>> -> memref<384xi32, #tpu.memory_space<hbm>>
      %dma_start3A_288 = tpu.memref_slice %arg3[%dma_start3A_285, %add3A_284] : memref<2x3244032xi32, #tpu.memory_space<hbm>> -> memref<1x384xi32, #tpu.memory_space<hbm>>
      %dma_start3A_289 = tpu.memref_squeeze %dma_start3A_288 : memref<1x384xi32, #tpu.memory_space<hbm>> -> memref<384xi32, #tpu.memory_space<hbm>>
      tpu.enqueue_dma source(%dma_start3A_289 : memref<384xi32, #tpu.memory_space<hbm>>) target(%arg12 : memref<384xi32, #tpu.memory_space<vmem>>) target_semaphore(%arg20 : memref<!tpu.dma_semaphore, #tpu.memory_space<semaphore_mem>>)
      %dma_wait3A_290 = arith.constant 0 : i32
      %dma_wait3A_291 = arith.constant 0 : i32
      %dma_wait3A_292 = tpu.memref_slice %arg3[%dma_wait3A_290, %dma_wait3A_291] : memref<2x3244032xi32, #tpu.memory_space<hbm>> -> memref<1x384xi32, #tpu.memory_space<hbm>>
      %dma_wait3A_293 = tpu.memref_squeeze %dma_wait3A_292 : memref<1x384xi32, #tpu.memory_space<hbm>> -> memref<384xi32, #tpu.memory_space<hbm>>
      %dma_wait3A_294 = arith.constant 0 : i32
      %dma_wait3A_295 = tpu.memref_slice %arg3[%dma_wait3A_290, %dma_wait3A_294] : memref<2x3244032xi32, #tpu.memory_space<hbm>> -> memref<1x384xi32, #tpu.memory_space<hbm>>
      %dma_wait3A_296 = tpu.memref_squeeze %dma_wait3A_295 : memref<1x384xi32, #tpu.memory_space<hbm>> -> memref<384xi32, #tpu.memory_space<hbm>>
      tpu.wait_dma2 semaphore(%arg22 : memref<!tpu.dma_semaphore, #tpu.memory_space<semaphore_mem>>) src(%dma_wait3A_296 : memref<384xi32, #tpu.memory_space<hbm>>) dst(%arg10 : memref<384xi32, #tpu.memory_space<vmem>>)
      %dma_wait3A_297 = arith.constant 0 : i32
      %dma_wait3A_298 = arith.constant 0 : i32
      %dma_wait3A_299 = tpu.memref_slice %arg3[%dma_wait3A_297, %dma_wait3A_298] : memref<2x3244032xi32, #tpu.memory_space<hbm>> -> memref<1x384xi32, #tpu.memory_space<hbm>>
      %dma_wait3A_300 = tpu.memref_squeeze %dma_wait3A_299 : memref<1x384xi32, #tpu.memory_space<hbm>> -> memref<384xi32, #tpu.memory_space<hbm>>
      %dma_wait3A_301 = arith.constant 0 : i32
      %dma_wait3A_302 = tpu.memref_slice %arg3[%dma_wait3A_297, %dma_wait3A_301] : memref<2x3244032xi32, #tpu.memory_space<hbm>> -> memref<1x384xi32, #tpu.memory_space<hbm>>
      %dma_wait3A_303 = tpu.memref_squeeze %dma_wait3A_302 : memref<1x384xi32, #tpu.memory_space<hbm>> -> memref<384xi32, #tpu.memory_space<hbm>>
      tpu.wait_dma2 semaphore(%arg22 : memref<!tpu.dma_semaphore, #tpu.memory_space<semaphore_mem>>) src(%dma_wait3A_303 : memref<384xi32, #tpu.memory_space<hbm>>) dst(%arg14 : memref<384xi32, #tpu.memory_space<vmem>>)
      %dma_start3A_304 = arith.constant 0 : i32
      %dma_start3A_305 = arith.constant 0 : i32
      %dma_start3A_306 = tpu.memref_slice %arg2[%dma_start3A_304, %dma_start3A_305] : memref<100352x16xf32, #tpu.memory_space<hbm>> -> memref<100352x16xf32, #tpu.memory_space<hbm>>
      tpu.enqueue_indirect_dma source(%dma_start3A_306 : memref<100352x16xf32, #tpu.memory_space<hbm>>) target(%arg18 : memref<384x16xf32, #tpu.memory_space<vmem>>) offsets(%arg10 : memref<384xi32, #tpu.memory_space<vmem>>) semaphore(%arg26 : memref<!tpu.dma_semaphore, #tpu.memory_space<semaphore_mem>>)
      %dma_wait3A_307 = arith.constant 0 : i32
      %dma_wait3A_308 = arith.constant 0 : i32
      %dma_wait3A_309 = tpu.memref_slice %arg2[%dma_wait3A_307, %dma_wait3A_308] : memref<100352x16xf32, #tpu.memory_space<hbm>> -> memref<384x16xf32, #tpu.memory_space<hbm>>
      %dma_wait3A_310 = arith.constant 0 : i32
      %dma_wait3A_311 = arith.constant 0 : i32
      %dma_wait3A_312 = tpu.memref_slice %arg2[%dma_wait3A_310, %dma_wait3A_311] : memref<100352x16xf32, #tpu.memory_space<hbm>> -> memref<384x16xf32, #tpu.memory_space<hbm>>
      tpu.wait_dma2 semaphore(%arg25 : memref<!tpu.dma_semaphore, #tpu.memory_space<semaphore_mem>>) src(%dma_wait3A_312 : memref<384x16xf32, #tpu.memory_space<hbm>>) dst(%arg17 : memref<384x16xf32, #tpu.memory_space<vmem>>)
      %dma_start3A_313 = arith.constant 0 : i32
      %dma_start3A_314 = arith.constant 0 : i32
      %dma_start3A_315 = tpu.memref_slice %arg6[%dma_start3A_313, %dma_start3A_314] : memref<100352x16xf32, #tpu.memory_space<vmem_shared>> -> memref<100352x16xf32, #tpu.memory_space<vmem_shared>>
      tpu.enqueue_indirect_dma source(%arg17 : memref<384x16xf32, #tpu.memory_space<vmem>>) target(%dma_start3A_315 : memref<100352x16xf32, #tpu.memory_space<vmem_shared>>) offsets(%arg13 : memref<384xi32, #tpu.memory_space<vmem>>) semaphore(%arg29 : memref<!tpu.dma_semaphore, #tpu.memory_space<semaphore_mem>>) {add = true}
      %mul3A_316 = arith.constant 4 : i32
      %mul3A_317 = arith.muli %while3A_203, %mul3A_316 : i32
      %add3A_318 = arith.constant 2 : i32
      %add3A_319 = arith.addi %add3A_318, %mul3A_317 : i32
      %add3A_320 = arith.constant 2 : i32
      %add3A_321 = arith.addi %add3A_319, %add3A_320 : i32
      %dma_wait3A_322 = arith.constant 0 : i32
      %dma_wait3A_323 = arith.constant 0 : i32
      %dma_wait3A_324 = tpu.memref_slice %arg6[%dma_wait3A_322, %dma_wait3A_323] : memref<100352x16xf32, #tpu.memory_space<vmem_shared>> -> memref<384x16xf32, #tpu.memory_space<vmem_shared>>
      %dma_wait3A_325 = arith.constant 0 : i32
      %dma_wait3A_326 = arith.constant 0 : i32
      %dma_wait3A_327 = tpu.memref_slice %arg6[%dma_wait3A_325, %dma_wait3A_326] : memref<100352x16xf32, #tpu.memory_space<vmem_shared>> -> memref<384x16xf32, #tpu.memory_space<vmem_shared>>
      tpu.wait_dma2 semaphore(%arg29 : memref<!tpu.dma_semaphore, #tpu.memory_space<semaphore_mem>>) src(%arg17 : memref<384x16xf32, #tpu.memory_space<vmem>>) dst(%dma_wait3A_327 : memref<384x16xf32, #tpu.memory_space<vmem_shared>>)
      %add3A_328 = arith.constant 2 : i32
      %add3A_329 = arith.addi %add3A_321, %add3A_328 : i32
      %mul3A_330 = arith.constant 384 : i32
      %mul3A_331 = arith.muli %add3A_329, %mul3A_330 : i32
      %add3A_332 = arith.addi %add3A, %mul3A_331 : i32
      %dma_start3A_333 = arith.constant 0 : i32
      %dma_start3A_334 = tpu.memref_slice %arg3[%dma_start3A_333, %add3A_332] : memref<2x3244032xi32, #tpu.memory_space<hbm>> -> memref<1x384xi32, #tpu.memory_space<hbm>>
      %dma_start3A_335 = tpu.memref_squeeze %dma_start3A_334 : memref<1x384xi32, #tpu.memory_space<hbm>> -> memref<384xi32, #tpu.memory_space<hbm>>
      %dma_start3A_336 = tpu.memref_slice %arg3[%dma_start3A_333, %add3A_332] : memref<2x3244032xi32, #tpu.memory_space<hbm>> -> memref<1x384xi32, #tpu.memory_space<hbm>>
      %dma_start3A_337 = tpu.memref_squeeze %dma_start3A_336 : memref<1x384xi32, #tpu.memory_space<hbm>> -> memref<384xi32, #tpu.memory_space<hbm>>
      tpu.enqueue_dma source(%dma_start3A_337 : memref<384xi32, #tpu.memory_space<hbm>>) target(%arg9 : memref<384xi32, #tpu.memory_space<vmem>>) target_semaphore(%arg21 : memref<!tpu.dma_semaphore, #tpu.memory_space<semaphore_mem>>)
      %mul3A_338 = arith.constant 384 : i32
      %mul3A_339 = arith.muli %add3A_329, %mul3A_338 : i32
      %add3A_340 = arith.addi %add3A, %mul3A_339 : i32
      %dma_start3A_341 = arith.constant 1 : i32
      %dma_start3A_342 = tpu.memref_slice %arg3[%dma_start3A_341, %add3A_340] : memref<2x3244032xi32, #tpu.memory_space<hbm>> -> memref<1x384xi32, #tpu.memory_space<hbm>>
      %dma_start3A_343 = tpu.memref_squeeze %dma_start3A_342 : memref<1x384xi32, #tpu.memory_space<hbm>> -> memref<384xi32, #tpu.memory_space<hbm>>
      %dma_start3A_344 = tpu.memref_slice %arg3[%dma_start3A_341, %add3A_340] : memref<2x3244032xi32, #tpu.memory_space<hbm>> -> memref<1x384xi32, #tpu.memory_space<hbm>>
      %dma_start3A_345 = tpu.memref_squeeze %dma_start3A_344 : memref<1x384xi32, #tpu.memory_space<hbm>> -> memref<384xi32, #tpu.memory_space<hbm>>
      tpu.enqueue_dma source(%dma_start3A_345 : memref<384xi32, #tpu.memory_space<hbm>>) target(%arg13 : memref<384xi32, #tpu.memory_space<vmem>>) target_semaphore(%arg21 : memref<!tpu.dma_semaphore, #tpu.memory_space<semaphore_mem>>)
      %dma_wait3A_346 = arith.constant 0 : i32
      %dma_wait3A_347 = arith.constant 0 : i32
      %dma_wait3A_348 = tpu.memref_slice %arg3[%dma_wait3A_346, %dma_wait3A_347] : memref<2x3244032xi32, #tpu.memory_space<hbm>> -> memref<1x384xi32, #tpu.memory_space<hbm>>
      %dma_wait3A_349 = tpu.memref_squeeze %dma_wait3A_348 : memref<1x384xi32, #tpu.memory_space<hbm>> -> memref<384xi32, #tpu.memory_space<hbm>>
      %dma_wait3A_350 = arith.constant 0 : i32
      %dma_wait3A_351 = tpu.memref_slice %arg3[%dma_wait3A_346, %dma_wait3A_350] : memref<2x3244032xi32, #tpu.memory_space<hbm>> -> memref<1x384xi32, #tpu.memory_space<hbm>>
      %dma_wait3A_352 = tpu.memref_squeeze %dma_wait3A_351 : memref<1x384xi32, #tpu.memory_space<hbm>> -> memref<384xi32, #tpu.memory_space<hbm>>
      tpu.wait_dma2 semaphore(%arg19 : memref<!tpu.dma_semaphore, #tpu.memory_space<semaphore_mem>>) src(%dma_wait3A_352 : memref<384xi32, #tpu.memory_space<hbm>>) dst(%arg7 : memref<384xi32, #tpu.memory_space<vmem>>)
      %dma_wait3A_353 = arith.constant 0 : i32
      %dma_wait3A_354 = arith.constant 0 : i32
      %dma_wait3A_355 = tpu.memref_slice %arg3[%dma_wait3A_353, %dma_wait3A_354] : memref<2x3244032xi32, #tpu.memory_space<hbm>> -> memref<1x384xi32, #tpu.memory_space<hbm>>
      %dma_wait3A_356 = tpu.memref_squeeze %dma_wait3A_355 : memref<1x384xi32, #tpu.memory_space<hbm>> -> memref<384xi32, #tpu.memory_space<hbm>>
      %dma_wait3A_357 = arith.constant 0 : i32
      %dma_wait3A_358 = tpu.memref_slice %arg3[%dma_wait3A_353, %dma_wait3A_357] : memref<2x3244032xi32, #tpu.memory_space<hbm>> -> memref<1x384xi32, #tpu.memory_space<hbm>>
      %dma_wait3A_359 = tpu.memref_squeeze %dma_wait3A_358 : memref<1x384xi32, #tpu.memory_space<hbm>> -> memref<384xi32, #tpu.memory_space<hbm>>
      tpu.wait_dma2 semaphore(%arg19 : memref<!tpu.dma_semaphore, #tpu.memory_space<semaphore_mem>>) src(%dma_wait3A_359 : memref<384xi32, #tpu.memory_space<hbm>>) dst(%arg11 : memref<384xi32, #tpu.memory_space<vmem>>)
      %dma_start3A_360 = arith.constant 0 : i32
      %dma_start3A_361 = arith.constant 0 : i32
      %dma_start3A_362 = tpu.memref_slice %arg2[%dma_start3A_360, %dma_start3A_361] : memref<100352x16xf32, #tpu.memory_space<hbm>> -> memref<100352x16xf32, #tpu.memory_space<hbm>>
      tpu.enqueue_indirect_dma source(%dma_start3A_362 : memref<100352x16xf32, #tpu.memory_space<hbm>>) target(%arg15 : memref<384x16xf32, #tpu.memory_space<vmem>>) offsets(%arg7 : memref<384xi32, #tpu.memory_space<vmem>>) semaphore(%arg23 : memref<!tpu.dma_semaphore, #tpu.memory_space<semaphore_mem>>)
      %dma_wait3A_363 = arith.constant 0 : i32
      %dma_wait3A_364 = arith.constant 0 : i32
      %dma_wait3A_365 = tpu.memref_slice %arg2[%dma_wait3A_363, %dma_wait3A_364] : memref<100352x16xf32, #tpu.memory_space<hbm>> -> memref<384x16xf32, #tpu.memory_space<hbm>>
      %dma_wait3A_366 = arith.constant 0 : i32
      %dma_wait3A_367 = arith.constant 0 : i32
      %dma_wait3A_368 = tpu.memref_slice %arg2[%dma_wait3A_366, %dma_wait3A_367] : memref<100352x16xf32, #tpu.memory_space<hbm>> -> memref<384x16xf32, #tpu.memory_space<hbm>>
      tpu.wait_dma2 semaphore(%arg26 : memref<!tpu.dma_semaphore, #tpu.memory_space<semaphore_mem>>) src(%dma_wait3A_368 : memref<384x16xf32, #tpu.memory_space<hbm>>) dst(%arg18 : memref<384x16xf32, #tpu.memory_space<vmem>>)
      %dma_start3A_369 = arith.constant 0 : i32
      %dma_start3A_370 = arith.constant 0 : i32
      %dma_start3A_371 = tpu.memref_slice %arg6[%dma_start3A_369, %dma_start3A_370] : memref<100352x16xf32, #tpu.memory_space<vmem_shared>> -> memref<100352x16xf32, #tpu.memory_space<vmem_shared>>
      tpu.enqueue_indirect_dma source(%arg18 : memref<384x16xf32, #tpu.memory_space<vmem>>) target(%dma_start3A_371 : memref<100352x16xf32, #tpu.memory_space<vmem_shared>>) offsets(%arg14 : memref<384xi32, #tpu.memory_space<vmem>>) semaphore(%arg30 : memref<!tpu.dma_semaphore, #tpu.memory_space<semaphore_mem>>) {add = true}
      %mul3A_372 = arith.constant 4 : i32
      %mul3A_373 = arith.muli %while3A_203, %mul3A_372 : i32
      %add3A_374 = arith.constant 2 : i32
      %add3A_375 = arith.addi %add3A_374, %mul3A_373 : i32
      %add3A_376 = arith.constant 3 : i32
      %add3A_377 = arith.addi %add3A_375, %add3A_376 : i32
      %dma_wait3A_378 = arith.constant 0 : i32
      %dma_wait3A_379 = arith.constant 0 : i32
      %dma_wait3A_380 = tpu.memref_slice %arg6[%dma_wait3A_378, %dma_wait3A_379] : memref<100352x16xf32, #tpu.memory_space<vmem_shared>> -> memref<384x16xf32, #tpu.memory_space<vmem_shared>>
      %dma_wait3A_381 = arith.constant 0 : i32
      %dma_wait3A_382 = arith.constant 0 : i32
      %dma_wait3A_383 = tpu.memref_slice %arg6[%dma_wait3A_381, %dma_wait3A_382] : memref<100352x16xf32, #tpu.memory_space<vmem_shared>> -> memref<384x16xf32, #tpu.memory_space<vmem_shared>>
      tpu.wait_dma2 semaphore(%arg30 : memref<!tpu.dma_semaphore, #tpu.memory_space<semaphore_mem>>) src(%arg18 : memref<384x16xf32, #tpu.memory_space<vmem>>) dst(%dma_wait3A_383 : memref<384x16xf32, #tpu.memory_space<vmem_shared>>)
      %add3A_384 = arith.constant 2 : i32
      %add3A_385 = arith.addi %add3A_377, %add3A_384 : i32
      %mul3A_386 = arith.constant 384 : i32
      %mul3A_387 = arith.muli %add3A_385, %mul3A_386 : i32
      %add3A_388 = arith.addi %add3A, %mul3A_387 : i32
      %dma_start3A_389 = arith.constant 0 : i32
      %dma_start3A_390 = tpu.memref_slice %arg3[%dma_start3A_389, %add3A_388] : memref<2x3244032xi32, #tpu.memory_space<hbm>> -> memref<1x384xi32, #tpu.memory_space<hbm>>
      %dma_start3A_391 = tpu.memref_squeeze %dma_start3A_390 : memref<1x384xi32, #tpu.memory_space<hbm>> -> memref<384xi32, #tpu.memory_space<hbm>>
      %dma_start3A_392 = tpu.memref_slice %arg3[%dma_start3A_389, %add3A_388] : memref<2x3244032xi32, #tpu.memory_space<hbm>> -> memref<1x384xi32, #tpu.memory_space<hbm>>
      %dma_start3A_393 = tpu.memref_squeeze %dma_start3A_392 : memref<1x384xi32, #tpu.memory_space<hbm>> -> memref<384xi32, #tpu.memory_space<hbm>>
      tpu.enqueue_dma source(%dma_start3A_393 : memref<384xi32, #tpu.memory_space<hbm>>) target(%arg10 : memref<384xi32, #tpu.memory_space<vmem>>) target_semaphore(%arg22 : memref<!tpu.dma_semaphore, #tpu.memory_space<semaphore_mem>>)
      %mul3A_394 = arith.constant 384 : i32
      %mul3A_395 = arith.muli %add3A_385, %mul3A_394 : i32
      %add3A_396 = arith.addi %add3A, %mul3A_395 : i32
      %dma_start3A_397 = arith.constant 1 : i32
      %dma_start3A_398 = tpu.memref_slice %arg3[%dma_start3A_397, %add3A_396] : memref<2x3244032xi32, #tpu.memory_space<hbm>> -> memref<1x384xi32, #tpu.memory_space<hbm>>
      %dma_start3A_399 = tpu.memref_squeeze %dma_start3A_398 : memref<1x384xi32, #tpu.memory_space<hbm>> -> memref<384xi32, #tpu.memory_space<hbm>>
      %dma_start3A_400 = tpu.memref_slice %arg3[%dma_start3A_397, %add3A_396] : memref<2x3244032xi32, #tpu.memory_space<hbm>> -> memref<1x384xi32, #tpu.memory_space<hbm>>
      %dma_start3A_401 = tpu.memref_squeeze %dma_start3A_400 : memref<1x384xi32, #tpu.memory_space<hbm>> -> memref<384xi32, #tpu.memory_space<hbm>>
      tpu.enqueue_dma source(%dma_start3A_401 : memref<384xi32, #tpu.memory_space<hbm>>) target(%arg14 : memref<384xi32, #tpu.memory_space<vmem>>) target_semaphore(%arg22 : memref<!tpu.dma_semaphore, #tpu.memory_space<semaphore_mem>>)
      %dma_wait3A_402 = arith.constant 0 : i32
      %dma_wait3A_403 = arith.constant 0 : i32
      %dma_wait3A_404 = tpu.memref_slice %arg3[%dma_wait3A_402, %dma_wait3A_403] : memref<2x3244032xi32, #tpu.memory_space<hbm>> -> memref<1x384xi32, #tpu.memory_space<hbm>>
      %dma_wait3A_405 = tpu.memref_squeeze %dma_wait3A_404 : memref<1x384xi32, #tpu.memory_space<hbm>> -> memref<384xi32, #tpu.memory_space<hbm>>
      %dma_wait3A_406 = arith.constant 0 : i32
      %dma_wait3A_407 = tpu.memref_slice %arg3[%dma_wait3A_402, %dma_wait3A_406] : memref<2x3244032xi32, #tpu.memory_space<hbm>> -> memref<1x384xi32, #tpu.memory_space<hbm>>
      %dma_wait3A_408 = tpu.memref_squeeze %dma_wait3A_407 : memref<1x384xi32, #tpu.memory_space<hbm>> -> memref<384xi32, #tpu.memory_space<hbm>>
      tpu.wait_dma2 semaphore(%arg20 : memref<!tpu.dma_semaphore, #tpu.memory_space<semaphore_mem>>) src(%dma_wait3A_408 : memref<384xi32, #tpu.memory_space<hbm>>) dst(%arg8 : memref<384xi32, #tpu.memory_space<vmem>>)
      %dma_wait3A_409 = arith.constant 0 : i32
      %dma_wait3A_410 = arith.constant 0 : i32
      %dma_wait3A_411 = tpu.memref_slice %arg3[%dma_wait3A_409, %dma_wait3A_410] : memref<2x3244032xi32, #tpu.memory_space<hbm>> -> memref<1x384xi32, #tpu.memory_space<hbm>>
      %dma_wait3A_412 = tpu.memref_squeeze %dma_wait3A_411 : memref<1x384xi32, #tpu.memory_space<hbm>> -> memref<384xi32, #tpu.memory_space<hbm>>
      %dma_wait3A_413 = arith.constant 0 : i32
      %dma_wait3A_414 = tpu.memref_slice %arg3[%dma_wait3A_409, %dma_wait3A_413] : memref<2x3244032xi32, #tpu.memory_space<hbm>> -> memref<1x384xi32, #tpu.memory_space<hbm>>
      %dma_wait3A_415 = tpu.memref_squeeze %dma_wait3A_414 : memref<1x384xi32, #tpu.memory_space<hbm>> -> memref<384xi32, #tpu.memory_space<hbm>>
      tpu.wait_dma2 semaphore(%arg20 : memref<!tpu.dma_semaphore, #tpu.memory_space<semaphore_mem>>) src(%dma_wait3A_415 : memref<384xi32, #tpu.memory_space<hbm>>) dst(%arg12 : memref<384xi32, #tpu.memory_space<vmem>>)
      %dma_start3A_416 = arith.constant 0 : i32
      %dma_start3A_417 = arith.constant 0 : i32
      %dma_start3A_418 = tpu.memref_slice %arg2[%dma_start3A_416, %dma_start3A_417] : memref<100352x16xf32, #tpu.memory_space<hbm>> -> memref<100352x16xf32, #tpu.memory_space<hbm>>
      tpu.enqueue_indirect_dma source(%dma_start3A_418 : memref<100352x16xf32, #tpu.memory_space<hbm>>) target(%arg16 : memref<384x16xf32, #tpu.memory_space<vmem>>) offsets(%arg8 : memref<384xi32, #tpu.memory_space<vmem>>) semaphore(%arg24 : memref<!tpu.dma_semaphore, #tpu.memory_space<semaphore_mem>>)
      %dma_wait3A_419 = arith.constant 0 : i32
      %dma_wait3A_420 = arith.constant 0 : i32
      %dma_wait3A_421 = tpu.memref_slice %arg2[%dma_wait3A_419, %dma_wait3A_420] : memref<100352x16xf32, #tpu.memory_space<hbm>> -> memref<384x16xf32, #tpu.memory_space<hbm>>
      %dma_wait3A_422 = arith.constant 0 : i32
      %dma_wait3A_423 = arith.constant 0 : i32
      %dma_wait3A_424 = tpu.memref_slice %arg2[%dma_wait3A_422, %dma_wait3A_423] : memref<100352x16xf32, #tpu.memory_space<hbm>> -> memref<384x16xf32, #tpu.memory_space<hbm>>
      tpu.wait_dma2 semaphore(%arg23 : memref<!tpu.dma_semaphore, #tpu.memory_space<semaphore_mem>>) src(%dma_wait3A_424 : memref<384x16xf32, #tpu.memory_space<hbm>>) dst(%arg15 : memref<384x16xf32, #tpu.memory_space<vmem>>)
      %dma_start3A_425 = arith.constant 0 : i32
      %dma_start3A_426 = arith.constant 0 : i32
      %dma_start3A_427 = tpu.memref_slice %arg6[%dma_start3A_425, %dma_start3A_426] : memref<100352x16xf32, #tpu.memory_space<vmem_shared>> -> memref<100352x16xf32, #tpu.memory_space<vmem_shared>>
      tpu.enqueue_indirect_dma source(%arg15 : memref<384x16xf32, #tpu.memory_space<vmem>>) target(%dma_start3A_427 : memref<100352x16xf32, #tpu.memory_space<vmem_shared>>) offsets(%arg11 : memref<384xi32, #tpu.memory_space<vmem>>) semaphore(%arg27 : memref<!tpu.dma_semaphore, #tpu.memory_space<semaphore_mem>>) {add = true}
    }
    %dma_wait3A_117 = arith.constant 0 : i32
    %dma_wait3A_118 = arith.constant 0 : i32
    %dma_wait3A_119 = tpu.memref_slice %arg6[%dma_wait3A_117, %dma_wait3A_118] : memref<100352x16xf32, #tpu.memory_space<vmem_shared>> -> memref<384x16xf32, #tpu.memory_space<vmem_shared>>
    %dma_wait3A_120 = arith.constant 0 : i32
    %dma_wait3A_121 = arith.constant 0 : i32
    %dma_wait3A_122 = tpu.memref_slice %arg6[%dma_wait3A_120, %dma_wait3A_121] : memref<100352x16xf32, #tpu.memory_space<vmem_shared>> -> memref<384x16xf32, #tpu.memory_space<vmem_shared>>
    tpu.wait_dma2 semaphore(%arg27 : memref<!tpu.dma_semaphore, #tpu.memory_space<semaphore_mem>>) src(%arg15 : memref<384x16xf32, #tpu.memory_space<vmem>>) dst(%dma_wait3A_122 : memref<384x16xf32, #tpu.memory_space<vmem_shared>>)
    %dma_wait3A_123 = arith.constant 0 : i32
    %dma_wait3A_124 = arith.constant 0 : i32
    %dma_wait3A_125 = tpu.memref_slice %arg3[%dma_wait3A_123, %dma_wait3A_124] : memref<2x3244032xi32, #tpu.memory_space<hbm>> -> memref<1x384xi32, #tpu.memory_space<hbm>>
    %dma_wait3A_126 = tpu.memref_squeeze %dma_wait3A_125 : memref<1x384xi32, #tpu.memory_space<hbm>> -> memref<384xi32, #tpu.memory_space<hbm>>
    %dma_wait3A_127 = arith.constant 0 : i32
    %dma_wait3A_128 = tpu.memref_slice %arg3[%dma_wait3A_123, %dma_wait3A_127] : memref<2x3244032xi32, #tpu.memory_space<hbm>> -> memref<1x384xi32, #tpu.memory_space<hbm>>
    %dma_wait3A_129 = tpu.memref_squeeze %dma_wait3A_128 : memref<1x384xi32, #tpu.memory_space<hbm>> -> memref<384xi32, #tpu.memory_space<hbm>>
    tpu.wait_dma2 semaphore(%arg21 : memref<!tpu.dma_semaphore, #tpu.memory_space<semaphore_mem>>) src(%dma_wait3A_129 : memref<384xi32, #tpu.memory_space<hbm>>) dst(%arg9 : memref<384xi32, #tpu.memory_space<vmem>>)
    %dma_wait3A_130 = arith.constant 0 : i32
    %dma_wait3A_131 = arith.constant 0 : i32
    %dma_wait3A_132 = tpu.memref_slice %arg3[%dma_wait3A_130, %dma_wait3A_131] : memref<2x3244032xi32, #tpu.memory_space<hbm>> -> memref<1x384xi32, #tpu.memory_space<hbm>>
    %dma_wait3A_133 = tpu.memref_squeeze %dma_wait3A_132 : memref<1x384xi32, #tpu.memory_space<hbm>> -> memref<384xi32, #tpu.memory_space<hbm>>
    %dma_wait3A_134 = arith.constant 0 : i32
    %dma_wait3A_135 = tpu.memref_slice %arg3[%dma_wait3A_130, %dma_wait3A_134] : memref<2x3244032xi32, #tpu.memory_space<hbm>> -> memref<1x384xi32, #tpu.memory_space<hbm>>
    %dma_wait3A_136 = tpu.memref_squeeze %dma_wait3A_135 : memref<1x384xi32, #tpu.memory_space<hbm>> -> memref<384xi32, #tpu.memory_space<hbm>>
    tpu.wait_dma2 semaphore(%arg21 : memref<!tpu.dma_semaphore, #tpu.memory_space<semaphore_mem>>) src(%dma_wait3A_136 : memref<384xi32, #tpu.memory_space<hbm>>) dst(%arg13 : memref<384xi32, #tpu.memory_space<vmem>>)
    %dma_start3A_137 = arith.constant 0 : i32
    %dma_start3A_138 = arith.constant 0 : i32
    %dma_start3A_139 = tpu.memref_slice %arg2[%dma_start3A_137, %dma_start3A_138] : memref<100352x16xf32, #tpu.memory_space<hbm>> -> memref<100352x16xf32, #tpu.memory_space<hbm>>
    tpu.enqueue_indirect_dma source(%dma_start3A_139 : memref<100352x16xf32, #tpu.memory_space<hbm>>) target(%arg17 : memref<384x16xf32, #tpu.memory_space<vmem>>) offsets(%arg9 : memref<384xi32, #tpu.memory_space<vmem>>) semaphore(%arg25 : memref<!tpu.dma_semaphore, #tpu.memory_space<semaphore_mem>>)
    %dma_wait3A_140 = arith.constant 0 : i32
    %dma_wait3A_141 = arith.constant 0 : i32
    %dma_wait3A_142 = tpu.memref_slice %arg2[%dma_wait3A_140, %dma_wait3A_141] : memref<100352x16xf32, #tpu.memory_space<hbm>> -> memref<384x16xf32, #tpu.memory_space<hbm>>
    %dma_wait3A_143 = arith.constant 0 : i32
    %dma_wait3A_144 = arith.constant 0 : i32
    %dma_wait3A_145 = tpu.memref_slice %arg2[%dma_wait3A_143, %dma_wait3A_144] : memref<100352x16xf32, #tpu.memory_space<hbm>> -> memref<384x16xf32, #tpu.memory_space<hbm>>
    tpu.wait_dma2 semaphore(%arg24 : memref<!tpu.dma_semaphore, #tpu.memory_space<semaphore_mem>>) src(%dma_wait3A_145 : memref<384x16xf32, #tpu.memory_space<hbm>>) dst(%arg16 : memref<384x16xf32, #tpu.memory_space<vmem>>)
    %dma_start3A_146 = arith.constant 0 : i32
    %dma_start3A_147 = arith.constant 0 : i32
    %dma_start3A_148 = tpu.memref_slice %arg6[%dma_start3A_146, %dma_start3A_147] : memref<100352x16xf32, #tpu.memory_space<vmem_shared>> -> memref<100352x16xf32, #tpu.memory_space<vmem_shared>>
    tpu.enqueue_indirect_dma source(%arg16 : memref<384x16xf32, #tpu.memory_space<vmem>>) target(%dma_start3A_148 : memref<100352x16xf32, #tpu.memory_space<vmem_shared>>) offsets(%arg12 : memref<384xi32, #tpu.memory_space<vmem>>) semaphore(%arg28 : memref<!tpu.dma_semaphore, #tpu.memory_space<semaphore_mem>>) {add = true}
    %dma_wait3A_149 = arith.constant 0 : i32
    %dma_wait3A_150 = arith.constant 0 : i32
    %dma_wait3A_151 = tpu.memref_slice %arg6[%dma_wait3A_149, %dma_wait3A_150] : memref<100352x16xf32, #tpu.memory_space<vmem_shared>> -> memref<384x16xf32, #tpu.memory_space<vmem_shared>>
    %dma_wait3A_152 = arith.constant 0 : i32
    %dma_wait3A_153 = arith.constant 0 : i32
    %dma_wait3A_154 = tpu.memref_slice %arg6[%dma_wait3A_152, %dma_wait3A_153] : memref<100352x16xf32, #tpu.memory_space<vmem_shared>> -> memref<384x16xf32, #tpu.memory_space<vmem_shared>>
    tpu.wait_dma2 semaphore(%arg28 : memref<!tpu.dma_semaphore, #tpu.memory_space<semaphore_mem>>) src(%arg16 : memref<384x16xf32, #tpu.memory_space<vmem>>) dst(%dma_wait3A_154 : memref<384x16xf32, #tpu.memory_space<vmem_shared>>)
    %dma_wait3A_155 = arith.constant 0 : i32
    %dma_wait3A_156 = arith.constant 0 : i32
    %dma_wait3A_157 = tpu.memref_slice %arg3[%dma_wait3A_155, %dma_wait3A_156] : memref<2x3244032xi32, #tpu.memory_space<hbm>> -> memref<1x384xi32, #tpu.memory_space<hbm>>
    %dma_wait3A_158 = tpu.memref_squeeze %dma_wait3A_157 : memref<1x384xi32, #tpu.memory_space<hbm>> -> memref<384xi32, #tpu.memory_space<hbm>>
    %dma_wait3A_159 = arith.constant 0 : i32
    %dma_wait3A_160 = tpu.memref_slice %arg3[%dma_wait3A_155, %dma_wait3A_159] : memref<2x3244032xi32, #tpu.memory_space<hbm>> -> memref<1x384xi32, #tpu.memory_space<hbm>>
    %dma_wait3A_161 = tpu.memref_squeeze %dma_wait3A_160 : memref<1x384xi32, #tpu.memory_space<hbm>> -> memref<384xi32, #tpu.memory_space<hbm>>
    tpu.wait_dma2 semaphore(%arg22 : memref<!tpu.dma_semaphore, #tpu.memory_space<semaphore_mem>>) src(%dma_wait3A_161 : memref<384xi32, #tpu.memory_space<hbm>>) dst(%arg10 : memref<384xi32, #tpu.memory_space<vmem>>)
    %dma_wait3A_162 = arith.constant 0 : i32
    %dma_wait3A_163 = arith.constant 0 : i32
    %dma_wait3A_164 = tpu.memref_slice %arg3[%dma_wait3A_162, %dma_wait3A_163] : memref<2x3244032xi32, #tpu.memory_space<hbm>> -> memref<1x384xi32, #tpu.memory_space<hbm>>
    %dma_wait3A_165 = tpu.memref_squeeze %dma_wait3A_164 : memref<1x384xi32, #tpu.memory_space<hbm>> -> memref<384xi32, #tpu.memory_space<hbm>>
    %dma_wait3A_166 = arith.constant 0 : i32
    %dma_wait3A_167 = tpu.memref_slice %arg3[%dma_wait3A_162, %dma_wait3A_166] : memref<2x3244032xi32, #tpu.memory_space<hbm>> -> memref<1x384xi32, #tpu.memory_space<hbm>>
    %dma_wait3A_168 = tpu.memref_squeeze %dma_wait3A_167 : memref<1x384xi32, #tpu.memory_space<hbm>> -> memref<384xi32, #tpu.memory_space<hbm>>
    tpu.wait_dma2 semaphore(%arg22 : memref<!tpu.dma_semaphore, #tpu.memory_space<semaphore_mem>>) src(%dma_wait3A_168 : memref<384xi32, #tpu.memory_space<hbm>>) dst(%arg14 : memref<384xi32, #tpu.memory_space<vmem>>)
    %dma_start3A_169 = arith.constant 0 : i32
    %dma_start3A_170 = arith.constant 0 : i32
    %dma_start3A_171 = tpu.memref_slice %arg2[%dma_start3A_169, %dma_start3A_170] : memref<100352x16xf32, #tpu.memory_space<hbm>> -> memref<100352x16xf32, #tpu.memory_space<hbm>>
    tpu.enqueue_indirect_dma source(%dma_start3A_171 : memref<100352x16xf32, #tpu.memory_space<hbm>>) target(%arg18 : memref<384x16xf32, #tpu.memory_space<vmem>>) offsets(%arg10 : memref<384xi32, #tpu.memory_space<vmem>>) semaphore(%arg26 : memref<!tpu.dma_semaphore, #tpu.memory_space<semaphore_mem>>)
    %dma_wait3A_172 = arith.constant 0 : i32
    %dma_wait3A_173 = arith.constant 0 : i32
    %dma_wait3A_174 = tpu.memref_slice %arg2[%dma_wait3A_172, %dma_wait3A_173] : memref<100352x16xf32, #tpu.memory_space<hbm>> -> memref<384x16xf32, #tpu.memory_space<hbm>>
    %dma_wait3A_175 = arith.constant 0 : i32
    %dma_wait3A_176 = arith.constant 0 : i32
    %dma_wait3A_177 = tpu.memref_slice %arg2[%dma_wait3A_175, %dma_wait3A_176] : memref<100352x16xf32, #tpu.memory_space<hbm>> -> memref<384x16xf32, #tpu.memory_space<hbm>>
    tpu.wait_dma2 semaphore(%arg25 : memref<!tpu.dma_semaphore, #tpu.memory_space<semaphore_mem>>) src(%dma_wait3A_177 : memref<384x16xf32, #tpu.memory_space<hbm>>) dst(%arg17 : memref<384x16xf32, #tpu.memory_space<vmem>>)
    %dma_start3A_178 = arith.constant 0 : i32
    %dma_start3A_179 = arith.constant 0 : i32
    %dma_start3A_180 = tpu.memref_slice %arg6[%dma_start3A_178, %dma_start3A_179] : memref<100352x16xf32, #tpu.memory_space<vmem_shared>> -> memref<100352x16xf32, #tpu.memory_space<vmem_shared>>
    tpu.enqueue_indirect_dma source(%arg17 : memref<384x16xf32, #tpu.memory_space<vmem>>) target(%dma_start3A_180 : memref<100352x16xf32, #tpu.memory_space<vmem_shared>>) offsets(%arg13 : memref<384xi32, #tpu.memory_space<vmem>>) semaphore(%arg29 : memref<!tpu.dma_semaphore, #tpu.memory_space<semaphore_mem>>) {add = true}
    %dma_wait3A_181 = arith.constant 0 : i32
    %dma_wait3A_182 = arith.constant 0 : i32
    %dma_wait3A_183 = tpu.memref_slice %arg2[%dma_wait3A_181, %dma_wait3A_182] : memref<100352x16xf32, #tpu.memory_space<hbm>> -> memref<384x16xf32, #tpu.memory_space<hbm>>
    %dma_wait3A_184 = arith.constant 0 : i32
    %dma_wait3A_185 = arith.constant 0 : i32
    %dma_wait3A_186 = tpu.memref_slice %arg2[%dma_wait3A_184, %dma_wait3A_185] : memref<100352x16xf32, #tpu.memory_space<hbm>> -> memref<384x16xf32, #tpu.memory_space<hbm>>
    tpu.wait_dma2 semaphore(%arg26 : memref<!tpu.dma_semaphore, #tpu.memory_space<semaphore_mem>>) src(%dma_wait3A_186 : memref<384x16xf32, #tpu.memory_space<hbm>>) dst(%arg18 : memref<384x16xf32, #tpu.memory_space<vmem>>)
    %dma_start3A_187 = arith.constant 0 : i32
    %dma_start3A_188 = arith.constant 0 : i32
    %dma_start3A_189 = tpu.memref_slice %arg6[%dma_start3A_187, %dma_start3A_188] : memref<100352x16xf32, #tpu.memory_space<vmem_shared>> -> memref<100352x16xf32, #tpu.memory_space<vmem_shared>>
    tpu.enqueue_indirect_dma source(%arg18 : memref<384x16xf32, #tpu.memory_space<vmem>>) target(%dma_start3A_189 : memref<100352x16xf32, #tpu.memory_space<vmem_shared>>) offsets(%arg14 : memref<384xi32, #tpu.memory_space<vmem>>) semaphore(%arg30 : memref<!tpu.dma_semaphore, #tpu.memory_space<semaphore_mem>>) {add = true}
    %dma_wait3A_190 = arith.constant 0 : i32
    %dma_wait3A_191 = arith.constant 0 : i32
    %dma_wait3A_192 = tpu.memref_slice %arg6[%dma_wait3A_190, %dma_wait3A_191] : memref<100352x16xf32, #tpu.memory_space<vmem_shared>> -> memref<384x16xf32, #tpu.memory_space<vmem_shared>>
    %dma_wait3A_193 = arith.constant 0 : i32
    %dma_wait3A_194 = arith.constant 0 : i32
    %dma_wait3A_195 = tpu.memref_slice %arg6[%dma_wait3A_193, %dma_wait3A_194] : memref<100352x16xf32, #tpu.memory_space<vmem_shared>> -> memref<384x16xf32, #tpu.memory_space<vmem_shared>>
    tpu.wait_dma2 semaphore(%arg29 : memref<!tpu.dma_semaphore, #tpu.memory_space<semaphore_mem>>) src(%arg17 : memref<384x16xf32, #tpu.memory_space<vmem>>) dst(%dma_wait3A_195 : memref<384x16xf32, #tpu.memory_space<vmem_shared>>)
    %dma_wait3A_196 = arith.constant 0 : i32
    %dma_wait3A_197 = arith.constant 0 : i32
    %dma_wait3A_198 = tpu.memref_slice %arg6[%dma_wait3A_196, %dma_wait3A_197] : memref<100352x16xf32, #tpu.memory_space<vmem_shared>> -> memref<384x16xf32, #tpu.memory_space<vmem_shared>>
    %dma_wait3A_199 = arith.constant 0 : i32
    %dma_wait3A_200 = arith.constant 0 : i32
    %dma_wait3A_201 = tpu.memref_slice %arg6[%dma_wait3A_199, %dma_wait3A_200] : memref<100352x16xf32, #tpu.memory_space<vmem_shared>> -> memref<384x16xf32, #tpu.memory_space<vmem_shared>>
    tpu.wait_dma2 semaphore(%arg30 : memref<!tpu.dma_semaphore, #tpu.memory_space<semaphore_mem>>) src(%arg18 : memref<384x16xf32, #tpu.memory_space<vmem>>) dst(%dma_wait3A_201 : memref<384x16xf32, #tpu.memory_space<vmem_shared>>)
    %barrier3A_202 = arith.constant 0 : index
    tpu.barrier barrier_id(%barrier3A_202)
    "tpu.region"() ({
      %run_scoped3A = tpu.sem_alloc : memref<!tpu.dma_semaphore, #tpu.memory_space<semaphore_mem>>
      %dma_start3A_203 = arith.constant 0 : i32
      %dma_start3A_204 = tpu.memref_slice %arg5[%arg0, %mul3A_0, %dma_start3A_203] : memref<2x100352x16xf32, #tpu.memory_space<hbm>> -> memref<1x6272x16xf32, #tpu.memory_space<hbm>>
      %dma_start3A_205 = tpu.memref_squeeze %dma_start3A_204 : memref<1x6272x16xf32, #tpu.memory_space<hbm>> -> memref<6272x16xf32, #tpu.memory_space<hbm>>
      %dma_start3A_206 = arith.constant 0 : i32
      %dma_start3A_207 = tpu.memref_slice %arg6[%mul3A_0, %dma_start3A_206] : memref<100352x16xf32, #tpu.memory_space<vmem_shared>> -> memref<6272x16xf32, #tpu.memory_space<vmem_shared>>
      tpu.enqueue_dma source(%dma_start3A_207 : memref<6272x16xf32, #tpu.memory_space<vmem_shared>>) target(%dma_start3A_205 : memref<6272x16xf32, #tpu.memory_space<hbm>>) target_semaphore(%run_scoped3A : memref<!tpu.dma_semaphore, #tpu.memory_space<semaphore_mem>>)
      %dma_wait3A_208 = arith.constant 0 : i32
      %dma_wait3A_209 = tpu.memref_slice %arg5[%arg0, %mul3A_0, %dma_wait3A_208] : memref<2x100352x16xf32, #tpu.memory_space<hbm>> -> memref<1x6272x16xf32, #tpu.memory_space<hbm>>
      %dma_wait3A_210 = tpu.memref_squeeze %dma_wait3A_209 : memref<1x6272x16xf32, #tpu.memory_space<hbm>> -> memref<6272x16xf32, #tpu.memory_space<hbm>>
      %dma_wait3A_211 = arith.constant 0 : i32
      %dma_wait3A_212 = tpu.memref_slice %arg6[%mul3A_0, %dma_wait3A_211] : memref<100352x16xf32, #tpu.memory_space<vmem_shared>> -> memref<6272x16xf32, #tpu.memory_space<vmem_shared>>
      tpu.wait_dma2 semaphore(%run_scoped3A : memref<!tpu.dma_semaphore, #tpu.memory_space<semaphore_mem>>) src(%dma_wait3A_212 : memref<6272x16xf32, #tpu.memory_space<vmem_shared>>) dst(%dma_wait3A_210 : memref<6272x16xf32, #tpu.memory_space<hbm>>)
      tpu.yield
    }) : () -> ()
    return
  }
}

#map = affine_map<(d0, d1) -> (0, 0)>
#map1 = affine_map<(d0, d1) -> (0)>
module attributes {stable_mosaic.version = 14 : i64} {
  func.func @body(%arg0: i32, %arg1: i32, %arg2: memref<2x3244032xi32, #tpu.memory_space<hbm>>, %arg3: memref<100352xf32, #tpu.memory_space<hbm>>, %arg4: memref<768xf32, #tpu.memory_space<hbm>>, %arg5: memref<2x100352xf32, #tpu.memory_space<hbm>>, %arg6: memref<100352xf32, #tpu.memory_space<vmem_shared>>, %arg7: memref<768xi32, #tpu.memory_space<vmem>>, %arg8: memref<768xi32, #tpu.memory_space<vmem>>, %arg9: memref<768xi32, #tpu.memory_space<vmem>>, %arg10: memref<768xi32, #tpu.memory_space<vmem>>, %arg11: memref<768xf32, #tpu.memory_space<vmem>>, %arg12: memref<!tpu.dma_semaphore, #tpu.memory_space<semaphore_mem>>, %arg13: memref<!tpu.dma_semaphore, #tpu.memory_space<semaphore_mem>>, %arg14: memref<!tpu.dma_semaphore, #tpu.memory_space<semaphore_mem>>, %arg15: memref<!tpu.dma_semaphore, #tpu.memory_space<semaphore_mem>>, %arg16: memref<!tpu.dma_semaphore, #tpu.memory_space<semaphore_mem>>, %arg17: memref<!tpu.dma_semaphore, #tpu.memory_space<semaphore_mem>>, %arg18: memref<!tpu.dma_semaphore, #tpu.memory_space<semaphore_mem>>, %arg19: memref<!tpu.dma_semaphore, #tpu.memory_space<semaphore_mem>>) attributes {dimension_semantics = [#tpu.dimension_semantics<core_parallel>, #tpu.dimension_semantics<subcore_parallel>], iteration_bounds = array<i64: 2, 16>, scalar_prefetch = 0 : i64, scratch_operands = 14 : i64, tpu.core_type = #tpu.core_type<sc_vector_subcore>, window_params = [{transform_indices = #map}, {transform_indices = #map1}, {transform_indices = #map1}, {transform_indices = #map}]} {
    %mul3A = arith.constant 6272 : i32
    %mul3A_0 = arith.muli %arg1, %mul3A : i32
    %eq3A = arith.constant 0 : i32
    %eq3A_1 = arith.cmpi eq, %arg0, %eq3A : i32
    %jit3A = arith.constant 132096 : i32
    %jit3A_2 = arith.constant 70656 : i32
    %select_n3A = arith.select %eq3A_1, %jit3A, %jit3A_2 : i32
    %mul3A_3 = arith.constant 2113536 : i32
    %mul3A_4 = arith.muli %arg0, %mul3A_3 : i32
    %mul3A_5 = arith.muli %arg1, %select_n3A : i32
    %add3A = arith.addi %mul3A_4, %mul3A_5 : i32
    %eq3A_6 = arith.constant 0 : i32
    %eq3A_7 = arith.cmpi eq, %arg0, %eq3A_6 : i32
    %jit3A_8 = arith.constant 42 : i32
    %jit3A_9 = arith.constant 22 : i32
    %select_n3A_10 = arith.select %eq3A_7, %jit3A_8, %jit3A_9 : i32
    "tpu.region"() ({
      %run_scoped3A = tpu.sem_alloc : memref<!tpu.dma_semaphore, #tpu.memory_space<semaphore_mem>>
      %dma_start3A_99 = tpu.memref_slice %arg6[%mul3A_0] : memref<100352xf32, #tpu.memory_space<vmem_shared>> -> memref<6272xf32, #tpu.memory_space<vmem_shared>>
      %dma_start3A_100 = tpu.memref_slice %arg3[%mul3A_0] : memref<100352xf32, #tpu.memory_space<hbm>> -> memref<6272xf32, #tpu.memory_space<hbm>>
      tpu.enqueue_dma source(%dma_start3A_100 : memref<6272xf32, #tpu.memory_space<hbm>>) target(%dma_start3A_99 : memref<6272xf32, #tpu.memory_space<vmem_shared>>) target_semaphore(%run_scoped3A : memref<!tpu.dma_semaphore, #tpu.memory_space<semaphore_mem>>)
      %dma_wait3A_101 = tpu.memref_slice %arg6[%mul3A_0] : memref<100352xf32, #tpu.memory_space<vmem_shared>> -> memref<6272xf32, #tpu.memory_space<vmem_shared>>
      %dma_wait3A_102 = tpu.memref_slice %arg3[%mul3A_0] : memref<100352xf32, #tpu.memory_space<hbm>> -> memref<6272xf32, #tpu.memory_space<hbm>>
      tpu.wait_dma2 semaphore(%run_scoped3A : memref<!tpu.dma_semaphore, #tpu.memory_space<semaphore_mem>>) src(%dma_wait3A_102 : memref<6272xf32, #tpu.memory_space<hbm>>) dst(%dma_wait3A_101 : memref<6272xf32, #tpu.memory_space<vmem_shared>>)
      tpu.yield
    }) : () -> ()
    "tpu.region"() ({
      %run_scoped3A = tpu.sem_alloc : memref<!tpu.dma_semaphore, #tpu.memory_space<semaphore_mem>>
      tpu.enqueue_dma source(%arg4 : memref<768xf32, #tpu.memory_space<hbm>>) target(%arg11 : memref<768xf32, #tpu.memory_space<vmem>>) target_semaphore(%run_scoped3A : memref<!tpu.dma_semaphore, #tpu.memory_space<semaphore_mem>>)
      tpu.wait_dma2 semaphore(%run_scoped3A : memref<!tpu.dma_semaphore, #tpu.memory_space<semaphore_mem>>) src(%arg4 : memref<768xf32, #tpu.memory_space<hbm>>) dst(%arg11 : memref<768xf32, #tpu.memory_space<vmem>>)
      tpu.yield
    }) : () -> ()
    %barrier3A = arith.constant 0 : index
    tpu.barrier barrier_id(%barrier3A)
    %add3A_11 = arith.constant 0 : i32
    %add3A_12 = arith.addi %add3A, %add3A_11 : i32
    %dma_start3A = arith.constant 1 : i32
    %dma_start3A_13 = tpu.memref_slice %arg2[%dma_start3A, %add3A_12] : memref<2x3244032xi32, #tpu.memory_space<hbm>> -> memref<1x768xi32, #tpu.memory_space<hbm>>
    %dma_start3A_14 = tpu.memref_squeeze %dma_start3A_13 : memref<1x768xi32, #tpu.memory_space<hbm>> -> memref<768xi32, #tpu.memory_space<hbm>>
    %dma_start3A_15 = tpu.memref_slice %arg2[%dma_start3A, %add3A_12] : memref<2x3244032xi32, #tpu.memory_space<hbm>> -> memref<1x768xi32, #tpu.memory_space<hbm>>
    %dma_start3A_16 = tpu.memref_squeeze %dma_start3A_15 : memref<1x768xi32, #tpu.memory_space<hbm>> -> memref<768xi32, #tpu.memory_space<hbm>>
    tpu.enqueue_dma source(%dma_start3A_16 : memref<768xi32, #tpu.memory_space<hbm>>) target(%arg7 : memref<768xi32, #tpu.memory_space<vmem>>) target_semaphore(%arg12 : memref<!tpu.dma_semaphore, #tpu.memory_space<semaphore_mem>>)
    %add3A_17 = arith.constant 768 : i32
    %add3A_18 = arith.addi %add3A, %add3A_17 : i32
    %dma_start3A_19 = arith.constant 1 : i32
    %dma_start3A_20 = tpu.memref_slice %arg2[%dma_start3A_19, %add3A_18] : memref<2x3244032xi32, #tpu.memory_space<hbm>> -> memref<1x768xi32, #tpu.memory_space<hbm>>
    %dma_start3A_21 = tpu.memref_squeeze %dma_start3A_20 : memref<1x768xi32, #tpu.memory_space<hbm>> -> memref<768xi32, #tpu.memory_space<hbm>>
    %dma_start3A_22 = tpu.memref_slice %arg2[%dma_start3A_19, %add3A_18] : memref<2x3244032xi32, #tpu.memory_space<hbm>> -> memref<1x768xi32, #tpu.memory_space<hbm>>
    %dma_start3A_23 = tpu.memref_squeeze %dma_start3A_22 : memref<1x768xi32, #tpu.memory_space<hbm>> -> memref<768xi32, #tpu.memory_space<hbm>>
    tpu.enqueue_dma source(%dma_start3A_23 : memref<768xi32, #tpu.memory_space<hbm>>) target(%arg8 : memref<768xi32, #tpu.memory_space<vmem>>) target_semaphore(%arg13 : memref<!tpu.dma_semaphore, #tpu.memory_space<semaphore_mem>>)
    %add3A_24 = arith.constant 1536 : i32
    %add3A_25 = arith.addi %add3A, %add3A_24 : i32
    %dma_start3A_26 = arith.constant 1 : i32
    %dma_start3A_27 = tpu.memref_slice %arg2[%dma_start3A_26, %add3A_25] : memref<2x3244032xi32, #tpu.memory_space<hbm>> -> memref<1x768xi32, #tpu.memory_space<hbm>>
    %dma_start3A_28 = tpu.memref_squeeze %dma_start3A_27 : memref<1x768xi32, #tpu.memory_space<hbm>> -> memref<768xi32, #tpu.memory_space<hbm>>
    %dma_start3A_29 = tpu.memref_slice %arg2[%dma_start3A_26, %add3A_25] : memref<2x3244032xi32, #tpu.memory_space<hbm>> -> memref<1x768xi32, #tpu.memory_space<hbm>>
    %dma_start3A_30 = tpu.memref_squeeze %dma_start3A_29 : memref<1x768xi32, #tpu.memory_space<hbm>> -> memref<768xi32, #tpu.memory_space<hbm>>
    tpu.enqueue_dma source(%dma_start3A_30 : memref<768xi32, #tpu.memory_space<hbm>>) target(%arg9 : memref<768xi32, #tpu.memory_space<vmem>>) target_semaphore(%arg14 : memref<!tpu.dma_semaphore, #tpu.memory_space<semaphore_mem>>)
    %dma_wait3A = arith.constant 1 : i32
    %dma_wait3A_31 = arith.constant 0 : i32
    %dma_wait3A_32 = tpu.memref_slice %arg2[%dma_wait3A, %dma_wait3A_31] : memref<2x3244032xi32, #tpu.memory_space<hbm>> -> memref<1x768xi32, #tpu.memory_space<hbm>>
    %dma_wait3A_33 = tpu.memref_squeeze %dma_wait3A_32 : memref<1x768xi32, #tpu.memory_space<hbm>> -> memref<768xi32, #tpu.memory_space<hbm>>
    %dma_wait3A_34 = arith.constant 0 : i32
    %dma_wait3A_35 = tpu.memref_slice %arg2[%dma_wait3A, %dma_wait3A_34] : memref<2x3244032xi32, #tpu.memory_space<hbm>> -> memref<1x768xi32, #tpu.memory_space<hbm>>
    %dma_wait3A_36 = tpu.memref_squeeze %dma_wait3A_35 : memref<1x768xi32, #tpu.memory_space<hbm>> -> memref<768xi32, #tpu.memory_space<hbm>>
    tpu.wait_dma2 semaphore(%arg12 : memref<!tpu.dma_semaphore, #tpu.memory_space<semaphore_mem>>) src(%dma_wait3A_36 : memref<768xi32, #tpu.memory_space<hbm>>) dst(%arg7 : memref<768xi32, #tpu.memory_space<vmem>>)
    %dma_start3A_37 = arith.constant 0 : i32
    %dma_start3A_38 = tpu.memref_slice %arg6[%dma_start3A_37] : memref<100352xf32, #tpu.memory_space<vmem_shared>> -> memref<100352xf32, #tpu.memory_space<vmem_shared>>
    tpu.enqueue_indirect_dma source(%arg11 : memref<768xf32, #tpu.memory_space<vmem>>) target(%dma_start3A_38 : memref<100352xf32, #tpu.memory_space<vmem_shared>>) offsets(%arg7 : memref<768xi32, #tpu.memory_space<vmem>>) semaphore(%arg16 : memref<!tpu.dma_semaphore, #tpu.memory_space<semaphore_mem>>) {add = true}
    %add3A_39 = arith.constant 2304 : i32
    %add3A_40 = arith.addi %add3A, %add3A_39 : i32
    %dma_start3A_41 = arith.constant 1 : i32
    %dma_start3A_42 = tpu.memref_slice %arg2[%dma_start3A_41, %add3A_40] : memref<2x3244032xi32, #tpu.memory_space<hbm>> -> memref<1x768xi32, #tpu.memory_space<hbm>>
    %dma_start3A_43 = tpu.memref_squeeze %dma_start3A_42 : memref<1x768xi32, #tpu.memory_space<hbm>> -> memref<768xi32, #tpu.memory_space<hbm>>
    %dma_start3A_44 = tpu.memref_slice %arg2[%dma_start3A_41, %add3A_40] : memref<2x3244032xi32, #tpu.memory_space<hbm>> -> memref<1x768xi32, #tpu.memory_space<hbm>>
    %dma_start3A_45 = tpu.memref_squeeze %dma_start3A_44 : memref<1x768xi32, #tpu.memory_space<hbm>> -> memref<768xi32, #tpu.memory_space<hbm>>
    tpu.enqueue_dma source(%dma_start3A_45 : memref<768xi32, #tpu.memory_space<hbm>>) target(%arg10 : memref<768xi32, #tpu.memory_space<vmem>>) target_semaphore(%arg15 : memref<!tpu.dma_semaphore, #tpu.memory_space<semaphore_mem>>)
    %dma_wait3A_46 = arith.constant 1 : i32
    %dma_wait3A_47 = arith.constant 0 : i32
    %dma_wait3A_48 = tpu.memref_slice %arg2[%dma_wait3A_46, %dma_wait3A_47] : memref<2x3244032xi32, #tpu.memory_space<hbm>> -> memref<1x768xi32, #tpu.memory_space<hbm>>
    %dma_wait3A_49 = tpu.memref_squeeze %dma_wait3A_48 : memref<1x768xi32, #tpu.memory_space<hbm>> -> memref<768xi32, #tpu.memory_space<hbm>>
    %dma_wait3A_50 = arith.constant 0 : i32
    %dma_wait3A_51 = tpu.memref_slice %arg2[%dma_wait3A_46, %dma_wait3A_50] : memref<2x3244032xi32, #tpu.memory_space<hbm>> -> memref<1x768xi32, #tpu.memory_space<hbm>>
    %dma_wait3A_52 = tpu.memref_squeeze %dma_wait3A_51 : memref<1x768xi32, #tpu.memory_space<hbm>> -> memref<768xi32, #tpu.memory_space<hbm>>
    tpu.wait_dma2 semaphore(%arg13 : memref<!tpu.dma_semaphore, #tpu.memory_space<semaphore_mem>>) src(%dma_wait3A_52 : memref<768xi32, #tpu.memory_space<hbm>>) dst(%arg8 : memref<768xi32, #tpu.memory_space<vmem>>)
    %dma_start3A_53 = arith.constant 0 : i32
    %dma_start3A_54 = tpu.memref_slice %arg6[%dma_start3A_53] : memref<100352xf32, #tpu.memory_space<vmem_shared>> -> memref<100352xf32, #tpu.memory_space<vmem_shared>>
    tpu.enqueue_indirect_dma source(%arg11 : memref<768xf32, #tpu.memory_space<vmem>>) target(%dma_start3A_54 : memref<100352xf32, #tpu.memory_space<vmem_shared>>) offsets(%arg8 : memref<768xi32, #tpu.memory_space<vmem>>) semaphore(%arg17 : memref<!tpu.dma_semaphore, #tpu.memory_space<semaphore_mem>>) {add = true}
    %while3A = arith.constant 0 : i32
    %while3A_55 = arith.constant 0 : i32
    %while3A_56 = arith.subi %select_n3A_10, %while3A_55 : i32
    %while3A_57 = arith.addi %while3A_55, %while3A_56 : i32
    %while3A_58 = arith.constant 1 : i32
    %while3A_59 = arith.divsi %while3A_56, %while3A_58 : i32
    %while3A_60 = arith.muli %while3A_59, %while3A_58 : i32
    %while3A_61 = arith.addi %while3A_55, %while3A_60 : i32
    %while3A_62 = arith.constant 1 : i32
    scf.for %while3A_99 = %while3A_55 to %while3A_61 step %while3A_62  : i32 {
      %mul3A_100 = arith.constant 4 : i32
      %mul3A_101 = arith.muli %while3A_99, %mul3A_100 : i32
      %add3A_102 = arith.constant 2 : i32
      %add3A_103 = arith.addi %add3A_102, %mul3A_101 : i32
      %add3A_104 = arith.constant 0 : i32
      %add3A_105 = arith.addi %add3A_103, %add3A_104 : i32
      %dma_wait3A_106 = arith.constant 0 : i32
      %dma_wait3A_107 = tpu.memref_slice %arg6[%dma_wait3A_106] : memref<100352xf32, #tpu.memory_space<vmem_shared>> -> memref<768xf32, #tpu.memory_space<vmem_shared>>
      %dma_wait3A_108 = arith.constant 0 : i32
      %dma_wait3A_109 = tpu.memref_slice %arg6[%dma_wait3A_108] : memref<100352xf32, #tpu.memory_space<vmem_shared>> -> memref<768xf32, #tpu.memory_space<vmem_shared>>
      tpu.wait_dma2 semaphore(%arg16 : memref<!tpu.dma_semaphore, #tpu.memory_space<semaphore_mem>>) src(%arg11 : memref<768xf32, #tpu.memory_space<vmem>>) dst(%dma_wait3A_109 : memref<768xf32, #tpu.memory_space<vmem_shared>>)
      %add3A_110 = arith.constant 2 : i32
      %add3A_111 = arith.addi %add3A_105, %add3A_110 : i32
      %mul3A_112 = arith.constant 768 : i32
      %mul3A_113 = arith.muli %add3A_111, %mul3A_112 : i32
      %add3A_114 = arith.addi %add3A, %mul3A_113 : i32
      %dma_start3A_115 = arith.constant 1 : i32
      %dma_start3A_116 = tpu.memref_slice %arg2[%dma_start3A_115, %add3A_114] : memref<2x3244032xi32, #tpu.memory_space<hbm>> -> memref<1x768xi32, #tpu.memory_space<hbm>>
      %dma_start3A_117 = tpu.memref_squeeze %dma_start3A_116 : memref<1x768xi32, #tpu.memory_space<hbm>> -> memref<768xi32, #tpu.memory_space<hbm>>
      %dma_start3A_118 = tpu.memref_slice %arg2[%dma_start3A_115, %add3A_114] : memref<2x3244032xi32, #tpu.memory_space<hbm>> -> memref<1x768xi32, #tpu.memory_space<hbm>>
      %dma_start3A_119 = tpu.memref_squeeze %dma_start3A_118 : memref<1x768xi32, #tpu.memory_space<hbm>> -> memref<768xi32, #tpu.memory_space<hbm>>
      tpu.enqueue_dma source(%dma_start3A_119 : memref<768xi32, #tpu.memory_space<hbm>>) target(%arg7 : memref<768xi32, #tpu.memory_space<vmem>>) target_semaphore(%arg12 : memref<!tpu.dma_semaphore, #tpu.memory_space<semaphore_mem>>)
      %dma_wait3A_120 = arith.constant 1 : i32
      %dma_wait3A_121 = arith.constant 0 : i32
      %dma_wait3A_122 = tpu.memref_slice %arg2[%dma_wait3A_120, %dma_wait3A_121] : memref<2x3244032xi32, #tpu.memory_space<hbm>> -> memref<1x768xi32, #tpu.memory_space<hbm>>
      %dma_wait3A_123 = tpu.memref_squeeze %dma_wait3A_122 : memref<1x768xi32, #tpu.memory_space<hbm>> -> memref<768xi32, #tpu.memory_space<hbm>>
      %dma_wait3A_124 = arith.constant 0 : i32
      %dma_wait3A_125 = tpu.memref_slice %arg2[%dma_wait3A_120, %dma_wait3A_124] : memref<2x3244032xi32, #tpu.memory_space<hbm>> -> memref<1x768xi32, #tpu.memory_space<hbm>>
      %dma_wait3A_126 = tpu.memref_squeeze %dma_wait3A_125 : memref<1x768xi32, #tpu.memory_space<hbm>> -> memref<768xi32, #tpu.memory_space<hbm>>
      tpu.wait_dma2 semaphore(%arg14 : memref<!tpu.dma_semaphore, #tpu.memory_space<semaphore_mem>>) src(%dma_wait3A_126 : memref<768xi32, #tpu.memory_space<hbm>>) dst(%arg9 : memref<768xi32, #tpu.memory_space<vmem>>)
      %dma_start3A_127 = arith.constant 0 : i32
      %dma_start3A_128 = tpu.memref_slice %arg6[%dma_start3A_127] : memref<100352xf32, #tpu.memory_space<vmem_shared>> -> memref<100352xf32, #tpu.memory_space<vmem_shared>>
      tpu.enqueue_indirect_dma source(%arg11 : memref<768xf32, #tpu.memory_space<vmem>>) target(%dma_start3A_128 : memref<100352xf32, #tpu.memory_space<vmem_shared>>) offsets(%arg9 : memref<768xi32, #tpu.memory_space<vmem>>) semaphore(%arg18 : memref<!tpu.dma_semaphore, #tpu.memory_space<semaphore_mem>>) {add = true}
      %mul3A_129 = arith.constant 4 : i32
      %mul3A_130 = arith.muli %while3A_99, %mul3A_129 : i32
      %add3A_131 = arith.constant 2 : i32
      %add3A_132 = arith.addi %add3A_131, %mul3A_130 : i32
      %add3A_133 = arith.constant 1 : i32
      %add3A_134 = arith.addi %add3A_132, %add3A_133 : i32
      %dma_wait3A_135 = arith.constant 0 : i32
      %dma_wait3A_136 = tpu.memref_slice %arg6[%dma_wait3A_135] : memref<100352xf32, #tpu.memory_space<vmem_shared>> -> memref<768xf32, #tpu.memory_space<vmem_shared>>
      %dma_wait3A_137 = arith.constant 0 : i32
      %dma_wait3A_138 = tpu.memref_slice %arg6[%dma_wait3A_137] : memref<100352xf32, #tpu.memory_space<vmem_shared>> -> memref<768xf32, #tpu.memory_space<vmem_shared>>
      tpu.wait_dma2 semaphore(%arg17 : memref<!tpu.dma_semaphore, #tpu.memory_space<semaphore_mem>>) src(%arg11 : memref<768xf32, #tpu.memory_space<vmem>>) dst(%dma_wait3A_138 : memref<768xf32, #tpu.memory_space<vmem_shared>>)
      %add3A_139 = arith.constant 2 : i32
      %add3A_140 = arith.addi %add3A_134, %add3A_139 : i32
      %mul3A_141 = arith.constant 768 : i32
      %mul3A_142 = arith.muli %add3A_140, %mul3A_141 : i32
      %add3A_143 = arith.addi %add3A, %mul3A_142 : i32
      %dma_start3A_144 = arith.constant 1 : i32
      %dma_start3A_145 = tpu.memref_slice %arg2[%dma_start3A_144, %add3A_143] : memref<2x3244032xi32, #tpu.memory_space<hbm>> -> memref<1x768xi32, #tpu.memory_space<hbm>>
      %dma_start3A_146 = tpu.memref_squeeze %dma_start3A_145 : memref<1x768xi32, #tpu.memory_space<hbm>> -> memref<768xi32, #tpu.memory_space<hbm>>
      %dma_start3A_147 = tpu.memref_slice %arg2[%dma_start3A_144, %add3A_143] : memref<2x3244032xi32, #tpu.memory_space<hbm>> -> memref<1x768xi32, #tpu.memory_space<hbm>>
      %dma_start3A_148 = tpu.memref_squeeze %dma_start3A_147 : memref<1x768xi32, #tpu.memory_space<hbm>> -> memref<768xi32, #tpu.memory_space<hbm>>
      tpu.enqueue_dma source(%dma_start3A_148 : memref<768xi32, #tpu.memory_space<hbm>>) target(%arg8 : memref<768xi32, #tpu.memory_space<vmem>>) target_semaphore(%arg13 : memref<!tpu.dma_semaphore, #tpu.memory_space<semaphore_mem>>)
      %dma_wait3A_149 = arith.constant 1 : i32
      %dma_wait3A_150 = arith.constant 0 : i32
      %dma_wait3A_151 = tpu.memref_slice %arg2[%dma_wait3A_149, %dma_wait3A_150] : memref<2x3244032xi32, #tpu.memory_space<hbm>> -> memref<1x768xi32, #tpu.memory_space<hbm>>
      %dma_wait3A_152 = tpu.memref_squeeze %dma_wait3A_151 : memref<1x768xi32, #tpu.memory_space<hbm>> -> memref<768xi32, #tpu.memory_space<hbm>>
      %dma_wait3A_153 = arith.constant 0 : i32
      %dma_wait3A_154 = tpu.memref_slice %arg2[%dma_wait3A_149, %dma_wait3A_153] : memref<2x3244032xi32, #tpu.memory_space<hbm>> -> memref<1x768xi32, #tpu.memory_space<hbm>>
      %dma_wait3A_155 = tpu.memref_squeeze %dma_wait3A_154 : memref<1x768xi32, #tpu.memory_space<hbm>> -> memref<768xi32, #tpu.memory_space<hbm>>
      tpu.wait_dma2 semaphore(%arg15 : memref<!tpu.dma_semaphore, #tpu.memory_space<semaphore_mem>>) src(%dma_wait3A_155 : memref<768xi32, #tpu.memory_space<hbm>>) dst(%arg10 : memref<768xi32, #tpu.memory_space<vmem>>)
      %dma_start3A_156 = arith.constant 0 : i32
      %dma_start3A_157 = tpu.memref_slice %arg6[%dma_start3A_156] : memref<100352xf32, #tpu.memory_space<vmem_shared>> -> memref<100352xf32, #tpu.memory_space<vmem_shared>>
      tpu.enqueue_indirect_dma source(%arg11 : memref<768xf32, #tpu.memory_space<vmem>>) target(%dma_start3A_157 : memref<100352xf32, #tpu.memory_space<vmem_shared>>) offsets(%arg10 : memref<768xi32, #tpu.memory_space<vmem>>) semaphore(%arg19 : memref<!tpu.dma_semaphore, #tpu.memory_space<semaphore_mem>>) {add = true}
      %mul3A_158 = arith.constant 4 : i32
      %mul3A_159 = arith.muli %while3A_99, %mul3A_158 : i32
      %add3A_160 = arith.constant 2 : i32
      %add3A_161 = arith.addi %add3A_160, %mul3A_159 : i32
      %add3A_162 = arith.constant 2 : i32
      %add3A_163 = arith.addi %add3A_161, %add3A_162 : i32
      %dma_wait3A_164 = arith.constant 0 : i32
      %dma_wait3A_165 = tpu.memref_slice %arg6[%dma_wait3A_164] : memref<100352xf32, #tpu.memory_space<vmem_shared>> -> memref<768xf32, #tpu.memory_space<vmem_shared>>
      %dma_wait3A_166 = arith.constant 0 : i32
      %dma_wait3A_167 = tpu.memref_slice %arg6[%dma_wait3A_166] : memref<100352xf32, #tpu.memory_space<vmem_shared>> -> memref<768xf32, #tpu.memory_space<vmem_shared>>
      tpu.wait_dma2 semaphore(%arg18 : memref<!tpu.dma_semaphore, #tpu.memory_space<semaphore_mem>>) src(%arg11 : memref<768xf32, #tpu.memory_space<vmem>>) dst(%dma_wait3A_167 : memref<768xf32, #tpu.memory_space<vmem_shared>>)
      %add3A_168 = arith.constant 2 : i32
      %add3A_169 = arith.addi %add3A_163, %add3A_168 : i32
      %mul3A_170 = arith.constant 768 : i32
      %mul3A_171 = arith.muli %add3A_169, %mul3A_170 : i32
      %add3A_172 = arith.addi %add3A, %mul3A_171 : i32
      %dma_start3A_173 = arith.constant 1 : i32
      %dma_start3A_174 = tpu.memref_slice %arg2[%dma_start3A_173, %add3A_172] : memref<2x3244032xi32, #tpu.memory_space<hbm>> -> memref<1x768xi32, #tpu.memory_space<hbm>>
      %dma_start3A_175 = tpu.memref_squeeze %dma_start3A_174 : memref<1x768xi32, #tpu.memory_space<hbm>> -> memref<768xi32, #tpu.memory_space<hbm>>
      %dma_start3A_176 = tpu.memref_slice %arg2[%dma_start3A_173, %add3A_172] : memref<2x3244032xi32, #tpu.memory_space<hbm>> -> memref<1x768xi32, #tpu.memory_space<hbm>>
      %dma_start3A_177 = tpu.memref_squeeze %dma_start3A_176 : memref<1x768xi32, #tpu.memory_space<hbm>> -> memref<768xi32, #tpu.memory_space<hbm>>
      tpu.enqueue_dma source(%dma_start3A_177 : memref<768xi32, #tpu.memory_space<hbm>>) target(%arg9 : memref<768xi32, #tpu.memory_space<vmem>>) target_semaphore(%arg14 : memref<!tpu.dma_semaphore, #tpu.memory_space<semaphore_mem>>)
      %dma_wait3A_178 = arith.constant 1 : i32
      %dma_wait3A_179 = arith.constant 0 : i32
      %dma_wait3A_180 = tpu.memref_slice %arg2[%dma_wait3A_178, %dma_wait3A_179] : memref<2x3244032xi32, #tpu.memory_space<hbm>> -> memref<1x768xi32, #tpu.memory_space<hbm>>
      %dma_wait3A_181 = tpu.memref_squeeze %dma_wait3A_180 : memref<1x768xi32, #tpu.memory_space<hbm>> -> memref<768xi32, #tpu.memory_space<hbm>>
      %dma_wait3A_182 = arith.constant 0 : i32
      %dma_wait3A_183 = tpu.memref_slice %arg2[%dma_wait3A_178, %dma_wait3A_182] : memref<2x3244032xi32, #tpu.memory_space<hbm>> -> memref<1x768xi32, #tpu.memory_space<hbm>>
      %dma_wait3A_184 = tpu.memref_squeeze %dma_wait3A_183 : memref<1x768xi32, #tpu.memory_space<hbm>> -> memref<768xi32, #tpu.memory_space<hbm>>
      tpu.wait_dma2 semaphore(%arg12 : memref<!tpu.dma_semaphore, #tpu.memory_space<semaphore_mem>>) src(%dma_wait3A_184 : memref<768xi32, #tpu.memory_space<hbm>>) dst(%arg7 : memref<768xi32, #tpu.memory_space<vmem>>)
      %dma_start3A_185 = arith.constant 0 : i32
      %dma_start3A_186 = tpu.memref_slice %arg6[%dma_start3A_185] : memref<100352xf32, #tpu.memory_space<vmem_shared>> -> memref<100352xf32, #tpu.memory_space<vmem_shared>>
      tpu.enqueue_indirect_dma source(%arg11 : memref<768xf32, #tpu.memory_space<vmem>>) target(%dma_start3A_186 : memref<100352xf32, #tpu.memory_space<vmem_shared>>) offsets(%arg7 : memref<768xi32, #tpu.memory_space<vmem>>) semaphore(%arg16 : memref<!tpu.dma_semaphore, #tpu.memory_space<semaphore_mem>>) {add = true}
      %mul3A_187 = arith.constant 4 : i32
      %mul3A_188 = arith.muli %while3A_99, %mul3A_187 : i32
      %add3A_189 = arith.constant 2 : i32
      %add3A_190 = arith.addi %add3A_189, %mul3A_188 : i32
      %add3A_191 = arith.constant 3 : i32
      %add3A_192 = arith.addi %add3A_190, %add3A_191 : i32
      %dma_wait3A_193 = arith.constant 0 : i32
      %dma_wait3A_194 = tpu.memref_slice %arg6[%dma_wait3A_193] : memref<100352xf32, #tpu.memory_space<vmem_shared>> -> memref<768xf32, #tpu.memory_space<vmem_shared>>
      %dma_wait3A_195 = arith.constant 0 : i32
      %dma_wait3A_196 = tpu.memref_slice %arg6[%dma_wait3A_195] : memref<100352xf32, #tpu.memory_space<vmem_shared>> -> memref<768xf32, #tpu.memory_space<vmem_shared>>
      tpu.wait_dma2 semaphore(%arg19 : memref<!tpu.dma_semaphore, #tpu.memory_space<semaphore_mem>>) src(%arg11 : memref<768xf32, #tpu.memory_space<vmem>>) dst(%dma_wait3A_196 : memref<768xf32, #tpu.memory_space<vmem_shared>>)
      %add3A_197 = arith.constant 2 : i32
      %add3A_198 = arith.addi %add3A_192, %add3A_197 : i32
      %mul3A_199 = arith.constant 768 : i32
      %mul3A_200 = arith.muli %add3A_198, %mul3A_199 : i32
      %add3A_201 = arith.addi %add3A, %mul3A_200 : i32
      %dma_start3A_202 = arith.constant 1 : i32
      %dma_start3A_203 = tpu.memref_slice %arg2[%dma_start3A_202, %add3A_201] : memref<2x3244032xi32, #tpu.memory_space<hbm>> -> memref<1x768xi32, #tpu.memory_space<hbm>>
      %dma_start3A_204 = tpu.memref_squeeze %dma_start3A_203 : memref<1x768xi32, #tpu.memory_space<hbm>> -> memref<768xi32, #tpu.memory_space<hbm>>
      %dma_start3A_205 = tpu.memref_slice %arg2[%dma_start3A_202, %add3A_201] : memref<2x3244032xi32, #tpu.memory_space<hbm>> -> memref<1x768xi32, #tpu.memory_space<hbm>>
      %dma_start3A_206 = tpu.memref_squeeze %dma_start3A_205 : memref<1x768xi32, #tpu.memory_space<hbm>> -> memref<768xi32, #tpu.memory_space<hbm>>
      tpu.enqueue_dma source(%dma_start3A_206 : memref<768xi32, #tpu.memory_space<hbm>>) target(%arg10 : memref<768xi32, #tpu.memory_space<vmem>>) target_semaphore(%arg15 : memref<!tpu.dma_semaphore, #tpu.memory_space<semaphore_mem>>)
      %dma_wait3A_207 = arith.constant 1 : i32
      %dma_wait3A_208 = arith.constant 0 : i32
      %dma_wait3A_209 = tpu.memref_slice %arg2[%dma_wait3A_207, %dma_wait3A_208] : memref<2x3244032xi32, #tpu.memory_space<hbm>> -> memref<1x768xi32, #tpu.memory_space<hbm>>
      %dma_wait3A_210 = tpu.memref_squeeze %dma_wait3A_209 : memref<1x768xi32, #tpu.memory_space<hbm>> -> memref<768xi32, #tpu.memory_space<hbm>>
      %dma_wait3A_211 = arith.constant 0 : i32
      %dma_wait3A_212 = tpu.memref_slice %arg2[%dma_wait3A_207, %dma_wait3A_211] : memref<2x3244032xi32, #tpu.memory_space<hbm>> -> memref<1x768xi32, #tpu.memory_space<hbm>>
      %dma_wait3A_213 = tpu.memref_squeeze %dma_wait3A_212 : memref<1x768xi32, #tpu.memory_space<hbm>> -> memref<768xi32, #tpu.memory_space<hbm>>
      tpu.wait_dma2 semaphore(%arg13 : memref<!tpu.dma_semaphore, #tpu.memory_space<semaphore_mem>>) src(%dma_wait3A_213 : memref<768xi32, #tpu.memory_space<hbm>>) dst(%arg8 : memref<768xi32, #tpu.memory_space<vmem>>)
      %dma_start3A_214 = arith.constant 0 : i32
      %dma_start3A_215 = tpu.memref_slice %arg6[%dma_start3A_214] : memref<100352xf32, #tpu.memory_space<vmem_shared>> -> memref<100352xf32, #tpu.memory_space<vmem_shared>>
      tpu.enqueue_indirect_dma source(%arg11 : memref<768xf32, #tpu.memory_space<vmem>>) target(%dma_start3A_215 : memref<100352xf32, #tpu.memory_space<vmem_shared>>) offsets(%arg8 : memref<768xi32, #tpu.memory_space<vmem>>) semaphore(%arg17 : memref<!tpu.dma_semaphore, #tpu.memory_space<semaphore_mem>>) {add = true}
    }
    %while3A_63 = arith.constant 1 : i32
    scf.for %while3A_99 = %while3A_61 to %while3A_57 step %while3A_63  : i32 {
      %mul3A_100 = arith.constant 4 : i32
      %mul3A_101 = arith.muli %while3A_99, %mul3A_100 : i32
      %add3A_102 = arith.constant 2 : i32
      %add3A_103 = arith.addi %add3A_102, %mul3A_101 : i32
      %add3A_104 = arith.constant 0 : i32
      %add3A_105 = arith.addi %add3A_103, %add3A_104 : i32
      %dma_wait3A_106 = arith.constant 0 : i32
      %dma_wait3A_107 = tpu.memref_slice %arg6[%dma_wait3A_106] : memref<100352xf32, #tpu.memory_space<vmem_shared>> -> memref<768xf32, #tpu.memory_space<vmem_shared>>
      %dma_wait3A_108 = arith.constant 0 : i32
      %dma_wait3A_109 = tpu.memref_slice %arg6[%dma_wait3A_108] : memref<100352xf32, #tpu.memory_space<vmem_shared>> -> memref<768xf32, #tpu.memory_space<vmem_shared>>
      tpu.wait_dma2 semaphore(%arg16 : memref<!tpu.dma_semaphore, #tpu.memory_space<semaphore_mem>>) src(%arg11 : memref<768xf32, #tpu.memory_space<vmem>>) dst(%dma_wait3A_109 : memref<768xf32, #tpu.memory_space<vmem_shared>>)
      %add3A_110 = arith.constant 2 : i32
      %add3A_111 = arith.addi %add3A_105, %add3A_110 : i32
      %mul3A_112 = arith.constant 768 : i32
      %mul3A_113 = arith.muli %add3A_111, %mul3A_112 : i32
      %add3A_114 = arith.addi %add3A, %mul3A_113 : i32
      %dma_start3A_115 = arith.constant 1 : i32
      %dma_start3A_116 = tpu.memref_slice %arg2[%dma_start3A_115, %add3A_114] : memref<2x3244032xi32, #tpu.memory_space<hbm>> -> memref<1x768xi32, #tpu.memory_space<hbm>>
      %dma_start3A_117 = tpu.memref_squeeze %dma_start3A_116 : memref<1x768xi32, #tpu.memory_space<hbm>> -> memref<768xi32, #tpu.memory_space<hbm>>
      %dma_start3A_118 = tpu.memref_slice %arg2[%dma_start3A_115, %add3A_114] : memref<2x3244032xi32, #tpu.memory_space<hbm>> -> memref<1x768xi32, #tpu.memory_space<hbm>>
      %dma_start3A_119 = tpu.memref_squeeze %dma_start3A_118 : memref<1x768xi32, #tpu.memory_space<hbm>> -> memref<768xi32, #tpu.memory_space<hbm>>
      tpu.enqueue_dma source(%dma_start3A_119 : memref<768xi32, #tpu.memory_space<hbm>>) target(%arg7 : memref<768xi32, #tpu.memory_space<vmem>>) target_semaphore(%arg12 : memref<!tpu.dma_semaphore, #tpu.memory_space<semaphore_mem>>)
      %dma_wait3A_120 = arith.constant 1 : i32
      %dma_wait3A_121 = arith.constant 0 : i32
      %dma_wait3A_122 = tpu.memref_slice %arg2[%dma_wait3A_120, %dma_wait3A_121] : memref<2x3244032xi32, #tpu.memory_space<hbm>> -> memref<1x768xi32, #tpu.memory_space<hbm>>
      %dma_wait3A_123 = tpu.memref_squeeze %dma_wait3A_122 : memref<1x768xi32, #tpu.memory_space<hbm>> -> memref<768xi32, #tpu.memory_space<hbm>>
      %dma_wait3A_124 = arith.constant 0 : i32
      %dma_wait3A_125 = tpu.memref_slice %arg2[%dma_wait3A_120, %dma_wait3A_124] : memref<2x3244032xi32, #tpu.memory_space<hbm>> -> memref<1x768xi32, #tpu.memory_space<hbm>>
      %dma_wait3A_126 = tpu.memref_squeeze %dma_wait3A_125 : memref<1x768xi32, #tpu.memory_space<hbm>> -> memref<768xi32, #tpu.memory_space<hbm>>
      tpu.wait_dma2 semaphore(%arg14 : memref<!tpu.dma_semaphore, #tpu.memory_space<semaphore_mem>>) src(%dma_wait3A_126 : memref<768xi32, #tpu.memory_space<hbm>>) dst(%arg9 : memref<768xi32, #tpu.memory_space<vmem>>)
      %dma_start3A_127 = arith.constant 0 : i32
      %dma_start3A_128 = tpu.memref_slice %arg6[%dma_start3A_127] : memref<100352xf32, #tpu.memory_space<vmem_shared>> -> memref<100352xf32, #tpu.memory_space<vmem_shared>>
      tpu.enqueue_indirect_dma source(%arg11 : memref<768xf32, #tpu.memory_space<vmem>>) target(%dma_start3A_128 : memref<100352xf32, #tpu.memory_space<vmem_shared>>) offsets(%arg9 : memref<768xi32, #tpu.memory_space<vmem>>) semaphore(%arg18 : memref<!tpu.dma_semaphore, #tpu.memory_space<semaphore_mem>>) {add = true}
      %mul3A_129 = arith.constant 4 : i32
      %mul3A_130 = arith.muli %while3A_99, %mul3A_129 : i32
      %add3A_131 = arith.constant 2 : i32
      %add3A_132 = arith.addi %add3A_131, %mul3A_130 : i32
      %add3A_133 = arith.constant 1 : i32
      %add3A_134 = arith.addi %add3A_132, %add3A_133 : i32
      %dma_wait3A_135 = arith.constant 0 : i32
      %dma_wait3A_136 = tpu.memref_slice %arg6[%dma_wait3A_135] : memref<100352xf32, #tpu.memory_space<vmem_shared>> -> memref<768xf32, #tpu.memory_space<vmem_shared>>
      %dma_wait3A_137 = arith.constant 0 : i32
      %dma_wait3A_138 = tpu.memref_slice %arg6[%dma_wait3A_137] : memref<100352xf32, #tpu.memory_space<vmem_shared>> -> memref<768xf32, #tpu.memory_space<vmem_shared>>
      tpu.wait_dma2 semaphore(%arg17 : memref<!tpu.dma_semaphore, #tpu.memory_space<semaphore_mem>>) src(%arg11 : memref<768xf32, #tpu.memory_space<vmem>>) dst(%dma_wait3A_138 : memref<768xf32, #tpu.memory_space<vmem_shared>>)
      %add3A_139 = arith.constant 2 : i32
      %add3A_140 = arith.addi %add3A_134, %add3A_139 : i32
      %mul3A_141 = arith.constant 768 : i32
      %mul3A_142 = arith.muli %add3A_140, %mul3A_141 : i32
      %add3A_143 = arith.addi %add3A, %mul3A_142 : i32
      %dma_start3A_144 = arith.constant 1 : i32
      %dma_start3A_145 = tpu.memref_slice %arg2[%dma_start3A_144, %add3A_143] : memref<2x3244032xi32, #tpu.memory_space<hbm>> -> memref<1x768xi32, #tpu.memory_space<hbm>>
      %dma_start3A_146 = tpu.memref_squeeze %dma_start3A_145 : memref<1x768xi32, #tpu.memory_space<hbm>> -> memref<768xi32, #tpu.memory_space<hbm>>
      %dma_start3A_147 = tpu.memref_slice %arg2[%dma_start3A_144, %add3A_143] : memref<2x3244032xi32, #tpu.memory_space<hbm>> -> memref<1x768xi32, #tpu.memory_space<hbm>>
      %dma_start3A_148 = tpu.memref_squeeze %dma_start3A_147 : memref<1x768xi32, #tpu.memory_space<hbm>> -> memref<768xi32, #tpu.memory_space<hbm>>
      tpu.enqueue_dma source(%dma_start3A_148 : memref<768xi32, #tpu.memory_space<hbm>>) target(%arg8 : memref<768xi32, #tpu.memory_space<vmem>>) target_semaphore(%arg13 : memref<!tpu.dma_semaphore, #tpu.memory_space<semaphore_mem>>)
      %dma_wait3A_149 = arith.constant 1 : i32
      %dma_wait3A_150 = arith.constant 0 : i32
      %dma_wait3A_151 = tpu.memref_slice %arg2[%dma_wait3A_149, %dma_wait3A_150] : memref<2x3244032xi32, #tpu.memory_space<hbm>> -> memref<1x768xi32, #tpu.memory_space<hbm>>
      %dma_wait3A_152 = tpu.memref_squeeze %dma_wait3A_151 : memref<1x768xi32, #tpu.memory_space<hbm>> -> memref<768xi32, #tpu.memory_space<hbm>>
      %dma_wait3A_153 = arith.constant 0 : i32
      %dma_wait3A_154 = tpu.memref_slice %arg2[%dma_wait3A_149, %dma_wait3A_153] : memref<2x3244032xi32, #tpu.memory_space<hbm>> -> memref<1x768xi32, #tpu.memory_space<hbm>>
      %dma_wait3A_155 = tpu.memref_squeeze %dma_wait3A_154 : memref<1x768xi32, #tpu.memory_space<hbm>> -> memref<768xi32, #tpu.memory_space<hbm>>
      tpu.wait_dma2 semaphore(%arg15 : memref<!tpu.dma_semaphore, #tpu.memory_space<semaphore_mem>>) src(%dma_wait3A_155 : memref<768xi32, #tpu.memory_space<hbm>>) dst(%arg10 : memref<768xi32, #tpu.memory_space<vmem>>)
      %dma_start3A_156 = arith.constant 0 : i32
      %dma_start3A_157 = tpu.memref_slice %arg6[%dma_start3A_156] : memref<100352xf32, #tpu.memory_space<vmem_shared>> -> memref<100352xf32, #tpu.memory_space<vmem_shared>>
      tpu.enqueue_indirect_dma source(%arg11 : memref<768xf32, #tpu.memory_space<vmem>>) target(%dma_start3A_157 : memref<100352xf32, #tpu.memory_space<vmem_shared>>) offsets(%arg10 : memref<768xi32, #tpu.memory_space<vmem>>) semaphore(%arg19 : memref<!tpu.dma_semaphore, #tpu.memory_space<semaphore_mem>>) {add = true}
      %mul3A_158 = arith.constant 4 : i32
      %mul3A_159 = arith.muli %while3A_99, %mul3A_158 : i32
      %add3A_160 = arith.constant 2 : i32
      %add3A_161 = arith.addi %add3A_160, %mul3A_159 : i32
      %add3A_162 = arith.constant 2 : i32
      %add3A_163 = arith.addi %add3A_161, %add3A_162 : i32
      %dma_wait3A_164 = arith.constant 0 : i32
      %dma_wait3A_165 = tpu.memref_slice %arg6[%dma_wait3A_164] : memref<100352xf32, #tpu.memory_space<vmem_shared>> -> memref<768xf32, #tpu.memory_space<vmem_shared>>
      %dma_wait3A_166 = arith.constant 0 : i32
      %dma_wait3A_167 = tpu.memref_slice %arg6[%dma_wait3A_166] : memref<100352xf32, #tpu.memory_space<vmem_shared>> -> memref<768xf32, #tpu.memory_space<vmem_shared>>
      tpu.wait_dma2 semaphore(%arg18 : memref<!tpu.dma_semaphore, #tpu.memory_space<semaphore_mem>>) src(%arg11 : memref<768xf32, #tpu.memory_space<vmem>>) dst(%dma_wait3A_167 : memref<768xf32, #tpu.memory_space<vmem_shared>>)
      %add3A_168 = arith.constant 2 : i32
      %add3A_169 = arith.addi %add3A_163, %add3A_168 : i32
      %mul3A_170 = arith.constant 768 : i32
      %mul3A_171 = arith.muli %add3A_169, %mul3A_170 : i32
      %add3A_172 = arith.addi %add3A, %mul3A_171 : i32
      %dma_start3A_173 = arith.constant 1 : i32
      %dma_start3A_174 = tpu.memref_slice %arg2[%dma_start3A_173, %add3A_172] : memref<2x3244032xi32, #tpu.memory_space<hbm>> -> memref<1x768xi32, #tpu.memory_space<hbm>>
      %dma_start3A_175 = tpu.memref_squeeze %dma_start3A_174 : memref<1x768xi32, #tpu.memory_space<hbm>> -> memref<768xi32, #tpu.memory_space<hbm>>
      %dma_start3A_176 = tpu.memref_slice %arg2[%dma_start3A_173, %add3A_172] : memref<2x3244032xi32, #tpu.memory_space<hbm>> -> memref<1x768xi32, #tpu.memory_space<hbm>>
      %dma_start3A_177 = tpu.memref_squeeze %dma_start3A_176 : memref<1x768xi32, #tpu.memory_space<hbm>> -> memref<768xi32, #tpu.memory_space<hbm>>
      tpu.enqueue_dma source(%dma_start3A_177 : memref<768xi32, #tpu.memory_space<hbm>>) target(%arg9 : memref<768xi32, #tpu.memory_space<vmem>>) target_semaphore(%arg14 : memref<!tpu.dma_semaphore, #tpu.memory_space<semaphore_mem>>)
      %dma_wait3A_178 = arith.constant 1 : i32
      %dma_wait3A_179 = arith.constant 0 : i32
      %dma_wait3A_180 = tpu.memref_slice %arg2[%dma_wait3A_178, %dma_wait3A_179] : memref<2x3244032xi32, #tpu.memory_space<hbm>> -> memref<1x768xi32, #tpu.memory_space<hbm>>
      %dma_wait3A_181 = tpu.memref_squeeze %dma_wait3A_180 : memref<1x768xi32, #tpu.memory_space<hbm>> -> memref<768xi32, #tpu.memory_space<hbm>>
      %dma_wait3A_182 = arith.constant 0 : i32
      %dma_wait3A_183 = tpu.memref_slice %arg2[%dma_wait3A_178, %dma_wait3A_182] : memref<2x3244032xi32, #tpu.memory_space<hbm>> -> memref<1x768xi32, #tpu.memory_space<hbm>>
      %dma_wait3A_184 = tpu.memref_squeeze %dma_wait3A_183 : memref<1x768xi32, #tpu.memory_space<hbm>> -> memref<768xi32, #tpu.memory_space<hbm>>
      tpu.wait_dma2 semaphore(%arg12 : memref<!tpu.dma_semaphore, #tpu.memory_space<semaphore_mem>>) src(%dma_wait3A_184 : memref<768xi32, #tpu.memory_space<hbm>>) dst(%arg7 : memref<768xi32, #tpu.memory_space<vmem>>)
      %dma_start3A_185 = arith.constant 0 : i32
      %dma_start3A_186 = tpu.memref_slice %arg6[%dma_start3A_185] : memref<100352xf32, #tpu.memory_space<vmem_shared>> -> memref<100352xf32, #tpu.memory_space<vmem_shared>>
      tpu.enqueue_indirect_dma source(%arg11 : memref<768xf32, #tpu.memory_space<vmem>>) target(%dma_start3A_186 : memref<100352xf32, #tpu.memory_space<vmem_shared>>) offsets(%arg7 : memref<768xi32, #tpu.memory_space<vmem>>) semaphore(%arg16 : memref<!tpu.dma_semaphore, #tpu.memory_space<semaphore_mem>>) {add = true}
      %mul3A_187 = arith.constant 4 : i32
      %mul3A_188 = arith.muli %while3A_99, %mul3A_187 : i32
      %add3A_189 = arith.constant 2 : i32
      %add3A_190 = arith.addi %add3A_189, %mul3A_188 : i32
      %add3A_191 = arith.constant 3 : i32
      %add3A_192 = arith.addi %add3A_190, %add3A_191 : i32
      %dma_wait3A_193 = arith.constant 0 : i32
      %dma_wait3A_194 = tpu.memref_slice %arg6[%dma_wait3A_193] : memref<100352xf32, #tpu.memory_space<vmem_shared>> -> memref<768xf32, #tpu.memory_space<vmem_shared>>
      %dma_wait3A_195 = arith.constant 0 : i32
      %dma_wait3A_196 = tpu.memref_slice %arg6[%dma_wait3A_195] : memref<100352xf32, #tpu.memory_space<vmem_shared>> -> memref<768xf32, #tpu.memory_space<vmem_shared>>
      tpu.wait_dma2 semaphore(%arg19 : memref<!tpu.dma_semaphore, #tpu.memory_space<semaphore_mem>>) src(%arg11 : memref<768xf32, #tpu.memory_space<vmem>>) dst(%dma_wait3A_196 : memref<768xf32, #tpu.memory_space<vmem_shared>>)
      %add3A_197 = arith.constant 2 : i32
      %add3A_198 = arith.addi %add3A_192, %add3A_197 : i32
      %mul3A_199 = arith.constant 768 : i32
      %mul3A_200 = arith.muli %add3A_198, %mul3A_199 : i32
      %add3A_201 = arith.addi %add3A, %mul3A_200 : i32
      %dma_start3A_202 = arith.constant 1 : i32
      %dma_start3A_203 = tpu.memref_slice %arg2[%dma_start3A_202, %add3A_201] : memref<2x3244032xi32, #tpu.memory_space<hbm>> -> memref<1x768xi32, #tpu.memory_space<hbm>>
      %dma_start3A_204 = tpu.memref_squeeze %dma_start3A_203 : memref<1x768xi32, #tpu.memory_space<hbm>> -> memref<768xi32, #tpu.memory_space<hbm>>
      %dma_start3A_205 = tpu.memref_slice %arg2[%dma_start3A_202, %add3A_201] : memref<2x3244032xi32, #tpu.memory_space<hbm>> -> memref<1x768xi32, #tpu.memory_space<hbm>>
      %dma_start3A_206 = tpu.memref_squeeze %dma_start3A_205 : memref<1x768xi32, #tpu.memory_space<hbm>> -> memref<768xi32, #tpu.memory_space<hbm>>
      tpu.enqueue_dma source(%dma_start3A_206 : memref<768xi32, #tpu.memory_space<hbm>>) target(%arg10 : memref<768xi32, #tpu.memory_space<vmem>>) target_semaphore(%arg15 : memref<!tpu.dma_semaphore, #tpu.memory_space<semaphore_mem>>)
      %dma_wait3A_207 = arith.constant 1 : i32
      %dma_wait3A_208 = arith.constant 0 : i32
      %dma_wait3A_209 = tpu.memref_slice %arg2[%dma_wait3A_207, %dma_wait3A_208] : memref<2x3244032xi32, #tpu.memory_space<hbm>> -> memref<1x768xi32, #tpu.memory_space<hbm>>
      %dma_wait3A_210 = tpu.memref_squeeze %dma_wait3A_209 : memref<1x768xi32, #tpu.memory_space<hbm>> -> memref<768xi32, #tpu.memory_space<hbm>>
      %dma_wait3A_211 = arith.constant 0 : i32
      %dma_wait3A_212 = tpu.memref_slice %arg2[%dma_wait3A_207, %dma_wait3A_211] : memref<2x3244032xi32, #tpu.memory_space<hbm>> -> memref<1x768xi32, #tpu.memory_space<hbm>>
      %dma_wait3A_213 = tpu.memref_squeeze %dma_wait3A_212 : memref<1x768xi32, #tpu.memory_space<hbm>> -> memref<768xi32, #tpu.memory_space<hbm>>
      tpu.wait_dma2 semaphore(%arg13 : memref<!tpu.dma_semaphore, #tpu.memory_space<semaphore_mem>>) src(%dma_wait3A_213 : memref<768xi32, #tpu.memory_space<hbm>>) dst(%arg8 : memref<768xi32, #tpu.memory_space<vmem>>)
      %dma_start3A_214 = arith.constant 0 : i32
      %dma_start3A_215 = tpu.memref_slice %arg6[%dma_start3A_214] : memref<100352xf32, #tpu.memory_space<vmem_shared>> -> memref<100352xf32, #tpu.memory_space<vmem_shared>>
      tpu.enqueue_indirect_dma source(%arg11 : memref<768xf32, #tpu.memory_space<vmem>>) target(%dma_start3A_215 : memref<100352xf32, #tpu.memory_space<vmem_shared>>) offsets(%arg8 : memref<768xi32, #tpu.memory_space<vmem>>) semaphore(%arg17 : memref<!tpu.dma_semaphore, #tpu.memory_space<semaphore_mem>>) {add = true}
    }
    %dma_wait3A_64 = arith.constant 0 : i32
    %dma_wait3A_65 = tpu.memref_slice %arg6[%dma_wait3A_64] : memref<100352xf32, #tpu.memory_space<vmem_shared>> -> memref<768xf32, #tpu.memory_space<vmem_shared>>
    %dma_wait3A_66 = arith.constant 0 : i32
    %dma_wait3A_67 = tpu.memref_slice %arg6[%dma_wait3A_66] : memref<100352xf32, #tpu.memory_space<vmem_shared>> -> memref<768xf32, #tpu.memory_space<vmem_shared>>
    tpu.wait_dma2 semaphore(%arg16 : memref<!tpu.dma_semaphore, #tpu.memory_space<semaphore_mem>>) src(%arg11 : memref<768xf32, #tpu.memory_space<vmem>>) dst(%dma_wait3A_67 : memref<768xf32, #tpu.memory_space<vmem_shared>>)
    %dma_wait3A_68 = arith.constant 1 : i32
    %dma_wait3A_69 = arith.constant 0 : i32
    %dma_wait3A_70 = tpu.memref_slice %arg2[%dma_wait3A_68, %dma_wait3A_69] : memref<2x3244032xi32, #tpu.memory_space<hbm>> -> memref<1x768xi32, #tpu.memory_space<hbm>>
    %dma_wait3A_71 = tpu.memref_squeeze %dma_wait3A_70 : memref<1x768xi32, #tpu.memory_space<hbm>> -> memref<768xi32, #tpu.memory_space<hbm>>
    %dma_wait3A_72 = arith.constant 0 : i32
    %dma_wait3A_73 = tpu.memref_slice %arg2[%dma_wait3A_68, %dma_wait3A_72] : memref<2x3244032xi32, #tpu.memory_space<hbm>> -> memref<1x768xi32, #tpu.memory_space<hbm>>
    %dma_wait3A_74 = tpu.memref_squeeze %dma_wait3A_73 : memref<1x768xi32, #tpu.memory_space<hbm>> -> memref<768xi32, #tpu.memory_space<hbm>>
    tpu.wait_dma2 semaphore(%arg14 : memref<!tpu.dma_semaphore, #tpu.memory_space<semaphore_mem>>) src(%dma_wait3A_74 : memref<768xi32, #tpu.memory_space<hbm>>) dst(%arg9 : memref<768xi32, #tpu.memory_space<vmem>>)
    %dma_start3A_75 = arith.constant 0 : i32
    %dma_start3A_76 = tpu.memref_slice %arg6[%dma_start3A_75] : memref<100352xf32, #tpu.memory_space<vmem_shared>> -> memref<100352xf32, #tpu.memory_space<vmem_shared>>
    tpu.enqueue_indirect_dma source(%arg11 : memref<768xf32, #tpu.memory_space<vmem>>) target(%dma_start3A_76 : memref<100352xf32, #tpu.memory_space<vmem_shared>>) offsets(%arg9 : memref<768xi32, #tpu.memory_space<vmem>>) semaphore(%arg18 : memref<!tpu.dma_semaphore, #tpu.memory_space<semaphore_mem>>) {add = true}
    %dma_wait3A_77 = arith.constant 0 : i32
    %dma_wait3A_78 = tpu.memref_slice %arg6[%dma_wait3A_77] : memref<100352xf32, #tpu.memory_space<vmem_shared>> -> memref<768xf32, #tpu.memory_space<vmem_shared>>
    %dma_wait3A_79 = arith.constant 0 : i32
    %dma_wait3A_80 = tpu.memref_slice %arg6[%dma_wait3A_79] : memref<100352xf32, #tpu.memory_space<vmem_shared>> -> memref<768xf32, #tpu.memory_space<vmem_shared>>
    tpu.wait_dma2 semaphore(%arg17 : memref<!tpu.dma_semaphore, #tpu.memory_space<semaphore_mem>>) src(%arg11 : memref<768xf32, #tpu.memory_space<vmem>>) dst(%dma_wait3A_80 : memref<768xf32, #tpu.memory_space<vmem_shared>>)
    %dma_wait3A_81 = arith.constant 1 : i32
    %dma_wait3A_82 = arith.constant 0 : i32
    %dma_wait3A_83 = tpu.memref_slice %arg2[%dma_wait3A_81, %dma_wait3A_82] : memref<2x3244032xi32, #tpu.memory_space<hbm>> -> memref<1x768xi32, #tpu.memory_space<hbm>>
    %dma_wait3A_84 = tpu.memref_squeeze %dma_wait3A_83 : memref<1x768xi32, #tpu.memory_space<hbm>> -> memref<768xi32, #tpu.memory_space<hbm>>
    %dma_wait3A_85 = arith.constant 0 : i32
    %dma_wait3A_86 = tpu.memref_slice %arg2[%dma_wait3A_81, %dma_wait3A_85] : memref<2x3244032xi32, #tpu.memory_space<hbm>> -> memref<1x768xi32, #tpu.memory_space<hbm>>
    %dma_wait3A_87 = tpu.memref_squeeze %dma_wait3A_86 : memref<1x768xi32, #tpu.memory_space<hbm>> -> memref<768xi32, #tpu.memory_space<hbm>>
    tpu.wait_dma2 semaphore(%arg15 : memref<!tpu.dma_semaphore, #tpu.memory_space<semaphore_mem>>) src(%dma_wait3A_87 : memref<768xi32, #tpu.memory_space<hbm>>) dst(%arg10 : memref<768xi32, #tpu.memory_space<vmem>>)
    %dma_start3A_88 = arith.constant 0 : i32
    %dma_start3A_89 = tpu.memref_slice %arg6[%dma_start3A_88] : memref<100352xf32, #tpu.memory_space<vmem_shared>> -> memref<100352xf32, #tpu.memory_space<vmem_shared>>
    tpu.enqueue_indirect_dma source(%arg11 : memref<768xf32, #tpu.memory_space<vmem>>) target(%dma_start3A_89 : memref<100352xf32, #tpu.memory_space<vmem_shared>>) offsets(%arg10 : memref<768xi32, #tpu.memory_space<vmem>>) semaphore(%arg19 : memref<!tpu.dma_semaphore, #tpu.memory_space<semaphore_mem>>) {add = true}
    %dma_wait3A_90 = arith.constant 0 : i32
    %dma_wait3A_91 = tpu.memref_slice %arg6[%dma_wait3A_90] : memref<100352xf32, #tpu.memory_space<vmem_shared>> -> memref<768xf32, #tpu.memory_space<vmem_shared>>
    %dma_wait3A_92 = arith.constant 0 : i32
    %dma_wait3A_93 = tpu.memref_slice %arg6[%dma_wait3A_92] : memref<100352xf32, #tpu.memory_space<vmem_shared>> -> memref<768xf32, #tpu.memory_space<vmem_shared>>
    tpu.wait_dma2 semaphore(%arg18 : memref<!tpu.dma_semaphore, #tpu.memory_space<semaphore_mem>>) src(%arg11 : memref<768xf32, #tpu.memory_space<vmem>>) dst(%dma_wait3A_93 : memref<768xf32, #tpu.memory_space<vmem_shared>>)
    %dma_wait3A_94 = arith.constant 0 : i32
    %dma_wait3A_95 = tpu.memref_slice %arg6[%dma_wait3A_94] : memref<100352xf32, #tpu.memory_space<vmem_shared>> -> memref<768xf32, #tpu.memory_space<vmem_shared>>
    %dma_wait3A_96 = arith.constant 0 : i32
    %dma_wait3A_97 = tpu.memref_slice %arg6[%dma_wait3A_96] : memref<100352xf32, #tpu.memory_space<vmem_shared>> -> memref<768xf32, #tpu.memory_space<vmem_shared>>
    tpu.wait_dma2 semaphore(%arg19 : memref<!tpu.dma_semaphore, #tpu.memory_space<semaphore_mem>>) src(%arg11 : memref<768xf32, #tpu.memory_space<vmem>>) dst(%dma_wait3A_97 : memref<768xf32, #tpu.memory_space<vmem_shared>>)
    %barrier3A_98 = arith.constant 0 : index
    tpu.barrier barrier_id(%barrier3A_98)
    "tpu.region"() ({
      %run_scoped3A = tpu.sem_alloc : memref<!tpu.dma_semaphore, #tpu.memory_space<semaphore_mem>>
      %dma_start3A_99 = tpu.memref_slice %arg5[%arg0, %mul3A_0] : memref<2x100352xf32, #tpu.memory_space<hbm>> -> memref<1x6272xf32, #tpu.memory_space<hbm>>
      %dma_start3A_100 = tpu.memref_squeeze %dma_start3A_99 : memref<1x6272xf32, #tpu.memory_space<hbm>> -> memref<6272xf32, #tpu.memory_space<hbm>>
      %dma_start3A_101 = tpu.memref_slice %arg6[%mul3A_0] : memref<100352xf32, #tpu.memory_space<vmem_shared>> -> memref<6272xf32, #tpu.memory_space<vmem_shared>>
      tpu.enqueue_dma source(%dma_start3A_101 : memref<6272xf32, #tpu.memory_space<vmem_shared>>) target(%dma_start3A_100 : memref<6272xf32, #tpu.memory_space<hbm>>) target_semaphore(%run_scoped3A : memref<!tpu.dma_semaphore, #tpu.memory_space<semaphore_mem>>)
      %dma_wait3A_102 = tpu.memref_slice %arg5[%arg0, %mul3A_0] : memref<2x100352xf32, #tpu.memory_space<hbm>> -> memref<1x6272xf32, #tpu.memory_space<hbm>>
      %dma_wait3A_103 = tpu.memref_squeeze %dma_wait3A_102 : memref<1x6272xf32, #tpu.memory_space<hbm>> -> memref<6272xf32, #tpu.memory_space<hbm>>
      %dma_wait3A_104 = tpu.memref_slice %arg6[%mul3A_0] : memref<100352xf32, #tpu.memory_space<vmem_shared>> -> memref<6272xf32, #tpu.memory_space<vmem_shared>>
      tpu.wait_dma2 semaphore(%run_scoped3A : memref<!tpu.dma_semaphore, #tpu.memory_space<semaphore_mem>>) src(%dma_wait3A_104 : memref<6272xf32, #tpu.memory_space<vmem_shared>>) dst(%dma_wait3A_103 : memref<6272xf32, #tpu.memory_space<hbm>>)
      tpu.yield
    }) : () -> ()
    return
  }
}

#map = affine_map<(d0, d1) -> (0, 0)>
#map1 = affine_map<(d0, d1) -> (0, 0, 0)>
module attributes {stable_mosaic.version = 14 : i64} {
  func.func @body(%arg0: i32, %arg1: i32, %arg2: memref<100352x16xf32, #tpu.memory_space<hbm>>, %arg3: memref<2x3244032xi32, #tpu.memory_space<hbm>>, %arg4: memref<100352x16xf32, #tpu.memory_space<hbm>>, %arg5: memref<2x100352x16xf32, #tpu.memory_space<hbm>>, %arg6: memref<100352x16xf32, #tpu.memory_space<vmem_shared>>, %arg7: memref<384xi32, #tpu.memory_space<vmem>>, %arg8: memref<384xi32, #tpu.memory_space<vmem>>, %arg9: memref<384xi32, #tpu.memory_space<vmem>>, %arg10: memref<384xi32, #tpu.memory_space<vmem>>, %arg11: memref<384xi32, #tpu.memory_space<vmem>>, %arg12: memref<384xi32, #tpu.memory_space<vmem>>, %arg13: memref<384xi32, #tpu.memory_space<vmem>>, %arg14: memref<384xi32, #tpu.memory_space<vmem>>, %arg15: memref<384x16xf32, #tpu.memory_space<vmem>>, %arg16: memref<384x16xf32, #tpu.memory_space<vmem>>, %arg17: memref<384x16xf32, #tpu.memory_space<vmem>>, %arg18: memref<384x16xf32, #tpu.memory_space<vmem>>, %arg19: memref<!tpu.dma_semaphore, #tpu.memory_space<semaphore_mem>>, %arg20: memref<!tpu.dma_semaphore, #tpu.memory_space<semaphore_mem>>, %arg21: memref<!tpu.dma_semaphore, #tpu.memory_space<semaphore_mem>>, %arg22: memref<!tpu.dma_semaphore, #tpu.memory_space<semaphore_mem>>, %arg23: memref<!tpu.dma_semaphore, #tpu.memory_space<semaphore_mem>>, %arg24: memref<!tpu.dma_semaphore, #tpu.memory_space<semaphore_mem>>, %arg25: memref<!tpu.dma_semaphore, #tpu.memory_space<semaphore_mem>>, %arg26: memref<!tpu.dma_semaphore, #tpu.memory_space<semaphore_mem>>, %arg27: memref<!tpu.dma_semaphore, #tpu.memory_space<semaphore_mem>>, %arg28: memref<!tpu.dma_semaphore, #tpu.memory_space<semaphore_mem>>, %arg29: memref<!tpu.dma_semaphore, #tpu.memory_space<semaphore_mem>>, %arg30: memref<!tpu.dma_semaphore, #tpu.memory_space<semaphore_mem>>) attributes {dimension_semantics = [#tpu.dimension_semantics<core_parallel>, #tpu.dimension_semantics<subcore_parallel>], iteration_bounds = array<i64: 2, 16>, scalar_prefetch = 0 : i64, scratch_operands = 25 : i64, tpu.core_type = #tpu.core_type<sc_vector_subcore>, window_params = [{transform_indices = #map}, {transform_indices = #map}, {transform_indices = #map}, {transform_indices = #map1}]} {
    %mul3A = arith.constant 6272 : i32
    %mul3A_0 = arith.muli %arg1, %mul3A : i32
    %eq3A = arith.constant 0 : i32
    %eq3A_1 = arith.cmpi eq, %arg0, %eq3A : i32
    %jit3A = arith.constant 132096 : i32
    %jit3A_2 = arith.constant 70656 : i32
    %select_n3A = arith.select %eq3A_1, %jit3A, %jit3A_2 : i32
    %mul3A_3 = arith.constant 2113536 : i32
    %mul3A_4 = arith.muli %arg0, %mul3A_3 : i32
    %mul3A_5 = arith.muli %arg1, %select_n3A : i32
    %add3A = arith.addi %mul3A_4, %mul3A_5 : i32
    %eq3A_6 = arith.constant 0 : i32
    %eq3A_7 = arith.cmpi eq, %arg0, %eq3A_6 : i32
    %jit3A_8 = arith.constant 85 : i32
    %jit3A_9 = arith.constant 45 : i32
    %select_n3A_10 = arith.select %eq3A_7, %jit3A_8, %jit3A_9 : i32
    "tpu.region"() ({
      %run_scoped3A = tpu.sem_alloc : memref<!tpu.dma_semaphore, #tpu.memory_space<semaphore_mem>>
      %dma_start3A_203 = arith.constant 0 : i32
      %dma_start3A_204 = tpu.memref_slice %arg6[%mul3A_0, %dma_start3A_203] : memref<100352x16xf32, #tpu.memory_space<vmem_shared>> -> memref<6272x16xf32, #tpu.memory_space<vmem_shared>>
      %dma_start3A_205 = arith.constant 0 : i32
      %dma_start3A_206 = tpu.memref_slice %arg4[%mul3A_0, %dma_start3A_205] : memref<100352x16xf32, #tpu.memory_space<hbm>> -> memref<6272x16xf32, #tpu.memory_space<hbm>>
      tpu.enqueue_dma source(%dma_start3A_206 : memref<6272x16xf32, #tpu.memory_space<hbm>>) target(%dma_start3A_204 : memref<6272x16xf32, #tpu.memory_space<vmem_shared>>) target_semaphore(%run_scoped3A : memref<!tpu.dma_semaphore, #tpu.memory_space<semaphore_mem>>)
      %dma_wait3A_207 = arith.constant 0 : i32
      %dma_wait3A_208 = tpu.memref_slice %arg6[%mul3A_0, %dma_wait3A_207] : memref<100352x16xf32, #tpu.memory_space<vmem_shared>> -> memref<6272x16xf32, #tpu.memory_space<vmem_shared>>
      %dma_wait3A_209 = arith.constant 0 : i32
      %dma_wait3A_210 = tpu.memref_slice %arg4[%mul3A_0, %dma_wait3A_209] : memref<100352x16xf32, #tpu.memory_space<hbm>> -> memref<6272x16xf32, #tpu.memory_space<hbm>>
      tpu.wait_dma2 semaphore(%run_scoped3A : memref<!tpu.dma_semaphore, #tpu.memory_space<semaphore_mem>>) src(%dma_wait3A_210 : memref<6272x16xf32, #tpu.memory_space<hbm>>) dst(%dma_wait3A_208 : memref<6272x16xf32, #tpu.memory_space<vmem_shared>>)
      tpu.yield
    }) : () -> ()
    %barrier3A = arith.constant 0 : index
    tpu.barrier barrier_id(%barrier3A)
    %add3A_11 = arith.constant 0 : i32
    %add3A_12 = arith.addi %add3A, %add3A_11 : i32
    %dma_start3A = arith.constant 0 : i32
    %dma_start3A_13 = tpu.memref_slice %arg3[%dma_start3A, %add3A_12] : memref<2x3244032xi32, #tpu.memory_space<hbm>> -> memref<1x384xi32, #tpu.memory_space<hbm>>
    %dma_start3A_14 = tpu.memref_squeeze %dma_start3A_13 : memref<1x384xi32, #tpu.memory_space<hbm>> -> memref<384xi32, #tpu.memory_space<hbm>>
    %dma_start3A_15 = tpu.memref_slice %arg3[%dma_start3A, %add3A_12] : memref<2x3244032xi32, #tpu.memory_space<hbm>> -> memref<1x384xi32, #tpu.memory_space<hbm>>
    %dma_start3A_16 = tpu.memref_squeeze %dma_start3A_15 : memref<1x384xi32, #tpu.memory_space<hbm>> -> memref<384xi32, #tpu.memory_space<hbm>>
    tpu.enqueue_dma source(%dma_start3A_16 : memref<384xi32, #tpu.memory_space<hbm>>) target(%arg7 : memref<384xi32, #tpu.memory_space<vmem>>) target_semaphore(%arg19 : memref<!tpu.dma_semaphore, #tpu.memory_space<semaphore_mem>>)
    %add3A_17 = arith.constant 0 : i32
    %add3A_18 = arith.addi %add3A, %add3A_17 : i32
    %dma_start3A_19 = arith.constant 1 : i32
    %dma_start3A_20 = tpu.memref_slice %arg3[%dma_start3A_19, %add3A_18] : memref<2x3244032xi32, #tpu.memory_space<hbm>> -> memref<1x384xi32, #tpu.memory_space<hbm>>
    %dma_start3A_21 = tpu.memref_squeeze %dma_start3A_20 : memref<1x384xi32, #tpu.memory_space<hbm>> -> memref<384xi32, #tpu.memory_space<hbm>>
    %dma_start3A_22 = tpu.memref_slice %arg3[%dma_start3A_19, %add3A_18] : memref<2x3244032xi32, #tpu.memory_space<hbm>> -> memref<1x384xi32, #tpu.memory_space<hbm>>
    %dma_start3A_23 = tpu.memref_squeeze %dma_start3A_22 : memref<1x384xi32, #tpu.memory_space<hbm>> -> memref<384xi32, #tpu.memory_space<hbm>>
    tpu.enqueue_dma source(%dma_start3A_23 : memref<384xi32, #tpu.memory_space<hbm>>) target(%arg11 : memref<384xi32, #tpu.memory_space<vmem>>) target_semaphore(%arg19 : memref<!tpu.dma_semaphore, #tpu.memory_space<semaphore_mem>>)
    %add3A_24 = arith.constant 384 : i32
    %add3A_25 = arith.addi %add3A, %add3A_24 : i32
    %dma_start3A_26 = arith.constant 0 : i32
    %dma_start3A_27 = tpu.memref_slice %arg3[%dma_start3A_26, %add3A_25] : memref<2x3244032xi32, #tpu.memory_space<hbm>> -> memref<1x384xi32, #tpu.memory_space<hbm>>
    %dma_start3A_28 = tpu.memref_squeeze %dma_start3A_27 : memref<1x384xi32, #tpu.memory_space<hbm>> -> memref<384xi32, #tpu.memory_space<hbm>>
    %dma_start3A_29 = tpu.memref_slice %arg3[%dma_start3A_26, %add3A_25] : memref<2x3244032xi32, #tpu.memory_space<hbm>> -> memref<1x384xi32, #tpu.memory_space<hbm>>
    %dma_start3A_30 = tpu.memref_squeeze %dma_start3A_29 : memref<1x384xi32, #tpu.memory_space<hbm>> -> memref<384xi32, #tpu.memory_space<hbm>>
    tpu.enqueue_dma source(%dma_start3A_30 : memref<384xi32, #tpu.memory_space<hbm>>) target(%arg8 : memref<384xi32, #tpu.memory_space<vmem>>) target_semaphore(%arg20 : memref<!tpu.dma_semaphore, #tpu.memory_space<semaphore_mem>>)
    %add3A_31 = arith.constant 384 : i32
    %add3A_32 = arith.addi %add3A, %add3A_31 : i32
    %dma_start3A_33 = arith.constant 1 : i32
    %dma_start3A_34 = tpu.memref_slice %arg3[%dma_start3A_33, %add3A_32] : memref<2x3244032xi32, #tpu.memory_space<hbm>> -> memref<1x384xi32, #tpu.memory_space<hbm>>
    %dma_start3A_35 = tpu.memref_squeeze %dma_start3A_34 : memref<1x384xi32, #tpu.memory_space<hbm>> -> memref<384xi32, #tpu.memory_space<hbm>>
    %dma_start3A_36 = tpu.memref_slice %arg3[%dma_start3A_33, %add3A_32] : memref<2x3244032xi32, #tpu.memory_space<hbm>> -> memref<1x384xi32, #tpu.memory_space<hbm>>
    %dma_start3A_37 = tpu.memref_squeeze %dma_start3A_36 : memref<1x384xi32, #tpu.memory_space<hbm>> -> memref<384xi32, #tpu.memory_space<hbm>>
    tpu.enqueue_dma source(%dma_start3A_37 : memref<384xi32, #tpu.memory_space<hbm>>) target(%arg12 : memref<384xi32, #tpu.memory_space<vmem>>) target_semaphore(%arg20 : memref<!tpu.dma_semaphore, #tpu.memory_space<semaphore_mem>>)
    %add3A_38 = arith.constant 768 : i32
    %add3A_39 = arith.addi %add3A, %add3A_38 : i32
    %dma_start3A_40 = arith.constant 0 : i32
    %dma_start3A_41 = tpu.memref_slice %arg3[%dma_start3A_40, %add3A_39] : memref<2x3244032xi32, #tpu.memory_space<hbm>> -> memref<1x384xi32, #tpu.memory_space<hbm>>
    %dma_start3A_42 = tpu.memref_squeeze %dma_start3A_41 : memref<1x384xi32, #tpu.memory_space<hbm>> -> memref<384xi32, #tpu.memory_space<hbm>>
    %dma_start3A_43 = tpu.memref_slice %arg3[%dma_start3A_40, %add3A_39] : memref<2x3244032xi32, #tpu.memory_space<hbm>> -> memref<1x384xi32, #tpu.memory_space<hbm>>
    %dma_start3A_44 = tpu.memref_squeeze %dma_start3A_43 : memref<1x384xi32, #tpu.memory_space<hbm>> -> memref<384xi32, #tpu.memory_space<hbm>>
    tpu.enqueue_dma source(%dma_start3A_44 : memref<384xi32, #tpu.memory_space<hbm>>) target(%arg9 : memref<384xi32, #tpu.memory_space<vmem>>) target_semaphore(%arg21 : memref<!tpu.dma_semaphore, #tpu.memory_space<semaphore_mem>>)
    %add3A_45 = arith.constant 768 : i32
    %add3A_46 = arith.addi %add3A, %add3A_45 : i32
    %dma_start3A_47 = arith.constant 1 : i32
    %dma_start3A_48 = tpu.memref_slice %arg3[%dma_start3A_47, %add3A_46] : memref<2x3244032xi32, #tpu.memory_space<hbm>> -> memref<1x384xi32, #tpu.memory_space<hbm>>
    %dma_start3A_49 = tpu.memref_squeeze %dma_start3A_48 : memref<1x384xi32, #tpu.memory_space<hbm>> -> memref<384xi32, #tpu.memory_space<hbm>>
    %dma_start3A_50 = tpu.memref_slice %arg3[%dma_start3A_47, %add3A_46] : memref<2x3244032xi32, #tpu.memory_space<hbm>> -> memref<1x384xi32, #tpu.memory_space<hbm>>
    %dma_start3A_51 = tpu.memref_squeeze %dma_start3A_50 : memref<1x384xi32, #tpu.memory_space<hbm>> -> memref<384xi32, #tpu.memory_space<hbm>>
    tpu.enqueue_dma source(%dma_start3A_51 : memref<384xi32, #tpu.memory_space<hbm>>) target(%arg13 : memref<384xi32, #tpu.memory_space<vmem>>) target_semaphore(%arg21 : memref<!tpu.dma_semaphore, #tpu.memory_space<semaphore_mem>>)
    %dma_wait3A = arith.constant 0 : i32
    %dma_wait3A_52 = arith.constant 0 : i32
    %dma_wait3A_53 = tpu.memref_slice %arg3[%dma_wait3A, %dma_wait3A_52] : memref<2x3244032xi32, #tpu.memory_space<hbm>> -> memref<1x384xi32, #tpu.memory_space<hbm>>
    %dma_wait3A_54 = tpu.memref_squeeze %dma_wait3A_53 : memref<1x384xi32, #tpu.memory_space<hbm>> -> memref<384xi32, #tpu.memory_space<hbm>>
    %dma_wait3A_55 = arith.constant 0 : i32
    %dma_wait3A_56 = tpu.memref_slice %arg3[%dma_wait3A, %dma_wait3A_55] : memref<2x3244032xi32, #tpu.memory_space<hbm>> -> memref<1x384xi32, #tpu.memory_space<hbm>>
    %dma_wait3A_57 = tpu.memref_squeeze %dma_wait3A_56 : memref<1x384xi32, #tpu.memory_space<hbm>> -> memref<384xi32, #tpu.memory_space<hbm>>
    tpu.wait_dma2 semaphore(%arg19 : memref<!tpu.dma_semaphore, #tpu.memory_space<semaphore_mem>>) src(%dma_wait3A_57 : memref<384xi32, #tpu.memory_space<hbm>>) dst(%arg7 : memref<384xi32, #tpu.memory_space<vmem>>)
    %dma_wait3A_58 = arith.constant 0 : i32
    %dma_wait3A_59 = arith.constant 0 : i32
    %dma_wait3A_60 = tpu.memref_slice %arg3[%dma_wait3A_58, %dma_wait3A_59] : memref<2x3244032xi32, #tpu.memory_space<hbm>> -> memref<1x384xi32, #tpu.memory_space<hbm>>
    %dma_wait3A_61 = tpu.memref_squeeze %dma_wait3A_60 : memref<1x384xi32, #tpu.memory_space<hbm>> -> memref<384xi32, #tpu.memory_space<hbm>>
    %dma_wait3A_62 = arith.constant 0 : i32
    %dma_wait3A_63 = tpu.memref_slice %arg3[%dma_wait3A_58, %dma_wait3A_62] : memref<2x3244032xi32, #tpu.memory_space<hbm>> -> memref<1x384xi32, #tpu.memory_space<hbm>>
    %dma_wait3A_64 = tpu.memref_squeeze %dma_wait3A_63 : memref<1x384xi32, #tpu.memory_space<hbm>> -> memref<384xi32, #tpu.memory_space<hbm>>
    tpu.wait_dma2 semaphore(%arg19 : memref<!tpu.dma_semaphore, #tpu.memory_space<semaphore_mem>>) src(%dma_wait3A_64 : memref<384xi32, #tpu.memory_space<hbm>>) dst(%arg11 : memref<384xi32, #tpu.memory_space<vmem>>)
    %dma_start3A_65 = arith.constant 0 : i32
    %dma_start3A_66 = arith.constant 0 : i32
    %dma_start3A_67 = tpu.memref_slice %arg2[%dma_start3A_65, %dma_start3A_66] : memref<100352x16xf32, #tpu.memory_space<hbm>> -> memref<100352x16xf32, #tpu.memory_space<hbm>>
    tpu.enqueue_indirect_dma source(%dma_start3A_67 : memref<100352x16xf32, #tpu.memory_space<hbm>>) target(%arg15 : memref<384x16xf32, #tpu.memory_space<vmem>>) offsets(%arg7 : memref<384xi32, #tpu.memory_space<vmem>>) semaphore(%arg23 : memref<!tpu.dma_semaphore, #tpu.memory_space<semaphore_mem>>)
    %add3A_68 = arith.constant 1152 : i32
    %add3A_69 = arith.addi %add3A, %add3A_68 : i32
    %dma_start3A_70 = arith.constant 0 : i32
    %dma_start3A_71 = tpu.memref_slice %arg3[%dma_start3A_70, %add3A_69] : memref<2x3244032xi32, #tpu.memory_space<hbm>> -> memref<1x384xi32, #tpu.memory_space<hbm>>
    %dma_start3A_72 = tpu.memref_squeeze %dma_start3A_71 : memref<1x384xi32, #tpu.memory_space<hbm>> -> memref<384xi32, #tpu.memory_space<hbm>>
    %dma_start3A_73 = tpu.memref_slice %arg3[%dma_start3A_70, %add3A_69] : memref<2x3244032xi32, #tpu.memory_space<hbm>> -> memref<1x384xi32, #tpu.memory_space<hbm>>
    %dma_start3A_74 = tpu.memref_squeeze %dma_start3A_73 : memref<1x384xi32, #tpu.memory_space<hbm>> -> memref<384xi32, #tpu.memory_space<hbm>>
    tpu.enqueue_dma source(%dma_start3A_74 : memref<384xi32, #tpu.memory_space<hbm>>) target(%arg10 : memref<384xi32, #tpu.memory_space<vmem>>) target_semaphore(%arg22 : memref<!tpu.dma_semaphore, #tpu.memory_space<semaphore_mem>>)
    %add3A_75 = arith.constant 1152 : i32
    %add3A_76 = arith.addi %add3A, %add3A_75 : i32
    %dma_start3A_77 = arith.constant 1 : i32
    %dma_start3A_78 = tpu.memref_slice %arg3[%dma_start3A_77, %add3A_76] : memref<2x3244032xi32, #tpu.memory_space<hbm>> -> memref<1x384xi32, #tpu.memory_space<hbm>>
    %dma_start3A_79 = tpu.memref_squeeze %dma_start3A_78 : memref<1x384xi32, #tpu.memory_space<hbm>> -> memref<384xi32, #tpu.memory_space<hbm>>
    %dma_start3A_80 = tpu.memref_slice %arg3[%dma_start3A_77, %add3A_76] : memref<2x3244032xi32, #tpu.memory_space<hbm>> -> memref<1x384xi32, #tpu.memory_space<hbm>>
    %dma_start3A_81 = tpu.memref_squeeze %dma_start3A_80 : memref<1x384xi32, #tpu.memory_space<hbm>> -> memref<384xi32, #tpu.memory_space<hbm>>
    tpu.enqueue_dma source(%dma_start3A_81 : memref<384xi32, #tpu.memory_space<hbm>>) target(%arg14 : memref<384xi32, #tpu.memory_space<vmem>>) target_semaphore(%arg22 : memref<!tpu.dma_semaphore, #tpu.memory_space<semaphore_mem>>)
    %dma_wait3A_82 = arith.constant 0 : i32
    %dma_wait3A_83 = arith.constant 0 : i32
    %dma_wait3A_84 = tpu.memref_slice %arg3[%dma_wait3A_82, %dma_wait3A_83] : memref<2x3244032xi32, #tpu.memory_space<hbm>> -> memref<1x384xi32, #tpu.memory_space<hbm>>
    %dma_wait3A_85 = tpu.memref_squeeze %dma_wait3A_84 : memref<1x384xi32, #tpu.memory_space<hbm>> -> memref<384xi32, #tpu.memory_space<hbm>>
    %dma_wait3A_86 = arith.constant 0 : i32
    %dma_wait3A_87 = tpu.memref_slice %arg3[%dma_wait3A_82, %dma_wait3A_86] : memref<2x3244032xi32, #tpu.memory_space<hbm>> -> memref<1x384xi32, #tpu.memory_space<hbm>>
    %dma_wait3A_88 = tpu.memref_squeeze %dma_wait3A_87 : memref<1x384xi32, #tpu.memory_space<hbm>> -> memref<384xi32, #tpu.memory_space<hbm>>
    tpu.wait_dma2 semaphore(%arg20 : memref<!tpu.dma_semaphore, #tpu.memory_space<semaphore_mem>>) src(%dma_wait3A_88 : memref<384xi32, #tpu.memory_space<hbm>>) dst(%arg8 : memref<384xi32, #tpu.memory_space<vmem>>)
    %dma_wait3A_89 = arith.constant 0 : i32
    %dma_wait3A_90 = arith.constant 0 : i32
    %dma_wait3A_91 = tpu.memref_slice %arg3[%dma_wait3A_89, %dma_wait3A_90] : memref<2x3244032xi32, #tpu.memory_space<hbm>> -> memref<1x384xi32, #tpu.memory_space<hbm>>
    %dma_wait3A_92 = tpu.memref_squeeze %dma_wait3A_91 : memref<1x384xi32, #tpu.memory_space<hbm>> -> memref<384xi32, #tpu.memory_space<hbm>>
    %dma_wait3A_93 = arith.constant 0 : i32
    %dma_wait3A_94 = tpu.memref_slice %arg3[%dma_wait3A_89, %dma_wait3A_93] : memref<2x3244032xi32, #tpu.memory_space<hbm>> -> memref<1x384xi32, #tpu.memory_space<hbm>>
    %dma_wait3A_95 = tpu.memref_squeeze %dma_wait3A_94 : memref<1x384xi32, #tpu.memory_space<hbm>> -> memref<384xi32, #tpu.memory_space<hbm>>
    tpu.wait_dma2 semaphore(%arg20 : memref<!tpu.dma_semaphore, #tpu.memory_space<semaphore_mem>>) src(%dma_wait3A_95 : memref<384xi32, #tpu.memory_space<hbm>>) dst(%arg12 : memref<384xi32, #tpu.memory_space<vmem>>)
    %dma_start3A_96 = arith.constant 0 : i32
    %dma_start3A_97 = arith.constant 0 : i32
    %dma_start3A_98 = tpu.memref_slice %arg2[%dma_start3A_96, %dma_start3A_97] : memref<100352x16xf32, #tpu.memory_space<hbm>> -> memref<100352x16xf32, #tpu.memory_space<hbm>>
    tpu.enqueue_indirect_dma source(%dma_start3A_98 : memref<100352x16xf32, #tpu.memory_space<hbm>>) target(%arg16 : memref<384x16xf32, #tpu.memory_space<vmem>>) offsets(%arg8 : memref<384xi32, #tpu.memory_space<vmem>>) semaphore(%arg24 : memref<!tpu.dma_semaphore, #tpu.memory_space<semaphore_mem>>)
    %dma_wait3A_99 = arith.constant 0 : i32
    %dma_wait3A_100 = arith.constant 0 : i32
    %dma_wait3A_101 = tpu.memref_slice %arg2[%dma_wait3A_99, %dma_wait3A_100] : memref<100352x16xf32, #tpu.memory_space<hbm>> -> memref<384x16xf32, #tpu.memory_space<hbm>>
    %dma_wait3A_102 = arith.constant 0 : i32
    %dma_wait3A_103 = arith.constant 0 : i32
    %dma_wait3A_104 = tpu.memref_slice %arg2[%dma_wait3A_102, %dma_wait3A_103] : memref<100352x16xf32, #tpu.memory_space<hbm>> -> memref<384x16xf32, #tpu.memory_space<hbm>>
    tpu.wait_dma2 semaphore(%arg23 : memref<!tpu.dma_semaphore, #tpu.memory_space<semaphore_mem>>) src(%dma_wait3A_104 : memref<384x16xf32, #tpu.memory_space<hbm>>) dst(%arg15 : memref<384x16xf32, #tpu.memory_space<vmem>>)
    %dma_start3A_105 = arith.constant 0 : i32
    %dma_start3A_106 = arith.constant 0 : i32
    %dma_start3A_107 = tpu.memref_slice %arg6[%dma_start3A_105, %dma_start3A_106] : memref<100352x16xf32, #tpu.memory_space<vmem_shared>> -> memref<100352x16xf32, #tpu.memory_space<vmem_shared>>
    tpu.enqueue_indirect_dma source(%arg15 : memref<384x16xf32, #tpu.memory_space<vmem>>) target(%dma_start3A_107 : memref<100352x16xf32, #tpu.memory_space<vmem_shared>>) offsets(%arg11 : memref<384xi32, #tpu.memory_space<vmem>>) semaphore(%arg27 : memref<!tpu.dma_semaphore, #tpu.memory_space<semaphore_mem>>) {add = true}
    %while3A = arith.constant 0 : i32
    %while3A_108 = arith.constant 0 : i32
    %while3A_109 = arith.subi %select_n3A_10, %while3A_108 : i32
    %while3A_110 = arith.addi %while3A_108, %while3A_109 : i32
    %while3A_111 = arith.constant 1 : i32
    %while3A_112 = arith.divsi %while3A_109, %while3A_111 : i32
    %while3A_113 = arith.muli %while3A_112, %while3A_111 : i32
    %while3A_114 = arith.addi %while3A_108, %while3A_113 : i32
    %while3A_115 = arith.constant 1 : i32
    scf.for %while3A_203 = %while3A_108 to %while3A_114 step %while3A_115  : i32 {
      %mul3A_204 = arith.constant 4 : i32
      %mul3A_205 = arith.muli %while3A_203, %mul3A_204 : i32
      %add3A_206 = arith.constant 2 : i32
      %add3A_207 = arith.addi %add3A_206, %mul3A_205 : i32
      %add3A_208 = arith.constant 0 : i32
      %add3A_209 = arith.addi %add3A_207, %add3A_208 : i32
      %dma_wait3A_210 = arith.constant 0 : i32
      %dma_wait3A_211 = arith.constant 0 : i32
      %dma_wait3A_212 = tpu.memref_slice %arg6[%dma_wait3A_210, %dma_wait3A_211] : memref<100352x16xf32, #tpu.memory_space<vmem_shared>> -> memref<384x16xf32, #tpu.memory_space<vmem_shared>>
      %dma_wait3A_213 = arith.constant 0 : i32
      %dma_wait3A_214 = arith.constant 0 : i32
      %dma_wait3A_215 = tpu.memref_slice %arg6[%dma_wait3A_213, %dma_wait3A_214] : memref<100352x16xf32, #tpu.memory_space<vmem_shared>> -> memref<384x16xf32, #tpu.memory_space<vmem_shared>>
      tpu.wait_dma2 semaphore(%arg27 : memref<!tpu.dma_semaphore, #tpu.memory_space<semaphore_mem>>) src(%arg15 : memref<384x16xf32, #tpu.memory_space<vmem>>) dst(%dma_wait3A_215 : memref<384x16xf32, #tpu.memory_space<vmem_shared>>)
      %add3A_216 = arith.constant 2 : i32
      %add3A_217 = arith.addi %add3A_209, %add3A_216 : i32
      %mul3A_218 = arith.constant 384 : i32
      %mul3A_219 = arith.muli %add3A_217, %mul3A_218 : i32
      %add3A_220 = arith.addi %add3A, %mul3A_219 : i32
      %dma_start3A_221 = arith.constant 0 : i32
      %dma_start3A_222 = tpu.memref_slice %arg3[%dma_start3A_221, %add3A_220] : memref<2x3244032xi32, #tpu.memory_space<hbm>> -> memref<1x384xi32, #tpu.memory_space<hbm>>
      %dma_start3A_223 = tpu.memref_squeeze %dma_start3A_222 : memref<1x384xi32, #tpu.memory_space<hbm>> -> memref<384xi32, #tpu.memory_space<hbm>>
      %dma_start3A_224 = tpu.memref_slice %arg3[%dma_start3A_221, %add3A_220] : memref<2x3244032xi32, #tpu.memory_space<hbm>> -> memref<1x384xi32, #tpu.memory_space<hbm>>
      %dma_start3A_225 = tpu.memref_squeeze %dma_start3A_224 : memref<1x384xi32, #tpu.memory_space<hbm>> -> memref<384xi32, #tpu.memory_space<hbm>>
      tpu.enqueue_dma source(%dma_start3A_225 : memref<384xi32, #tpu.memory_space<hbm>>) target(%arg7 : memref<384xi32, #tpu.memory_space<vmem>>) target_semaphore(%arg19 : memref<!tpu.dma_semaphore, #tpu.memory_space<semaphore_mem>>)
      %mul3A_226 = arith.constant 384 : i32
      %mul3A_227 = arith.muli %add3A_217, %mul3A_226 : i32
      %add3A_228 = arith.addi %add3A, %mul3A_227 : i32
      %dma_start3A_229 = arith.constant 1 : i32
      %dma_start3A_230 = tpu.memref_slice %arg3[%dma_start3A_229, %add3A_228] : memref<2x3244032xi32, #tpu.memory_space<hbm>> -> memref<1x384xi32, #tpu.memory_space<hbm>>
      %dma_start3A_231 = tpu.memref_squeeze %dma_start3A_230 : memref<1x384xi32, #tpu.memory_space<hbm>> -> memref<384xi32, #tpu.memory_space<hbm>>
      %dma_start3A_232 = tpu.memref_slice %arg3[%dma_start3A_229, %add3A_228] : memref<2x3244032xi32, #tpu.memory_space<hbm>> -> memref<1x384xi32, #tpu.memory_space<hbm>>
      %dma_start3A_233 = tpu.memref_squeeze %dma_start3A_232 : memref<1x384xi32, #tpu.memory_space<hbm>> -> memref<384xi32, #tpu.memory_space<hbm>>
      tpu.enqueue_dma source(%dma_start3A_233 : memref<384xi32, #tpu.memory_space<hbm>>) target(%arg11 : memref<384xi32, #tpu.memory_space<vmem>>) target_semaphore(%arg19 : memref<!tpu.dma_semaphore, #tpu.memory_space<semaphore_mem>>)
      %dma_wait3A_234 = arith.constant 0 : i32
      %dma_wait3A_235 = arith.constant 0 : i32
      %dma_wait3A_236 = tpu.memref_slice %arg3[%dma_wait3A_234, %dma_wait3A_235] : memref<2x3244032xi32, #tpu.memory_space<hbm>> -> memref<1x384xi32, #tpu.memory_space<hbm>>
      %dma_wait3A_237 = tpu.memref_squeeze %dma_wait3A_236 : memref<1x384xi32, #tpu.memory_space<hbm>> -> memref<384xi32, #tpu.memory_space<hbm>>
      %dma_wait3A_238 = arith.constant 0 : i32
      %dma_wait3A_239 = tpu.memref_slice %arg3[%dma_wait3A_234, %dma_wait3A_238] : memref<2x3244032xi32, #tpu.memory_space<hbm>> -> memref<1x384xi32, #tpu.memory_space<hbm>>
      %dma_wait3A_240 = tpu.memref_squeeze %dma_wait3A_239 : memref<1x384xi32, #tpu.memory_space<hbm>> -> memref<384xi32, #tpu.memory_space<hbm>>
      tpu.wait_dma2 semaphore(%arg21 : memref<!tpu.dma_semaphore, #tpu.memory_space<semaphore_mem>>) src(%dma_wait3A_240 : memref<384xi32, #tpu.memory_space<hbm>>) dst(%arg9 : memref<384xi32, #tpu.memory_space<vmem>>)
      %dma_wait3A_241 = arith.constant 0 : i32
      %dma_wait3A_242 = arith.constant 0 : i32
      %dma_wait3A_243 = tpu.memref_slice %arg3[%dma_wait3A_241, %dma_wait3A_242] : memref<2x3244032xi32, #tpu.memory_space<hbm>> -> memref<1x384xi32, #tpu.memory_space<hbm>>
      %dma_wait3A_244 = tpu.memref_squeeze %dma_wait3A_243 : memref<1x384xi32, #tpu.memory_space<hbm>> -> memref<384xi32, #tpu.memory_space<hbm>>
      %dma_wait3A_245 = arith.constant 0 : i32
      %dma_wait3A_246 = tpu.memref_slice %arg3[%dma_wait3A_241, %dma_wait3A_245] : memref<2x3244032xi32, #tpu.memory_space<hbm>> -> memref<1x384xi32, #tpu.memory_space<hbm>>
      %dma_wait3A_247 = tpu.memref_squeeze %dma_wait3A_246 : memref<1x384xi32, #tpu.memory_space<hbm>> -> memref<384xi32, #tpu.memory_space<hbm>>
      tpu.wait_dma2 semaphore(%arg21 : memref<!tpu.dma_semaphore, #tpu.memory_space<semaphore_mem>>) src(%dma_wait3A_247 : memref<384xi32, #tpu.memory_space<hbm>>) dst(%arg13 : memref<384xi32, #tpu.memory_space<vmem>>)
      %dma_start3A_248 = arith.constant 0 : i32
      %dma_start3A_249 = arith.constant 0 : i32
      %dma_start3A_250 = tpu.memref_slice %arg2[%dma_start3A_248, %dma_start3A_249] : memref<100352x16xf32, #tpu.memory_space<hbm>> -> memref<100352x16xf32, #tpu.memory_space<hbm>>
      tpu.enqueue_indirect_dma source(%dma_start3A_250 : memref<100352x16xf32, #tpu.memory_space<hbm>>) target(%arg17 : memref<384x16xf32, #tpu.memory_space<vmem>>) offsets(%arg9 : memref<384xi32, #tpu.memory_space<vmem>>) semaphore(%arg25 : memref<!tpu.dma_semaphore, #tpu.memory_space<semaphore_mem>>)
      %dma_wait3A_251 = arith.constant 0 : i32
      %dma_wait3A_252 = arith.constant 0 : i32
      %dma_wait3A_253 = tpu.memref_slice %arg2[%dma_wait3A_251, %dma_wait3A_252] : memref<100352x16xf32, #tpu.memory_space<hbm>> -> memref<384x16xf32, #tpu.memory_space<hbm>>
      %dma_wait3A_254 = arith.constant 0 : i32
      %dma_wait3A_255 = arith.constant 0 : i32
      %dma_wait3A_256 = tpu.memref_slice %arg2[%dma_wait3A_254, %dma_wait3A_255] : memref<100352x16xf32, #tpu.memory_space<hbm>> -> memref<384x16xf32, #tpu.memory_space<hbm>>
      tpu.wait_dma2 semaphore(%arg24 : memref<!tpu.dma_semaphore, #tpu.memory_space<semaphore_mem>>) src(%dma_wait3A_256 : memref<384x16xf32, #tpu.memory_space<hbm>>) dst(%arg16 : memref<384x16xf32, #tpu.memory_space<vmem>>)
      %dma_start3A_257 = arith.constant 0 : i32
      %dma_start3A_258 = arith.constant 0 : i32
      %dma_start3A_259 = tpu.memref_slice %arg6[%dma_start3A_257, %dma_start3A_258] : memref<100352x16xf32, #tpu.memory_space<vmem_shared>> -> memref<100352x16xf32, #tpu.memory_space<vmem_shared>>
      tpu.enqueue_indirect_dma source(%arg16 : memref<384x16xf32, #tpu.memory_space<vmem>>) target(%dma_start3A_259 : memref<100352x16xf32, #tpu.memory_space<vmem_shared>>) offsets(%arg12 : memref<384xi32, #tpu.memory_space<vmem>>) semaphore(%arg28 : memref<!tpu.dma_semaphore, #tpu.memory_space<semaphore_mem>>) {add = true}
      %mul3A_260 = arith.constant 4 : i32
      %mul3A_261 = arith.muli %while3A_203, %mul3A_260 : i32
      %add3A_262 = arith.constant 2 : i32
      %add3A_263 = arith.addi %add3A_262, %mul3A_261 : i32
      %add3A_264 = arith.constant 1 : i32
      %add3A_265 = arith.addi %add3A_263, %add3A_264 : i32
      %dma_wait3A_266 = arith.constant 0 : i32
      %dma_wait3A_267 = arith.constant 0 : i32
      %dma_wait3A_268 = tpu.memref_slice %arg6[%dma_wait3A_266, %dma_wait3A_267] : memref<100352x16xf32, #tpu.memory_space<vmem_shared>> -> memref<384x16xf32, #tpu.memory_space<vmem_shared>>
      %dma_wait3A_269 = arith.constant 0 : i32
      %dma_wait3A_270 = arith.constant 0 : i32
      %dma_wait3A_271 = tpu.memref_slice %arg6[%dma_wait3A_269, %dma_wait3A_270] : memref<100352x16xf32, #tpu.memory_space<vmem_shared>> -> memref<384x16xf32, #tpu.memory_space<vmem_shared>>
      tpu.wait_dma2 semaphore(%arg28 : memref<!tpu.dma_semaphore, #tpu.memory_space<semaphore_mem>>) src(%arg16 : memref<384x16xf32, #tpu.memory_space<vmem>>) dst(%dma_wait3A_271 : memref<384x16xf32, #tpu.memory_space<vmem_shared>>)
      %add3A_272 = arith.constant 2 : i32
      %add3A_273 = arith.addi %add3A_265, %add3A_272 : i32
      %mul3A_274 = arith.constant 384 : i32
      %mul3A_275 = arith.muli %add3A_273, %mul3A_274 : i32
      %add3A_276 = arith.addi %add3A, %mul3A_275 : i32
      %dma_start3A_277 = arith.constant 0 : i32
      %dma_start3A_278 = tpu.memref_slice %arg3[%dma_start3A_277, %add3A_276] : memref<2x3244032xi32, #tpu.memory_space<hbm>> -> memref<1x384xi32, #tpu.memory_space<hbm>>
      %dma_start3A_279 = tpu.memref_squeeze %dma_start3A_278 : memref<1x384xi32, #tpu.memory_space<hbm>> -> memref<384xi32, #tpu.memory_space<hbm>>
      %dma_start3A_280 = tpu.memref_slice %arg3[%dma_start3A_277, %add3A_276] : memref<2x3244032xi32, #tpu.memory_space<hbm>> -> memref<1x384xi32, #tpu.memory_space<hbm>>
      %dma_start3A_281 = tpu.memref_squeeze %dma_start3A_280 : memref<1x384xi32, #tpu.memory_space<hbm>> -> memref<384xi32, #tpu.memory_space<hbm>>
      tpu.enqueue_dma source(%dma_start3A_281 : memref<384xi32, #tpu.memory_space<hbm>>) target(%arg8 : memref<384xi32, #tpu.memory_space<vmem>>) target_semaphore(%arg20 : memref<!tpu.dma_semaphore, #tpu.memory_space<semaphore_mem>>)
      %mul3A_282 = arith.constant 384 : i32
      %mul3A_283 = arith.muli %add3A_273, %mul3A_282 : i32
      %add3A_284 = arith.addi %add3A, %mul3A_283 : i32
      %dma_start3A_285 = arith.constant 1 : i32
      %dma_start3A_286 = tpu.memref_slice %arg3[%dma_start3A_285, %add3A_284] : memref<2x3244032xi32, #tpu.memory_space<hbm>> -> memref<1x384xi32, #tpu.memory_space<hbm>>
      %dma_start3A_287 = tpu.memref_squeeze %dma_start3A_286 : memref<1x384xi32, #tpu.memory_space<hbm>> -> memref<384xi32, #tpu.memory_space<hbm>>
      %dma_start3A_288 = tpu.memref_slice %arg3[%dma_start3A_285, %add3A_284] : memref<2x3244032xi32, #tpu.memory_space<hbm>> -> memref<1x384xi32, #tpu.memory_space<hbm>>
      %dma_start3A_289 = tpu.memref_squeeze %dma_start3A_288 : memref<1x384xi32, #tpu.memory_space<hbm>> -> memref<384xi32, #tpu.memory_space<hbm>>
      tpu.enqueue_dma source(%dma_start3A_289 : memref<384xi32, #tpu.memory_space<hbm>>) target(%arg12 : memref<384xi32, #tpu.memory_space<vmem>>) target_semaphore(%arg20 : memref<!tpu.dma_semaphore, #tpu.memory_space<semaphore_mem>>)
      %dma_wait3A_290 = arith.constant 0 : i32
      %dma_wait3A_291 = arith.constant 0 : i32
      %dma_wait3A_292 = tpu.memref_slice %arg3[%dma_wait3A_290, %dma_wait3A_291] : memref<2x3244032xi32, #tpu.memory_space<hbm>> -> memref<1x384xi32, #tpu.memory_space<hbm>>
      %dma_wait3A_293 = tpu.memref_squeeze %dma_wait3A_292 : memref<1x384xi32, #tpu.memory_space<hbm>> -> memref<384xi32, #tpu.memory_space<hbm>>
      %dma_wait3A_294 = arith.constant 0 : i32
      %dma_wait3A_295 = tpu.memref_slice %arg3[%dma_wait3A_290, %dma_wait3A_294] : memref<2x3244032xi32, #tpu.memory_space<hbm>> -> memref<1x384xi32, #tpu.memory_space<hbm>>
      %dma_wait3A_296 = tpu.memref_squeeze %dma_wait3A_295 : memref<1x384xi32, #tpu.memory_space<hbm>> -> memref<384xi32, #tpu.memory_space<hbm>>
      tpu.wait_dma2 semaphore(%arg22 : memref<!tpu.dma_semaphore, #tpu.memory_space<semaphore_mem>>) src(%dma_wait3A_296 : memref<384xi32, #tpu.memory_space<hbm>>) dst(%arg10 : memref<384xi32, #tpu.memory_space<vmem>>)
      %dma_wait3A_297 = arith.constant 0 : i32
      %dma_wait3A_298 = arith.constant 0 : i32
      %dma_wait3A_299 = tpu.memref_slice %arg3[%dma_wait3A_297, %dma_wait3A_298] : memref<2x3244032xi32, #tpu.memory_space<hbm>> -> memref<1x384xi32, #tpu.memory_space<hbm>>
      %dma_wait3A_300 = tpu.memref_squeeze %dma_wait3A_299 : memref<1x384xi32, #tpu.memory_space<hbm>> -> memref<384xi32, #tpu.memory_space<hbm>>
      %dma_wait3A_301 = arith.constant 0 : i32
      %dma_wait3A_302 = tpu.memref_slice %arg3[%dma_wait3A_297, %dma_wait3A_301] : memref<2x3244032xi32, #tpu.memory_space<hbm>> -> memref<1x384xi32, #tpu.memory_space<hbm>>
      %dma_wait3A_303 = tpu.memref_squeeze %dma_wait3A_302 : memref<1x384xi32, #tpu.memory_space<hbm>> -> memref<384xi32, #tpu.memory_space<hbm>>
      tpu.wait_dma2 semaphore(%arg22 : memref<!tpu.dma_semaphore, #tpu.memory_space<semaphore_mem>>) src(%dma_wait3A_303 : memref<384xi32, #tpu.memory_space<hbm>>) dst(%arg14 : memref<384xi32, #tpu.memory_space<vmem>>)
      %dma_start3A_304 = arith.constant 0 : i32
      %dma_start3A_305 = arith.constant 0 : i32
      %dma_start3A_306 = tpu.memref_slice %arg2[%dma_start3A_304, %dma_start3A_305] : memref<100352x16xf32, #tpu.memory_space<hbm>> -> memref<100352x16xf32, #tpu.memory_space<hbm>>
      tpu.enqueue_indirect_dma source(%dma_start3A_306 : memref<100352x16xf32, #tpu.memory_space<hbm>>) target(%arg18 : memref<384x16xf32, #tpu.memory_space<vmem>>) offsets(%arg10 : memref<384xi32, #tpu.memory_space<vmem>>) semaphore(%arg26 : memref<!tpu.dma_semaphore, #tpu.memory_space<semaphore_mem>>)
      %dma_wait3A_307 = arith.constant 0 : i32
      %dma_wait3A_308 = arith.constant 0 : i32
      %dma_wait3A_309 = tpu.memref_slice %arg2[%dma_wait3A_307, %dma_wait3A_308] : memref<100352x16xf32, #tpu.memory_space<hbm>> -> memref<384x16xf32, #tpu.memory_space<hbm>>
      %dma_wait3A_310 = arith.constant 0 : i32
      %dma_wait3A_311 = arith.constant 0 : i32
      %dma_wait3A_312 = tpu.memref_slice %arg2[%dma_wait3A_310, %dma_wait3A_311] : memref<100352x16xf32, #tpu.memory_space<hbm>> -> memref<384x16xf32, #tpu.memory_space<hbm>>
      tpu.wait_dma2 semaphore(%arg25 : memref<!tpu.dma_semaphore, #tpu.memory_space<semaphore_mem>>) src(%dma_wait3A_312 : memref<384x16xf32, #tpu.memory_space<hbm>>) dst(%arg17 : memref<384x16xf32, #tpu.memory_space<vmem>>)
      %dma_start3A_313 = arith.constant 0 : i32
      %dma_start3A_314 = arith.constant 0 : i32
      %dma_start3A_315 = tpu.memref_slice %arg6[%dma_start3A_313, %dma_start3A_314] : memref<100352x16xf32, #tpu.memory_space<vmem_shared>> -> memref<100352x16xf32, #tpu.memory_space<vmem_shared>>
      tpu.enqueue_indirect_dma source(%arg17 : memref<384x16xf32, #tpu.memory_space<vmem>>) target(%dma_start3A_315 : memref<100352x16xf32, #tpu.memory_space<vmem_shared>>) offsets(%arg13 : memref<384xi32, #tpu.memory_space<vmem>>) semaphore(%arg29 : memref<!tpu.dma_semaphore, #tpu.memory_space<semaphore_mem>>) {add = true}
      %mul3A_316 = arith.constant 4 : i32
      %mul3A_317 = arith.muli %while3A_203, %mul3A_316 : i32
      %add3A_318 = arith.constant 2 : i32
      %add3A_319 = arith.addi %add3A_318, %mul3A_317 : i32
      %add3A_320 = arith.constant 2 : i32
      %add3A_321 = arith.addi %add3A_319, %add3A_320 : i32
      %dma_wait3A_322 = arith.constant 0 : i32
      %dma_wait3A_323 = arith.constant 0 : i32
      %dma_wait3A_324 = tpu.memref_slice %arg6[%dma_wait3A_322, %dma_wait3A_323] : memref<100352x16xf32, #tpu.memory_space<vmem_shared>> -> memref<384x16xf32, #tpu.memory_space<vmem_shared>>
      %dma_wait3A_325 = arith.constant 0 : i32
      %dma_wait3A_326 = arith.constant 0 : i32
      %dma_wait3A_327 = tpu.memref_slice %arg6[%dma_wait3A_325, %dma_wait3A_326] : memref<100352x16xf32, #tpu.memory_space<vmem_shared>> -> memref<384x16xf32, #tpu.memory_space<vmem_shared>>
      tpu.wait_dma2 semaphore(%arg29 : memref<!tpu.dma_semaphore, #tpu.memory_space<semaphore_mem>>) src(%arg17 : memref<384x16xf32, #tpu.memory_space<vmem>>) dst(%dma_wait3A_327 : memref<384x16xf32, #tpu.memory_space<vmem_shared>>)
      %add3A_328 = arith.constant 2 : i32
      %add3A_329 = arith.addi %add3A_321, %add3A_328 : i32
      %mul3A_330 = arith.constant 384 : i32
      %mul3A_331 = arith.muli %add3A_329, %mul3A_330 : i32
      %add3A_332 = arith.addi %add3A, %mul3A_331 : i32
      %dma_start3A_333 = arith.constant 0 : i32
      %dma_start3A_334 = tpu.memref_slice %arg3[%dma_start3A_333, %add3A_332] : memref<2x3244032xi32, #tpu.memory_space<hbm>> -> memref<1x384xi32, #tpu.memory_space<hbm>>
      %dma_start3A_335 = tpu.memref_squeeze %dma_start3A_334 : memref<1x384xi32, #tpu.memory_space<hbm>> -> memref<384xi32, #tpu.memory_space<hbm>>
      %dma_start3A_336 = tpu.memref_slice %arg3[%dma_start3A_333, %add3A_332] : memref<2x3244032xi32, #tpu.memory_space<hbm>> -> memref<1x384xi32, #tpu.memory_space<hbm>>
      %dma_start3A_337 = tpu.memref_squeeze %dma_start3A_336 : memref<1x384xi32, #tpu.memory_space<hbm>> -> memref<384xi32, #tpu.memory_space<hbm>>
      tpu.enqueue_dma source(%dma_start3A_337 : memref<384xi32, #tpu.memory_space<hbm>>) target(%arg9 : memref<384xi32, #tpu.memory_space<vmem>>) target_semaphore(%arg21 : memref<!tpu.dma_semaphore, #tpu.memory_space<semaphore_mem>>)
      %mul3A_338 = arith.constant 384 : i32
      %mul3A_339 = arith.muli %add3A_329, %mul3A_338 : i32
      %add3A_340 = arith.addi %add3A, %mul3A_339 : i32
      %dma_start3A_341 = arith.constant 1 : i32
      %dma_start3A_342 = tpu.memref_slice %arg3[%dma_start3A_341, %add3A_340] : memref<2x3244032xi32, #tpu.memory_space<hbm>> -> memref<1x384xi32, #tpu.memory_space<hbm>>
      %dma_start3A_343 = tpu.memref_squeeze %dma_start3A_342 : memref<1x384xi32, #tpu.memory_space<hbm>> -> memref<384xi32, #tpu.memory_space<hbm>>
      %dma_start3A_344 = tpu.memref_slice %arg3[%dma_start3A_341, %add3A_340] : memref<2x3244032xi32, #tpu.memory_space<hbm>> -> memref<1x384xi32, #tpu.memory_space<hbm>>
      %dma_start3A_345 = tpu.memref_squeeze %dma_start3A_344 : memref<1x384xi32, #tpu.memory_space<hbm>> -> memref<384xi32, #tpu.memory_space<hbm>>
      tpu.enqueue_dma source(%dma_start3A_345 : memref<384xi32, #tpu.memory_space<hbm>>) target(%arg13 : memref<384xi32, #tpu.memory_space<vmem>>) target_semaphore(%arg21 : memref<!tpu.dma_semaphore, #tpu.memory_space<semaphore_mem>>)
      %dma_wait3A_346 = arith.constant 0 : i32
      %dma_wait3A_347 = arith.constant 0 : i32
      %dma_wait3A_348 = tpu.memref_slice %arg3[%dma_wait3A_346, %dma_wait3A_347] : memref<2x3244032xi32, #tpu.memory_space<hbm>> -> memref<1x384xi32, #tpu.memory_space<hbm>>
      %dma_wait3A_349 = tpu.memref_squeeze %dma_wait3A_348 : memref<1x384xi32, #tpu.memory_space<hbm>> -> memref<384xi32, #tpu.memory_space<hbm>>
      %dma_wait3A_350 = arith.constant 0 : i32
      %dma_wait3A_351 = tpu.memref_slice %arg3[%dma_wait3A_346, %dma_wait3A_350] : memref<2x3244032xi32, #tpu.memory_space<hbm>> -> memref<1x384xi32, #tpu.memory_space<hbm>>
      %dma_wait3A_352 = tpu.memref_squeeze %dma_wait3A_351 : memref<1x384xi32, #tpu.memory_space<hbm>> -> memref<384xi32, #tpu.memory_space<hbm>>
      tpu.wait_dma2 semaphore(%arg19 : memref<!tpu.dma_semaphore, #tpu.memory_space<semaphore_mem>>) src(%dma_wait3A_352 : memref<384xi32, #tpu.memory_space<hbm>>) dst(%arg7 : memref<384xi32, #tpu.memory_space<vmem>>)
      %dma_wait3A_353 = arith.constant 0 : i32
      %dma_wait3A_354 = arith.constant 0 : i32
      %dma_wait3A_355 = tpu.memref_slice %arg3[%dma_wait3A_353, %dma_wait3A_354] : memref<2x3244032xi32, #tpu.memory_space<hbm>> -> memref<1x384xi32, #tpu.memory_space<hbm>>
      %dma_wait3A_356 = tpu.memref_squeeze %dma_wait3A_355 : memref<1x384xi32, #tpu.memory_space<hbm>> -> memref<384xi32, #tpu.memory_space<hbm>>
      %dma_wait3A_357 = arith.constant 0 : i32
      %dma_wait3A_358 = tpu.memref_slice %arg3[%dma_wait3A_353, %dma_wait3A_357] : memref<2x3244032xi32, #tpu.memory_space<hbm>> -> memref<1x384xi32, #tpu.memory_space<hbm>>
      %dma_wait3A_359 = tpu.memref_squeeze %dma_wait3A_358 : memref<1x384xi32, #tpu.memory_space<hbm>> -> memref<384xi32, #tpu.memory_space<hbm>>
      tpu.wait_dma2 semaphore(%arg19 : memref<!tpu.dma_semaphore, #tpu.memory_space<semaphore_mem>>) src(%dma_wait3A_359 : memref<384xi32, #tpu.memory_space<hbm>>) dst(%arg11 : memref<384xi32, #tpu.memory_space<vmem>>)
      %dma_start3A_360 = arith.constant 0 : i32
      %dma_start3A_361 = arith.constant 0 : i32
      %dma_start3A_362 = tpu.memref_slice %arg2[%dma_start3A_360, %dma_start3A_361] : memref<100352x16xf32, #tpu.memory_space<hbm>> -> memref<100352x16xf32, #tpu.memory_space<hbm>>
      tpu.enqueue_indirect_dma source(%dma_start3A_362 : memref<100352x16xf32, #tpu.memory_space<hbm>>) target(%arg15 : memref<384x16xf32, #tpu.memory_space<vmem>>) offsets(%arg7 : memref<384xi32, #tpu.memory_space<vmem>>) semaphore(%arg23 : memref<!tpu.dma_semaphore, #tpu.memory_space<semaphore_mem>>)
      %dma_wait3A_363 = arith.constant 0 : i32
      %dma_wait3A_364 = arith.constant 0 : i32
      %dma_wait3A_365 = tpu.memref_slice %arg2[%dma_wait3A_363, %dma_wait3A_364] : memref<100352x16xf32, #tpu.memory_space<hbm>> -> memref<384x16xf32, #tpu.memory_space<hbm>>
      %dma_wait3A_366 = arith.constant 0 : i32
      %dma_wait3A_367 = arith.constant 0 : i32
      %dma_wait3A_368 = tpu.memref_slice %arg2[%dma_wait3A_366, %dma_wait3A_367] : memref<100352x16xf32, #tpu.memory_space<hbm>> -> memref<384x16xf32, #tpu.memory_space<hbm>>
      tpu.wait_dma2 semaphore(%arg26 : memref<!tpu.dma_semaphore, #tpu.memory_space<semaphore_mem>>) src(%dma_wait3A_368 : memref<384x16xf32, #tpu.memory_space<hbm>>) dst(%arg18 : memref<384x16xf32, #tpu.memory_space<vmem>>)
      %dma_start3A_369 = arith.constant 0 : i32
      %dma_start3A_370 = arith.constant 0 : i32
      %dma_start3A_371 = tpu.memref_slice %arg6[%dma_start3A_369, %dma_start3A_370] : memref<100352x16xf32, #tpu.memory_space<vmem_shared>> -> memref<100352x16xf32, #tpu.memory_space<vmem_shared>>
      tpu.enqueue_indirect_dma source(%arg18 : memref<384x16xf32, #tpu.memory_space<vmem>>) target(%dma_start3A_371 : memref<100352x16xf32, #tpu.memory_space<vmem_shared>>) offsets(%arg14 : memref<384xi32, #tpu.memory_space<vmem>>) semaphore(%arg30 : memref<!tpu.dma_semaphore, #tpu.memory_space<semaphore_mem>>) {add = true}
      %mul3A_372 = arith.constant 4 : i32
      %mul3A_373 = arith.muli %while3A_203, %mul3A_372 : i32
      %add3A_374 = arith.constant 2 : i32
      %add3A_375 = arith.addi %add3A_374, %mul3A_373 : i32
      %add3A_376 = arith.constant 3 : i32
      %add3A_377 = arith.addi %add3A_375, %add3A_376 : i32
      %dma_wait3A_378 = arith.constant 0 : i32
      %dma_wait3A_379 = arith.constant 0 : i32
      %dma_wait3A_380 = tpu.memref_slice %arg6[%dma_wait3A_378, %dma_wait3A_379] : memref<100352x16xf32, #tpu.memory_space<vmem_shared>> -> memref<384x16xf32, #tpu.memory_space<vmem_shared>>
      %dma_wait3A_381 = arith.constant 0 : i32
      %dma_wait3A_382 = arith.constant 0 : i32
      %dma_wait3A_383 = tpu.memref_slice %arg6[%dma_wait3A_381, %dma_wait3A_382] : memref<100352x16xf32, #tpu.memory_space<vmem_shared>> -> memref<384x16xf32, #tpu.memory_space<vmem_shared>>
      tpu.wait_dma2 semaphore(%arg30 : memref<!tpu.dma_semaphore, #tpu.memory_space<semaphore_mem>>) src(%arg18 : memref<384x16xf32, #tpu.memory_space<vmem>>) dst(%dma_wait3A_383 : memref<384x16xf32, #tpu.memory_space<vmem_shared>>)
      %add3A_384 = arith.constant 2 : i32
      %add3A_385 = arith.addi %add3A_377, %add3A_384 : i32
      %mul3A_386 = arith.constant 384 : i32
      %mul3A_387 = arith.muli %add3A_385, %mul3A_386 : i32
      %add3A_388 = arith.addi %add3A, %mul3A_387 : i32
      %dma_start3A_389 = arith.constant 0 : i32
      %dma_start3A_390 = tpu.memref_slice %arg3[%dma_start3A_389, %add3A_388] : memref<2x3244032xi32, #tpu.memory_space<hbm>> -> memref<1x384xi32, #tpu.memory_space<hbm>>
      %dma_start3A_391 = tpu.memref_squeeze %dma_start3A_390 : memref<1x384xi32, #tpu.memory_space<hbm>> -> memref<384xi32, #tpu.memory_space<hbm>>
      %dma_start3A_392 = tpu.memref_slice %arg3[%dma_start3A_389, %add3A_388] : memref<2x3244032xi32, #tpu.memory_space<hbm>> -> memref<1x384xi32, #tpu.memory_space<hbm>>
      %dma_start3A_393 = tpu.memref_squeeze %dma_start3A_392 : memref<1x384xi32, #tpu.memory_space<hbm>> -> memref<384xi32, #tpu.memory_space<hbm>>
      tpu.enqueue_dma source(%dma_start3A_393 : memref<384xi32, #tpu.memory_space<hbm>>) target(%arg10 : memref<384xi32, #tpu.memory_space<vmem>>) target_semaphore(%arg22 : memref<!tpu.dma_semaphore, #tpu.memory_space<semaphore_mem>>)
      %mul3A_394 = arith.constant 384 : i32
      %mul3A_395 = arith.muli %add3A_385, %mul3A_394 : i32
      %add3A_396 = arith.addi %add3A, %mul3A_395 : i32
      %dma_start3A_397 = arith.constant 1 : i32
      %dma_start3A_398 = tpu.memref_slice %arg3[%dma_start3A_397, %add3A_396] : memref<2x3244032xi32, #tpu.memory_space<hbm>> -> memref<1x384xi32, #tpu.memory_space<hbm>>
      %dma_start3A_399 = tpu.memref_squeeze %dma_start3A_398 : memref<1x384xi32, #tpu.memory_space<hbm>> -> memref<384xi32, #tpu.memory_space<hbm>>
      %dma_start3A_400 = tpu.memref_slice %arg3[%dma_start3A_397, %add3A_396] : memref<2x3244032xi32, #tpu.memory_space<hbm>> -> memref<1x384xi32, #tpu.memory_space<hbm>>
      %dma_start3A_401 = tpu.memref_squeeze %dma_start3A_400 : memref<1x384xi32, #tpu.memory_space<hbm>> -> memref<384xi32, #tpu.memory_space<hbm>>
      tpu.enqueue_dma source(%dma_start3A_401 : memref<384xi32, #tpu.memory_space<hbm>>) target(%arg14 : memref<384xi32, #tpu.memory_space<vmem>>) target_semaphore(%arg22 : memref<!tpu.dma_semaphore, #tpu.memory_space<semaphore_mem>>)
      %dma_wait3A_402 = arith.constant 0 : i32
      %dma_wait3A_403 = arith.constant 0 : i32
      %dma_wait3A_404 = tpu.memref_slice %arg3[%dma_wait3A_402, %dma_wait3A_403] : memref<2x3244032xi32, #tpu.memory_space<hbm>> -> memref<1x384xi32, #tpu.memory_space<hbm>>
      %dma_wait3A_405 = tpu.memref_squeeze %dma_wait3A_404 : memref<1x384xi32, #tpu.memory_space<hbm>> -> memref<384xi32, #tpu.memory_space<hbm>>
      %dma_wait3A_406 = arith.constant 0 : i32
      %dma_wait3A_407 = tpu.memref_slice %arg3[%dma_wait3A_402, %dma_wait3A_406] : memref<2x3244032xi32, #tpu.memory_space<hbm>> -> memref<1x384xi32, #tpu.memory_space<hbm>>
      %dma_wait3A_408 = tpu.memref_squeeze %dma_wait3A_407 : memref<1x384xi32, #tpu.memory_space<hbm>> -> memref<384xi32, #tpu.memory_space<hbm>>
      tpu.wait_dma2 semaphore(%arg20 : memref<!tpu.dma_semaphore, #tpu.memory_space<semaphore_mem>>) src(%dma_wait3A_408 : memref<384xi32, #tpu.memory_space<hbm>>) dst(%arg8 : memref<384xi32, #tpu.memory_space<vmem>>)
      %dma_wait3A_409 = arith.constant 0 : i32
      %dma_wait3A_410 = arith.constant 0 : i32
      %dma_wait3A_411 = tpu.memref_slice %arg3[%dma_wait3A_409, %dma_wait3A_410] : memref<2x3244032xi32, #tpu.memory_space<hbm>> -> memref<1x384xi32, #tpu.memory_space<hbm>>
      %dma_wait3A_412 = tpu.memref_squeeze %dma_wait3A_411 : memref<1x384xi32, #tpu.memory_space<hbm>> -> memref<384xi32, #tpu.memory_space<hbm>>
      %dma_wait3A_413 = arith.constant 0 : i32
      %dma_wait3A_414 = tpu.memref_slice %arg3[%dma_wait3A_409, %dma_wait3A_413] : memref<2x3244032xi32, #tpu.memory_space<hbm>> -> memref<1x384xi32, #tpu.memory_space<hbm>>
      %dma_wait3A_415 = tpu.memref_squeeze %dma_wait3A_414 : memref<1x384xi32, #tpu.memory_space<hbm>> -> memref<384xi32, #tpu.memory_space<hbm>>
      tpu.wait_dma2 semaphore(%arg20 : memref<!tpu.dma_semaphore, #tpu.memory_space<semaphore_mem>>) src(%dma_wait3A_415 : memref<384xi32, #tpu.memory_space<hbm>>) dst(%arg12 : memref<384xi32, #tpu.memory_space<vmem>>)
      %dma_start3A_416 = arith.constant 0 : i32
      %dma_start3A_417 = arith.constant 0 : i32
      %dma_start3A_418 = tpu.memref_slice %arg2[%dma_start3A_416, %dma_start3A_417] : memref<100352x16xf32, #tpu.memory_space<hbm>> -> memref<100352x16xf32, #tpu.memory_space<hbm>>
      tpu.enqueue_indirect_dma source(%dma_start3A_418 : memref<100352x16xf32, #tpu.memory_space<hbm>>) target(%arg16 : memref<384x16xf32, #tpu.memory_space<vmem>>) offsets(%arg8 : memref<384xi32, #tpu.memory_space<vmem>>) semaphore(%arg24 : memref<!tpu.dma_semaphore, #tpu.memory_space<semaphore_mem>>)
      %dma_wait3A_419 = arith.constant 0 : i32
      %dma_wait3A_420 = arith.constant 0 : i32
      %dma_wait3A_421 = tpu.memref_slice %arg2[%dma_wait3A_419, %dma_wait3A_420] : memref<100352x16xf32, #tpu.memory_space<hbm>> -> memref<384x16xf32, #tpu.memory_space<hbm>>
      %dma_wait3A_422 = arith.constant 0 : i32
      %dma_wait3A_423 = arith.constant 0 : i32
      %dma_wait3A_424 = tpu.memref_slice %arg2[%dma_wait3A_422, %dma_wait3A_423] : memref<100352x16xf32, #tpu.memory_space<hbm>> -> memref<384x16xf32, #tpu.memory_space<hbm>>
      tpu.wait_dma2 semaphore(%arg23 : memref<!tpu.dma_semaphore, #tpu.memory_space<semaphore_mem>>) src(%dma_wait3A_424 : memref<384x16xf32, #tpu.memory_space<hbm>>) dst(%arg15 : memref<384x16xf32, #tpu.memory_space<vmem>>)
      %dma_start3A_425 = arith.constant 0 : i32
      %dma_start3A_426 = arith.constant 0 : i32
      %dma_start3A_427 = tpu.memref_slice %arg6[%dma_start3A_425, %dma_start3A_426] : memref<100352x16xf32, #tpu.memory_space<vmem_shared>> -> memref<100352x16xf32, #tpu.memory_space<vmem_shared>>
      tpu.enqueue_indirect_dma source(%arg15 : memref<384x16xf32, #tpu.memory_space<vmem>>) target(%dma_start3A_427 : memref<100352x16xf32, #tpu.memory_space<vmem_shared>>) offsets(%arg11 : memref<384xi32, #tpu.memory_space<vmem>>) semaphore(%arg27 : memref<!tpu.dma_semaphore, #tpu.memory_space<semaphore_mem>>) {add = true}
    }
    %while3A_116 = arith.constant 1 : i32
    scf.for %while3A_203 = %while3A_114 to %while3A_110 step %while3A_116  : i32 {
      %mul3A_204 = arith.constant 4 : i32
      %mul3A_205 = arith.muli %while3A_203, %mul3A_204 : i32
      %add3A_206 = arith.constant 2 : i32
      %add3A_207 = arith.addi %add3A_206, %mul3A_205 : i32
      %add3A_208 = arith.constant 0 : i32
      %add3A_209 = arith.addi %add3A_207, %add3A_208 : i32
      %dma_wait3A_210 = arith.constant 0 : i32
      %dma_wait3A_211 = arith.constant 0 : i32
      %dma_wait3A_212 = tpu.memref_slice %arg6[%dma_wait3A_210, %dma_wait3A_211] : memref<100352x16xf32, #tpu.memory_space<vmem_shared>> -> memref<384x16xf32, #tpu.memory_space<vmem_shared>>
      %dma_wait3A_213 = arith.constant 0 : i32
      %dma_wait3A_214 = arith.constant 0 : i32
      %dma_wait3A_215 = tpu.memref_slice %arg6[%dma_wait3A_213, %dma_wait3A_214] : memref<100352x16xf32, #tpu.memory_space<vmem_shared>> -> memref<384x16xf32, #tpu.memory_space<vmem_shared>>
      tpu.wait_dma2 semaphore(%arg27 : memref<!tpu.dma_semaphore, #tpu.memory_space<semaphore_mem>>) src(%arg15 : memref<384x16xf32, #tpu.memory_space<vmem>>) dst(%dma_wait3A_215 : memref<384x16xf32, #tpu.memory_space<vmem_shared>>)
      %add3A_216 = arith.constant 2 : i32
      %add3A_217 = arith.addi %add3A_209, %add3A_216 : i32
      %mul3A_218 = arith.constant 384 : i32
      %mul3A_219 = arith.muli %add3A_217, %mul3A_218 : i32
      %add3A_220 = arith.addi %add3A, %mul3A_219 : i32
      %dma_start3A_221 = arith.constant 0 : i32
      %dma_start3A_222 = tpu.memref_slice %arg3[%dma_start3A_221, %add3A_220] : memref<2x3244032xi32, #tpu.memory_space<hbm>> -> memref<1x384xi32, #tpu.memory_space<hbm>>
      %dma_start3A_223 = tpu.memref_squeeze %dma_start3A_222 : memref<1x384xi32, #tpu.memory_space<hbm>> -> memref<384xi32, #tpu.memory_space<hbm>>
      %dma_start3A_224 = tpu.memref_slice %arg3[%dma_start3A_221, %add3A_220] : memref<2x3244032xi32, #tpu.memory_space<hbm>> -> memref<1x384xi32, #tpu.memory_space<hbm>>
      %dma_start3A_225 = tpu.memref_squeeze %dma_start3A_224 : memref<1x384xi32, #tpu.memory_space<hbm>> -> memref<384xi32, #tpu.memory_space<hbm>>
      tpu.enqueue_dma source(%dma_start3A_225 : memref<384xi32, #tpu.memory_space<hbm>>) target(%arg7 : memref<384xi32, #tpu.memory_space<vmem>>) target_semaphore(%arg19 : memref<!tpu.dma_semaphore, #tpu.memory_space<semaphore_mem>>)
      %mul3A_226 = arith.constant 384 : i32
      %mul3A_227 = arith.muli %add3A_217, %mul3A_226 : i32
      %add3A_228 = arith.addi %add3A, %mul3A_227 : i32
      %dma_start3A_229 = arith.constant 1 : i32
      %dma_start3A_230 = tpu.memref_slice %arg3[%dma_start3A_229, %add3A_228] : memref<2x3244032xi32, #tpu.memory_space<hbm>> -> memref<1x384xi32, #tpu.memory_space<hbm>>
      %dma_start3A_231 = tpu.memref_squeeze %dma_start3A_230 : memref<1x384xi32, #tpu.memory_space<hbm>> -> memref<384xi32, #tpu.memory_space<hbm>>
      %dma_start3A_232 = tpu.memref_slice %arg3[%dma_start3A_229, %add3A_228] : memref<2x3244032xi32, #tpu.memory_space<hbm>> -> memref<1x384xi32, #tpu.memory_space<hbm>>
      %dma_start3A_233 = tpu.memref_squeeze %dma_start3A_232 : memref<1x384xi32, #tpu.memory_space<hbm>> -> memref<384xi32, #tpu.memory_space<hbm>>
      tpu.enqueue_dma source(%dma_start3A_233 : memref<384xi32, #tpu.memory_space<hbm>>) target(%arg11 : memref<384xi32, #tpu.memory_space<vmem>>) target_semaphore(%arg19 : memref<!tpu.dma_semaphore, #tpu.memory_space<semaphore_mem>>)
      %dma_wait3A_234 = arith.constant 0 : i32
      %dma_wait3A_235 = arith.constant 0 : i32
      %dma_wait3A_236 = tpu.memref_slice %arg3[%dma_wait3A_234, %dma_wait3A_235] : memref<2x3244032xi32, #tpu.memory_space<hbm>> -> memref<1x384xi32, #tpu.memory_space<hbm>>
      %dma_wait3A_237 = tpu.memref_squeeze %dma_wait3A_236 : memref<1x384xi32, #tpu.memory_space<hbm>> -> memref<384xi32, #tpu.memory_space<hbm>>
      %dma_wait3A_238 = arith.constant 0 : i32
      %dma_wait3A_239 = tpu.memref_slice %arg3[%dma_wait3A_234, %dma_wait3A_238] : memref<2x3244032xi32, #tpu.memory_space<hbm>> -> memref<1x384xi32, #tpu.memory_space<hbm>>
      %dma_wait3A_240 = tpu.memref_squeeze %dma_wait3A_239 : memref<1x384xi32, #tpu.memory_space<hbm>> -> memref<384xi32, #tpu.memory_space<hbm>>
      tpu.wait_dma2 semaphore(%arg21 : memref<!tpu.dma_semaphore, #tpu.memory_space<semaphore_mem>>) src(%dma_wait3A_240 : memref<384xi32, #tpu.memory_space<hbm>>) dst(%arg9 : memref<384xi32, #tpu.memory_space<vmem>>)
      %dma_wait3A_241 = arith.constant 0 : i32
      %dma_wait3A_242 = arith.constant 0 : i32
      %dma_wait3A_243 = tpu.memref_slice %arg3[%dma_wait3A_241, %dma_wait3A_242] : memref<2x3244032xi32, #tpu.memory_space<hbm>> -> memref<1x384xi32, #tpu.memory_space<hbm>>
      %dma_wait3A_244 = tpu.memref_squeeze %dma_wait3A_243 : memref<1x384xi32, #tpu.memory_space<hbm>> -> memref<384xi32, #tpu.memory_space<hbm>>
      %dma_wait3A_245 = arith.constant 0 : i32
      %dma_wait3A_246 = tpu.memref_slice %arg3[%dma_wait3A_241, %dma_wait3A_245] : memref<2x3244032xi32, #tpu.memory_space<hbm>> -> memref<1x384xi32, #tpu.memory_space<hbm>>
      %dma_wait3A_247 = tpu.memref_squeeze %dma_wait3A_246 : memref<1x384xi32, #tpu.memory_space<hbm>> -> memref<384xi32, #tpu.memory_space<hbm>>
      tpu.wait_dma2 semaphore(%arg21 : memref<!tpu.dma_semaphore, #tpu.memory_space<semaphore_mem>>) src(%dma_wait3A_247 : memref<384xi32, #tpu.memory_space<hbm>>) dst(%arg13 : memref<384xi32, #tpu.memory_space<vmem>>)
      %dma_start3A_248 = arith.constant 0 : i32
      %dma_start3A_249 = arith.constant 0 : i32
      %dma_start3A_250 = tpu.memref_slice %arg2[%dma_start3A_248, %dma_start3A_249] : memref<100352x16xf32, #tpu.memory_space<hbm>> -> memref<100352x16xf32, #tpu.memory_space<hbm>>
      tpu.enqueue_indirect_dma source(%dma_start3A_250 : memref<100352x16xf32, #tpu.memory_space<hbm>>) target(%arg17 : memref<384x16xf32, #tpu.memory_space<vmem>>) offsets(%arg9 : memref<384xi32, #tpu.memory_space<vmem>>) semaphore(%arg25 : memref<!tpu.dma_semaphore, #tpu.memory_space<semaphore_mem>>)
      %dma_wait3A_251 = arith.constant 0 : i32
      %dma_wait3A_252 = arith.constant 0 : i32
      %dma_wait3A_253 = tpu.memref_slice %arg2[%dma_wait3A_251, %dma_wait3A_252] : memref<100352x16xf32, #tpu.memory_space<hbm>> -> memref<384x16xf32, #tpu.memory_space<hbm>>
      %dma_wait3A_254 = arith.constant 0 : i32
      %dma_wait3A_255 = arith.constant 0 : i32
      %dma_wait3A_256 = tpu.memref_slice %arg2[%dma_wait3A_254, %dma_wait3A_255] : memref<100352x16xf32, #tpu.memory_space<hbm>> -> memref<384x16xf32, #tpu.memory_space<hbm>>
      tpu.wait_dma2 semaphore(%arg24 : memref<!tpu.dma_semaphore, #tpu.memory_space<semaphore_mem>>) src(%dma_wait3A_256 : memref<384x16xf32, #tpu.memory_space<hbm>>) dst(%arg16 : memref<384x16xf32, #tpu.memory_space<vmem>>)
      %dma_start3A_257 = arith.constant 0 : i32
      %dma_start3A_258 = arith.constant 0 : i32
      %dma_start3A_259 = tpu.memref_slice %arg6[%dma_start3A_257, %dma_start3A_258] : memref<100352x16xf32, #tpu.memory_space<vmem_shared>> -> memref<100352x16xf32, #tpu.memory_space<vmem_shared>>
      tpu.enqueue_indirect_dma source(%arg16 : memref<384x16xf32, #tpu.memory_space<vmem>>) target(%dma_start3A_259 : memref<100352x16xf32, #tpu.memory_space<vmem_shared>>) offsets(%arg12 : memref<384xi32, #tpu.memory_space<vmem>>) semaphore(%arg28 : memref<!tpu.dma_semaphore, #tpu.memory_space<semaphore_mem>>) {add = true}
      %mul3A_260 = arith.constant 4 : i32
      %mul3A_261 = arith.muli %while3A_203, %mul3A_260 : i32
      %add3A_262 = arith.constant 2 : i32
      %add3A_263 = arith.addi %add3A_262, %mul3A_261 : i32
      %add3A_264 = arith.constant 1 : i32
      %add3A_265 = arith.addi %add3A_263, %add3A_264 : i32
      %dma_wait3A_266 = arith.constant 0 : i32
      %dma_wait3A_267 = arith.constant 0 : i32
      %dma_wait3A_268 = tpu.memref_slice %arg6[%dma_wait3A_266, %dma_wait3A_267] : memref<100352x16xf32, #tpu.memory_space<vmem_shared>> -> memref<384x16xf32, #tpu.memory_space<vmem_shared>>
      %dma_wait3A_269 = arith.constant 0 : i32
      %dma_wait3A_270 = arith.constant 0 : i32
      %dma_wait3A_271 = tpu.memref_slice %arg6[%dma_wait3A_269, %dma_wait3A_270] : memref<100352x16xf32, #tpu.memory_space<vmem_shared>> -> memref<384x16xf32, #tpu.memory_space<vmem_shared>>
      tpu.wait_dma2 semaphore(%arg28 : memref<!tpu.dma_semaphore, #tpu.memory_space<semaphore_mem>>) src(%arg16 : memref<384x16xf32, #tpu.memory_space<vmem>>) dst(%dma_wait3A_271 : memref<384x16xf32, #tpu.memory_space<vmem_shared>>)
      %add3A_272 = arith.constant 2 : i32
      %add3A_273 = arith.addi %add3A_265, %add3A_272 : i32
      %mul3A_274 = arith.constant 384 : i32
      %mul3A_275 = arith.muli %add3A_273, %mul3A_274 : i32
      %add3A_276 = arith.addi %add3A, %mul3A_275 : i32
      %dma_start3A_277 = arith.constant 0 : i32
      %dma_start3A_278 = tpu.memref_slice %arg3[%dma_start3A_277, %add3A_276] : memref<2x3244032xi32, #tpu.memory_space<hbm>> -> memref<1x384xi32, #tpu.memory_space<hbm>>
      %dma_start3A_279 = tpu.memref_squeeze %dma_start3A_278 : memref<1x384xi32, #tpu.memory_space<hbm>> -> memref<384xi32, #tpu.memory_space<hbm>>
      %dma_start3A_280 = tpu.memref_slice %arg3[%dma_start3A_277, %add3A_276] : memref<2x3244032xi32, #tpu.memory_space<hbm>> -> memref<1x384xi32, #tpu.memory_space<hbm>>
      %dma_start3A_281 = tpu.memref_squeeze %dma_start3A_280 : memref<1x384xi32, #tpu.memory_space<hbm>> -> memref<384xi32, #tpu.memory_space<hbm>>
      tpu.enqueue_dma source(%dma_start3A_281 : memref<384xi32, #tpu.memory_space<hbm>>) target(%arg8 : memref<384xi32, #tpu.memory_space<vmem>>) target_semaphore(%arg20 : memref<!tpu.dma_semaphore, #tpu.memory_space<semaphore_mem>>)
      %mul3A_282 = arith.constant 384 : i32
      %mul3A_283 = arith.muli %add3A_273, %mul3A_282 : i32
      %add3A_284 = arith.addi %add3A, %mul3A_283 : i32
      %dma_start3A_285 = arith.constant 1 : i32
      %dma_start3A_286 = tpu.memref_slice %arg3[%dma_start3A_285, %add3A_284] : memref<2x3244032xi32, #tpu.memory_space<hbm>> -> memref<1x384xi32, #tpu.memory_space<hbm>>
      %dma_start3A_287 = tpu.memref_squeeze %dma_start3A_286 : memref<1x384xi32, #tpu.memory_space<hbm>> -> memref<384xi32, #tpu.memory_space<hbm>>
      %dma_start3A_288 = tpu.memref_slice %arg3[%dma_start3A_285, %add3A_284] : memref<2x3244032xi32, #tpu.memory_space<hbm>> -> memref<1x384xi32, #tpu.memory_space<hbm>>
      %dma_start3A_289 = tpu.memref_squeeze %dma_start3A_288 : memref<1x384xi32, #tpu.memory_space<hbm>> -> memref<384xi32, #tpu.memory_space<hbm>>
      tpu.enqueue_dma source(%dma_start3A_289 : memref<384xi32, #tpu.memory_space<hbm>>) target(%arg12 : memref<384xi32, #tpu.memory_space<vmem>>) target_semaphore(%arg20 : memref<!tpu.dma_semaphore, #tpu.memory_space<semaphore_mem>>)
      %dma_wait3A_290 = arith.constant 0 : i32
      %dma_wait3A_291 = arith.constant 0 : i32
      %dma_wait3A_292 = tpu.memref_slice %arg3[%dma_wait3A_290, %dma_wait3A_291] : memref<2x3244032xi32, #tpu.memory_space<hbm>> -> memref<1x384xi32, #tpu.memory_space<hbm>>
      %dma_wait3A_293 = tpu.memref_squeeze %dma_wait3A_292 : memref<1x384xi32, #tpu.memory_space<hbm>> -> memref<384xi32, #tpu.memory_space<hbm>>
      %dma_wait3A_294 = arith.constant 0 : i32
      %dma_wait3A_295 = tpu.memref_slice %arg3[%dma_wait3A_290, %dma_wait3A_294] : memref<2x3244032xi32, #tpu.memory_space<hbm>> -> memref<1x384xi32, #tpu.memory_space<hbm>>
      %dma_wait3A_296 = tpu.memref_squeeze %dma_wait3A_295 : memref<1x384xi32, #tpu.memory_space<hbm>> -> memref<384xi32, #tpu.memory_space<hbm>>
      tpu.wait_dma2 semaphore(%arg22 : memref<!tpu.dma_semaphore, #tpu.memory_space<semaphore_mem>>) src(%dma_wait3A_296 : memref<384xi32, #tpu.memory_space<hbm>>) dst(%arg10 : memref<384xi32, #tpu.memory_space<vmem>>)
      %dma_wait3A_297 = arith.constant 0 : i32
      %dma_wait3A_298 = arith.constant 0 : i32
      %dma_wait3A_299 = tpu.memref_slice %arg3[%dma_wait3A_297, %dma_wait3A_298] : memref<2x3244032xi32, #tpu.memory_space<hbm>> -> memref<1x384xi32, #tpu.memory_space<hbm>>
      %dma_wait3A_300 = tpu.memref_squeeze %dma_wait3A_299 : memref<1x384xi32, #tpu.memory_space<hbm>> -> memref<384xi32, #tpu.memory_space<hbm>>
      %dma_wait3A_301 = arith.constant 0 : i32
      %dma_wait3A_302 = tpu.memref_slice %arg3[%dma_wait3A_297, %dma_wait3A_301] : memref<2x3244032xi32, #tpu.memory_space<hbm>> -> memref<1x384xi32, #tpu.memory_space<hbm>>
      %dma_wait3A_303 = tpu.memref_squeeze %dma_wait3A_302 : memref<1x384xi32, #tpu.memory_space<hbm>> -> memref<384xi32, #tpu.memory_space<hbm>>
      tpu.wait_dma2 semaphore(%arg22 : memref<!tpu.dma_semaphore, #tpu.memory_space<semaphore_mem>>) src(%dma_wait3A_303 : memref<384xi32, #tpu.memory_space<hbm>>) dst(%arg14 : memref<384xi32, #tpu.memory_space<vmem>>)
      %dma_start3A_304 = arith.constant 0 : i32
      %dma_start3A_305 = arith.constant 0 : i32
      %dma_start3A_306 = tpu.memref_slice %arg2[%dma_start3A_304, %dma_start3A_305] : memref<100352x16xf32, #tpu.memory_space<hbm>> -> memref<100352x16xf32, #tpu.memory_space<hbm>>
      tpu.enqueue_indirect_dma source(%dma_start3A_306 : memref<100352x16xf32, #tpu.memory_space<hbm>>) target(%arg18 : memref<384x16xf32, #tpu.memory_space<vmem>>) offsets(%arg10 : memref<384xi32, #tpu.memory_space<vmem>>) semaphore(%arg26 : memref<!tpu.dma_semaphore, #tpu.memory_space<semaphore_mem>>)
      %dma_wait3A_307 = arith.constant 0 : i32
      %dma_wait3A_308 = arith.constant 0 : i32
      %dma_wait3A_309 = tpu.memref_slice %arg2[%dma_wait3A_307, %dma_wait3A_308] : memref<100352x16xf32, #tpu.memory_space<hbm>> -> memref<384x16xf32, #tpu.memory_space<hbm>>
      %dma_wait3A_310 = arith.constant 0 : i32
      %dma_wait3A_311 = arith.constant 0 : i32
      %dma_wait3A_312 = tpu.memref_slice %arg2[%dma_wait3A_310, %dma_wait3A_311] : memref<100352x16xf32, #tpu.memory_space<hbm>> -> memref<384x16xf32, #tpu.memory_space<hbm>>
      tpu.wait_dma2 semaphore(%arg25 : memref<!tpu.dma_semaphore, #tpu.memory_space<semaphore_mem>>) src(%dma_wait3A_312 : memref<384x16xf32, #tpu.memory_space<hbm>>) dst(%arg17 : memref<384x16xf32, #tpu.memory_space<vmem>>)
      %dma_start3A_313 = arith.constant 0 : i32
      %dma_start3A_314 = arith.constant 0 : i32
      %dma_start3A_315 = tpu.memref_slice %arg6[%dma_start3A_313, %dma_start3A_314] : memref<100352x16xf32, #tpu.memory_space<vmem_shared>> -> memref<100352x16xf32, #tpu.memory_space<vmem_shared>>
      tpu.enqueue_indirect_dma source(%arg17 : memref<384x16xf32, #tpu.memory_space<vmem>>) target(%dma_start3A_315 : memref<100352x16xf32, #tpu.memory_space<vmem_shared>>) offsets(%arg13 : memref<384xi32, #tpu.memory_space<vmem>>) semaphore(%arg29 : memref<!tpu.dma_semaphore, #tpu.memory_space<semaphore_mem>>) {add = true}
      %mul3A_316 = arith.constant 4 : i32
      %mul3A_317 = arith.muli %while3A_203, %mul3A_316 : i32
      %add3A_318 = arith.constant 2 : i32
      %add3A_319 = arith.addi %add3A_318, %mul3A_317 : i32
      %add3A_320 = arith.constant 2 : i32
      %add3A_321 = arith.addi %add3A_319, %add3A_320 : i32
      %dma_wait3A_322 = arith.constant 0 : i32
      %dma_wait3A_323 = arith.constant 0 : i32
      %dma_wait3A_324 = tpu.memref_slice %arg6[%dma_wait3A_322, %dma_wait3A_323] : memref<100352x16xf32, #tpu.memory_space<vmem_shared>> -> memref<384x16xf32, #tpu.memory_space<vmem_shared>>
      %dma_wait3A_325 = arith.constant 0 : i32
      %dma_wait3A_326 = arith.constant 0 : i32
      %dma_wait3A_327 = tpu.memref_slice %arg6[%dma_wait3A_325, %dma_wait3A_326] : memref<100352x16xf32, #tpu.memory_space<vmem_shared>> -> memref<384x16xf32, #tpu.memory_space<vmem_shared>>
      tpu.wait_dma2 semaphore(%arg29 : memref<!tpu.dma_semaphore, #tpu.memory_space<semaphore_mem>>) src(%arg17 : memref<384x16xf32, #tpu.memory_space<vmem>>) dst(%dma_wait3A_327 : memref<384x16xf32, #tpu.memory_space<vmem_shared>>)
      %add3A_328 = arith.constant 2 : i32
      %add3A_329 = arith.addi %add3A_321, %add3A_328 : i32
      %mul3A_330 = arith.constant 384 : i32
      %mul3A_331 = arith.muli %add3A_329, %mul3A_330 : i32
      %add3A_332 = arith.addi %add3A, %mul3A_331 : i32
      %dma_start3A_333 = arith.constant 0 : i32
      %dma_start3A_334 = tpu.memref_slice %arg3[%dma_start3A_333, %add3A_332] : memref<2x3244032xi32, #tpu.memory_space<hbm>> -> memref<1x384xi32, #tpu.memory_space<hbm>>
      %dma_start3A_335 = tpu.memref_squeeze %dma_start3A_334 : memref<1x384xi32, #tpu.memory_space<hbm>> -> memref<384xi32, #tpu.memory_space<hbm>>
      %dma_start3A_336 = tpu.memref_slice %arg3[%dma_start3A_333, %add3A_332] : memref<2x3244032xi32, #tpu.memory_space<hbm>> -> memref<1x384xi32, #tpu.memory_space<hbm>>
      %dma_start3A_337 = tpu.memref_squeeze %dma_start3A_336 : memref<1x384xi32, #tpu.memory_space<hbm>> -> memref<384xi32, #tpu.memory_space<hbm>>
      tpu.enqueue_dma source(%dma_start3A_337 : memref<384xi32, #tpu.memory_space<hbm>>) target(%arg9 : memref<384xi32, #tpu.memory_space<vmem>>) target_semaphore(%arg21 : memref<!tpu.dma_semaphore, #tpu.memory_space<semaphore_mem>>)
      %mul3A_338 = arith.constant 384 : i32
      %mul3A_339 = arith.muli %add3A_329, %mul3A_338 : i32
      %add3A_340 = arith.addi %add3A, %mul3A_339 : i32
      %dma_start3A_341 = arith.constant 1 : i32
      %dma_start3A_342 = tpu.memref_slice %arg3[%dma_start3A_341, %add3A_340] : memref<2x3244032xi32, #tpu.memory_space<hbm>> -> memref<1x384xi32, #tpu.memory_space<hbm>>
      %dma_start3A_343 = tpu.memref_squeeze %dma_start3A_342 : memref<1x384xi32, #tpu.memory_space<hbm>> -> memref<384xi32, #tpu.memory_space<hbm>>
      %dma_start3A_344 = tpu.memref_slice %arg3[%dma_start3A_341, %add3A_340] : memref<2x3244032xi32, #tpu.memory_space<hbm>> -> memref<1x384xi32, #tpu.memory_space<hbm>>
      %dma_start3A_345 = tpu.memref_squeeze %dma_start3A_344 : memref<1x384xi32, #tpu.memory_space<hbm>> -> memref<384xi32, #tpu.memory_space<hbm>>
      tpu.enqueue_dma source(%dma_start3A_345 : memref<384xi32, #tpu.memory_space<hbm>>) target(%arg13 : memref<384xi32, #tpu.memory_space<vmem>>) target_semaphore(%arg21 : memref<!tpu.dma_semaphore, #tpu.memory_space<semaphore_mem>>)
      %dma_wait3A_346 = arith.constant 0 : i32
      %dma_wait3A_347 = arith.constant 0 : i32
      %dma_wait3A_348 = tpu.memref_slice %arg3[%dma_wait3A_346, %dma_wait3A_347] : memref<2x3244032xi32, #tpu.memory_space<hbm>> -> memref<1x384xi32, #tpu.memory_space<hbm>>
      %dma_wait3A_349 = tpu.memref_squeeze %dma_wait3A_348 : memref<1x384xi32, #tpu.memory_space<hbm>> -> memref<384xi32, #tpu.memory_space<hbm>>
      %dma_wait3A_350 = arith.constant 0 : i32
      %dma_wait3A_351 = tpu.memref_slice %arg3[%dma_wait3A_346, %dma_wait3A_350] : memref<2x3244032xi32, #tpu.memory_space<hbm>> -> memref<1x384xi32, #tpu.memory_space<hbm>>
      %dma_wait3A_352 = tpu.memref_squeeze %dma_wait3A_351 : memref<1x384xi32, #tpu.memory_space<hbm>> -> memref<384xi32, #tpu.memory_space<hbm>>
      tpu.wait_dma2 semaphore(%arg19 : memref<!tpu.dma_semaphore, #tpu.memory_space<semaphore_mem>>) src(%dma_wait3A_352 : memref<384xi32, #tpu.memory_space<hbm>>) dst(%arg7 : memref<384xi32, #tpu.memory_space<vmem>>)
      %dma_wait3A_353 = arith.constant 0 : i32
      %dma_wait3A_354 = arith.constant 0 : i32
      %dma_wait3A_355 = tpu.memref_slice %arg3[%dma_wait3A_353, %dma_wait3A_354] : memref<2x3244032xi32, #tpu.memory_space<hbm>> -> memref<1x384xi32, #tpu.memory_space<hbm>>
      %dma_wait3A_356 = tpu.memref_squeeze %dma_wait3A_355 : memref<1x384xi32, #tpu.memory_space<hbm>> -> memref<384xi32, #tpu.memory_space<hbm>>
      %dma_wait3A_357 = arith.constant 0 : i32
      %dma_wait3A_358 = tpu.memref_slice %arg3[%dma_wait3A_353, %dma_wait3A_357] : memref<2x3244032xi32, #tpu.memory_space<hbm>> -> memref<1x384xi32, #tpu.memory_space<hbm>>
      %dma_wait3A_359 = tpu.memref_squeeze %dma_wait3A_358 : memref<1x384xi32, #tpu.memory_space<hbm>> -> memref<384xi32, #tpu.memory_space<hbm>>
      tpu.wait_dma2 semaphore(%arg19 : memref<!tpu.dma_semaphore, #tpu.memory_space<semaphore_mem>>) src(%dma_wait3A_359 : memref<384xi32, #tpu.memory_space<hbm>>) dst(%arg11 : memref<384xi32, #tpu.memory_space<vmem>>)
      %dma_start3A_360 = arith.constant 0 : i32
      %dma_start3A_361 = arith.constant 0 : i32
      %dma_start3A_362 = tpu.memref_slice %arg2[%dma_start3A_360, %dma_start3A_361] : memref<100352x16xf32, #tpu.memory_space<hbm>> -> memref<100352x16xf32, #tpu.memory_space<hbm>>
      tpu.enqueue_indirect_dma source(%dma_start3A_362 : memref<100352x16xf32, #tpu.memory_space<hbm>>) target(%arg15 : memref<384x16xf32, #tpu.memory_space<vmem>>) offsets(%arg7 : memref<384xi32, #tpu.memory_space<vmem>>) semaphore(%arg23 : memref<!tpu.dma_semaphore, #tpu.memory_space<semaphore_mem>>)
      %dma_wait3A_363 = arith.constant 0 : i32
      %dma_wait3A_364 = arith.constant 0 : i32
      %dma_wait3A_365 = tpu.memref_slice %arg2[%dma_wait3A_363, %dma_wait3A_364] : memref<100352x16xf32, #tpu.memory_space<hbm>> -> memref<384x16xf32, #tpu.memory_space<hbm>>
      %dma_wait3A_366 = arith.constant 0 : i32
      %dma_wait3A_367 = arith.constant 0 : i32
      %dma_wait3A_368 = tpu.memref_slice %arg2[%dma_wait3A_366, %dma_wait3A_367] : memref<100352x16xf32, #tpu.memory_space<hbm>> -> memref<384x16xf32, #tpu.memory_space<hbm>>
      tpu.wait_dma2 semaphore(%arg26 : memref<!tpu.dma_semaphore, #tpu.memory_space<semaphore_mem>>) src(%dma_wait3A_368 : memref<384x16xf32, #tpu.memory_space<hbm>>) dst(%arg18 : memref<384x16xf32, #tpu.memory_space<vmem>>)
      %dma_start3A_369 = arith.constant 0 : i32
      %dma_start3A_370 = arith.constant 0 : i32
      %dma_start3A_371 = tpu.memref_slice %arg6[%dma_start3A_369, %dma_start3A_370] : memref<100352x16xf32, #tpu.memory_space<vmem_shared>> -> memref<100352x16xf32, #tpu.memory_space<vmem_shared>>
      tpu.enqueue_indirect_dma source(%arg18 : memref<384x16xf32, #tpu.memory_space<vmem>>) target(%dma_start3A_371 : memref<100352x16xf32, #tpu.memory_space<vmem_shared>>) offsets(%arg14 : memref<384xi32, #tpu.memory_space<vmem>>) semaphore(%arg30 : memref<!tpu.dma_semaphore, #tpu.memory_space<semaphore_mem>>) {add = true}
      %mul3A_372 = arith.constant 4 : i32
      %mul3A_373 = arith.muli %while3A_203, %mul3A_372 : i32
      %add3A_374 = arith.constant 2 : i32
      %add3A_375 = arith.addi %add3A_374, %mul3A_373 : i32
      %add3A_376 = arith.constant 3 : i32
      %add3A_377 = arith.addi %add3A_375, %add3A_376 : i32
      %dma_wait3A_378 = arith.constant 0 : i32
      %dma_wait3A_379 = arith.constant 0 : i32
      %dma_wait3A_380 = tpu.memref_slice %arg6[%dma_wait3A_378, %dma_wait3A_379] : memref<100352x16xf32, #tpu.memory_space<vmem_shared>> -> memref<384x16xf32, #tpu.memory_space<vmem_shared>>
      %dma_wait3A_381 = arith.constant 0 : i32
      %dma_wait3A_382 = arith.constant 0 : i32
      %dma_wait3A_383 = tpu.memref_slice %arg6[%dma_wait3A_381, %dma_wait3A_382] : memref<100352x16xf32, #tpu.memory_space<vmem_shared>> -> memref<384x16xf32, #tpu.memory_space<vmem_shared>>
      tpu.wait_dma2 semaphore(%arg30 : memref<!tpu.dma_semaphore, #tpu.memory_space<semaphore_mem>>) src(%arg18 : memref<384x16xf32, #tpu.memory_space<vmem>>) dst(%dma_wait3A_383 : memref<384x16xf32, #tpu.memory_space<vmem_shared>>)
      %add3A_384 = arith.constant 2 : i32
      %add3A_385 = arith.addi %add3A_377, %add3A_384 : i32
      %mul3A_386 = arith.constant 384 : i32
      %mul3A_387 = arith.muli %add3A_385, %mul3A_386 : i32
      %add3A_388 = arith.addi %add3A, %mul3A_387 : i32
      %dma_start3A_389 = arith.constant 0 : i32
      %dma_start3A_390 = tpu.memref_slice %arg3[%dma_start3A_389, %add3A_388] : memref<2x3244032xi32, #tpu.memory_space<hbm>> -> memref<1x384xi32, #tpu.memory_space<hbm>>
      %dma_start3A_391 = tpu.memref_squeeze %dma_start3A_390 : memref<1x384xi32, #tpu.memory_space<hbm>> -> memref<384xi32, #tpu.memory_space<hbm>>
      %dma_start3A_392 = tpu.memref_slice %arg3[%dma_start3A_389, %add3A_388] : memref<2x3244032xi32, #tpu.memory_space<hbm>> -> memref<1x384xi32, #tpu.memory_space<hbm>>
      %dma_start3A_393 = tpu.memref_squeeze %dma_start3A_392 : memref<1x384xi32, #tpu.memory_space<hbm>> -> memref<384xi32, #tpu.memory_space<hbm>>
      tpu.enqueue_dma source(%dma_start3A_393 : memref<384xi32, #tpu.memory_space<hbm>>) target(%arg10 : memref<384xi32, #tpu.memory_space<vmem>>) target_semaphore(%arg22 : memref<!tpu.dma_semaphore, #tpu.memory_space<semaphore_mem>>)
      %mul3A_394 = arith.constant 384 : i32
      %mul3A_395 = arith.muli %add3A_385, %mul3A_394 : i32
      %add3A_396 = arith.addi %add3A, %mul3A_395 : i32
      %dma_start3A_397 = arith.constant 1 : i32
      %dma_start3A_398 = tpu.memref_slice %arg3[%dma_start3A_397, %add3A_396] : memref<2x3244032xi32, #tpu.memory_space<hbm>> -> memref<1x384xi32, #tpu.memory_space<hbm>>
      %dma_start3A_399 = tpu.memref_squeeze %dma_start3A_398 : memref<1x384xi32, #tpu.memory_space<hbm>> -> memref<384xi32, #tpu.memory_space<hbm>>
      %dma_start3A_400 = tpu.memref_slice %arg3[%dma_start3A_397, %add3A_396] : memref<2x3244032xi32, #tpu.memory_space<hbm>> -> memref<1x384xi32, #tpu.memory_space<hbm>>
      %dma_start3A_401 = tpu.memref_squeeze %dma_start3A_400 : memref<1x384xi32, #tpu.memory_space<hbm>> -> memref<384xi32, #tpu.memory_space<hbm>>
      tpu.enqueue_dma source(%dma_start3A_401 : memref<384xi32, #tpu.memory_space<hbm>>) target(%arg14 : memref<384xi32, #tpu.memory_space<vmem>>) target_semaphore(%arg22 : memref<!tpu.dma_semaphore, #tpu.memory_space<semaphore_mem>>)
      %dma_wait3A_402 = arith.constant 0 : i32
      %dma_wait3A_403 = arith.constant 0 : i32
      %dma_wait3A_404 = tpu.memref_slice %arg3[%dma_wait3A_402, %dma_wait3A_403] : memref<2x3244032xi32, #tpu.memory_space<hbm>> -> memref<1x384xi32, #tpu.memory_space<hbm>>
      %dma_wait3A_405 = tpu.memref_squeeze %dma_wait3A_404 : memref<1x384xi32, #tpu.memory_space<hbm>> -> memref<384xi32, #tpu.memory_space<hbm>>
      %dma_wait3A_406 = arith.constant 0 : i32
      %dma_wait3A_407 = tpu.memref_slice %arg3[%dma_wait3A_402, %dma_wait3A_406] : memref<2x3244032xi32, #tpu.memory_space<hbm>> -> memref<1x384xi32, #tpu.memory_space<hbm>>
      %dma_wait3A_408 = tpu.memref_squeeze %dma_wait3A_407 : memref<1x384xi32, #tpu.memory_space<hbm>> -> memref<384xi32, #tpu.memory_space<hbm>>
      tpu.wait_dma2 semaphore(%arg20 : memref<!tpu.dma_semaphore, #tpu.memory_space<semaphore_mem>>) src(%dma_wait3A_408 : memref<384xi32, #tpu.memory_space<hbm>>) dst(%arg8 : memref<384xi32, #tpu.memory_space<vmem>>)
      %dma_wait3A_409 = arith.constant 0 : i32
      %dma_wait3A_410 = arith.constant 0 : i32
      %dma_wait3A_411 = tpu.memref_slice %arg3[%dma_wait3A_409, %dma_wait3A_410] : memref<2x3244032xi32, #tpu.memory_space<hbm>> -> memref<1x384xi32, #tpu.memory_space<hbm>>
      %dma_wait3A_412 = tpu.memref_squeeze %dma_wait3A_411 : memref<1x384xi32, #tpu.memory_space<hbm>> -> memref<384xi32, #tpu.memory_space<hbm>>
      %dma_wait3A_413 = arith.constant 0 : i32
      %dma_wait3A_414 = tpu.memref_slice %arg3[%dma_wait3A_409, %dma_wait3A_413] : memref<2x3244032xi32, #tpu.memory_space<hbm>> -> memref<1x384xi32, #tpu.memory_space<hbm>>
      %dma_wait3A_415 = tpu.memref_squeeze %dma_wait3A_414 : memref<1x384xi32, #tpu.memory_space<hbm>> -> memref<384xi32, #tpu.memory_space<hbm>>
      tpu.wait_dma2 semaphore(%arg20 : memref<!tpu.dma_semaphore, #tpu.memory_space<semaphore_mem>>) src(%dma_wait3A_415 : memref<384xi32, #tpu.memory_space<hbm>>) dst(%arg12 : memref<384xi32, #tpu.memory_space<vmem>>)
      %dma_start3A_416 = arith.constant 0 : i32
      %dma_start3A_417 = arith.constant 0 : i32
      %dma_start3A_418 = tpu.memref_slice %arg2[%dma_start3A_416, %dma_start3A_417] : memref<100352x16xf32, #tpu.memory_space<hbm>> -> memref<100352x16xf32, #tpu.memory_space<hbm>>
      tpu.enqueue_indirect_dma source(%dma_start3A_418 : memref<100352x16xf32, #tpu.memory_space<hbm>>) target(%arg16 : memref<384x16xf32, #tpu.memory_space<vmem>>) offsets(%arg8 : memref<384xi32, #tpu.memory_space<vmem>>) semaphore(%arg24 : memref<!tpu.dma_semaphore, #tpu.memory_space<semaphore_mem>>)
      %dma_wait3A_419 = arith.constant 0 : i32
      %dma_wait3A_420 = arith.constant 0 : i32
      %dma_wait3A_421 = tpu.memref_slice %arg2[%dma_wait3A_419, %dma_wait3A_420] : memref<100352x16xf32, #tpu.memory_space<hbm>> -> memref<384x16xf32, #tpu.memory_space<hbm>>
      %dma_wait3A_422 = arith.constant 0 : i32
      %dma_wait3A_423 = arith.constant 0 : i32
      %dma_wait3A_424 = tpu.memref_slice %arg2[%dma_wait3A_422, %dma_wait3A_423] : memref<100352x16xf32, #tpu.memory_space<hbm>> -> memref<384x16xf32, #tpu.memory_space<hbm>>
      tpu.wait_dma2 semaphore(%arg23 : memref<!tpu.dma_semaphore, #tpu.memory_space<semaphore_mem>>) src(%dma_wait3A_424 : memref<384x16xf32, #tpu.memory_space<hbm>>) dst(%arg15 : memref<384x16xf32, #tpu.memory_space<vmem>>)
      %dma_start3A_425 = arith.constant 0 : i32
      %dma_start3A_426 = arith.constant 0 : i32
      %dma_start3A_427 = tpu.memref_slice %arg6[%dma_start3A_425, %dma_start3A_426] : memref<100352x16xf32, #tpu.memory_space<vmem_shared>> -> memref<100352x16xf32, #tpu.memory_space<vmem_shared>>
      tpu.enqueue_indirect_dma source(%arg15 : memref<384x16xf32, #tpu.memory_space<vmem>>) target(%dma_start3A_427 : memref<100352x16xf32, #tpu.memory_space<vmem_shared>>) offsets(%arg11 : memref<384xi32, #tpu.memory_space<vmem>>) semaphore(%arg27 : memref<!tpu.dma_semaphore, #tpu.memory_space<semaphore_mem>>) {add = true}
    }
    %dma_wait3A_117 = arith.constant 0 : i32
    %dma_wait3A_118 = arith.constant 0 : i32
    %dma_wait3A_119 = tpu.memref_slice %arg6[%dma_wait3A_117, %dma_wait3A_118] : memref<100352x16xf32, #tpu.memory_space<vmem_shared>> -> memref<384x16xf32, #tpu.memory_space<vmem_shared>>
    %dma_wait3A_120 = arith.constant 0 : i32
    %dma_wait3A_121 = arith.constant 0 : i32
    %dma_wait3A_122 = tpu.memref_slice %arg6[%dma_wait3A_120, %dma_wait3A_121] : memref<100352x16xf32, #tpu.memory_space<vmem_shared>> -> memref<384x16xf32, #tpu.memory_space<vmem_shared>>
    tpu.wait_dma2 semaphore(%arg27 : memref<!tpu.dma_semaphore, #tpu.memory_space<semaphore_mem>>) src(%arg15 : memref<384x16xf32, #tpu.memory_space<vmem>>) dst(%dma_wait3A_122 : memref<384x16xf32, #tpu.memory_space<vmem_shared>>)
    %dma_wait3A_123 = arith.constant 0 : i32
    %dma_wait3A_124 = arith.constant 0 : i32
    %dma_wait3A_125 = tpu.memref_slice %arg3[%dma_wait3A_123, %dma_wait3A_124] : memref<2x3244032xi32, #tpu.memory_space<hbm>> -> memref<1x384xi32, #tpu.memory_space<hbm>>
    %dma_wait3A_126 = tpu.memref_squeeze %dma_wait3A_125 : memref<1x384xi32, #tpu.memory_space<hbm>> -> memref<384xi32, #tpu.memory_space<hbm>>
    %dma_wait3A_127 = arith.constant 0 : i32
    %dma_wait3A_128 = tpu.memref_slice %arg3[%dma_wait3A_123, %dma_wait3A_127] : memref<2x3244032xi32, #tpu.memory_space<hbm>> -> memref<1x384xi32, #tpu.memory_space<hbm>>
    %dma_wait3A_129 = tpu.memref_squeeze %dma_wait3A_128 : memref<1x384xi32, #tpu.memory_space<hbm>> -> memref<384xi32, #tpu.memory_space<hbm>>
    tpu.wait_dma2 semaphore(%arg21 : memref<!tpu.dma_semaphore, #tpu.memory_space<semaphore_mem>>) src(%dma_wait3A_129 : memref<384xi32, #tpu.memory_space<hbm>>) dst(%arg9 : memref<384xi32, #tpu.memory_space<vmem>>)
    %dma_wait3A_130 = arith.constant 0 : i32
    %dma_wait3A_131 = arith.constant 0 : i32
    %dma_wait3A_132 = tpu.memref_slice %arg3[%dma_wait3A_130, %dma_wait3A_131] : memref<2x3244032xi32, #tpu.memory_space<hbm>> -> memref<1x384xi32, #tpu.memory_space<hbm>>
    %dma_wait3A_133 = tpu.memref_squeeze %dma_wait3A_132 : memref<1x384xi32, #tpu.memory_space<hbm>> -> memref<384xi32, #tpu.memory_space<hbm>>
    %dma_wait3A_134 = arith.constant 0 : i32
    %dma_wait3A_135 = tpu.memref_slice %arg3[%dma_wait3A_130, %dma_wait3A_134] : memref<2x3244032xi32, #tpu.memory_space<hbm>> -> memref<1x384xi32, #tpu.memory_space<hbm>>
    %dma_wait3A_136 = tpu.memref_squeeze %dma_wait3A_135 : memref<1x384xi32, #tpu.memory_space<hbm>> -> memref<384xi32, #tpu.memory_space<hbm>>
    tpu.wait_dma2 semaphore(%arg21 : memref<!tpu.dma_semaphore, #tpu.memory_space<semaphore_mem>>) src(%dma_wait3A_136 : memref<384xi32, #tpu.memory_space<hbm>>) dst(%arg13 : memref<384xi32, #tpu.memory_space<vmem>>)
    %dma_start3A_137 = arith.constant 0 : i32
    %dma_start3A_138 = arith.constant 0 : i32
    %dma_start3A_139 = tpu.memref_slice %arg2[%dma_start3A_137, %dma_start3A_138] : memref<100352x16xf32, #tpu.memory_space<hbm>> -> memref<100352x16xf32, #tpu.memory_space<hbm>>
    tpu.enqueue_indirect_dma source(%dma_start3A_139 : memref<100352x16xf32, #tpu.memory_space<hbm>>) target(%arg17 : memref<384x16xf32, #tpu.memory_space<vmem>>) offsets(%arg9 : memref<384xi32, #tpu.memory_space<vmem>>) semaphore(%arg25 : memref<!tpu.dma_semaphore, #tpu.memory_space<semaphore_mem>>)
    %dma_wait3A_140 = arith.constant 0 : i32
    %dma_wait3A_141 = arith.constant 0 : i32
    %dma_wait3A_142 = tpu.memref_slice %arg2[%dma_wait3A_140, %dma_wait3A_141] : memref<100352x16xf32, #tpu.memory_space<hbm>> -> memref<384x16xf32, #tpu.memory_space<hbm>>
    %dma_wait3A_143 = arith.constant 0 : i32
    %dma_wait3A_144 = arith.constant 0 : i32
    %dma_wait3A_145 = tpu.memref_slice %arg2[%dma_wait3A_143, %dma_wait3A_144] : memref<100352x16xf32, #tpu.memory_space<hbm>> -> memref<384x16xf32, #tpu.memory_space<hbm>>
    tpu.wait_dma2 semaphore(%arg24 : memref<!tpu.dma_semaphore, #tpu.memory_space<semaphore_mem>>) src(%dma_wait3A_145 : memref<384x16xf32, #tpu.memory_space<hbm>>) dst(%arg16 : memref<384x16xf32, #tpu.memory_space<vmem>>)
    %dma_start3A_146 = arith.constant 0 : i32
    %dma_start3A_147 = arith.constant 0 : i32
    %dma_start3A_148 = tpu.memref_slice %arg6[%dma_start3A_146, %dma_start3A_147] : memref<100352x16xf32, #tpu.memory_space<vmem_shared>> -> memref<100352x16xf32, #tpu.memory_space<vmem_shared>>
    tpu.enqueue_indirect_dma source(%arg16 : memref<384x16xf32, #tpu.memory_space<vmem>>) target(%dma_start3A_148 : memref<100352x16xf32, #tpu.memory_space<vmem_shared>>) offsets(%arg12 : memref<384xi32, #tpu.memory_space<vmem>>) semaphore(%arg28 : memref<!tpu.dma_semaphore, #tpu.memory_space<semaphore_mem>>) {add = true}
    %dma_wait3A_149 = arith.constant 0 : i32
    %dma_wait3A_150 = arith.constant 0 : i32
    %dma_wait3A_151 = tpu.memref_slice %arg6[%dma_wait3A_149, %dma_wait3A_150] : memref<100352x16xf32, #tpu.memory_space<vmem_shared>> -> memref<384x16xf32, #tpu.memory_space<vmem_shared>>
    %dma_wait3A_152 = arith.constant 0 : i32
    %dma_wait3A_153 = arith.constant 0 : i32
    %dma_wait3A_154 = tpu.memref_slice %arg6[%dma_wait3A_152, %dma_wait3A_153] : memref<100352x16xf32, #tpu.memory_space<vmem_shared>> -> memref<384x16xf32, #tpu.memory_space<vmem_shared>>
    tpu.wait_dma2 semaphore(%arg28 : memref<!tpu.dma_semaphore, #tpu.memory_space<semaphore_mem>>) src(%arg16 : memref<384x16xf32, #tpu.memory_space<vmem>>) dst(%dma_wait3A_154 : memref<384x16xf32, #tpu.memory_space<vmem_shared>>)
    %dma_wait3A_155 = arith.constant 0 : i32
    %dma_wait3A_156 = arith.constant 0 : i32
    %dma_wait3A_157 = tpu.memref_slice %arg3[%dma_wait3A_155, %dma_wait3A_156] : memref<2x3244032xi32, #tpu.memory_space<hbm>> -> memref<1x384xi32, #tpu.memory_space<hbm>>
    %dma_wait3A_158 = tpu.memref_squeeze %dma_wait3A_157 : memref<1x384xi32, #tpu.memory_space<hbm>> -> memref<384xi32, #tpu.memory_space<hbm>>
    %dma_wait3A_159 = arith.constant 0 : i32
    %dma_wait3A_160 = tpu.memref_slice %arg3[%dma_wait3A_155, %dma_wait3A_159] : memref<2x3244032xi32, #tpu.memory_space<hbm>> -> memref<1x384xi32, #tpu.memory_space<hbm>>
    %dma_wait3A_161 = tpu.memref_squeeze %dma_wait3A_160 : memref<1x384xi32, #tpu.memory_space<hbm>> -> memref<384xi32, #tpu.memory_space<hbm>>
    tpu.wait_dma2 semaphore(%arg22 : memref<!tpu.dma_semaphore, #tpu.memory_space<semaphore_mem>>) src(%dma_wait3A_161 : memref<384xi32, #tpu.memory_space<hbm>>) dst(%arg10 : memref<384xi32, #tpu.memory_space<vmem>>)
    %dma_wait3A_162 = arith.constant 0 : i32
    %dma_wait3A_163 = arith.constant 0 : i32
    %dma_wait3A_164 = tpu.memref_slice %arg3[%dma_wait3A_162, %dma_wait3A_163] : memref<2x3244032xi32, #tpu.memory_space<hbm>> -> memref<1x384xi32, #tpu.memory_space<hbm>>
    %dma_wait3A_165 = tpu.memref_squeeze %dma_wait3A_164 : memref<1x384xi32, #tpu.memory_space<hbm>> -> memref<384xi32, #tpu.memory_space<hbm>>
    %dma_wait3A_166 = arith.constant 0 : i32
    %dma_wait3A_167 = tpu.memref_slice %arg3[%dma_wait3A_162, %dma_wait3A_166] : memref<2x3244032xi32, #tpu.memory_space<hbm>> -> memref<1x384xi32, #tpu.memory_space<hbm>>
    %dma_wait3A_168 = tpu.memref_squeeze %dma_wait3A_167 : memref<1x384xi32, #tpu.memory_space<hbm>> -> memref<384xi32, #tpu.memory_space<hbm>>
    tpu.wait_dma2 semaphore(%arg22 : memref<!tpu.dma_semaphore, #tpu.memory_space<semaphore_mem>>) src(%dma_wait3A_168 : memref<384xi32, #tpu.memory_space<hbm>>) dst(%arg14 : memref<384xi32, #tpu.memory_space<vmem>>)
    %dma_start3A_169 = arith.constant 0 : i32
    %dma_start3A_170 = arith.constant 0 : i32
    %dma_start3A_171 = tpu.memref_slice %arg2[%dma_start3A_169, %dma_start3A_170] : memref<100352x16xf32, #tpu.memory_space<hbm>> -> memref<100352x16xf32, #tpu.memory_space<hbm>>
    tpu.enqueue_indirect_dma source(%dma_start3A_171 : memref<100352x16xf32, #tpu.memory_space<hbm>>) target(%arg18 : memref<384x16xf32, #tpu.memory_space<vmem>>) offsets(%arg10 : memref<384xi32, #tpu.memory_space<vmem>>) semaphore(%arg26 : memref<!tpu.dma_semaphore, #tpu.memory_space<semaphore_mem>>)
    %dma_wait3A_172 = arith.constant 0 : i32
    %dma_wait3A_173 = arith.constant 0 : i32
    %dma_wait3A_174 = tpu.memref_slice %arg2[%dma_wait3A_172, %dma_wait3A_173] : memref<100352x16xf32, #tpu.memory_space<hbm>> -> memref<384x16xf32, #tpu.memory_space<hbm>>
    %dma_wait3A_175 = arith.constant 0 : i32
    %dma_wait3A_176 = arith.constant 0 : i32
    %dma_wait3A_177 = tpu.memref_slice %arg2[%dma_wait3A_175, %dma_wait3A_176] : memref<100352x16xf32, #tpu.memory_space<hbm>> -> memref<384x16xf32, #tpu.memory_space<hbm>>
    tpu.wait_dma2 semaphore(%arg25 : memref<!tpu.dma_semaphore, #tpu.memory_space<semaphore_mem>>) src(%dma_wait3A_177 : memref<384x16xf32, #tpu.memory_space<hbm>>) dst(%arg17 : memref<384x16xf32, #tpu.memory_space<vmem>>)
    %dma_start3A_178 = arith.constant 0 : i32
    %dma_start3A_179 = arith.constant 0 : i32
    %dma_start3A_180 = tpu.memref_slice %arg6[%dma_start3A_178, %dma_start3A_179] : memref<100352x16xf32, #tpu.memory_space<vmem_shared>> -> memref<100352x16xf32, #tpu.memory_space<vmem_shared>>
    tpu.enqueue_indirect_dma source(%arg17 : memref<384x16xf32, #tpu.memory_space<vmem>>) target(%dma_start3A_180 : memref<100352x16xf32, #tpu.memory_space<vmem_shared>>) offsets(%arg13 : memref<384xi32, #tpu.memory_space<vmem>>) semaphore(%arg29 : memref<!tpu.dma_semaphore, #tpu.memory_space<semaphore_mem>>) {add = true}
    %dma_wait3A_181 = arith.constant 0 : i32
    %dma_wait3A_182 = arith.constant 0 : i32
    %dma_wait3A_183 = tpu.memref_slice %arg2[%dma_wait3A_181, %dma_wait3A_182] : memref<100352x16xf32, #tpu.memory_space<hbm>> -> memref<384x16xf32, #tpu.memory_space<hbm>>
    %dma_wait3A_184 = arith.constant 0 : i32
    %dma_wait3A_185 = arith.constant 0 : i32
    %dma_wait3A_186 = tpu.memref_slice %arg2[%dma_wait3A_184, %dma_wait3A_185] : memref<100352x16xf32, #tpu.memory_space<hbm>> -> memref<384x16xf32, #tpu.memory_space<hbm>>
    tpu.wait_dma2 semaphore(%arg26 : memref<!tpu.dma_semaphore, #tpu.memory_space<semaphore_mem>>) src(%dma_wait3A_186 : memref<384x16xf32, #tpu.memory_space<hbm>>) dst(%arg18 : memref<384x16xf32, #tpu.memory_space<vmem>>)
    %dma_start3A_187 = arith.constant 0 : i32
    %dma_start3A_188 = arith.constant 0 : i32
    %dma_start3A_189 = tpu.memref_slice %arg6[%dma_start3A_187, %dma_start3A_188] : memref<100352x16xf32, #tpu.memory_space<vmem_shared>> -> memref<100352x16xf32, #tpu.memory_space<vmem_shared>>
    tpu.enqueue_indirect_dma source(%arg18 : memref<384x16xf32, #tpu.memory_space<vmem>>) target(%dma_start3A_189 : memref<100352x16xf32, #tpu.memory_space<vmem_shared>>) offsets(%arg14 : memref<384xi32, #tpu.memory_space<vmem>>) semaphore(%arg30 : memref<!tpu.dma_semaphore, #tpu.memory_space<semaphore_mem>>) {add = true}
    %dma_wait3A_190 = arith.constant 0 : i32
    %dma_wait3A_191 = arith.constant 0 : i32
    %dma_wait3A_192 = tpu.memref_slice %arg6[%dma_wait3A_190, %dma_wait3A_191] : memref<100352x16xf32, #tpu.memory_space<vmem_shared>> -> memref<384x16xf32, #tpu.memory_space<vmem_shared>>
    %dma_wait3A_193 = arith.constant 0 : i32
    %dma_wait3A_194 = arith.constant 0 : i32
    %dma_wait3A_195 = tpu.memref_slice %arg6[%dma_wait3A_193, %dma_wait3A_194] : memref<100352x16xf32, #tpu.memory_space<vmem_shared>> -> memref<384x16xf32, #tpu.memory_space<vmem_shared>>
    tpu.wait_dma2 semaphore(%arg29 : memref<!tpu.dma_semaphore, #tpu.memory_space<semaphore_mem>>) src(%arg17 : memref<384x16xf32, #tpu.memory_space<vmem>>) dst(%dma_wait3A_195 : memref<384x16xf32, #tpu.memory_space<vmem_shared>>)
    %dma_wait3A_196 = arith.constant 0 : i32
    %dma_wait3A_197 = arith.constant 0 : i32
    %dma_wait3A_198 = tpu.memref_slice %arg6[%dma_wait3A_196, %dma_wait3A_197] : memref<100352x16xf32, #tpu.memory_space<vmem_shared>> -> memref<384x16xf32, #tpu.memory_space<vmem_shared>>
    %dma_wait3A_199 = arith.constant 0 : i32
    %dma_wait3A_200 = arith.constant 0 : i32
    %dma_wait3A_201 = tpu.memref_slice %arg6[%dma_wait3A_199, %dma_wait3A_200] : memref<100352x16xf32, #tpu.memory_space<vmem_shared>> -> memref<384x16xf32, #tpu.memory_space<vmem_shared>>
    tpu.wait_dma2 semaphore(%arg30 : memref<!tpu.dma_semaphore, #tpu.memory_space<semaphore_mem>>) src(%arg18 : memref<384x16xf32, #tpu.memory_space<vmem>>) dst(%dma_wait3A_201 : memref<384x16xf32, #tpu.memory_space<vmem_shared>>)
    %barrier3A_202 = arith.constant 0 : index
    tpu.barrier barrier_id(%barrier3A_202)
    "tpu.region"() ({
      %run_scoped3A = tpu.sem_alloc : memref<!tpu.dma_semaphore, #tpu.memory_space<semaphore_mem>>
      %dma_start3A_203 = arith.constant 0 : i32
      %dma_start3A_204 = tpu.memref_slice %arg5[%arg0, %mul3A_0, %dma_start3A_203] : memref<2x100352x16xf32, #tpu.memory_space<hbm>> -> memref<1x6272x16xf32, #tpu.memory_space<hbm>>
      %dma_start3A_205 = tpu.memref_squeeze %dma_start3A_204 : memref<1x6272x16xf32, #tpu.memory_space<hbm>> -> memref<6272x16xf32, #tpu.memory_space<hbm>>
      %dma_start3A_206 = arith.constant 0 : i32
      %dma_start3A_207 = tpu.memref_slice %arg6[%mul3A_0, %dma_start3A_206] : memref<100352x16xf32, #tpu.memory_space<vmem_shared>> -> memref<6272x16xf32, #tpu.memory_space<vmem_shared>>
      tpu.enqueue_dma source(%dma_start3A_207 : memref<6272x16xf32, #tpu.memory_space<vmem_shared>>) target(%dma_start3A_205 : memref<6272x16xf32, #tpu.memory_space<hbm>>) target_semaphore(%run_scoped3A : memref<!tpu.dma_semaphore, #tpu.memory_space<semaphore_mem>>)
      %dma_wait3A_208 = arith.constant 0 : i32
      %dma_wait3A_209 = tpu.memref_slice %arg5[%arg0, %mul3A_0, %dma_wait3A_208] : memref<2x100352x16xf32, #tpu.memory_space<hbm>> -> memref<1x6272x16xf32, #tpu.memory_space<hbm>>
      %dma_wait3A_210 = tpu.memref_squeeze %dma_wait3A_209 : memref<1x6272x16xf32, #tpu.memory_space<hbm>> -> memref<6272x16xf32, #tpu.memory_space<hbm>>
      %dma_wait3A_211 = arith.constant 0 : i32
      %dma_wait3A_212 = tpu.memref_slice %arg6[%mul3A_0, %dma_wait3A_211] : memref<100352x16xf32, #tpu.memory_space<vmem_shared>> -> memref<6272x16xf32, #tpu.memory_space<vmem_shared>>
      tpu.wait_dma2 semaphore(%run_scoped3A : memref<!tpu.dma_semaphore, #tpu.memory_space<semaphore_mem>>) src(%dma_wait3A_212 : memref<6272x16xf32, #tpu.memory_space<vmem_shared>>) dst(%dma_wait3A_210 : memref<6272x16xf32, #tpu.memory_space<hbm>>)
      tpu.yield
    }) : () -> ()
    return
  }
}

module attributes {stable_mosaic.version = 14 : i64} {
  func.func @_dense_body(%arg0: i32, %arg1: memref<2x1568x128xf32, #tpu.memory_space<vmem>>, %arg2: memref<1568x128xf32, #tpu.memory_space<vmem>>, %arg3: memref<2x1568x8xf32, #tpu.memory_space<vmem>>, %arg4: memref<8x128xf32, #tpu.memory_space<vmem>>, %arg5: memref<128x128xf32, #tpu.memory_space<vmem>>, %arg6: memref<128x128xf32, #tpu.memory_space<vmem>>, %arg7: memref<1x128xf32, #tpu.memory_space<vmem>>, %arg8: memref<1568x128xf32, #tpu.memory_space<vmem>>) attributes {dimension_semantics = [#tpu.dimension_semantics<arbitrary>], iteration_bounds = array<i64: 8>, scalar_prefetch = 0 : i64, scratch_operands = 0 : i64, tpu.core_type = #tpu.core_type<tc>, window_params = [{transform_indices = @transform_0, window_bounds = array<i64: 2, 1568, 128>}, {transform_indices = @transform_1, window_bounds = array<i64: 1568, 128>}, {transform_indices = @transform_2, window_bounds = array<i64: 2, 1568, 8>}, {pipeline_mode = #tpu.pipeline_mode<synchronous>, transform_indices = @transform_3, window_bounds = array<i64: 8, 128>}, {pipeline_mode = #tpu.pipeline_mode<synchronous>, transform_indices = @transform_4, window_bounds = array<i64: 128, 128>}, {pipeline_mode = #tpu.pipeline_mode<synchronous>, transform_indices = @transform_5, window_bounds = array<i64: 128, 128>}, {pipeline_mode = #tpu.pipeline_mode<synchronous>, transform_indices = @transform_6, window_bounds = array<i64: 1, 128>}, {transform_indices = @transform_7, window_bounds = array<i64: 1568, 128>}]} {
    %get3A = arith.constant 0 : index
    %get3A_0 = arith.constant 0 : index
    %get3A_1 = arith.constant 0 : index
    %get3A_2 = vector.load %arg3[%get3A, %get3A_0, %get3A_1] : memref<2x1568x8xf32, #tpu.memory_space<vmem>>, vector<1x1568x8xf32>
    %get3A_3 = vector.shape_cast %get3A_2 : vector<1x1568x8xf32> to vector<1568x8xf32>
    %get3A_4 = arith.constant 1 : index
    %get3A_5 = arith.constant 0 : index
    %get3A_6 = arith.constant 0 : index
    %get3A_7 = vector.load %arg3[%get3A_4, %get3A_5, %get3A_6] : memref<2x1568x8xf32, #tpu.memory_space<vmem>>, vector<1x1568x8xf32>
    %get3A_8 = vector.shape_cast %get3A_7 : vector<1x1568x8xf32> to vector<1568x8xf32>
    %add3A = arith.addf %get3A_3, %get3A_8 : vector<1568x8xf32>
    %get3A_9 = arith.constant 0 : index
    %get3A_10 = arith.constant 0 : index
    %get3A_11 = vector.load %arg4[%get3A_9, %get3A_10] : memref<8x128xf32, #tpu.memory_space<vmem>>, vector<8x128xf32>
    %dot_general3A = arith.constant dense<0.000000e+00> : vector<1568x128xf32>
    %dot_general3A_12 = tpu.matmul %add3A, %get3A_11, %dot_general3A {dimension_numbers = #tpu.dot_dimension_numbers<[1], [0], [0], [1], [0, 0, 1, 1], [], []>, precision = #tpu.contract_precision<fp32>, transpose_lhs_hint = false} : vector<1568x8xf32>, vector<8x128xf32>, vector<1568x128xf32> -> vector<1568x128xf32>
    %get3A_13 = arith.constant 0 : index
    %get3A_14 = arith.constant 0 : index
    %get3A_15 = arith.constant 0 : index
    %get3A_16 = vector.load %arg1[%get3A_13, %get3A_14, %get3A_15] : memref<2x1568x128xf32, #tpu.memory_space<vmem>>, vector<1x1568x128xf32>
    %get3A_17 = vector.shape_cast %get3A_16 : vector<1x1568x128xf32> to vector<1568x128xf32>
    %get3A_18 = arith.constant 1 : index
    %get3A_19 = arith.constant 0 : index
    %get3A_20 = arith.constant 0 : index
    %get3A_21 = vector.load %arg1[%get3A_18, %get3A_19, %get3A_20] : memref<2x1568x128xf32, #tpu.memory_space<vmem>>, vector<1x1568x128xf32>
    %get3A_22 = vector.shape_cast %get3A_21 : vector<1x1568x128xf32> to vector<1568x128xf32>
    %add3A_23 = arith.addf %get3A_17, %get3A_22 : vector<1568x128xf32>
    %max3A = arith.constant 1.000000e+00 : f32
    %max3A_24 = vector.broadcast %max3A : f32 to vector<1568x128xf32>
    %max3A_25 = arith.maximumf %dot_general3A_12, %max3A_24 : vector<1568x128xf32>
    %div3A = arith.divf %add3A_23, %max3A_25 : vector<1568x128xf32>
    %get3A_26 = arith.constant 0 : index
    %get3A_27 = arith.constant 0 : index
    %get3A_28 = vector.load %arg5[%get3A_26, %get3A_27] : memref<128x128xf32, #tpu.memory_space<vmem>>, vector<128x128xf32>
    %dot_general3A_29 = arith.constant dense<0.000000e+00> : vector<1568x128xf32>
    %dot_general3A_30 = tpu.matmul %div3A, %get3A_28, %dot_general3A_29 {dimension_numbers = #tpu.dot_dimension_numbers<[1], [0], [0], [1], [0, 0, 1, 1], [], []>, precision = #tpu.contract_precision<fp32>, transpose_lhs_hint = false} : vector<1568x128xf32>, vector<128x128xf32>, vector<1568x128xf32> -> vector<1568x128xf32>
    %get3A_31 = arith.constant 0 : index
    %get3A_32 = arith.constant 0 : index
    %get3A_33 = vector.load %arg2[%get3A_31, %get3A_32] : memref<1568x128xf32, #tpu.memory_space<vmem>>, vector<1568x128xf32>
    %get3A_34 = arith.constant 0 : index
    %get3A_35 = arith.constant 0 : index
    %get3A_36 = vector.load %arg6[%get3A_34, %get3A_35] : memref<128x128xf32, #tpu.memory_space<vmem>>, vector<128x128xf32>
    %dot_general3A_37 = arith.constant dense<0.000000e+00> : vector<1568x128xf32>
    %dot_general3A_38 = tpu.matmul %get3A_33, %get3A_36, %dot_general3A_37 {dimension_numbers = #tpu.dot_dimension_numbers<[1], [0], [0], [1], [0, 0, 1, 1], [], []>, precision = #tpu.contract_precision<fp32>, transpose_lhs_hint = false} : vector<1568x128xf32>, vector<128x128xf32>, vector<1568x128xf32> -> vector<1568x128xf32>
    %add3A_39 = arith.addf %dot_general3A_30, %dot_general3A_38 : vector<1568x128xf32>
    %get3A_40 = arith.constant 0 : index
    %get3A_41 = arith.constant 0 : index
    %get3A_42 = vector.load %arg7[%get3A_40, %get3A_41] : memref<1x128xf32, #tpu.memory_space<vmem>>, vector<1x128xf32>
    %add3A_43 = vector.broadcast %get3A_42 : vector<1x128xf32> to vector<1568x128xf32>
    %add3A_44 = arith.addf %add3A_39, %add3A_43 : vector<1568x128xf32>
    %swap3A = arith.constant 0 : index
    %swap3A_45 = arith.constant 0 : index
    %swap3A_46 = vector.load %arg8[%swap3A, %swap3A_45] : memref<1568x128xf32, #tpu.memory_space<vmem>>, vector<1568x128xf32>
    tpu.vector_store %arg8[%swap3A, %swap3A_45], %add3A_44 {strides = array<i32>} : memref<1568x128xf32, #tpu.memory_space<vmem>>, vector<1568x128xf32>,
    return
  }
  func.func @transform_0(%arg0: i32) -> (i32, i32, i32) {
    %c0_i32 = arith.constant 0 : i32
    %c0_i32_0 = arith.constant 0 : i32
    %c0_i32_1 = arith.constant 0 : i32
    return %c0_i32, %arg0, %c0_i32_0 : i32, i32, i32
  }
  func.func @transform_1(%arg0: i32) -> (i32, i32) {
    %c0_i32 = arith.constant 0 : i32
    %c0_i32_0 = arith.constant 0 : i32
    return %arg0, %c0_i32 : i32, i32
  }
  func.func @transform_2(%arg0: i32) -> (i32, i32, i32) {
    %c0_i32 = arith.constant 0 : i32
    %c0_i32_0 = arith.constant 0 : i32
    %c0_i32_1 = arith.constant 0 : i32
    return %c0_i32, %arg0, %c0_i32_0 : i32, i32, i32
  }
  func.func @transform_3(%arg0: i32) -> (i32, i32) {
    %c0_i32 = arith.constant 0 : i32
    %c0_i32_0 = arith.constant 0 : i32
    %c0_i32_1 = arith.constant 0 : i32
    return %c0_i32, %c0_i32_0 : i32, i32
  }
  func.func @transform_4(%arg0: i32) -> (i32, i32) {
    %c0_i32 = arith.constant 0 : i32
    %c0_i32_0 = arith.constant 0 : i32
    %c0_i32_1 = arith.constant 0 : i32
    return %c0_i32, %c0_i32_0 : i32, i32
  }
  func.func @transform_5(%arg0: i32) -> (i32, i32) {
    %c0_i32 = arith.constant 0 : i32
    %c0_i32_0 = arith.constant 0 : i32
    %c0_i32_1 = arith.constant 0 : i32
    return %c0_i32, %c0_i32_0 : i32, i32
  }
  func.func @transform_6(%arg0: i32) -> (i32, i32) {
    %c0_i32 = arith.constant 0 : i32
    %c0_i32_0 = arith.constant 0 : i32
    %c0_i32_1 = arith.constant 0 : i32
    return %c0_i32, %c0_i32_0 : i32, i32
  }
  func.func @transform_7(%arg0: i32) -> (i32, i32) {
    %c0_i32 = arith.constant 0 : i32
    %c0_i32_0 = arith.constant 0 : i32
    return %arg0, %c0_i32 : i32, i32
  }
}

</mosaic_0001>

<sc_bundles>
// kernel: kernel.12.cloned.1.call-start
scs
__scs_entry_jumppad:
0x0: {  	(pc) =	sbr.rel $0x88, $3  }
0x1: {  	(tag) =	ssettag $0x0;
	lr =	simm.s32 $0x1  }
0x2: {  	[smem:$0x3F90] =	sst lr;
	_ =	strace $0xD0000000  }
0x3: {  	_ = 	snop  }
0x4: {  	_ = 	snop  }
0x5: {  	_ = 	snop  }
0x6: {  	_ = 	snop  }
0x7: {  	_ = 	snop  }
__scs_overlays_trampoline_lowered:
0x8: {  	[smem:$0x3F9F] =	sst s0  }
0x9: {  	[smem:$0x3FA0] =	sst s1  }
0xa: {  	[smem:$0x3FA1] =	sst s2  }
0xb: {  	[smem:$0x3FA2] =	sst s3  }
0xc: {  	[smem:$0x3FA3] =	sst s4  }
0xd: {  	[smem:$0x3FA4] =	sst s5  }
0xe: {  	[smem:$0x3FA5] =	sst s6  }
0xf: {  	[smem:$0x3FA6] =	sst s7  }
0x10: {  	[smem:$0x3FA7] =	sst s8  }
0x11: {  	[smem:$0x3FA8] =	sst s9;
	s0 =	simm.s32 @!p0 $0x0  }
0x12: {  	s1 =	sld [smem:$0x3F8E];
	s0 =	simm.s32 @p0 $0x1  }
0x13: {  	[smem:$0x3FA9] =	sst s0;
	s0 =	simm.s32 @!p1 $0x0  }
0x14: {  	s2 =	sld [smem:$0x3F8D];
	s0 =	simm.s32 @p1 $0x1  }
0x15: {  	[smem:$0x3FAA] =	sst s0;
	s0 =	simm.s32 @!p2 $0x0  }
0x16: {  	s3 =	sld [smem:$0x3FDB];
	s0 =	simm.s32 @p2 $0x1  }
0x17: {  	s4 =	simm.s32 $0x1BF5;
	[smem:$0x3FAC] =	sst s0  }
0x18: {  	s0 =	sld [smem:$0x3F8F];
	_ =	swait.ge [sflag:s4], $0x0  }
0x19: {  	s7 =	sld [smem:$0x3F90]  }
0x1a: {  	s8 =	sadd.s32 $0xFFFFE003, lr  }
0x1b: {  	s9 =	sadd.s32 $0xFFFFFEF7, lr;
	s5 =	simm.s32 $0xFFFFFFFF;
	p2 =	slt.u32 s8, $0xFFFFF086  }
0x1c: {  	p1 =	slt.u32 s9, $0xF7A;
	s5 =	simm.s32 @!p2 $0x0  }
0x1d: {  	s5 =	simm.s32 @p1 $0x1;
	p0 =	seq.s32 s7, s2  }
0x1e: {  	s7 =	smul.u32 @!p0 $0xF7A, s2;
	p2 =	seq.s32 @!p0 s5, $0x0  }
0x1f: {  	s9 =	smul.u32 $0xF7A, s1;
	s8 =	simm.s32 @!p0 $0x1BF5;
	p2 =	por !p2, p0  }
0x20: {  	[sflag:s8] =	ssyncset.s32 @!p0 $0xFFFFF086;
	s6 =	sadd.s32 @!p0 s3, s7;
	s7 =	simm.s32 @!p0 $0x108  }
0x21: {  	s3 =	sadd.s32 s3, s9;
	s6 =	sadd.s32 @!p0 $0x88, s6;
	s7 =	simm.s32 @p2 $0x1082  }
0x22: {  	[simem:s7], [sflag:s8] =	dma.local @!p0 [hbm:s6], $0xF7A  }
0x23: {  	s9 =	sor.u32 $0xD0000000, s2;
	s6 =	simm.s32 $0x108;
	_ =	swait.ge @!p0 [sflag:s8], $0x0  }
0x24: {  	s3 =	sadd.s32 $0x88, s3;
	s6 =	simm.s32 @!p1 $0x1082;
	[sflag:s4] =	ssyncset.s32 $0xFFFFF086  }
0x25: {  	[simem:s6], [sflag:s4] =	dma.local [hbm:s3], $0xF7A  }
0x26: {  	[smem:$0x3F90] =	sst s1;
	(tag) =	ssettag s2;
	_ =	strace s9  }
0x27: {  	s1 =	sld [smem:$0x3FA0]  }
0x28: {  	s2 =	sld [smem:$0x3FA1]  }
0x29: {  	s4 =	sld [smem:$0x3FA3]  }
0x2a: {  	p0 =	seq.s32 s5, $0x0;
	s5 =	sld [smem:$0x3FA4]  }
0x2b: {  	s6 =	sld [smem:$0x3FA5]  }
0x2c: {  	s7 =	sld [smem:$0x3FA6]  }
0x2d: {  	s3 =	simm.s32 $0x108;
	s8 =	sld [smem:$0x3FA7]  }
0x2e: {  	s3 =	simm.s32 @!p0 $0x1082;
	s9 =	sld [smem:$0x3FA8]  }
0x2f: {  	lr =	sadd.s32 s0, s3;
	s0 =	sld [smem:$0x3F9F]  }
0x30: {  	s3 =	sld [smem:$0x3FA2]  }
0x31: {  	[smem:$0x3FAB] =	sst s10  }
0x32: {  	s10 =	sld [smem:$0x3FA9];
	_ =	sdelay $0x3  }
0x33: {  	p0 =	seq.s32 s10, $0x1;
	s10 =	sld [smem:$0x3FAB];
	_ =	sdelay $0x3  }
0x34: {  	[smem:$0x3FAB] =	sst s10  }
0x35: {  	s10 =	sld [smem:$0x3FAA];
	_ =	sdelay $0x3  }
0x36: {  	p1 =	seq.s32 s10, $0x1;
	s10 =	sld [smem:$0x3FAB];
	_ =	sdelay $0x3  }
0x37: {  	[smem:$0x3FAB] =	sst s10  }
0x38: {  	s10 =	sld [smem:$0x3FAC]  }
0x39: {  	_ = 	snop;
	(pc) =	sbr.ind lr, $3  }
0x3a: {  	_ = 	snop  }
0x3b: {  	_ = 	snop  }
0x3c: {  	p2 =	seq.s32 s10, $0x1;
	s10 =	sld [smem:$0x3FAB]  }
0x3d: {  	_ =	shalt  }
0x3e: {  	_ =	shalt  }
0x3f: {  	_ =	shalt  }
0x40: {  	_ =	shalt  }
0x41: {  	_ =	shalt  }
0x42: {  	_ =	shalt  }
0x43: {  	_ =	shalt  }
0x44: {  	_ =	shalt  }
0x45: {  	_ =	shalt  }
0x46: {  	_ =	shalt  }
0x47: {  	_ =	shalt  }
0x48: {  	_ =	shalt  }
0x49: {  	_ =	shalt  }
0x4a: {  	_ =	shalt  }
0x4b: {  	_ =	shalt  }
0x4c: {  	_ =	shalt  }
0x4d: {  	_ =	shalt  }
0x4e: {  	_ =	shalt  }
0x4f: {  	_ =	shalt  }
0x50: {  	_ =	shalt  }
0x51: {  	_ =	shalt  }
0x52: {  	_ =	shalt  }
0x53: {  	_ =	shalt  }
0x54: {  	_ =	shalt  }
0x55: {  	_ =	shalt  }
0x56: {  	_ =	shalt  }
0x57: {  	_ =	shalt  }
0x58: {  	_ =	shalt  }
0x59: {  	_ =	shalt  }
0x5a: {  	_ =	shalt  }
0x5b: {  	_ =	shalt  }
0x5c: {  	_ =	shalt  }
0x5d: {  	_ =	shalt  }
0x5e: {  	_ =	shalt  }
0x5f: {  	_ =	shalt  }
0x60: {  	_ =	shalt  }
0x61: {  	_ =	shalt  }
0x62: {  	_ =	shalt  }
0x63: {  	_ =	shalt  }
0x64: {  	_ =	shalt  }
0x65: {  	_ =	shalt  }
0x66: {  	_ =	shalt  }
0x67: {  	_ =	shalt  }
0x68: {  	_ =	shalt  }
0x69: {  	_ =	shalt  }
0x6a: {  	_ =	shalt  }
0x6b: {  	_ =	shalt  }
0x6c: {  	_ =	shalt  }
0x6d: {  	_ =	shalt  }
0x6e: {  	_ =	shalt  }
0x6f: {  	_ =	shalt  }
0x70: {  	_ =	shalt  }
0x71: {  	_ =	shalt  }
0x72: {  	_ =	shalt  }
0x73: {  	_ =	shalt  }
0x74: {  	_ =	shalt  }
0x75: {  	_ =	shalt  }
0x76: {  	_ =	shalt  }
0x77: {  	_ =	shalt  }
0x78: {  	_ =	shalt  }
0x79: {  	_ =	shalt  }
0x7a: {  	_ =	shalt  }
0x7b: {  	_ =	shalt  }
0x7c: {  	_ =	shalt  }
0x7d: {  	_ =	shalt  }
0x7e: {  	_ =	shalt  }
0x7f: {  	_ =	shalt  }
0x80: {  	_ =	shalt  }
0x81: {  	_ =	shalt  }
0x82: {  	_ =	shalt  }
0x83: {  	_ =	shalt  }
0x84: {  	_ =	shalt  }
0x85: {  	_ =	shalt  }
0x86: {  	_ =	shalt  }
0x87: {  	_ =	shalt  }
.Lfunc_end0:
.L_simem_size_0:
called_computation.1_lowered:
.L_overlay_start_0:
0x88: {  	s2 =	sld [smem:$0x3FD9]  }
0x89: {  	s3 =	sld [smem:$0x3FFE];
	_ =	sdelay $0x1  }
0x8a: {  	s1 =	srdreg.scid  }
0x8b: {  	s0 =	sand.u32 $0x1, s1  }
0x8c: {  	s17 =	sshll.u32 s0, $0xA;
	s2 =	sadd.s32 s3, s2  }
0x8d: {  	s2 =	sadd.s32 s2, s17  }
0x8e: {  	[smem:$0x3FB7] =	sst s2  }
0x8f: {  	_ = 	snop  }
0x90: {  	(tm) =	ssettm $0x1  }
0x91: {  	s18 =	sld [smem:$0x3FFB];
	_ =	sdelay $0x3  }
0x92: {  	_ =	strace s18  }
0x93: {  	s2 =	sld [smem:$0x3FFC];
	_ =	sdelay $0x3  }
0x94: {  	_ =	strace s2  }
0x95: {  	s2 =	sld [smem:$0x3FFD];
	_ =	sdelay $0x3  }
0x96: {  	_ =	strace s2  }
0x97: {  	_ =	strace $0x8FFFFFFF  }
0x98: {  	s19 =	sld [smem:$0x3FDB];
	_ =	sdelay $0x1  }
0x99: {  	s20 =	simm.s32 $_scs_section_size  }
0x9a: {  	s4 =	simm.s32 $_size__tile_overlayer_lowered;
	s5 =	simm.s32 $_tile_overlayer_lowered  }
0x9b: {  	s6 =	simm.s32 $0x1BFF;
	s21 =	sshll.u32 s5, $0x1;
	s3 =	sadd.s32 s20, s19  }
0x9c: {  	s22 =	simm.s32 $0x0;
	s4 =	sshll.u32 s4, $0x1;
	s5 =	sadd.s32 s21, s3  }
0x9d: {  	[timem:s22], [sflag:s6] =	dma.local [hbm:s5], s4  }
0x9e: {  	_ =	swait.ge [sflag:s6], s4  }
0x9f: {  	s4 =	ssub.s32 $0x0, s4;
	[sflag:s6] =	ssyncset.done $0x0  }
0xa0: {  	[sflag:s6] =	ssyncadd.s32 s4;
	_ =	sdelay $0x1  }
0xa1: {  	s23 =	simm.s32 $0x1B8B  }
0xa2: {  	_ =	swait.ge [sflag:s23], $0x1  }
0xa3: {  	[sflag:s23] =	ssyncset.done $0x0  }
0xa4: {  	[sflag:s23] =	ssyncadd.s32 $0xFFFFFFFF  }
0xa5: {  	s4 =	sld [smem:$0x0]  }
0xa6: {  	s5 =	sand.u32 $0xFFFFFFFE, s1  }
0xa7: {  	p0 =	sne.s32 s1, s5  }
0xa8: {  	s5 =	sshll.u32 @p0 s5, $0xE  }
0xa9: {  	s5 =	sadd.s32 @p0 $0x11B8D, s5;
	s6 =	sshll.u32 @p0 s4, $0x11  }
0xaa: {  	s5 =	sor.u32 @p0 s6, s5  }
0xab: {  	[sflag:s5] =	ssyncadd.remote.s32 @p0 $0x1;
	_ =	sdelay $0x1  }
0xac: {  	s5 =	simm.s32 @p0 $0x1B8D  }
0xad: {  	_ =	swait.eq @p0 [sflag:s5], $0x1  }
0xae: {  	[sflag:s5] =	ssyncadd.s32 @p0 $0xFFFFFFFF  }
0xaf: {  	s6 =	sshll.u32 @!p0 s1, $0xE  }
0xb0: {  	s6 =	sor.u32 @!p0 $0x4000, s6;
	s5 =	simm.s32 @!p0 $0x1B8D  }
0xb1: {  	s4 =	sshll.u32 @!p0 s4, $0x11;
	s6 =	sadd.s32 @!p0 $0x11B8D, s6;
	_ =	swait.eq @!p0 [sflag:s5], $0x1  }
0xb2: {  	s4 =	sor.u32 @!p0 s4, s6;
	[sflag:s5] =	ssyncadd.s32 @!p0 $0xFFFFFFFF  }
0xb3: {  	s25 =	simm.s32 $0x1B8E;
	s24 =	sld [smem:$0x3FFE];
	[sflag:s4] =	ssyncadd.remote.s32 @!p0 $0x1  }
0xb4: {  	s26 =	simm.s32 $execute0_lowered;
	[smem:$0x3FD2] =	sst s25  }
0xb5: {  	s5 =	sshll.u32 s26, $0x1;
	_ =	strace $0x80000049;
	[dreg:$0x1] =	wrdreg $0xFFFFFFFF  }
0xb6: {  	s28 =	simm.s32 $_size_execute0_lowered;
	s3 =	sadd.s32 s3, s5;
	[dreg:$0x0] =	wrdreg $0x0  }
0xb7: {  	s5 =	sshll.u32 s28, $0x1;
	[dreg:$0x2] =	wrdreg s3  }
0xb8: {  	[dreg:$0x3] =	wrdreg s5  }
0xb9: {  	[dreg:$0x4] =	wrdreg $0xC0  }
0xba: {  	_ =	task [dreg:s22], $0x5FFFF  }
0xbb: {  	[dreg:$0x1] =	wrdreg $0xFFFFFFFF  }
0xbc: {  	[dreg:$0x0] =	wrdreg $0x60  }
0xbd: {  	[dreg:$0x2] =	wrdreg s24  }
0xbe: {  	[dreg:$0x3] =	wrdreg $0x0  }
0xbf: {  	[dreg:$0x4] =	wrdreg $0xA  }
0xc0: {  	_ =	task.clear_ibuf [dreg:s22], $0x5FFFF;
	_ =	strace $0x90000049  }
0xc1: {  	s29 =	simm.s32 $0xA;
	_ =	strace $0x8000004B  }
0xc2: {  	_ =	swait.ge [sflag:s29], $0x1  }
0xc3: {  	[sflag:s29] =	ssyncadd.s32 $0xFFFFFFFF  }
0xc4: {  	_ =	strace $0x9000004B  }
0xc5: {  	_ =	sfence  }
0xc6: {  	s30 =	sld [smem:$0x0];
	_ =	sdelay $0x2  }
0xc7: {  	s31 =	sshll.u32 s1, $0xD;
	s1 =	sshrl.u32 s1, $0x2  }
0xc8: {  	s4 =	sand.u32 $0x4000, s31;
	s1 =	sadd.s32 s1, s30  }
0xc9: {  	s0 =	sor.u32 s4, s0;
	s1 =	sshll.u32 s1, $0x11  }
0xca: {  	s0 =	sor.u32 s1, s0  }
0xcb: {  	s0 =	sadd.s32 $0x8F2B, s0  }
0xcc: {  	[sflag:s0] =	ssyncadd.remote.s32 $0x1  }
0xcd: {  	_ =	sfence.sel $0xFFFF  }
0xce: {  	[dreg:$0x0] =	wrdreg $0xFFFFFFFF;
	(pc) =	sbr.abs _section_cstart, $3  }
0xcf: {  	[dreg:$0x1] =	wrdreg $0xFFFFFFFF  }
0xd0: {  	_ =	task.clear_ibuf [dreg:s22], $0x2FFFF;
	_ =	strace $0x9FFFFFFF  }
0xd1: {  	(tm) =	ssettm $0x7FFFFFFF  }
tec
execute0_lowered:
.L_overlay_start_1:
0x0: {  	(tag) =	ssettag $0x1  }
0x1: {  	s0 =	rddreg [dreg:$0x0]  }
0x2: {  	s2 =	rddreg [dreg:$0x1];
	s3 =	simm.s32 $0x0;
	s12 =	stileid.u32  }
0x3: {  	s5 =	srdreg.scid;
	s9 =	simm.s32 $0x20400;
	s11 =	simm.s32 $0x3FC0  }
0x4: {  	s30 =	simm.s32 $0x18B00;
	s31 =	simm.s32 $0x19100;
	s28 =	simm.s32 $0x1  }
0x5: {  	s29 =	simm.s32 $0x180;
	[smem:$0x7FF] =	sst s3;
	s1 =	smul.u32 $0x18800, s12  }
0x6: {  	s4 =	sadd.s32 $0xCD600, s0;
	s6 =	sand.u32 $0x1, s5;
	s5 =	sadd.s32 $0x4200, s0  }
0x7: {  	s20 =	sshll.u32 s12, $0x6;
	_ =	strace $0x8000004A;
	s8 =	smul.u32 $0x188000, s6  }
0x8: {  	p0 =	seq.s32 s6, $0x0;
	s10 =	smul.u32 $0x204000, s6;
	s6 =	ssub.s32 $0x2, s6  }
0x9: {  	s20 =	sor.u32 $0x1C0D, s20;
	[dreg:$0xb] =	wrdreg s5;
	s7 =	sshrl.u32 s1, $0x3  }
0xa: {  	s9 =	simm.s32 @!p0 $0x11400;
	s18 =	sshrl.u32 s6, $0x1;
	s11 =	simm.s32 @!p0 $0x21C0  }
0xb: {  	[dreg:$0xf] =	wrdreg s20;
	s7 =	sadd.s32 s7, s0;
	s8 =	sadd.s32 s1, s8  }
0xc: {  	s9 =	smul.u32 s12, s9;
	[dreg:$0x3] =	wrdreg s11;
	s1 =	sadd.s32 s1, s2  }
0xd: {  	s6 =	ssub.s32 s6, s18;
	s8 =	sshrl.u32 s8, $0x3;
	[dreg:$0xc] =	wrdreg s1  }
0xe: {  	s7 =	sadd.s32 $0xFE600, s7;
	s0 =	sadd.s32 s8, s0;
	s8 =	sadd.s32 s10, s9  }
0xf: {  	[dreg:$0xd] =	wrdreg s7;
	s19 =	sshrl.u32 s8, $0x3;
	s10 =	sadd.s32 $0x318A80, s8  }
0x10: {  	s25 =	sadd.s32 $0xA80, s8;
	s12 =	sadd.s32 $0x900, s8;
	s13 =	sadd.s32 $0x318900, s8  }
0x11: {  	s17 =	sadd.s32 $0x780, s8;
	s0 =	sadd.s32 $0x12F600, s0;
	s21 =	sadd.s32 s5, s19  }
0x12: {  	s11 =	sshrl.u32 s10, $0x3;
	s7 =	sshrl.u32 s12, $0x3;
	s15 =	sshrl.u32 s13, $0x3  }
0x13: {  	s18 =	sshrl.u32 s17, $0x3;
	s19 =	sadd.s32 $0x318780, s8;
	[dreg:$0x17] =	wrdreg s0  }
0x14: {  	s0 =	simm.s32 $0x19400;
	s1 =	sadd.s32 $0x63000, s21;
	[dreg:$0xe] =	wrdreg s21  }
0x15: {  	s12 =	simm.s32 $0x19280;
	s22 =	sadd.s32 $0x30, s21;
	[dreg:$0x10] =	wrdreg s1  }
0x16: {  	s13 =	simm.s32 $0x6;
	s23 =	sadd.s32 $0x63030, s21;
	[dreg:$0x11] =	wrdreg s22  }
0x17: {  	s17 =	simm.s32 $0x7;
	s24 =	sadd.s32 $0x60, s21;
	[dreg:$0x12] =	wrdreg s23  }
0x18: {  	s10 =	simm.s32 $0x0;
	s26 =	sadd.s32 $0x63060, s21;
	[dreg:$0x13] =	wrdreg s24  }
0x19: {  	s2 =	sadd.s32 $0x90, s21;
	s9 =	sadd.s32 $0x63090, s21;
	[dreg:$0x14] =	wrdreg s26  }
0x1a: {  	s14 =	sadd.s32 s7, s5;
	s16 =	sadd.s32 s15, s5;
	[dreg:$0x15] =	wrdreg s2  }
0x1b: {  	s7 =	sshrl.u32 s19, $0x3;
	s21 =	sadd.s32 $0x318600, s8;
	[dreg:$0x16] =	wrdreg s9  }
0x1c: {  	s15 =	simm.s32 $0x4;
	s19 =	simm.s32 $0x8;
	[dreg:$0x6] =	wrdreg s14  }
0x1d: {  	s1 =	sshrl.u32 s25, $0x3;
	[dreg:$0x7] =	wrdreg s16;
	s22 =	sadd.s32 s7, s5  }
0x1e: {  	s23 =	sshrl.u32 s21, $0x3;
	s25 =	smax.u32 s6, $0x1;
	s26 =	sadd.s32 $0x600, s8  }
0x1f: {  	s9 =	simm.s32 $0xD;
	s21 =	simm.s32 $0x18800;
	s6 =	simm.s32 $0x18C80  }
0x20: {  	s16 =	simm.s32 $0x1AC00;
	s2 =	simm.s32 $0x5;
	s7 =	simm.s32 $0x9  }
0x21: {  	s14 =	simm.s32 $0xA;
	s8 =	simm.s32 $0xC;
	[dreg:$0x9] =	wrdreg s22  }
0x22: {  	s1 =	sadd.s32 s1, s5;
	s24 =	sadd.s32 s23, s5;
	[dreg:$0x18] =	wrdreg s25  }
0x23: {  	[dreg:$0x19] =	wrdreg s26;
	s22 =	simm.s32 $0x18E00;
	s23 =	simm.s32 $0x18980  }
0x24: {  	s26 =	simm.s32 $0x18F80;
	s25 =	simm.s32 $0x18980;
	[dreg:$0x4] =	wrdreg s1  }
0x25: {  	s1 =	sadd.s32 s11, s5;
	[dreg:$0xa] =	wrdreg s24;
	s11 =	simm.s32 $0x3  }
0x26: {  	s24 =	simm.s32 $0x18E00;
	[dreg:$0x5] =	wrdreg s1;
	s1 =	sadd.s32 s18, s5  }
0x27: {  	s18 =	simm.s32 $0xB;
	[dreg:$0x8] =	wrdreg s1;
	s1 =	simm.s32 $0x2  }
.LBB2_1:
0x28: {  	[dreg:$0x1a] =	wrdreg s10  }
0x29: {  	s5 =	rddreg [dreg:$0xc]  }
0x2a: {  	s10 =	sshrl.u32 s5, $0x3;
	s5 =	rddreg [dreg:$0xd]  }
0x2b: {  	[dreg:$0x1b] =	wrdreg s10  }
0x2c: {  	[spmem:s10], [sflag:s20] =	dma.local [hbm:s5], $0x3100  }
0x2d: {  	_ =	swait.ge [sflag:s9], $0x3100  }
0x2e: {  	[sflag:s9] =	ssyncset.done $0x0  }
0x2f: {  	[sflag:s9] =	ssyncadd.s32 $0xFFFFCF00  }
0x30: {  	[bflag:$0x0] =	sbarrier.arrive $0xFFFF  }
0x31: {  	s10 =	rddreg [dreg:$0xe]  }
0x32: {  	[tilespmem:s21], [sflag:$0x1] =	stream.linear.gather [hbm4b:s10+s3], $0x180, $0x38;
	[tilespmem:$0x1F400] =	vst v63  }
0x33: {  	s20 =	rddreg [dreg:$0x10]  }
0x34: {  	[tilespmem:s22], [sflag:$0x1] =	stream.linear.gather [hbm4b:s20+s3], $0x180, $0x38;
	[tilespmem:$0x1F400] =	vst v63  }
0x35: {  	s9 =	rddreg [dreg:$0x11]  }
0x36: {  	[tilespmem:s23], [sflag:$0x2] =	stream.linear.gather [hbm4b:s9+s3], $0x180, $0x38;
	[tilespmem:$0x1F400] =	vst v63  }
0x37: {  	s10 =	rddreg [dreg:$0x12]  }
0x38: {  	[tilespmem:s26], [sflag:$0x2] =	stream.linear.gather [hbm4b:s10+s3], $0x180, $0x38;
	[tilespmem:$0x1F400] =	vst v63  }
0x39: {  	s20 =	rddreg [dreg:$0x13]  }
0x3a: {  	[tilespmem:s30], [sflag:$0x3] =	stream.linear.gather [hbm4b:s20+s3], $0x180, $0x38;
	[tilespmem:$0x1F400] =	vst v63  }
0x3b: {  	s26 =	rddreg [dreg:$0x14]  }
0x3c: {  	[tilespmem:s31], [sflag:$0x3] =	stream.linear.gather [hbm4b:s26+s3], $0x180, $0x38;
	[tilespmem:$0x1F400] =	vst v63  }
0x3d: {  	_ =	swait.ge [sflag:s28], $0x180  }
0x3e: {  	[sflag:s28] =	ssyncset.done $0x0  }
0x3f: {  	[sflag:s28] =	ssyncadd.s32 $0xFFFFFE80  }
0x40: {  	_ =	swait.ge [sflag:s28], $0x180  }
0x41: {  	[sflag:s28] =	ssyncset.done $0x0  }
0x42: {  	[sflag:s28] =	ssyncadd.s32 $0xFFFFFE80  }
0x43: {  	[tilespmem:s0], [sflag:$0x5] =	stream.indirect.gather [hbm4b:s4+s29], $0x10, s21, s29, $0xb8;
	[tilespmem:$0x1F400] =	vst v63  }
0x44: {  	s30 =	rddreg [dreg:$0x15]  }
0x45: {  	[tilespmem:s6], [sflag:$0x4] =	stream.linear.gather [hbm4b:s30+s3], $0x180, $0x38;
	[tilespmem:$0x1F400] =	vst v63  }
0x46: {  	s31 =	rddreg [dreg:$0x16]  }
0x47: {  	[tilespmem:s12], [sflag:$0x4] =	stream.linear.gather [hbm4b:s31+s3], $0x180, $0x38;
	[tilespmem:$0x1F400] =	vst v63  }
0x48: {  	_ =	swait.ge [sflag:s1], $0x180  }
0x49: {  	[sflag:s1] =	ssyncset.done $0x0  }
0x4a: {  	[sflag:s1] =	ssyncadd.s32 $0xFFFFFE80  }
0x4b: {  	_ =	swait.ge [sflag:s1], $0x180  }
0x4c: {  	[sflag:s1] =	ssyncset.done $0x0  }
0x4d: {  	[sflag:s1] =	ssyncadd.s32 $0xFFFFFE80  }
0x4e: {  	[tilespmem:s16], [sflag:$0x6] =	stream.indirect.gather [hbm4b:s4+s29], $0x10, s23, s29, $0xb8;
	[tilespmem:$0x1F400] =	vst v63  }
0x4f: {  	_ =	swait.ge [sflag:s2], $0x1800  }
0x50: {  	[sflag:s2] =	ssyncset.done $0x0  }
0x51: {  	s20 =	rddreg [dreg:$0x19];
	[sflag:s2] =	ssyncadd.s32 $0xFFFFE800  }
0x52: {  	s9 =	simm.s32 $0x0;
	s2 =	rddreg [dreg:$0x1]  }
0x53: {  	[spmem:s2] =	stream.indirect.scatter.add.f32 [tilespmem:s0], [sflag:$0x9], $0x10, s22, s29, $0xb8;
	[tilespmem:$0x1F400] =	vst v63  }
0x54: {  	s10 =	simm.s32 $0x5;
	s23 =	simm.s32 $0x18800;
	s22 =	rddreg [dreg:$0xb]  }
.LBB2_2:
0x55: {  	_ =	swait.ge [sflag:s7], $0x1800  }
0x56: {  	s5 =	sshrl.u32 s20, $0x3;
	[sflag:s7] =	ssyncset.done $0x0  }
0x57: {  	s21 =	rddreg [dreg:$0xa];
	s5 =	sadd.s32 s22, s5;
	[sflag:s7] =	ssyncadd.s32 $0xFFFFE800  }
0x58: {  	[tilespmem:s23], [sflag:$0x1] =	stream.linear.gather [hbm4b:s5+s3], $0x180, $0x38;
	[tilespmem:$0x1F400] =	vst v63  }
0x59: {  	s26 =	sadd.s32 s9, s21  }
0x5a: {  	[tilespmem:s24], [sflag:$0x1] =	stream.linear.gather [hbm4b:s26+s3], $0x180, $0x38;
	[tilespmem:$0x1F400] =	vst v63  }
0x5b: {  	_ =	swait.ge [sflag:s11], $0x180  }
0x5c: {  	[sflag:s11] =	ssyncset.done $0x0  }
0x5d: {  	[sflag:s11] =	ssyncadd.s32 $0xFFFFFE80  }
0x5e: {  	_ =	swait.ge [sflag:s11], $0x180  }
0x5f: {  	[sflag:s11] =	ssyncset.done $0x0  }
0x60: {  	s31 =	simm.s32 $0x18B00;
	s16 =	simm.s32 $0x1C400;
	[sflag:s11] =	ssyncadd.s32 $0xFFFFFE80  }
0x61: {  	[tilespmem:s16], [sflag:$0x7] =	stream.indirect.gather [hbm4b:s4+s29], $0x10, s31, s29, $0xb8;
	[tilespmem:$0x1F400] =	vst v63  }
0x62: {  	_ =	swait.ge [sflag:s13], $0x1800  }
0x63: {  	[sflag:s13] =	ssyncset.done $0x0  }
0x64: {  	[sflag:s13] =	ssyncadd.s32 $0xFFFFE800  }
0x65: {  	s30 =	simm.s32 $0x18F80;
	s2 =	simm.s32 $0x1AC00;
	s7 =	rddreg [dreg:$0x1]  }
0x66: {  	[spmem:s7] =	stream.indirect.scatter.add.f32 [tilespmem:s2], [sflag:$0xA], $0x10, s30, s29, $0xb8;
	[tilespmem:$0x1F400] =	vst v63  }
0x67: {  	_ =	swait.ge [sflag:s14], $0x1800  }
0x68: {  	s0 =	rddreg [dreg:$0x8];
	[sflag:s14] =	ssyncset.done $0x0  }
0x69: {  	s6 =	rddreg [dreg:$0x9];
	[sflag:s14] =	ssyncadd.s32 $0xFFFFE800;
	s5 =	sadd.s32 s9, s0  }
0x6a: {  	[tilespmem:s25], [sflag:$0x2] =	stream.linear.gather [hbm4b:s5+s3], $0x180, $0x38;
	[tilespmem:$0x1F400] =	vst v63  }
0x6b: {  	s12 =	sadd.s32 s9, s6  }
0x6c: {  	[tilespmem:s30], [sflag:$0x2] =	stream.linear.gather [hbm4b:s12+s3], $0x180, $0x38;
	[tilespmem:$0x1F400] =	vst v63  }
0x6d: {  	_ =	swait.ge [sflag:s15], $0x180  }
0x6e: {  	[sflag:s15] =	ssyncset.done $0x0  }
0x6f: {  	[sflag:s15] =	ssyncadd.s32 $0xFFFFFE80  }
0x70: {  	_ =	swait.ge [sflag:s15], $0x180  }
0x71: {  	[sflag:s15] =	ssyncset.done $0x0  }
0x72: {  	s6 =	simm.s32 $0x1DC00;
	s12 =	simm.s32 $0x18C80;
	[sflag:s15] =	ssyncadd.s32 $0xFFFFFE80  }
0x73: {  	[tilespmem:s6], [sflag:$0x8] =	stream.indirect.gather [hbm4b:s4+s29], $0x10, s12, s29, $0xb8;
	[tilespmem:$0x1F400] =	vst v63  }
0x74: {  	_ =	swait.ge [sflag:s17], $0x1800  }
0x75: {  	[sflag:s17] =	ssyncset.done $0x0  }
0x76: {  	s0 =	simm.s32 $0x19100;
	[sflag:s17] =	ssyncadd.s32 $0xFFFFE800  }
0x77: {  	[spmem:s7] =	stream.indirect.scatter.add.f32 [tilespmem:s16], [sflag:$0xB], $0x10, s0, s29, $0xb8;
	[tilespmem:$0x1F400] =	vst v63  }
0x78: {  	_ =	swait.ge [sflag:s18], $0x1800  }
0x79: {  	s21 =	rddreg [dreg:$0x6];
	[sflag:s18] =	ssyncset.done $0x0  }
0x7a: {  	s16 =	rddreg [dreg:$0x7];
	[sflag:s18] =	ssyncadd.s32 $0xFFFFE800;
	s5 =	sadd.s32 s9, s21  }
0x7b: {  	[tilespmem:s31], [sflag:$0x3] =	stream.linear.gather [hbm4b:s5+s3], $0x180, $0x38;
	[tilespmem:$0x1F400] =	vst v63  }
0x7c: {  	s21 =	sadd.s32 s9, s16  }
0x7d: {  	[tilespmem:s0], [sflag:$0x3] =	stream.linear.gather [hbm4b:s21+s3], $0x180, $0x38;
	[tilespmem:$0x1F400] =	vst v63  }
0x7e: {  	_ =	swait.ge [sflag:s28], $0x180  }
0x7f: {  	[sflag:s28] =	ssyncset.done $0x0  }
0x80: {  	[sflag:s28] =	ssyncadd.s32 $0xFFFFFE80  }
0x81: {  	_ =	swait.ge [sflag:s28], $0x180  }
0x82: {  	[sflag:s28] =	ssyncset.done $0x0  }
0x83: {  	s0 =	simm.s32 $0x19400;
	[sflag:s28] =	ssyncadd.s32 $0xFFFFFE80  }
0x84: {  	[tilespmem:s0], [sflag:$0x5] =	stream.indirect.gather [hbm4b:s4+s29], $0x10, s23, s29, $0xb8;
	[tilespmem:$0x1F400] =	vst v63  }
0x85: {  	_ =	swait.ge [sflag:s19], $0x1800  }
0x86: {  	[sflag:s19] =	ssyncset.done $0x0  }
0x87: {  	s16 =	simm.s32 $0x19280;
	[sflag:s19] =	ssyncadd.s32 $0xFFFFE800  }
0x88: {  	[spmem:s7] =	stream.indirect.scatter.add.f32 [tilespmem:s6], [sflag:$0xC], $0x10, s16, s29, $0xb8;
	[tilespmem:$0x1F400] =	vst v63  }
0x89: {  	_ =	swait.ge [sflag:s8], $0x1800  }
0x8a: {  	s6 =	rddreg [dreg:$0x4];
	[sflag:s8] =	ssyncset.done $0x0  }
0x8b: {  	s21 =	rddreg [dreg:$0x5];
	[sflag:s8] =	ssyncadd.s32 $0xFFFFE800;
	s5 =	sadd.s32 s9, s6  }
0x8c: {  	[tilespmem:s12], [sflag:$0x4] =	stream.linear.gather [hbm4b:s5+s3], $0x180, $0x38;
	[tilespmem:$0x1F400] =	vst v63  }
0x8d: {  	s21 =	sadd.s32 s9, s21  }
0x8e: {  	[tilespmem:s16], [sflag:$0x4] =	stream.linear.gather [hbm4b:s21+s3], $0x180, $0x38;
	[tilespmem:$0x1F400] =	vst v63  }
0x8f: {  	_ =	swait.ge [sflag:s1], $0x180  }
0x90: {  	[sflag:s1] =	ssyncset.done $0x0  }
0x91: {  	[sflag:s1] =	ssyncadd.s32 $0xFFFFFE80  }
0x92: {  	_ =	swait.ge [sflag:s1], $0x180  }
0x93: {  	[sflag:s1] =	ssyncset.done $0x0  }
0x94: {  	[sflag:s1] =	ssyncadd.s32 $0xFFFFFE80  }
0x95: {  	[tilespmem:s2], [sflag:$0x6] =	stream.indirect.gather [hbm4b:s4+s29], $0x10, s25, s29, $0xb8;
	[tilespmem:$0x1F400] =	vst v63  }
0x96: {  	_ =	swait.ge [sflag:s10], $0x1800  }
0x97: {  	s9 =	sadd.s32 $0xC0, s9;
	s21 =	rddreg [dreg:$0x3]  }
0x98: {  	p0 =	sne.s32 s21, s9  }
.Ltmp0:
0x99: {  	s20 =	sadd.s32 $0x600, s20;
	(pc) =	sbr.rel @p0 .LBB2_2-.Ltmp0, $4  }
0x9a: {  	s26 =	simm.s32 $0x18F80;
	s30 =	simm.s32 $0x18B00;
	[sflag:s10] =	ssyncset.done $0x0  }
0x9b: {  	s31 =	simm.s32 $0x19100;
	s6 =	simm.s32 $0x18C80;
	[sflag:s10] =	ssyncadd.s32 $0xFFFFE800  }
0x9c: {  	[spmem:s7] =	stream.indirect.scatter.add.f32 [tilespmem:s0], [sflag:$0x9], $0x10, s24, s29, $0xb8;
	[tilespmem:$0x1F400] =	vst v63  }
0x9d: {  	s12 =	simm.s32 $0x19280;
	s16 =	simm.s32 $0x1AC00;
	s7 =	simm.s32 $0x9  }
0x9e: {  	_ =	swait.ge [sflag:s7], $0x1800  }
0x9f: {  	[sflag:s7] =	ssyncset.done $0x0  }
0xa0: {  	[sflag:s7] =	ssyncadd.s32 $0xFFFFE800  }
0xa1: {  	_ =	swait.ge [sflag:s11], $0x180  }
0xa2: {  	[sflag:s11] =	ssyncset.done $0x0  }
0xa3: {  	[sflag:s11] =	ssyncadd.s32 $0xFFFFFE80  }
0xa4: {  	_ =	swait.ge [sflag:s11], $0x180  }
0xa5: {  	[sflag:s11] =	ssyncset.done $0x0  }
0xa6: {  	s9 =	simm.s32 $0x1C400;
	[sflag:s11] =	ssyncadd.s32 $0xFFFFFE80  }
0xa7: {  	[tilespmem:s9], [sflag:$0x7] =	stream.indirect.gather [hbm4b:s4+s29], $0x10, s30, s29, $0xb8;
	[tilespmem:$0x1F400] =	vst v63  }
0xa8: {  	_ =	swait.ge [sflag:s13], $0x1800  }
0xa9: {  	[sflag:s13] =	ssyncset.done $0x0  }
0xaa: {  	[sflag:s13] =	ssyncadd.s32 $0xFFFFE800  }
0xab: {  	s2 =	rddreg [dreg:$0x1]  }
0xac: {  	[spmem:s2] =	stream.indirect.scatter.add.f32 [tilespmem:s16], [sflag:$0xA], $0x10, s26, s29, $0xb8;
	[tilespmem:$0x1F400] =	vst v63  }
0xad: {  	_ =	swait.ge [sflag:s14], $0x1800  }
0xae: {  	[sflag:s14] =	ssyncset.done $0x0  }
0xaf: {  	[sflag:s14] =	ssyncadd.s32 $0xFFFFE800  }
0xb0: {  	_ =	swait.ge [sflag:s15], $0x180  }
0xb1: {  	[sflag:s15] =	ssyncset.done $0x0  }
0xb2: {  	[sflag:s15] =	ssyncadd.s32 $0xFFFFFE80  }
0xb3: {  	_ =	swait.ge [sflag:s15], $0x180  }
0xb4: {  	[sflag:s15] =	ssyncset.done $0x0  }
0xb5: {  	s5 =	simm.s32 $0x1DC00;
	[sflag:s15] =	ssyncadd.s32 $0xFFFFFE80  }
0xb6: {  	[tilespmem:s5], [sflag:$0x8] =	stream.indirect.gather [hbm4b:s4+s29], $0x10, s6, s29, $0xb8;
	[tilespmem:$0x1F400] =	vst v63  }
0xb7: {  	_ =	swait.ge [sflag:s17], $0x1800  }
0xb8: {  	[sflag:s17] =	ssyncset.done $0x0  }
0xb9: {  	[sflag:s17] =	ssyncadd.s32 $0xFFFFE800  }
0xba: {  	[spmem:s2] =	stream.indirect.scatter.add.f32 [tilespmem:s9], [sflag:$0xB], $0x10, s31, s29, $0xb8;
	[tilespmem:$0x1F400] =	vst v63  }
0xbb: {  	_ =	swait.ge [sflag:s19], $0x1800  }
0xbc: {  	[sflag:s19] =	ssyncset.done $0x0  }
0xbd: {  	[sflag:s19] =	ssyncadd.s32 $0xFFFFE800  }
0xbe: {  	[spmem:s2] =	stream.indirect.scatter.add.f32 [tilespmem:s5], [sflag:$0xC], $0x10, s12, s29, $0xb8;
	[tilespmem:$0x1F400] =	vst v63  }
0xbf: {  	_ =	swait.ge [sflag:s18], $0x1800  }
0xc0: {  	[sflag:s18] =	ssyncset.done $0x0  }
0xc1: {  	[sflag:s18] =	ssyncadd.s32 $0xFFFFE800  }
0xc2: {  	_ =	swait.ge [sflag:s8], $0x1800  }
0xc3: {  	[sflag:s8] =	ssyncset.done $0x0  }
0xc4: {  	[sflag:s8] =	ssyncadd.s32 $0xFFFFE800  }
0xc5: {  	[bflag:$0x0] =	sbarrier.arrive $0xFFFF  }
0xc6: {  	s20 =	rddreg [dreg:$0xf]  }
0xc7: {  	s21 =	rddreg [dreg:$0x17]  }
0xc8: {  	s9 =	simm.s32 $0xD;
	s22 =	rddreg [dreg:$0x1b]  }
0xc9: {  	[hbm:s21], [sflag:s20] =	dma.local [spmem:s22], $0x3100  }
0xca: {  	_ =	swait.ge [sflag:s9], $0x3100  }
0xcb: {  	s10 =	rddreg [dreg:$0x1a]  }
0xcc: {  	s23 =	rddreg [dreg:$0x18];
	s10 =	sadd.s32 $0x1, s10  }
0xcd: {  	p0 =	sne.s32 s10, s23  }
.Ltmp1:
0xce: {  	_ = 	snop;
	(pc) =	sbr.rel @p0 .LBB2_1-.Ltmp1, $3  }
0xcf: {  	_ =	sdelay $0x1  }
0xd0: {  	s2 =	simm.s32 $0x5;
	s21 =	simm.s32 $0x18800;
	[sflag:s9] =	ssyncset.done $0x0  }
0xd1: {  	s22 =	simm.s32 $0x18E00;
	[sflag:s9] =	ssyncadd.s32 $0xFFFFCF00;
	s23 =	simm.s32 $0x18980  }
0xd2: {  	_ =	sfence.sel $0x180000  }
0xd3: {  	[bflag:$0x0] =	sbarrier.arrive $0xFFFF  }
0xd4: {  	_ =	strace $0x9000004A  }
0xd5: {  	s0 =	stileid.u32;
	[bflag:$0x2] =	sbarrier.arrive $0xFFFF  }
0xd6: {  	p0 =	sne.s32 s0, $0x0;
	s0 =	rddreg [dreg:$0x2]  }
0xd7: {  	s0 =	sadd.s32 @!p0 $0x100000, s0  }
0xd8: {  	[sflag:s0] =	ssyncadd.tile.s32 @!p0 $0x1;
	_ =	shalt  }
.Lfunc_end2:
_tile_overlayer_lowered:
.L_overlay_start_2:
0xd9: {  	(tag) =	ssettag $0x2  }
0xda: {  	s0 =	rddreg [dreg:$0x0];
	s2 =	stileid.u32  }
0xdb: {  	s1 =	rddreg [dreg:$0x1];
	p0 =	sne.s32 s2, $0x0  }
0xdc: {  	s3 =	rddreg [dreg:$0x2];
	[bflag:$0x3] =	sbarrier.arrive $0xFFFF;
	s2 =	simm.s32 @!p0 $0x1C0D  }
0xdd: {  	[timem:s3], [sflag:s2] =	dma.local @!p0 [hbm:s0], s1  }
0xde: {  	s0 =	simm.s32 @!p0 $0xD  }
0xdf: {  	_ =	swait.ge @!p0 [sflag:s0], s1  }
0xe0: {  	s1 =	ssub.s32 @!p0 $0x0, s1;
	[sflag:s0] =	ssyncset.done @!p0 $0x0  }
0xe1: {  	[sflag:s0] =	ssyncadd.s32 @!p0 s1  }
0xe2: {  	[bflag:$0x3] =	sbarrier.arrive $0xFFFF  }
0xe3: {  	_ =	shalt  }

// kernel: kernel.15.cloned.1.call-start
scs
__scs_entry_jumppad:
0x0: {  	(pc) =	sbr.rel $0x88, $3  }
0x1: {  	(tag) =	ssettag $0x0;
	lr =	simm.s32 $0x1  }
0x2: {  	[smem:$0x3F90] =	sst lr;
	_ =	strace $0xD0000000  }
0x3: {  	_ = 	snop  }
0x4: {  	_ = 	snop  }
0x5: {  	_ = 	snop  }
0x6: {  	_ = 	snop  }
0x7: {  	_ = 	snop  }
__scs_overlays_trampoline_lowered:
0x8: {  	[smem:$0x3F9F] =	sst s0  }
0x9: {  	[smem:$0x3FA0] =	sst s1  }
0xa: {  	[smem:$0x3FA1] =	sst s2  }
0xb: {  	[smem:$0x3FA2] =	sst s3  }
0xc: {  	[smem:$0x3FA3] =	sst s4  }
0xd: {  	[smem:$0x3FA4] =	sst s5  }
0xe: {  	[smem:$0x3FA5] =	sst s6  }
0xf: {  	[smem:$0x3FA6] =	sst s7  }
0x10: {  	[smem:$0x3FA7] =	sst s8  }
0x11: {  	[smem:$0x3FA8] =	sst s9;
	s0 =	simm.s32 @!p0 $0x0  }
0x12: {  	s1 =	sld [smem:$0x3F8E];
	s0 =	simm.s32 @p0 $0x1  }
0x13: {  	[smem:$0x3FA9] =	sst s0;
	s0 =	simm.s32 @!p1 $0x0  }
0x14: {  	s2 =	sld [smem:$0x3F8D];
	s0 =	simm.s32 @p1 $0x1  }
0x15: {  	[smem:$0x3FAA] =	sst s0;
	s0 =	simm.s32 @!p2 $0x0  }
0x16: {  	s3 =	sld [smem:$0x3FDB];
	s0 =	simm.s32 @p2 $0x1  }
0x17: {  	s4 =	simm.s32 $0x1BF5;
	[smem:$0x3FAC] =	sst s0  }
0x18: {  	s0 =	sld [smem:$0x3F8F];
	_ =	swait.ge [sflag:s4], $0x0  }
0x19: {  	s7 =	sld [smem:$0x3F90]  }
0x1a: {  	s8 =	sadd.s32 $0xFFFFE003, lr  }
0x1b: {  	s9 =	sadd.s32 $0xFFFFFEF7, lr;
	s5 =	simm.s32 $0xFFFFFFFF;
	p2 =	slt.u32 s8, $0xFFFFF086  }
0x1c: {  	p1 =	slt.u32 s9, $0xF7A;
	s5 =	simm.s32 @!p2 $0x0  }
0x1d: {  	s5 =	simm.s32 @p1 $0x1;
	p0 =	seq.s32 s7, s2  }
0x1e: {  	s7 =	smul.u32 @!p0 $0xF7A, s2;
	p2 =	seq.s32 @!p0 s5, $0x0  }
0x1f: {  	s9 =	smul.u32 $0xF7A, s1;
	s8 =	simm.s32 @!p0 $0x1BF5;
	p2 =	por !p2, p0  }
0x20: {  	[sflag:s8] =	ssyncset.s32 @!p0 $0xFFFFF086;
	s6 =	sadd.s32 @!p0 s3, s7;
	s7 =	simm.s32 @!p0 $0x108  }
0x21: {  	s3 =	sadd.s32 s3, s9;
	s6 =	sadd.s32 @!p0 $0x88, s6;
	s7 =	simm.s32 @p2 $0x1082  }
0x22: {  	[simem:s7], [sflag:s8] =	dma.local @!p0 [hbm:s6], $0xF7A  }
0x23: {  	s9 =	sor.u32 $0xD0000000, s2;
	s6 =	simm.s32 $0x108;
	_ =	swait.ge @!p0 [sflag:s8], $0x0  }
0x24: {  	s3 =	sadd.s32 $0x88, s3;
	s6 =	simm.s32 @!p1 $0x1082;
	[sflag:s4] =	ssyncset.s32 $0xFFFFF086  }
0x25: {  	[simem:s6], [sflag:s4] =	dma.local [hbm:s3], $0xF7A  }
0x26: {  	[smem:$0x3F90] =	sst s1;
	(tag) =	ssettag s2;
	_ =	strace s9  }
0x27: {  	s1 =	sld [smem:$0x3FA0]  }
0x28: {  	s2 =	sld [smem:$0x3FA1]  }
0x29: {  	s4 =	sld [smem:$0x3FA3]  }
0x2a: {  	p0 =	seq.s32 s5, $0x0;
	s5 =	sld [smem:$0x3FA4]  }
0x2b: {  	s6 =	sld [smem:$0x3FA5]  }
0x2c: {  	s7 =	sld [smem:$0x3FA6]  }
0x2d: {  	s3 =	simm.s32 $0x108;
	s8 =	sld [smem:$0x3FA7]  }
0x2e: {  	s3 =	simm.s32 @!p0 $0x1082;
	s9 =	sld [smem:$0x3FA8]  }
0x2f: {  	lr =	sadd.s32 s0, s3;
	s0 =	sld [smem:$0x3F9F]  }
0x30: {  	s3 =	sld [smem:$0x3FA2]  }
0x31: {  	[smem:$0x3FAB] =	sst s10  }
0x32: {  	s10 =	sld [smem:$0x3FA9];
	_ =	sdelay $0x3  }
0x33: {  	p0 =	seq.s32 s10, $0x1;
	s10 =	sld [smem:$0x3FAB];
	_ =	sdelay $0x3  }
0x34: {  	[smem:$0x3FAB] =	sst s10  }
0x35: {  	s10 =	sld [smem:$0x3FAA];
	_ =	sdelay $0x3  }
0x36: {  	p1 =	seq.s32 s10, $0x1;
	s10 =	sld [smem:$0x3FAB];
	_ =	sdelay $0x3  }
0x37: {  	[smem:$0x3FAB] =	sst s10  }
0x38: {  	s10 =	sld [smem:$0x3FAC]  }
0x39: {  	_ = 	snop;
	(pc) =	sbr.ind lr, $3  }
0x3a: {  	_ = 	snop  }
0x3b: {  	_ = 	snop  }
0x3c: {  	p2 =	seq.s32 s10, $0x1;
	s10 =	sld [smem:$0x3FAB]  }
0x3d: {  	_ =	shalt  }
0x3e: {  	_ =	shalt  }
0x3f: {  	_ =	shalt  }
0x40: {  	_ =	shalt  }
0x41: {  	_ =	shalt  }
0x42: {  	_ =	shalt  }
0x43: {  	_ =	shalt  }
0x44: {  	_ =	shalt  }
0x45: {  	_ =	shalt  }
0x46: {  	_ =	shalt  }
0x47: {  	_ =	shalt  }
0x48: {  	_ =	shalt  }
0x49: {  	_ =	shalt  }
0x4a: {  	_ =	shalt  }
0x4b: {  	_ =	shalt  }
0x4c: {  	_ =	shalt  }
0x4d: {  	_ =	shalt  }
0x4e: {  	_ =	shalt  }
0x4f: {  	_ =	shalt  }
0x50: {  	_ =	shalt  }
0x51: {  	_ =	shalt  }
0x52: {  	_ =	shalt  }
0x53: {  	_ =	shalt  }
0x54: {  	_ =	shalt  }
0x55: {  	_ =	shalt  }
0x56: {  	_ =	shalt  }
0x57: {  	_ =	shalt  }
0x58: {  	_ =	shalt  }
0x59: {  	_ =	shalt  }
0x5a: {  	_ =	shalt  }
0x5b: {  	_ =	shalt  }
0x5c: {  	_ =	shalt  }
0x5d: {  	_ =	shalt  }
0x5e: {  	_ =	shalt  }
0x5f: {  	_ =	shalt  }
0x60: {  	_ =	shalt  }
0x61: {  	_ =	shalt  }
0x62: {  	_ =	shalt  }
0x63: {  	_ =	shalt  }
0x64: {  	_ =	shalt  }
0x65: {  	_ =	shalt  }
0x66: {  	_ =	shalt  }
0x67: {  	_ =	shalt  }
0x68: {  	_ =	shalt  }
0x69: {  	_ =	shalt  }
0x6a: {  	_ =	shalt  }
0x6b: {  	_ =	shalt  }
0x6c: {  	_ =	shalt  }
0x6d: {  	_ =	shalt  }
0x6e: {  	_ =	shalt  }
0x6f: {  	_ =	shalt  }
0x70: {  	_ =	shalt  }
0x71: {  	_ =	shalt  }
0x72: {  	_ =	shalt  }
0x73: {  	_ =	shalt  }
0x74: {  	_ =	shalt  }
0x75: {  	_ =	shalt  }
0x76: {  	_ =	shalt  }
0x77: {  	_ =	shalt  }
0x78: {  	_ =	shalt  }
0x79: {  	_ =	shalt  }
0x7a: {  	_ =	shalt  }
0x7b: {  	_ =	shalt  }
0x7c: {  	_ =	shalt  }
0x7d: {  	_ =	shalt  }
0x7e: {  	_ =	shalt  }
0x7f: {  	_ =	shalt  }
0x80: {  	_ =	shalt  }
0x81: {  	_ =	shalt  }
0x82: {  	_ =	shalt  }
0x83: {  	_ =	shalt  }
0x84: {  	_ =	shalt  }
0x85: {  	_ =	shalt  }
0x86: {  	_ =	shalt  }
0x87: {  	_ =	shalt  }
.Lfunc_end0:
.L_simem_size_0:
called_computation.2_lowered:
.L_overlay_start_0:
0x88: {  	s2 =	sld [smem:$0x3FD9]  }
0x89: {  	s3 =	sld [smem:$0x3FFE];
	_ =	sdelay $0x1  }
0x8a: {  	s1 =	srdreg.scid  }
0x8b: {  	s0 =	sand.u32 $0x1, s1  }
0x8c: {  	s16 =	sshll.u32 s0, $0xA;
	s2 =	sadd.s32 s3, s2  }
0x8d: {  	s2 =	sadd.s32 s2, s16  }
0x8e: {  	[smem:$0x3FB7] =	sst s2  }
0x8f: {  	_ = 	snop  }
0x90: {  	(tm) =	ssettm $0x1  }
0x91: {  	s17 =	sld [smem:$0x3FFB];
	_ =	sdelay $0x3  }
0x92: {  	_ =	strace s17  }
0x93: {  	s2 =	sld [smem:$0x3FFC];
	_ =	sdelay $0x3  }
0x94: {  	_ =	strace s2  }
0x95: {  	s2 =	sld [smem:$0x3FFD];
	_ =	sdelay $0x3  }
0x96: {  	_ =	strace s2  }
0x97: {  	_ =	strace $0x8FFFFFFF  }
0x98: {  	s18 =	sld [smem:$0x3FDB];
	_ =	sdelay $0x1  }
0x99: {  	s19 =	simm.s32 $_scs_section_size  }
0x9a: {  	s4 =	simm.s32 $_size__tile_overlayer_lowered;
	s5 =	simm.s32 $_tile_overlayer_lowered  }
0x9b: {  	s22 =	simm.s32 $0x1BFF;
	s21 =	sshll.u32 s5, $0x1;
	s2 =	sadd.s32 s19, s18  }
0x9c: {  	s6 =	simm.s32 $0x0;
	s20 =	sshll.u32 s4, $0x1;
	s4 =	sadd.s32 s21, s2  }
0x9d: {  	[timem:s6], [sflag:s22] =	dma.local [hbm:s4], s20  }
0x9e: {  	_ =	swait.ge [sflag:s22], s20  }
0x9f: {  	s3 =	ssub.s32 $0x0, s20;
	[sflag:s22] =	ssyncset.done $0x0  }
0xa0: {  	[sflag:s22] =	ssyncadd.s32 s3;
	_ =	sdelay $0x1  }
0xa1: {  	s23 =	simm.s32 $0x1B8B  }
0xa2: {  	_ =	swait.ge [sflag:s23], $0x1  }
0xa3: {  	[sflag:s23] =	ssyncset.done $0x0  }
0xa4: {  	s25 =	simm.s32 $0x1B8E;
	s24 =	sld [smem:$0x3FFE];
	[sflag:s23] =	ssyncadd.s32 $0xFFFFFFFF  }
0xa5: {  	s26 =	simm.s32 $execute0_lowered;
	[smem:$0x3FD2] =	sst s25  }
0xa6: {  	s4 =	sshll.u32 s26, $0x1;
	_ =	strace $0x8000004C;
	[dreg:$0x1] =	wrdreg $0xFFFFFFFF  }
0xa7: {  	s28 =	simm.s32 $_size_execute0_lowered;
	s2 =	sadd.s32 s2, s4;
	[dreg:$0x0] =	wrdreg $0x0  }
0xa8: {  	s4 =	sshll.u32 s28, $0x1;
	[dreg:$0x2] =	wrdreg s2  }
0xa9: {  	[dreg:$0x3] =	wrdreg s4  }
0xaa: {  	[dreg:$0x4] =	wrdreg $0xC0  }
0xab: {  	_ =	task [dreg:s6], $0x5FFFF  }
0xac: {  	[dreg:$0x1] =	wrdreg $0xFFFFFFFF  }
0xad: {  	[dreg:$0x0] =	wrdreg $0x60  }
0xae: {  	[dreg:$0x2] =	wrdreg s24  }
0xaf: {  	[dreg:$0x3] =	wrdreg $0x0  }
0xb0: {  	[dreg:$0x4] =	wrdreg $0x9  }
0xb1: {  	_ =	task.clear_ibuf [dreg:s6], $0x5FFFF;
	_ =	strace $0x9000004C  }
0xb2: {  	s29 =	simm.s32 $0x9;
	_ =	strace $0x8000004E  }
0xb3: {  	_ =	swait.ge [sflag:s29], $0x1  }
0xb4: {  	[sflag:s29] =	ssyncadd.s32 $0xFFFFFFFF  }
0xb5: {  	_ =	strace $0x9000004E  }
0xb6: {  	_ =	sfence  }
0xb7: {  	s30 =	sld [smem:$0x0];
	_ =	sdelay $0x2  }
0xb8: {  	s31 =	sshll.u32 s1, $0xD;
	s1 =	sshrl.u32 s1, $0x2  }
0xb9: {  	s3 =	sand.u32 $0x4000, s31;
	s1 =	sadd.s32 s1, s30  }
0xba: {  	s0 =	sor.u32 s3, s0;
	s1 =	sshll.u32 s1, $0x11  }
0xbb: {  	s0 =	sor.u32 s1, s0  }
0xbc: {  	s0 =	sadd.s32 $0x8F2B, s0  }
0xbd: {  	[sflag:s0] =	ssyncadd.remote.s32 $0x1  }
0xbe: {  	_ =	sfence.sel $0xFFFF  }
0xbf: {  	[dreg:$0x0] =	wrdreg $0xFFFFFFFF;
	(pc) =	sbr.abs _section_cstart, $3  }
0xc0: {  	[dreg:$0x1] =	wrdreg $0xFFFFFFFF  }
0xc1: {  	_ =	task.clear_ibuf [dreg:s6], $0x2FFFF;
	_ =	strace $0x9FFFFFFF  }
0xc2: {  	(tm) =	ssettm $0x7FFFFFFF  }
0xc3: {  	_ =	shalt  }
tec
execute0_lowered:
.L_overlay_start_1:
0x0: {  	(tag) =	ssettag $0x1  }
0x1: {  	s0 =	rddreg [dreg:$0x0]  }
0x2: {  	s2 =	rddreg [dreg:$0x1];
	s3 =	simm.s32 $0x0;
	s12 =	stileid.u32  }
0x3: {  	s5 =	srdreg.scid;
	s9 =	simm.s32 $0x20400;
	s11 =	simm.s32 $0x3FC0  }
0x4: {  	s30 =	simm.s32 $0x18B00;
	s31 =	simm.s32 $0x19100;
	s28 =	simm.s32 $0x1  }
0x5: {  	s29 =	simm.s32 $0x180;
	[smem:$0x7FF] =	sst s3;
	s1 =	smul.u32 $0x18800, s12  }
0x6: {  	s4 =	sadd.s32 $0xCA200, s0;
	s6 =	sand.u32 $0x1, s5;
	s5 =	sadd.s32 $0x4200, s0  }
0x7: {  	s20 =	sshll.u32 s12, $0x6;
	_ =	strace $0x8000004D;
	s8 =	smul.u32 $0x188000, s6  }
0x8: {  	p0 =	seq.s32 s6, $0x0;
	s10 =	smul.u32 $0x204000, s6;
	s6 =	ssub.s32 $0x2, s6  }
0x9: {  	s20 =	sor.u32 $0x1C0D, s20;
	[dreg:$0xb] =	wrdreg s5;
	s7 =	sshrl.u32 s1, $0x3  }
0xa: {  	s9 =	simm.s32 @!p0 $0x11400;
	s18 =	sshrl.u32 s6, $0x1;
	s11 =	simm.s32 @!p0 $0x21C0  }
0xb: {  	[dreg:$0xf] =	wrdreg s20;
	s7 =	sadd.s32 s7, s0;
	s8 =	sadd.s32 s1, s8  }
0xc: {  	s9 =	smul.u32 s12, s9;
	[dreg:$0x3] =	wrdreg s11;
	s1 =	sadd.s32 s1, s2  }
0xd: {  	s6 =	ssub.s32 s6, s18;
	s8 =	sshrl.u32 s8, $0x3;
	[dreg:$0xc] =	wrdreg s1  }
0xe: {  	s7 =	sadd.s32 $0xFE600, s7;
	s0 =	sadd.s32 s8, s0;
	s8 =	sadd.s32 s10, s9  }
0xf: {  	[dreg:$0xd] =	wrdreg s7;
	s19 =	sshrl.u32 s8, $0x3;
	s10 =	sadd.s32 $0x318A80, s8  }
0x10: {  	s25 =	sadd.s32 $0xA80, s8;
	s12 =	sadd.s32 $0x900, s8;
	s13 =	sadd.s32 $0x318900, s8  }
0x11: {  	s17 =	sadd.s32 $0x780, s8;
	s0 =	sadd.s32 $0x12F600, s0;
	s21 =	sadd.s32 s5, s19  }
0x12: {  	s11 =	sshrl.u32 s10, $0x3;
	s7 =	sshrl.u32 s12, $0x3;
	s15 =	sshrl.u32 s13, $0x3  }
0x13: {  	s18 =	sshrl.u32 s17, $0x3;
	s19 =	sadd.s32 $0x318780, s8;
	[dreg:$0x17] =	wrdreg s0  }
0x14: {  	s0 =	simm.s32 $0x19400;
	s1 =	sadd.s32 $0x63000, s21;
	[dreg:$0xe] =	wrdreg s21  }
0x15: {  	s12 =	simm.s32 $0x19280;
	s22 =	sadd.s32 $0x30, s21;
	[dreg:$0x10] =	wrdreg s1  }
0x16: {  	s13 =	simm.s32 $0x6;
	s23 =	sadd.s32 $0x63030, s21;
	[dreg:$0x11] =	wrdreg s22  }
0x17: {  	s17 =	simm.s32 $0x7;
	s24 =	sadd.s32 $0x60, s21;
	[dreg:$0x12] =	wrdreg s23  }
0x18: {  	s10 =	simm.s32 $0x0;
	s26 =	sadd.s32 $0x63060, s21;
	[dreg:$0x13] =	wrdreg s24  }
0x19: {  	s2 =	sadd.s32 $0x90, s21;
	s9 =	sadd.s32 $0x63090, s21;
	[dreg:$0x14] =	wrdreg s26  }
0x1a: {  	s14 =	sadd.s32 s7, s5;
	s16 =	sadd.s32 s15, s5;
	[dreg:$0x15] =	wrdreg s2  }
0x1b: {  	s7 =	sshrl.u32 s19, $0x3;
	s21 =	sadd.s32 $0x318600, s8;
	[dreg:$0x16] =	wrdreg s9  }
0x1c: {  	s15 =	simm.s32 $0x4;
	s19 =	simm.s32 $0x8;
	[dreg:$0x6] =	wrdreg s14  }
0x1d: {  	s1 =	sshrl.u32 s25, $0x3;
	[dreg:$0x7] =	wrdreg s16;
	s22 =	sadd.s32 s7, s5  }
0x1e: {  	s23 =	sshrl.u32 s21, $0x3;
	s25 =	smax.u32 s6, $0x1;
	s26 =	sadd.s32 $0x600, s8  }
0x1f: {  	s9 =	simm.s32 $0xD;
	s21 =	simm.s32 $0x18800;
	s6 =	simm.s32 $0x18C80  }
0x20: {  	s16 =	simm.s32 $0x1AC00;
	s2 =	simm.s32 $0x5;
	s7 =	simm.s32 $0x9  }
0x21: {  	s14 =	simm.s32 $0xA;
	s8 =	simm.s32 $0xC;
	[dreg:$0x9] =	wrdreg s22  }
0x22: {  	s1 =	sadd.s32 s1, s5;
	s24 =	sadd.s32 s23, s5;
	[dreg:$0x18] =	wrdreg s25  }
0x23: {  	[dreg:$0x19] =	wrdreg s26;
	s22 =	simm.s32 $0x18E00;
	s23 =	simm.s32 $0x18980  }
0x24: {  	s26 =	simm.s32 $0x18F80;
	s25 =	simm.s32 $0x18980;
	[dreg:$0x4] =	wrdreg s1  }
0x25: {  	s1 =	sadd.s32 s11, s5;
	[dreg:$0xa] =	wrdreg s24;
	s11 =	simm.s32 $0x3  }
0x26: {  	s24 =	simm.s32 $0x18E00;
	[dreg:$0x5] =	wrdreg s1;
	s1 =	sadd.s32 s18, s5  }
0x27: {  	s18 =	simm.s32 $0xB;
	[dreg:$0x8] =	wrdreg s1;
	s1 =	simm.s32 $0x2  }
.LBB2_1:
0x28: {  	[dreg:$0x1a] =	wrdreg s10  }
0x29: {  	s5 =	rddreg [dreg:$0xc]  }
0x2a: {  	s10 =	sshrl.u32 s5, $0x3;
	s5 =	rddreg [dreg:$0xd]  }
0x2b: {  	[dreg:$0x1b] =	wrdreg s10  }
0x2c: {  	[spmem:s10], [sflag:s20] =	dma.local [hbm:s5], $0x3100  }
0x2d: {  	_ =	swait.ge [sflag:s9], $0x3100  }
0x2e: {  	[sflag:s9] =	ssyncset.done $0x0  }
0x2f: {  	[sflag:s9] =	ssyncadd.s32 $0xFFFFCF00  }
0x30: {  	[bflag:$0x0] =	sbarrier.arrive $0xFFFF  }
0x31: {  	s10 =	rddreg [dreg:$0xe]  }
0x32: {  	[tilespmem:s21], [sflag:$0x1] =	stream.linear.gather [hbm4b:s10+s3], $0x180, $0x38;
	[tilespmem:$0x1F400] =	vst v63  }
0x33: {  	s20 =	rddreg [dreg:$0x10]  }
0x34: {  	[tilespmem:s22], [sflag:$0x1] =	stream.linear.gather [hbm4b:s20+s3], $0x180, $0x38;
	[tilespmem:$0x1F400] =	vst v63  }
0x35: {  	s9 =	rddreg [dreg:$0x11]  }
0x36: {  	[tilespmem:s23], [sflag:$0x2] =	stream.linear.gather [hbm4b:s9+s3], $0x180, $0x38;
	[tilespmem:$0x1F400] =	vst v63  }
0x37: {  	s10 =	rddreg [dreg:$0x12]  }
0x38: {  	[tilespmem:s26], [sflag:$0x2] =	stream.linear.gather [hbm4b:s10+s3], $0x180, $0x38;
	[tilespmem:$0x1F400] =	vst v63  }
0x39: {  	s20 =	rddreg [dreg:$0x13]  }
0x3a: {  	[tilespmem:s30], [sflag:$0x3] =	stream.linear.gather [hbm4b:s20+s3], $0x180, $0x38;
	[tilespmem:$0x1F400] =	vst v63  }
0x3b: {  	s26 =	rddreg [dreg:$0x14]  }
0x3c: {  	[tilespmem:s31], [sflag:$0x3] =	stream.linear.gather [hbm4b:s26+s3], $0x180, $0x38;
	[tilespmem:$0x1F400] =	vst v63  }
0x3d: {  	_ =	swait.ge [sflag:s28], $0x180  }
0x3e: {  	[sflag:s28] =	ssyncset.done $0x0  }
0x3f: {  	[sflag:s28] =	ssyncadd.s32 $0xFFFFFE80  }
0x40: {  	_ =	swait.ge [sflag:s28], $0x180  }
0x41: {  	[sflag:s28] =	ssyncset.done $0x0  }
0x42: {  	[sflag:s28] =	ssyncadd.s32 $0xFFFFFE80  }
0x43: {  	[tilespmem:s0], [sflag:$0x5] =	stream.indirect.gather [hbm4b:s4+s29], $0x10, s21, s29, $0xb8;
	[tilespmem:$0x1F400] =	vst v63  }
0x44: {  	s30 =	rddreg [dreg:$0x15]  }
0x45: {  	[tilespmem:s6], [sflag:$0x4] =	stream.linear.gather [hbm4b:s30+s3], $0x180, $0x38;
	[tilespmem:$0x1F400] =	vst v63  }
0x46: {  	s31 =	rddreg [dreg:$0x16]  }
0x47: {  	[tilespmem:s12], [sflag:$0x4] =	stream.linear.gather [hbm4b:s31+s3], $0x180, $0x38;
	[tilespmem:$0x1F400] =	vst v63  }
0x48: {  	_ =	swait.ge [sflag:s1], $0x180  }
0x49: {  	[sflag:s1] =	ssyncset.done $0x0  }
0x4a: {  	[sflag:s1] =	ssyncadd.s32 $0xFFFFFE80  }
0x4b: {  	_ =	swait.ge [sflag:s1], $0x180  }
0x4c: {  	[sflag:s1] =	ssyncset.done $0x0  }
0x4d: {  	[sflag:s1] =	ssyncadd.s32 $0xFFFFFE80  }
0x4e: {  	[tilespmem:s16], [sflag:$0x6] =	stream.indirect.gather [hbm4b:s4+s29], $0x10, s23, s29, $0xb8;
	[tilespmem:$0x1F400] =	vst v63  }
0x4f: {  	_ =	swait.ge [sflag:s2], $0x1800  }
0x50: {  	[sflag:s2] =	ssyncset.done $0x0  }
0x51: {  	s20 =	rddreg [dreg:$0x19];
	[sflag:s2] =	ssyncadd.s32 $0xFFFFE800  }
0x52: {  	s9 =	simm.s32 $0x0;
	s2 =	rddreg [dreg:$0x1]  }
0x53: {  	[spmem:s2] =	stream.indirect.scatter.add.f32 [tilespmem:s0], [sflag:$0x9], $0x10, s22, s29, $0xb8;
	[tilespmem:$0x1F400] =	vst v63  }
0x54: {  	s10 =	simm.s32 $0x5;
	s23 =	simm.s32 $0x18800;
	s22 =	rddreg [dreg:$0xb]  }
.LBB2_2:
0x55: {  	_ =	swait.ge [sflag:s7], $0x1800  }
0x56: {  	s5 =	sshrl.u32 s20, $0x3;
	[sflag:s7] =	ssyncset.done $0x0  }
0x57: {  	s21 =	rddreg [dreg:$0xa];
	s5 =	sadd.s32 s22, s5;
	[sflag:s7] =	ssyncadd.s32 $0xFFFFE800  }
0x58: {  	[tilespmem:s23], [sflag:$0x1] =	stream.linear.gather [hbm4b:s5+s3], $0x180, $0x38;
	[tilespmem:$0x1F400] =	vst v63  }
0x59: {  	s26 =	sadd.s32 s9, s21  }
0x5a: {  	[tilespmem:s24], [sflag:$0x1] =	stream.linear.gather [hbm4b:s26+s3], $0x180, $0x38;
	[tilespmem:$0x1F400] =	vst v63  }
0x5b: {  	_ =	swait.ge [sflag:s11], $0x180  }
0x5c: {  	[sflag:s11] =	ssyncset.done $0x0  }
0x5d: {  	[sflag:s11] =	ssyncadd.s32 $0xFFFFFE80  }
0x5e: {  	_ =	swait.ge [sflag:s11], $0x180  }
0x5f: {  	[sflag:s11] =	ssyncset.done $0x0  }
0x60: {  	s31 =	simm.s32 $0x18B00;
	s16 =	simm.s32 $0x1C400;
	[sflag:s11] =	ssyncadd.s32 $0xFFFFFE80  }
0x61: {  	[tilespmem:s16], [sflag:$0x7] =	stream.indirect.gather [hbm4b:s4+s29], $0x10, s31, s29, $0xb8;
	[tilespmem:$0x1F400] =	vst v63  }
0x62: {  	_ =	swait.ge [sflag:s13], $0x1800  }
0x63: {  	[sflag:s13] =	ssyncset.done $0x0  }
0x64: {  	[sflag:s13] =	ssyncadd.s32 $0xFFFFE800  }
0x65: {  	s30 =	simm.s32 $0x18F80;
	s2 =	simm.s32 $0x1AC00;
	s7 =	rddreg [dreg:$0x1]  }
0x66: {  	[spmem:s7] =	stream.indirect.scatter.add.f32 [tilespmem:s2], [sflag:$0xA], $0x10, s30, s29, $0xb8;
	[tilespmem:$0x1F400] =	vst v63  }
0x67: {  	_ =	swait.ge [sflag:s14], $0x1800  }
0x68: {  	s0 =	rddreg [dreg:$0x8];
	[sflag:s14] =	ssyncset.done $0x0  }
0x69: {  	s6 =	rddreg [dreg:$0x9];
	[sflag:s14] =	ssyncadd.s32 $0xFFFFE800;
	s5 =	sadd.s32 s9, s0  }
0x6a: {  	[tilespmem:s25], [sflag:$0x2] =	stream.linear.gather [hbm4b:s5+s3], $0x180, $0x38;
	[tilespmem:$0x1F400] =	vst v63  }
0x6b: {  	s12 =	sadd.s32 s9, s6  }
0x6c: {  	[tilespmem:s30], [sflag:$0x2] =	stream.linear.gather [hbm4b:s12+s3], $0x180, $0x38;
	[tilespmem:$0x1F400] =	vst v63  }
0x6d: {  	_ =	swait.ge [sflag:s15], $0x180  }
0x6e: {  	[sflag:s15] =	ssyncset.done $0x0  }
0x6f: {  	[sflag:s15] =	ssyncadd.s32 $0xFFFFFE80  }
0x70: {  	_ =	swait.ge [sflag:s15], $0x180  }
0x71: {  	[sflag:s15] =	ssyncset.done $0x0  }
0x72: {  	s6 =	simm.s32 $0x1DC00;
	s12 =	simm.s32 $0x18C80;
	[sflag:s15] =	ssyncadd.s32 $0xFFFFFE80  }
0x73: {  	[tilespmem:s6], [sflag:$0x8] =	stream.indirect.gather [hbm4b:s4+s29], $0x10, s12, s29, $0xb8;
	[tilespmem:$0x1F400] =	vst v63  }
0x74: {  	_ =	swait.ge [sflag:s17], $0x1800  }
0x75: {  	[sflag:s17] =	ssyncset.done $0x0  }
0x76: {  	s0 =	simm.s32 $0x19100;
	[sflag:s17] =	ssyncadd.s32 $0xFFFFE800  }
0x77: {  	[spmem:s7] =	stream.indirect.scatter.add.f32 [tilespmem:s16], [sflag:$0xB], $0x10, s0, s29, $0xb8;
	[tilespmem:$0x1F400] =	vst v63  }
0x78: {  	_ =	swait.ge [sflag:s18], $0x1800  }
0x79: {  	s21 =	rddreg [dreg:$0x6];
	[sflag:s18] =	ssyncset.done $0x0  }
0x7a: {  	s16 =	rddreg [dreg:$0x7];
	[sflag:s18] =	ssyncadd.s32 $0xFFFFE800;
	s5 =	sadd.s32 s9, s21  }
0x7b: {  	[tilespmem:s31], [sflag:$0x3] =	stream.linear.gather [hbm4b:s5+s3], $0x180, $0x38;
	[tilespmem:$0x1F400] =	vst v63  }
0x7c: {  	s21 =	sadd.s32 s9, s16  }
0x7d: {  	[tilespmem:s0], [sflag:$0x3] =	stream.linear.gather [hbm4b:s21+s3], $0x180, $0x38;
	[tilespmem:$0x1F400] =	vst v63  }
0x7e: {  	_ =	swait.ge [sflag:s28], $0x180  }
0x7f: {  	[sflag:s28] =	ssyncset.done $0x0  }
0x80: {  	[sflag:s28] =	ssyncadd.s32 $0xFFFFFE80  }
0x81: {  	_ =	swait.ge [sflag:s28], $0x180  }
0x82: {  	[sflag:s28] =	ssyncset.done $0x0  }
0x83: {  	s0 =	simm.s32 $0x19400;
	[sflag:s28] =	ssyncadd.s32 $0xFFFFFE80  }
0x84: {  	[tilespmem:s0], [sflag:$0x5] =	stream.indirect.gather [hbm4b:s4+s29], $0x10, s23, s29, $0xb8;
	[tilespmem:$0x1F400] =	vst v63  }
0x85: {  	_ =	swait.ge [sflag:s19], $0x1800  }
0x86: {  	[sflag:s19] =	ssyncset.done $0x0  }
0x87: {  	s16 =	simm.s32 $0x19280;
	[sflag:s19] =	ssyncadd.s32 $0xFFFFE800  }
0x88: {  	[spmem:s7] =	stream.indirect.scatter.add.f32 [tilespmem:s6], [sflag:$0xC], $0x10, s16, s29, $0xb8;
	[tilespmem:$0x1F400] =	vst v63  }
0x89: {  	_ =	swait.ge [sflag:s8], $0x1800  }
0x8a: {  	s6 =	rddreg [dreg:$0x4];
	[sflag:s8] =	ssyncset.done $0x0  }
0x8b: {  	s21 =	rddreg [dreg:$0x5];
	[sflag:s8] =	ssyncadd.s32 $0xFFFFE800;
	s5 =	sadd.s32 s9, s6  }
0x8c: {  	[tilespmem:s12], [sflag:$0x4] =	stream.linear.gather [hbm4b:s5+s3], $0x180, $0x38;
	[tilespmem:$0x1F400] =	vst v63  }
0x8d: {  	s21 =	sadd.s32 s9, s21  }
0x8e: {  	[tilespmem:s16], [sflag:$0x4] =	stream.linear.gather [hbm4b:s21+s3], $0x180, $0x38;
	[tilespmem:$0x1F400] =	vst v63  }
0x8f: {  	_ =	swait.ge [sflag:s1], $0x180  }
0x90: {  	[sflag:s1] =	ssyncset.done $0x0  }
0x91: {  	[sflag:s1] =	ssyncadd.s32 $0xFFFFFE80  }
0x92: {  	_ =	swait.ge [sflag:s1], $0x180  }
0x93: {  	[sflag:s1] =	ssyncset.done $0x0  }
0x94: {  	[sflag:s1] =	ssyncadd.s32 $0xFFFFFE80  }
0x95: {  	[tilespmem:s2], [sflag:$0x6] =	stream.indirect.gather [hbm4b:s4+s29], $0x10, s25, s29, $0xb8;
	[tilespmem:$0x1F400] =	vst v63  }
0x96: {  	_ =	swait.ge [sflag:s10], $0x1800  }
0x97: {  	s9 =	sadd.s32 $0xC0, s9;
	s21 =	rddreg [dreg:$0x3]  }
0x98: {  	p0 =	sne.s32 s21, s9  }
.Ltmp0:
0x99: {  	s20 =	sadd.s32 $0x600, s20;
	(pc) =	sbr.rel @p0 .LBB2_2-.Ltmp0, $4  }
0x9a: {  	s26 =	simm.s32 $0x18F80;
	s30 =	simm.s32 $0x18B00;
	[sflag:s10] =	ssyncset.done $0x0  }
0x9b: {  	s31 =	simm.s32 $0x19100;
	s6 =	simm.s32 $0x18C80;
	[sflag:s10] =	ssyncadd.s32 $0xFFFFE800  }
0x9c: {  	[spmem:s7] =	stream.indirect.scatter.add.f32 [tilespmem:s0], [sflag:$0x9], $0x10, s24, s29, $0xb8;
	[tilespmem:$0x1F400] =	vst v63  }
0x9d: {  	s12 =	simm.s32 $0x19280;
	s16 =	simm.s32 $0x1AC00;
	s7 =	simm.s32 $0x9  }
0x9e: {  	_ =	swait.ge [sflag:s7], $0x1800  }
0x9f: {  	[sflag:s7] =	ssyncset.done $0x0  }
0xa0: {  	[sflag:s7] =	ssyncadd.s32 $0xFFFFE800  }
0xa1: {  	_ =	swait.ge [sflag:s11], $0x180  }
0xa2: {  	[sflag:s11] =	ssyncset.done $0x0  }
0xa3: {  	[sflag:s11] =	ssyncadd.s32 $0xFFFFFE80  }
0xa4: {  	_ =	swait.ge [sflag:s11], $0x180  }
0xa5: {  	[sflag:s11] =	ssyncset.done $0x0  }
0xa6: {  	s9 =	simm.s32 $0x1C400;
	[sflag:s11] =	ssyncadd.s32 $0xFFFFFE80  }
0xa7: {  	[tilespmem:s9], [sflag:$0x7] =	stream.indirect.gather [hbm4b:s4+s29], $0x10, s30, s29, $0xb8;
	[tilespmem:$0x1F400] =	vst v63  }
0xa8: {  	_ =	swait.ge [sflag:s13], $0x1800  }
0xa9: {  	[sflag:s13] =	ssyncset.done $0x0  }
0xaa: {  	[sflag:s13] =	ssyncadd.s32 $0xFFFFE800  }
0xab: {  	s2 =	rddreg [dreg:$0x1]  }
0xac: {  	[spmem:s2] =	stream.indirect.scatter.add.f32 [tilespmem:s16], [sflag:$0xA], $0x10, s26, s29, $0xb8;
	[tilespmem:$0x1F400] =	vst v63  }
0xad: {  	_ =	swait.ge [sflag:s14], $0x1800  }
0xae: {  	[sflag:s14] =	ssyncset.done $0x0  }
0xaf: {  	[sflag:s14] =	ssyncadd.s32 $0xFFFFE800  }
0xb0: {  	_ =	swait.ge [sflag:s15], $0x180  }
0xb1: {  	[sflag:s15] =	ssyncset.done $0x0  }
0xb2: {  	[sflag:s15] =	ssyncadd.s32 $0xFFFFFE80  }
0xb3: {  	_ =	swait.ge [sflag:s15], $0x180  }
0xb4: {  	[sflag:s15] =	ssyncset.done $0x0  }
0xb5: {  	s5 =	simm.s32 $0x1DC00;
	[sflag:s15] =	ssyncadd.s32 $0xFFFFFE80  }
0xb6: {  	[tilespmem:s5], [sflag:$0x8] =	stream.indirect.gather [hbm4b:s4+s29], $0x10, s6, s29, $0xb8;
	[tilespmem:$0x1F400] =	vst v63  }
0xb7: {  	_ =	swait.ge [sflag:s17], $0x1800  }
0xb8: {  	[sflag:s17] =	ssyncset.done $0x0  }
0xb9: {  	[sflag:s17] =	ssyncadd.s32 $0xFFFFE800  }
0xba: {  	[spmem:s2] =	stream.indirect.scatter.add.f32 [tilespmem:s9], [sflag:$0xB], $0x10, s31, s29, $0xb8;
	[tilespmem:$0x1F400] =	vst v63  }
0xbb: {  	_ =	swait.ge [sflag:s19], $0x1800  }
0xbc: {  	[sflag:s19] =	ssyncset.done $0x0  }
0xbd: {  	[sflag:s19] =	ssyncadd.s32 $0xFFFFE800  }
0xbe: {  	[spmem:s2] =	stream.indirect.scatter.add.f32 [tilespmem:s5], [sflag:$0xC], $0x10, s12, s29, $0xb8;
	[tilespmem:$0x1F400] =	vst v63  }
0xbf: {  	_ =	swait.ge [sflag:s18], $0x1800  }
0xc0: {  	[sflag:s18] =	ssyncset.done $0x0  }
0xc1: {  	[sflag:s18] =	ssyncadd.s32 $0xFFFFE800  }
0xc2: {  	_ =	swait.ge [sflag:s8], $0x1800  }
0xc3: {  	[sflag:s8] =	ssyncset.done $0x0  }
0xc4: {  	[sflag:s8] =	ssyncadd.s32 $0xFFFFE800  }
0xc5: {  	[bflag:$0x0] =	sbarrier.arrive $0xFFFF  }
0xc6: {  	s20 =	rddreg [dreg:$0xf]  }
0xc7: {  	s21 =	rddreg [dreg:$0x17]  }
0xc8: {  	s9 =	simm.s32 $0xD;
	s22 =	rddreg [dreg:$0x1b]  }
0xc9: {  	[hbm:s21], [sflag:s20] =	dma.local [spmem:s22], $0x3100  }
0xca: {  	_ =	swait.ge [sflag:s9], $0x3100  }
0xcb: {  	s10 =	rddreg [dreg:$0x1a]  }
0xcc: {  	s23 =	rddreg [dreg:$0x18];
	s10 =	sadd.s32 $0x1, s10  }
0xcd: {  	p0 =	sne.s32 s10, s23  }
.Ltmp1:
0xce: {  	_ = 	snop;
	(pc) =	sbr.rel @p0 .LBB2_1-.Ltmp1, $3  }
0xcf: {  	_ =	sdelay $0x1  }
0xd0: {  	s2 =	simm.s32 $0x5;
	s21 =	simm.s32 $0x18800;
	[sflag:s9] =	ssyncset.done $0x0  }
0xd1: {  	s22 =	simm.s32 $0x18E00;
	[sflag:s9] =	ssyncadd.s32 $0xFFFFCF00;
	s23 =	simm.s32 $0x18980  }
0xd2: {  	_ =	sfence.sel $0x180000  }
0xd3: {  	[bflag:$0x0] =	sbarrier.arrive $0xFFFF  }
0xd4: {  	_ =	strace $0x9000004D  }
0xd5: {  	s0 =	stileid.u32;
	[bflag:$0x2] =	sbarrier.arrive $0xFFFF  }
0xd6: {  	p0 =	sne.s32 s0, $0x0;
	s0 =	rddreg [dreg:$0x2]  }
0xd7: {  	s0 =	sadd.s32 @!p0 $0x100000, s0  }
0xd8: {  	[sflag:s0] =	ssyncadd.tile.s32 @!p0 $0x1;
	_ =	shalt  }
.Lfunc_end2:
_tile_overlayer_lowered:
.L_overlay_start_2:
0xd9: {  	(tag) =	ssettag $0x2  }
0xda: {  	s0 =	rddreg [dreg:$0x0];
	s2 =	stileid.u32  }
0xdb: {  	s1 =	rddreg [dreg:$0x1];
	p0 =	sne.s32 s2, $0x0  }
0xdc: {  	s3 =	rddreg [dreg:$0x2];
	[bflag:$0x3] =	sbarrier.arrive $0xFFFF;
	s2 =	simm.s32 @!p0 $0x1C0D  }
0xdd: {  	[timem:s3], [sflag:s2] =	dma.local @!p0 [hbm:s0], s1  }
0xde: {  	s0 =	simm.s32 @!p0 $0xD  }
0xdf: {  	_ =	swait.ge @!p0 [sflag:s0], s1  }
0xe0: {  	s1 =	ssub.s32 @!p0 $0x0, s1;
	[sflag:s0] =	ssyncset.done @!p0 $0x0  }
0xe1: {  	[sflag:s0] =	ssyncadd.s32 @!p0 s1  }
0xe2: {  	[bflag:$0x3] =	sbarrier.arrive $0xFFFF  }
0xe3: {  	_ =	shalt  }

// kernel: kernel.18.cloned.1.call-start
scs
__scs_entry_jumppad:
0x0: {  	(pc) =	sbr.rel $0x88, $3  }
0x1: {  	(tag) =	ssettag $0x0;
	lr =	simm.s32 $0x1  }
0x2: {  	[smem:$0x3F90] =	sst lr;
	_ =	strace $0xD0000000  }
0x3: {  	_ = 	snop  }
0x4: {  	_ = 	snop  }
0x5: {  	_ = 	snop  }
0x6: {  	_ = 	snop  }
0x7: {  	_ = 	snop  }
__scs_overlays_trampoline_lowered:
0x8: {  	[smem:$0x3F9F] =	sst s0  }
0x9: {  	[smem:$0x3FA0] =	sst s1  }
0xa: {  	[smem:$0x3FA1] =	sst s2  }
0xb: {  	[smem:$0x3FA2] =	sst s3  }
0xc: {  	[smem:$0x3FA3] =	sst s4  }
0xd: {  	[smem:$0x3FA4] =	sst s5  }
0xe: {  	[smem:$0x3FA5] =	sst s6  }
0xf: {  	[smem:$0x3FA6] =	sst s7  }
0x10: {  	[smem:$0x3FA7] =	sst s8  }
0x11: {  	[smem:$0x3FA8] =	sst s9;
	s0 =	simm.s32 @!p0 $0x0  }
0x12: {  	s1 =	sld [smem:$0x3F8E];
	s0 =	simm.s32 @p0 $0x1  }
0x13: {  	[smem:$0x3FA9] =	sst s0;
	s0 =	simm.s32 @!p1 $0x0  }
0x14: {  	s2 =	sld [smem:$0x3F8D];
	s0 =	simm.s32 @p1 $0x1  }
0x15: {  	[smem:$0x3FAA] =	sst s0;
	s0 =	simm.s32 @!p2 $0x0  }
0x16: {  	s3 =	sld [smem:$0x3FDB];
	s0 =	simm.s32 @p2 $0x1  }
0x17: {  	s4 =	simm.s32 $0x1BF5;
	[smem:$0x3FAC] =	sst s0  }
0x18: {  	s0 =	sld [smem:$0x3F8F];
	_ =	swait.ge [sflag:s4], $0x0  }
0x19: {  	s7 =	sld [smem:$0x3F90]  }
0x1a: {  	s8 =	sadd.s32 $0xFFFFE003, lr  }
0x1b: {  	s9 =	sadd.s32 $0xFFFFFEF7, lr;
	s5 =	simm.s32 $0xFFFFFFFF;
	p2 =	slt.u32 s8, $0xFFFFF086  }
0x1c: {  	p1 =	slt.u32 s9, $0xF7A;
	s5 =	simm.s32 @!p2 $0x0  }
0x1d: {  	s5 =	simm.s32 @p1 $0x1;
	p0 =	seq.s32 s7, s2  }
0x1e: {  	s7 =	smul.u32 @!p0 $0xF7A, s2;
	p2 =	seq.s32 @!p0 s5, $0x0  }
0x1f: {  	s9 =	smul.u32 $0xF7A, s1;
	s8 =	simm.s32 @!p0 $0x1BF5;
	p2 =	por !p2, p0  }
0x20: {  	[sflag:s8] =	ssyncset.s32 @!p0 $0xFFFFF086;
	s6 =	sadd.s32 @!p0 s3, s7;
	s7 =	simm.s32 @!p0 $0x108  }
0x21: {  	s3 =	sadd.s32 s3, s9;
	s6 =	sadd.s32 @!p0 $0x88, s6;
	s7 =	simm.s32 @p2 $0x1082  }
0x22: {  	[simem:s7], [sflag:s8] =	dma.local @!p0 [hbm:s6], $0xF7A  }
0x23: {  	s9 =	sor.u32 $0xD0000000, s2;
	s6 =	simm.s32 $0x108;
	_ =	swait.ge @!p0 [sflag:s8], $0x0  }
0x24: {  	s3 =	sadd.s32 $0x88, s3;
	s6 =	simm.s32 @!p1 $0x1082;
	[sflag:s4] =	ssyncset.s32 $0xFFFFF086  }
0x25: {  	[simem:s6], [sflag:s4] =	dma.local [hbm:s3], $0xF7A  }
0x26: {  	[smem:$0x3F90] =	sst s1;
	(tag) =	ssettag s2;
	_ =	strace s9  }
0x27: {  	s1 =	sld [smem:$0x3FA0]  }
0x28: {  	s2 =	sld [smem:$0x3FA1]  }
0x29: {  	s4 =	sld [smem:$0x3FA3]  }
0x2a: {  	p0 =	seq.s32 s5, $0x0;
	s5 =	sld [smem:$0x3FA4]  }
0x2b: {  	s6 =	sld [smem:$0x3FA5]  }
0x2c: {  	s7 =	sld [smem:$0x3FA6]  }
0x2d: {  	s3 =	simm.s32 $0x108;
	s8 =	sld [smem:$0x3FA7]  }
0x2e: {  	s3 =	simm.s32 @!p0 $0x1082;
	s9 =	sld [smem:$0x3FA8]  }
0x2f: {  	lr =	sadd.s32 s0, s3;
	s0 =	sld [smem:$0x3F9F]  }
0x30: {  	s3 =	sld [smem:$0x3FA2]  }
0x31: {  	[smem:$0x3FAB] =	sst s10  }
0x32: {  	s10 =	sld [smem:$0x3FA9];
	_ =	sdelay $0x3  }
0x33: {  	p0 =	seq.s32 s10, $0x1;
	s10 =	sld [smem:$0x3FAB];
	_ =	sdelay $0x3  }
0x34: {  	[smem:$0x3FAB] =	sst s10  }
0x35: {  	s10 =	sld [smem:$0x3FAA];
	_ =	sdelay $0x3  }
0x36: {  	p1 =	seq.s32 s10, $0x1;
	s10 =	sld [smem:$0x3FAB];
	_ =	sdelay $0x3  }
0x37: {  	[smem:$0x3FAB] =	sst s10  }
0x38: {  	s10 =	sld [smem:$0x3FAC]  }
0x39: {  	_ = 	snop;
	(pc) =	sbr.ind lr, $3  }
0x3a: {  	_ = 	snop  }
0x3b: {  	_ = 	snop  }
0x3c: {  	p2 =	seq.s32 s10, $0x1;
	s10 =	sld [smem:$0x3FAB]  }
0x3d: {  	_ =	shalt  }
0x3e: {  	_ =	shalt  }
0x3f: {  	_ =	shalt  }
0x40: {  	_ =	shalt  }
0x41: {  	_ =	shalt  }
0x42: {  	_ =	shalt  }
0x43: {  	_ =	shalt  }
0x44: {  	_ =	shalt  }
0x45: {  	_ =	shalt  }
0x46: {  	_ =	shalt  }
0x47: {  	_ =	shalt  }
0x48: {  	_ =	shalt  }
0x49: {  	_ =	shalt  }
0x4a: {  	_ =	shalt  }
0x4b: {  	_ =	shalt  }
0x4c: {  	_ =	shalt  }
0x4d: {  	_ =	shalt  }
0x4e: {  	_ =	shalt  }
0x4f: {  	_ =	shalt  }
0x50: {  	_ =	shalt  }
0x51: {  	_ =	shalt  }
0x52: {  	_ =	shalt  }
0x53: {  	_ =	shalt  }
0x54: {  	_ =	shalt  }
0x55: {  	_ =	shalt  }
0x56: {  	_ =	shalt  }
0x57: {  	_ =	shalt  }
0x58: {  	_ =	shalt  }
0x59: {  	_ =	shalt  }
0x5a: {  	_ =	shalt  }
0x5b: {  	_ =	shalt  }
0x5c: {  	_ =	shalt  }
0x5d: {  	_ =	shalt  }
0x5e: {  	_ =	shalt  }
0x5f: {  	_ =	shalt  }
0x60: {  	_ =	shalt  }
0x61: {  	_ =	shalt  }
0x62: {  	_ =	shalt  }
0x63: {  	_ =	shalt  }
0x64: {  	_ =	shalt  }
0x65: {  	_ =	shalt  }
0x66: {  	_ =	shalt  }
0x67: {  	_ =	shalt  }
0x68: {  	_ =	shalt  }
0x69: {  	_ =	shalt  }
0x6a: {  	_ =	shalt  }
0x6b: {  	_ =	shalt  }
0x6c: {  	_ =	shalt  }
0x6d: {  	_ =	shalt  }
0x6e: {  	_ =	shalt  }
0x6f: {  	_ =	shalt  }
0x70: {  	_ =	shalt  }
0x71: {  	_ =	shalt  }
0x72: {  	_ =	shalt  }
0x73: {  	_ =	shalt  }
0x74: {  	_ =	shalt  }
0x75: {  	_ =	shalt  }
0x76: {  	_ =	shalt  }
0x77: {  	_ =	shalt  }
0x78: {  	_ =	shalt  }
0x79: {  	_ =	shalt  }
0x7a: {  	_ =	shalt  }
0x7b: {  	_ =	shalt  }
0x7c: {  	_ =	shalt  }
0x7d: {  	_ =	shalt  }
0x7e: {  	_ =	shalt  }
0x7f: {  	_ =	shalt  }
0x80: {  	_ =	shalt  }
0x81: {  	_ =	shalt  }
0x82: {  	_ =	shalt  }
0x83: {  	_ =	shalt  }
0x84: {  	_ =	shalt  }
0x85: {  	_ =	shalt  }
0x86: {  	_ =	shalt  }
0x87: {  	_ =	shalt  }
.Lfunc_end0:
.L_simem_size_0:
called_computation.3_lowered:
.L_overlay_start_0:
0x88: {  	s2 =	sld [smem:$0x3FD9]  }
0x89: {  	s3 =	sld [smem:$0x3FFE];
	_ =	sdelay $0x1  }
0x8a: {  	s1 =	srdreg.scid  }
0x8b: {  	s0 =	sand.u32 $0x1, s1  }
0x8c: {  	s16 =	sshll.u32 s0, $0xA;
	s2 =	sadd.s32 s3, s2  }
0x8d: {  	s2 =	sadd.s32 s2, s16  }
0x8e: {  	[smem:$0x3FB7] =	sst s2  }
0x8f: {  	_ = 	snop  }
0x90: {  	(tm) =	ssettm $0x1  }
0x91: {  	s17 =	sld [smem:$0x3FFB];
	_ =	sdelay $0x3  }
0x92: {  	_ =	strace s17  }
0x93: {  	s2 =	sld [smem:$0x3FFC];
	_ =	sdelay $0x3  }
0x94: {  	_ =	strace s2  }
0x95: {  	s2 =	sld [smem:$0x3FFD];
	_ =	sdelay $0x3  }
0x96: {  	_ =	strace s2  }
0x97: {  	_ =	strace $0x8FFFFFFF  }
0x98: {  	s18 =	sld [smem:$0x3FDB];
	_ =	sdelay $0x1  }
0x99: {  	s19 =	simm.s32 $_scs_section_size  }
0x9a: {  	s4 =	simm.s32 $_size__tile_overlayer_lowered;
	s5 =	simm.s32 $_tile_overlayer_lowered  }
0x9b: {  	s22 =	simm.s32 $0x1BFF;
	s21 =	sshll.u32 s5, $0x1;
	s2 =	sadd.s32 s19, s18  }
0x9c: {  	s6 =	simm.s32 $0x0;
	s20 =	sshll.u32 s4, $0x1;
	s4 =	sadd.s32 s21, s2  }
0x9d: {  	[timem:s6], [sflag:s22] =	dma.local [hbm:s4], s20  }
0x9e: {  	_ =	swait.ge [sflag:s22], s20  }
0x9f: {  	s3 =	ssub.s32 $0x0, s20;
	[sflag:s22] =	ssyncset.done $0x0  }
0xa0: {  	[sflag:s22] =	ssyncadd.s32 s3;
	_ =	sdelay $0x1  }
0xa1: {  	s23 =	simm.s32 $0x1B8B  }
0xa2: {  	_ =	swait.ge [sflag:s23], $0x1  }
0xa3: {  	[sflag:s23] =	ssyncset.done $0x0  }
0xa4: {  	s25 =	simm.s32 $0x1B8E;
	s24 =	sld [smem:$0x3FFE];
	[sflag:s23] =	ssyncadd.s32 $0xFFFFFFFF  }
0xa5: {  	s26 =	simm.s32 $execute0_lowered;
	[smem:$0x3FD2] =	sst s25  }
0xa6: {  	s4 =	sshll.u32 s26, $0x1;
	_ =	strace $0x8000004F;
	[dreg:$0x1] =	wrdreg $0xFFFFFFFF  }
0xa7: {  	s28 =	simm.s32 $_size_execute0_lowered;
	s2 =	sadd.s32 s2, s4;
	[dreg:$0x0] =	wrdreg $0x0  }
0xa8: {  	s4 =	sshll.u32 s28, $0x1;
	[dreg:$0x2] =	wrdreg s2  }
0xa9: {  	[dreg:$0x3] =	wrdreg s4  }
0xaa: {  	[dreg:$0x4] =	wrdreg $0xC0  }
0xab: {  	_ =	task [dreg:s6], $0x5FFFF  }
0xac: {  	[dreg:$0x1] =	wrdreg $0xFFFFFFFF  }
0xad: {  	[dreg:$0x0] =	wrdreg $0x60  }
0xae: {  	[dreg:$0x2] =	wrdreg s24  }
0xaf: {  	[dreg:$0x3] =	wrdreg $0x0  }
0xb0: {  	[dreg:$0x4] =	wrdreg $0x9  }
0xb1: {  	_ =	task.clear_ibuf [dreg:s6], $0x5FFFF;
	_ =	strace $0x9000004F  }
0xb2: {  	s29 =	simm.s32 $0x9;
	_ =	strace $0x80000051  }
0xb3: {  	_ =	swait.ge [sflag:s29], $0x1  }
0xb4: {  	[sflag:s29] =	ssyncadd.s32 $0xFFFFFFFF  }
0xb5: {  	_ =	strace $0x90000051  }
0xb6: {  	_ =	sfence  }
0xb7: {  	s30 =	sld [smem:$0x0];
	_ =	sdelay $0x2  }
0xb8: {  	s31 =	sshll.u32 s1, $0xD;
	s1 =	sshrl.u32 s1, $0x2  }
0xb9: {  	s3 =	sand.u32 $0x4000, s31;
	s1 =	sadd.s32 s1, s30  }
0xba: {  	s0 =	sor.u32 s3, s0;
	s1 =	sshll.u32 s1, $0x11  }
0xbb: {  	s0 =	sor.u32 s1, s0  }
0xbc: {  	s0 =	sadd.s32 $0x8F2B, s0  }
0xbd: {  	[sflag:s0] =	ssyncadd.remote.s32 $0x1  }
0xbe: {  	_ =	sfence.sel $0xFFFF  }
0xbf: {  	[dreg:$0x0] =	wrdreg $0xFFFFFFFF;
	(pc) =	sbr.abs _section_cstart, $3  }
0xc0: {  	[dreg:$0x1] =	wrdreg $0xFFFFFFFF  }
0xc1: {  	_ =	task.clear_ibuf [dreg:s6], $0x2FFFF;
	_ =	strace $0x9FFFFFFF  }
0xc2: {  	(tm) =	ssettm $0x7FFFFFFF  }
0xc3: {  	_ =	shalt  }
tec
execute0_lowered:
.L_overlay_start_1:
0x0: {  	(tag) =	ssettag $0x1  }
0x1: {  	s0 =	rddreg [dreg:$0x0]  }
0x2: {  	s2 =	rddreg [dreg:$0x1];
	s3 =	simm.s32 $0x0;
	s12 =	stileid.u32  }
0x3: {  	s5 =	srdreg.scid;
	s9 =	simm.s32 $0x20400;
	s11 =	simm.s32 $0x3FC0  }
0x4: {  	s30 =	simm.s32 $0x18B00;
	s31 =	simm.s32 $0x19100;
	s28 =	simm.s32 $0x1  }
0x5: {  	s29 =	simm.s32 $0x180;
	[smem:$0x7FF] =	sst s3;
	s1 =	smul.u32 $0x18800, s12  }
0x6: {  	s4 =	sadd.s32 $0xCA200, s0;
	s6 =	sand.u32 $0x1, s5;
	s5 =	sadd.s32 $0x4200, s0  }
0x7: {  	s20 =	sshll.u32 s12, $0x6;
	_ =	strace $0x80000050;
	s8 =	smul.u32 $0x188000, s6  }
0x8: {  	p0 =	seq.s32 s6, $0x0;
	s10 =	smul.u32 $0x204000, s6;
	s6 =	ssub.s32 $0x2, s6  }
0x9: {  	s20 =	sor.u32 $0x1C0D, s20;
	[dreg:$0xb] =	wrdreg s5;
	s7 =	sshrl.u32 s1, $0x3  }
0xa: {  	s9 =	simm.s32 @!p0 $0x11400;
	s18 =	sshrl.u32 s6, $0x1;
	s11 =	simm.s32 @!p0 $0x21C0  }
0xb: {  	[dreg:$0xf] =	wrdreg s20;
	s7 =	sadd.s32 s7, s0;
	s8 =	sadd.s32 s1, s8  }
0xc: {  	s9 =	smul.u32 s12, s9;
	[dreg:$0x3] =	wrdreg s11;
	s1 =	sadd.s32 s1, s2  }
0xd: {  	s6 =	ssub.s32 s6, s18;
	s8 =	sshrl.u32 s8, $0x3;
	[dreg:$0xc] =	wrdreg s1  }
0xe: {  	s7 =	sadd.s32 $0xFE600, s7;
	s0 =	sadd.s32 s8, s0;
	s8 =	sadd.s32 s10, s9  }
0xf: {  	[dreg:$0xd] =	wrdreg s7;
	s19 =	sshrl.u32 s8, $0x3;
	s10 =	sadd.s32 $0x318A80, s8  }
0x10: {  	s25 =	sadd.s32 $0xA80, s8;
	s12 =	sadd.s32 $0x900, s8;
	s13 =	sadd.s32 $0x318900, s8  }
0x11: {  	s17 =	sadd.s32 $0x780, s8;
	s0 =	sadd.s32 $0x12F600, s0;
	s21 =	sadd.s32 s5, s19  }
0x12: {  	s11 =	sshrl.u32 s10, $0x3;
	s7 =	sshrl.u32 s12, $0x3;
	s15 =	sshrl.u32 s13, $0x3  }
0x13: {  	s18 =	sshrl.u32 s17, $0x3;
	s19 =	sadd.s32 $0x318780, s8;
	[dreg:$0x17] =	wrdreg s0  }
0x14: {  	s0 =	simm.s32 $0x19400;
	s1 =	sadd.s32 $0x63000, s21;
	[dreg:$0xe] =	wrdreg s21  }
0x15: {  	s12 =	simm.s32 $0x19280;
	s22 =	sadd.s32 $0x30, s21;
	[dreg:$0x10] =	wrdreg s1  }
0x16: {  	s13 =	simm.s32 $0x6;
	s23 =	sadd.s32 $0x63030, s21;
	[dreg:$0x11] =	wrdreg s22  }
0x17: {  	s17 =	simm.s32 $0x7;
	s24 =	sadd.s32 $0x60, s21;
	[dreg:$0x12] =	wrdreg s23  }
0x18: {  	s10 =	simm.s32 $0x0;
	s26 =	sadd.s32 $0x63060, s21;
	[dreg:$0x13] =	wrdreg s24  }
0x19: {  	s2 =	sadd.s32 $0x90, s21;
	s9 =	sadd.s32 $0x63090, s21;
	[dreg:$0x14] =	wrdreg s26  }
0x1a: {  	s14 =	sadd.s32 s7, s5;
	s16 =	sadd.s32 s15, s5;
	[dreg:$0x15] =	wrdreg s2  }
0x1b: {  	s7 =	sshrl.u32 s19, $0x3;
	s21 =	sadd.s32 $0x318600, s8;
	[dreg:$0x16] =	wrdreg s9  }
0x1c: {  	s15 =	simm.s32 $0x4;
	s19 =	simm.s32 $0x8;
	[dreg:$0x6] =	wrdreg s14  }
0x1d: {  	s1 =	sshrl.u32 s25, $0x3;
	[dreg:$0x7] =	wrdreg s16;
	s22 =	sadd.s32 s7, s5  }
0x1e: {  	s23 =	sshrl.u32 s21, $0x3;
	s25 =	smax.u32 s6, $0x1;
	s26 =	sadd.s32 $0x600, s8  }
0x1f: {  	s9 =	simm.s32 $0xD;
	s21 =	simm.s32 $0x18800;
	s6 =	simm.s32 $0x18C80  }
0x20: {  	s16 =	simm.s32 $0x1AC00;
	s2 =	simm.s32 $0x5;
	s7 =	simm.s32 $0x9  }
0x21: {  	s14 =	simm.s32 $0xA;
	s8 =	simm.s32 $0xC;
	[dreg:$0x9] =	wrdreg s22  }
0x22: {  	s1 =	sadd.s32 s1, s5;
	s24 =	sadd.s32 s23, s5;
	[dreg:$0x18] =	wrdreg s25  }
0x23: {  	[dreg:$0x19] =	wrdreg s26;
	s22 =	simm.s32 $0x18E00;
	s23 =	simm.s32 $0x18980  }
0x24: {  	s26 =	simm.s32 $0x18F80;
	s25 =	simm.s32 $0x18980;
	[dreg:$0x4] =	wrdreg s1  }
0x25: {  	s1 =	sadd.s32 s11, s5;
	[dreg:$0xa] =	wrdreg s24;
	s11 =	simm.s32 $0x3  }
0x26: {  	s24 =	simm.s32 $0x18E00;
	[dreg:$0x5] =	wrdreg s1;
	s1 =	sadd.s32 s18, s5  }
0x27: {  	s18 =	simm.s32 $0xB;
	[dreg:$0x8] =	wrdreg s1;
	s1 =	simm.s32 $0x2  }
.LBB2_1:
0x28: {  	[dreg:$0x1a] =	wrdreg s10  }
0x29: {  	s5 =	rddreg [dreg:$0xc]  }
0x2a: {  	s10 =	sshrl.u32 s5, $0x3;
	s5 =	rddreg [dreg:$0xd]  }
0x2b: {  	[dreg:$0x1b] =	wrdreg s10  }
0x2c: {  	[spmem:s10], [sflag:s20] =	dma.local [hbm:s5], $0x3100  }
0x2d: {  	_ =	swait.ge [sflag:s9], $0x3100  }
0x2e: {  	[sflag:s9] =	ssyncset.done $0x0  }
0x2f: {  	[sflag:s9] =	ssyncadd.s32 $0xFFFFCF00  }
0x30: {  	[bflag:$0x0] =	sbarrier.arrive $0xFFFF  }
0x31: {  	s10 =	rddreg [dreg:$0xe]  }
0x32: {  	[tilespmem:s21], [sflag:$0x1] =	stream.linear.gather [hbm4b:s10+s3], $0x180, $0x38;
	[tilespmem:$0x1F400] =	vst v63  }
0x33: {  	s20 =	rddreg [dreg:$0x10]  }
0x34: {  	[tilespmem:s22], [sflag:$0x1] =	stream.linear.gather [hbm4b:s20+s3], $0x180, $0x38;
	[tilespmem:$0x1F400] =	vst v63  }
0x35: {  	s9 =	rddreg [dreg:$0x11]  }
0x36: {  	[tilespmem:s23], [sflag:$0x2] =	stream.linear.gather [hbm4b:s9+s3], $0x180, $0x38;
	[tilespmem:$0x1F400] =	vst v63  }
0x37: {  	s10 =	rddreg [dreg:$0x12]  }
0x38: {  	[tilespmem:s26], [sflag:$0x2] =	stream.linear.gather [hbm4b:s10+s3], $0x180, $0x38;
	[tilespmem:$0x1F400] =	vst v63  }
0x39: {  	s20 =	rddreg [dreg:$0x13]  }
0x3a: {  	[tilespmem:s30], [sflag:$0x3] =	stream.linear.gather [hbm4b:s20+s3], $0x180, $0x38;
	[tilespmem:$0x1F400] =	vst v63  }
0x3b: {  	s26 =	rddreg [dreg:$0x14]  }
0x3c: {  	[tilespmem:s31], [sflag:$0x3] =	stream.linear.gather [hbm4b:s26+s3], $0x180, $0x38;
	[tilespmem:$0x1F400] =	vst v63  }
0x3d: {  	_ =	swait.ge [sflag:s28], $0x180  }
0x3e: {  	[sflag:s28] =	ssyncset.done $0x0  }
0x3f: {  	[sflag:s28] =	ssyncadd.s32 $0xFFFFFE80  }
0x40: {  	_ =	swait.ge [sflag:s28], $0x180  }
0x41: {  	[sflag:s28] =	ssyncset.done $0x0  }
0x42: {  	[sflag:s28] =	ssyncadd.s32 $0xFFFFFE80  }
0x43: {  	[tilespmem:s0], [sflag:$0x5] =	stream.indirect.gather [hbm4b:s4+s29], $0x10, s21, s29, $0xb8;
	[tilespmem:$0x1F400] =	vst v63  }
0x44: {  	s30 =	rddreg [dreg:$0x15]  }
0x45: {  	[tilespmem:s6], [sflag:$0x4] =	stream.linear.gather [hbm4b:s30+s3], $0x180, $0x38;
	[tilespmem:$0x1F400] =	vst v63  }
0x46: {  	s31 =	rddreg [dreg:$0x16]  }
0x47: {  	[tilespmem:s12], [sflag:$0x4] =	stream.linear.gather [hbm4b:s31+s3], $0x180, $0x38;
	[tilespmem:$0x1F400] =	vst v63  }
0x48: {  	_ =	swait.ge [sflag:s1], $0x180  }
0x49: {  	[sflag:s1] =	ssyncset.done $0x0  }
0x4a: {  	[sflag:s1] =	ssyncadd.s32 $0xFFFFFE80  }
0x4b: {  	_ =	swait.ge [sflag:s1], $0x180  }
0x4c: {  	[sflag:s1] =	ssyncset.done $0x0  }
0x4d: {  	[sflag:s1] =	ssyncadd.s32 $0xFFFFFE80  }
0x4e: {  	[tilespmem:s16], [sflag:$0x6] =	stream.indirect.gather [hbm4b:s4+s29], $0x10, s23, s29, $0xb8;
	[tilespmem:$0x1F400] =	vst v63  }
0x4f: {  	_ =	swait.ge [sflag:s2], $0x1800  }
0x50: {  	[sflag:s2] =	ssyncset.done $0x0  }
0x51: {  	s20 =	rddreg [dreg:$0x19];
	[sflag:s2] =	ssyncadd.s32 $0xFFFFE800  }
0x52: {  	s9 =	simm.s32 $0x0;
	s2 =	rddreg [dreg:$0x1]  }
0x53: {  	[spmem:s2] =	stream.indirect.scatter.add.f32 [tilespmem:s0], [sflag:$0x9], $0x10, s22, s29, $0xb8;
	[tilespmem:$0x1F400] =	vst v63  }
0x54: {  	s10 =	simm.s32 $0x5;
	s23 =	simm.s32 $0x18800;
	s22 =	rddreg [dreg:$0xb]  }
.LBB2_2:
0x55: {  	_ =	swait.ge [sflag:s7], $0x1800  }
0x56: {  	s5 =	sshrl.u32 s20, $0x3;
	[sflag:s7] =	ssyncset.done $0x0  }
0x57: {  	s21 =	rddreg [dreg:$0xa];
	s5 =	sadd.s32 s22, s5;
	[sflag:s7] =	ssyncadd.s32 $0xFFFFE800  }
0x58: {  	[tilespmem:s23], [sflag:$0x1] =	stream.linear.gather [hbm4b:s5+s3], $0x180, $0x38;
	[tilespmem:$0x1F400] =	vst v63  }
0x59: {  	s26 =	sadd.s32 s9, s21  }
0x5a: {  	[tilespmem:s24], [sflag:$0x1] =	stream.linear.gather [hbm4b:s26+s3], $0x180, $0x38;
	[tilespmem:$0x1F400] =	vst v63  }
0x5b: {  	_ =	swait.ge [sflag:s11], $0x180  }
0x5c: {  	[sflag:s11] =	ssyncset.done $0x0  }
0x5d: {  	[sflag:s11] =	ssyncadd.s32 $0xFFFFFE80  }
0x5e: {  	_ =	swait.ge [sflag:s11], $0x180  }
0x5f: {  	[sflag:s11] =	ssyncset.done $0x0  }
0x60: {  	s31 =	simm.s32 $0x18B00;
	s16 =	simm.s32 $0x1C400;
	[sflag:s11] =	ssyncadd.s32 $0xFFFFFE80  }
0x61: {  	[tilespmem:s16], [sflag:$0x7] =	stream.indirect.gather [hbm4b:s4+s29], $0x10, s31, s29, $0xb8;
	[tilespmem:$0x1F400] =	vst v63  }
0x62: {  	_ =	swait.ge [sflag:s13], $0x1800  }
0x63: {  	[sflag:s13] =	ssyncset.done $0x0  }
0x64: {  	[sflag:s13] =	ssyncadd.s32 $0xFFFFE800  }
0x65: {  	s30 =	simm.s32 $0x18F80;
	s2 =	simm.s32 $0x1AC00;
	s7 =	rddreg [dreg:$0x1]  }
0x66: {  	[spmem:s7] =	stream.indirect.scatter.add.f32 [tilespmem:s2], [sflag:$0xA], $0x10, s30, s29, $0xb8;
	[tilespmem:$0x1F400] =	vst v63  }
0x67: {  	_ =	swait.ge [sflag:s14], $0x1800  }
0x68: {  	s0 =	rddreg [dreg:$0x8];
	[sflag:s14] =	ssyncset.done $0x0  }
0x69: {  	s6 =	rddreg [dreg:$0x9];
	[sflag:s14] =	ssyncadd.s32 $0xFFFFE800;
	s5 =	sadd.s32 s9, s0  }
0x6a: {  	[tilespmem:s25], [sflag:$0x2] =	stream.linear.gather [hbm4b:s5+s3], $0x180, $0x38;
	[tilespmem:$0x1F400] =	vst v63  }
0x6b: {  	s12 =	sadd.s32 s9, s6  }
0x6c: {  	[tilespmem:s30], [sflag:$0x2] =	stream.linear.gather [hbm4b:s12+s3], $0x180, $0x38;
	[tilespmem:$0x1F400] =	vst v63  }
0x6d: {  	_ =	swait.ge [sflag:s15], $0x180  }
0x6e: {  	[sflag:s15] =	ssyncset.done $0x0  }
0x6f: {  	[sflag:s15] =	ssyncadd.s32 $0xFFFFFE80  }
0x70: {  	_ =	swait.ge [sflag:s15], $0x180  }
0x71: {  	[sflag:s15] =	ssyncset.done $0x0  }
0x72: {  	s6 =	simm.s32 $0x1DC00;
	s12 =	simm.s32 $0x18C80;
	[sflag:s15] =	ssyncadd.s32 $0xFFFFFE80  }
0x73: {  	[tilespmem:s6], [sflag:$0x8] =	stream.indirect.gather [hbm4b:s4+s29], $0x10, s12, s29, $0xb8;
	[tilespmem:$0x1F400] =	vst v63  }
0x74: {  	_ =	swait.ge [sflag:s17], $0x1800  }
0x75: {  	[sflag:s17] =	ssyncset.done $0x0  }
0x76: {  	s0 =	simm.s32 $0x19100;
	[sflag:s17] =	ssyncadd.s32 $0xFFFFE800  }
0x77: {  	[spmem:s7] =	stream.indirect.scatter.add.f32 [tilespmem:s16], [sflag:$0xB], $0x10, s0, s29, $0xb8;
	[tilespmem:$0x1F400] =	vst v63  }
0x78: {  	_ =	swait.ge [sflag:s18], $0x1800  }
0x79: {  	s21 =	rddreg [dreg:$0x6];
	[sflag:s18] =	ssyncset.done $0x0  }
0x7a: {  	s16 =	rddreg [dreg:$0x7];
	[sflag:s18] =	ssyncadd.s32 $0xFFFFE800;
	s5 =	sadd.s32 s9, s21  }
0x7b: {  	[tilespmem:s31], [sflag:$0x3] =	stream.linear.gather [hbm4b:s5+s3], $0x180, $0x38;
	[tilespmem:$0x1F400] =	vst v63  }
0x7c: {  	s21 =	sadd.s32 s9, s16  }
0x7d: {  	[tilespmem:s0], [sflag:$0x3] =	stream.linear.gather [hbm4b:s21+s3], $0x180, $0x38;
	[tilespmem:$0x1F400] =	vst v63  }
0x7e: {  	_ =	swait.ge [sflag:s28], $0x180  }
0x7f: {  	[sflag:s28] =	ssyncset.done $0x0  }
0x80: {  	[sflag:s28] =	ssyncadd.s32 $0xFFFFFE80  }
0x81: {  	_ =	swait.ge [sflag:s28], $0x180  }
0x82: {  	[sflag:s28] =	ssyncset.done $0x0  }
0x83: {  	s0 =	simm.s32 $0x19400;
	[sflag:s28] =	ssyncadd.s32 $0xFFFFFE80  }
0x84: {  	[tilespmem:s0], [sflag:$0x5] =	stream.indirect.gather [hbm4b:s4+s29], $0x10, s23, s29, $0xb8;
	[tilespmem:$0x1F400] =	vst v63  }
0x85: {  	_ =	swait.ge [sflag:s19], $0x1800  }
0x86: {  	[sflag:s19] =	ssyncset.done $0x0  }
0x87: {  	s16 =	simm.s32 $0x19280;
	[sflag:s19] =	ssyncadd.s32 $0xFFFFE800  }
0x88: {  	[spmem:s7] =	stream.indirect.scatter.add.f32 [tilespmem:s6], [sflag:$0xC], $0x10, s16, s29, $0xb8;
	[tilespmem:$0x1F400] =	vst v63  }
0x89: {  	_ =	swait.ge [sflag:s8], $0x1800  }
0x8a: {  	s6 =	rddreg [dreg:$0x4];
	[sflag:s8] =	ssyncset.done $0x0  }
0x8b: {  	s21 =	rddreg [dreg:$0x5];
	[sflag:s8] =	ssyncadd.s32 $0xFFFFE800;
	s5 =	sadd.s32 s9, s6  }
0x8c: {  	[tilespmem:s12], [sflag:$0x4] =	stream.linear.gather [hbm4b:s5+s3], $0x180, $0x38;
	[tilespmem:$0x1F400] =	vst v63  }
0x8d: {  	s21 =	sadd.s32 s9, s21  }
0x8e: {  	[tilespmem:s16], [sflag:$0x4] =	stream.linear.gather [hbm4b:s21+s3], $0x180, $0x38;
	[tilespmem:$0x1F400] =	vst v63  }
0x8f: {  	_ =	swait.ge [sflag:s1], $0x180  }
0x90: {  	[sflag:s1] =	ssyncset.done $0x0  }
0x91: {  	[sflag:s1] =	ssyncadd.s32 $0xFFFFFE80  }
0x92: {  	_ =	swait.ge [sflag:s1], $0x180  }
0x93: {  	[sflag:s1] =	ssyncset.done $0x0  }
0x94: {  	[sflag:s1] =	ssyncadd.s32 $0xFFFFFE80  }
0x95: {  	[tilespmem:s2], [sflag:$0x6] =	stream.indirect.gather [hbm4b:s4+s29], $0x10, s25, s29, $0xb8;
	[tilespmem:$0x1F400] =	vst v63  }
0x96: {  	_ =	swait.ge [sflag:s10], $0x1800  }
0x97: {  	s9 =	sadd.s32 $0xC0, s9;
	s21 =	rddreg [dreg:$0x3]  }
0x98: {  	p0 =	sne.s32 s21, s9  }
.Ltmp0:
0x99: {  	s20 =	sadd.s32 $0x600, s20;
	(pc) =	sbr.rel @p0 .LBB2_2-.Ltmp0, $4  }
0x9a: {  	s26 =	simm.s32 $0x18F80;
	s30 =	simm.s32 $0x18B00;
	[sflag:s10] =	ssyncset.done $0x0  }
0x9b: {  	s31 =	simm.s32 $0x19100;
	s6 =	simm.s32 $0x18C80;
	[sflag:s10] =	ssyncadd.s32 $0xFFFFE800  }
0x9c: {  	[spmem:s7] =	stream.indirect.scatter.add.f32 [tilespmem:s0], [sflag:$0x9], $0x10, s24, s29, $0xb8;
	[tilespmem:$0x1F400] =	vst v63  }
0x9d: {  	s12 =	simm.s32 $0x19280;
	s16 =	simm.s32 $0x1AC00;
	s7 =	simm.s32 $0x9  }
0x9e: {  	_ =	swait.ge [sflag:s7], $0x1800  }
0x9f: {  	[sflag:s7] =	ssyncset.done $0x0  }
0xa0: {  	[sflag:s7] =	ssyncadd.s32 $0xFFFFE800  }
0xa1: {  	_ =	swait.ge [sflag:s11], $0x180  }
0xa2: {  	[sflag:s11] =	ssyncset.done $0x0  }
0xa3: {  	[sflag:s11] =	ssyncadd.s32 $0xFFFFFE80  }
0xa4: {  	_ =	swait.ge [sflag:s11], $0x180  }
0xa5: {  	[sflag:s11] =	ssyncset.done $0x0  }
0xa6: {  	s9 =	simm.s32 $0x1C400;
	[sflag:s11] =	ssyncadd.s32 $0xFFFFFE80  }
0xa7: {  	[tilespmem:s9], [sflag:$0x7] =	stream.indirect.gather [hbm4b:s4+s29], $0x10, s30, s29, $0xb8;
	[tilespmem:$0x1F400] =	vst v63  }
0xa8: {  	_ =	swait.ge [sflag:s13], $0x1800  }
0xa9: {  	[sflag:s13] =	ssyncset.done $0x0  }
0xaa: {  	[sflag:s13] =	ssyncadd.s32 $0xFFFFE800  }
0xab: {  	s2 =	rddreg [dreg:$0x1]  }
0xac: {  	[spmem:s2] =	stream.indirect.scatter.add.f32 [tilespmem:s16], [sflag:$0xA], $0x10, s26, s29, $0xb8;
	[tilespmem:$0x1F400] =	vst v63  }
0xad: {  	_ =	swait.ge [sflag:s14], $0x1800  }
0xae: {  	[sflag:s14] =	ssyncset.done $0x0  }
0xaf: {  	[sflag:s14] =	ssyncadd.s32 $0xFFFFE800  }
0xb0: {  	_ =	swait.ge [sflag:s15], $0x180  }
0xb1: {  	[sflag:s15] =	ssyncset.done $0x0  }
0xb2: {  	[sflag:s15] =	ssyncadd.s32 $0xFFFFFE80  }
0xb3: {  	_ =	swait.ge [sflag:s15], $0x180  }
0xb4: {  	[sflag:s15] =	ssyncset.done $0x0  }
0xb5: {  	s5 =	simm.s32 $0x1DC00;
	[sflag:s15] =	ssyncadd.s32 $0xFFFFFE80  }
0xb6: {  	[tilespmem:s5], [sflag:$0x8] =	stream.indirect.gather [hbm4b:s4+s29], $0x10, s6, s29, $0xb8;
	[tilespmem:$0x1F400] =	vst v63  }
0xb7: {  	_ =	swait.ge [sflag:s17], $0x1800  }
0xb8: {  	[sflag:s17] =	ssyncset.done $0x0  }
0xb9: {  	[sflag:s17] =	ssyncadd.s32 $0xFFFFE800  }
0xba: {  	[spmem:s2] =	stream.indirect.scatter.add.f32 [tilespmem:s9], [sflag:$0xB], $0x10, s31, s29, $0xb8;
	[tilespmem:$0x1F400] =	vst v63  }
0xbb: {  	_ =	swait.ge [sflag:s19], $0x1800  }
0xbc: {  	[sflag:s19] =	ssyncset.done $0x0  }
0xbd: {  	[sflag:s19] =	ssyncadd.s32 $0xFFFFE800  }
0xbe: {  	[spmem:s2] =	stream.indirect.scatter.add.f32 [tilespmem:s5], [sflag:$0xC], $0x10, s12, s29, $0xb8;
	[tilespmem:$0x1F400] =	vst v63  }
0xbf: {  	_ =	swait.ge [sflag:s18], $0x1800  }
0xc0: {  	[sflag:s18] =	ssyncset.done $0x0  }
0xc1: {  	[sflag:s18] =	ssyncadd.s32 $0xFFFFE800  }
0xc2: {  	_ =	swait.ge [sflag:s8], $0x1800  }
0xc3: {  	[sflag:s8] =	ssyncset.done $0x0  }
0xc4: {  	[sflag:s8] =	ssyncadd.s32 $0xFFFFE800  }
0xc5: {  	[bflag:$0x0] =	sbarrier.arrive $0xFFFF  }
0xc6: {  	s20 =	rddreg [dreg:$0xf]  }
0xc7: {  	s21 =	rddreg [dreg:$0x17]  }
0xc8: {  	s9 =	simm.s32 $0xD;
	s22 =	rddreg [dreg:$0x1b]  }
0xc9: {  	[hbm:s21], [sflag:s20] =	dma.local [spmem:s22], $0x3100  }
0xca: {  	_ =	swait.ge [sflag:s9], $0x3100  }
0xcb: {  	s10 =	rddreg [dreg:$0x1a]  }
0xcc: {  	s23 =	rddreg [dreg:$0x18];
	s10 =	sadd.s32 $0x1, s10  }
0xcd: {  	p0 =	sne.s32 s10, s23  }
.Ltmp1:
0xce: {  	_ = 	snop;
	(pc) =	sbr.rel @p0 .LBB2_1-.Ltmp1, $3  }
0xcf: {  	_ =	sdelay $0x1  }
0xd0: {  	s2 =	simm.s32 $0x5;
	s21 =	simm.s32 $0x18800;
	[sflag:s9] =	ssyncset.done $0x0  }
0xd1: {  	s22 =	simm.s32 $0x18E00;
	[sflag:s9] =	ssyncadd.s32 $0xFFFFCF00;
	s23 =	simm.s32 $0x18980  }
0xd2: {  	_ =	sfence.sel $0x180000  }
0xd3: {  	[bflag:$0x0] =	sbarrier.arrive $0xFFFF  }
0xd4: {  	_ =	strace $0x90000050  }
0xd5: {  	s0 =	stileid.u32;
	[bflag:$0x2] =	sbarrier.arrive $0xFFFF  }
0xd6: {  	p0 =	sne.s32 s0, $0x0;
	s0 =	rddreg [dreg:$0x2]  }
0xd7: {  	s0 =	sadd.s32 @!p0 $0x100000, s0  }
0xd8: {  	[sflag:s0] =	ssyncadd.tile.s32 @!p0 $0x1;
	_ =	shalt  }
.Lfunc_end2:
_tile_overlayer_lowered:
.L_overlay_start_2:
0xd9: {  	(tag) =	ssettag $0x2  }
0xda: {  	s0 =	rddreg [dreg:$0x0];
	s2 =	stileid.u32  }
0xdb: {  	s1 =	rddreg [dreg:$0x1];
	p0 =	sne.s32 s2, $0x0  }
0xdc: {  	s3 =	rddreg [dreg:$0x2];
	[bflag:$0x3] =	sbarrier.arrive $0xFFFF;
	s2 =	simm.s32 @!p0 $0x1C0D  }
0xdd: {  	[timem:s3], [sflag:s2] =	dma.local @!p0 [hbm:s0], s1  }
0xde: {  	s0 =	simm.s32 @!p0 $0xD  }
0xdf: {  	_ =	swait.ge @!p0 [sflag:s0], s1  }
0xe0: {  	s1 =	ssub.s32 @!p0 $0x0, s1;
	[sflag:s0] =	ssyncset.done @!p0 $0x0  }
0xe1: {  	[sflag:s0] =	ssyncadd.s32 @!p0 s1  }
0xe2: {  	[bflag:$0x3] =	sbarrier.arrive $0xFFFF  }
0xe3: {  	_ =	shalt  }

// kernel: kernel.9.cloned.1.call-start
scs
__scs_entry_jumppad:
0x0: {  	(pc) =	sbr.rel $0x88, $3  }
0x1: {  	(tag) =	ssettag $0x0;
	lr =	simm.s32 $0x1  }
0x2: {  	[smem:$0x3F90] =	sst lr;
	_ =	strace $0xD0000000  }
0x3: {  	_ = 	snop  }
0x4: {  	_ = 	snop  }
0x5: {  	_ = 	snop  }
0x6: {  	_ = 	snop  }
0x7: {  	_ = 	snop  }
__scs_overlays_trampoline_lowered:
0x8: {  	[smem:$0x3F9F] =	sst s0  }
0x9: {  	[smem:$0x3FA0] =	sst s1  }
0xa: {  	[smem:$0x3FA1] =	sst s2  }
0xb: {  	[smem:$0x3FA2] =	sst s3  }
0xc: {  	[smem:$0x3FA3] =	sst s4  }
0xd: {  	[smem:$0x3FA4] =	sst s5  }
0xe: {  	[smem:$0x3FA5] =	sst s6  }
0xf: {  	[smem:$0x3FA6] =	sst s7  }
0x10: {  	[smem:$0x3FA7] =	sst s8  }
0x11: {  	[smem:$0x3FA8] =	sst s9;
	s0 =	simm.s32 @!p0 $0x0  }
0x12: {  	s1 =	sld [smem:$0x3F8E];
	s0 =	simm.s32 @p0 $0x1  }
0x13: {  	[smem:$0x3FA9] =	sst s0;
	s0 =	simm.s32 @!p1 $0x0  }
0x14: {  	s2 =	sld [smem:$0x3F8D];
	s0 =	simm.s32 @p1 $0x1  }
0x15: {  	[smem:$0x3FAA] =	sst s0;
	s0 =	simm.s32 @!p2 $0x0  }
0x16: {  	s3 =	sld [smem:$0x3FDB];
	s0 =	simm.s32 @p2 $0x1  }
0x17: {  	s4 =	simm.s32 $0x1BF5;
	[smem:$0x3FAC] =	sst s0  }
0x18: {  	s0 =	sld [smem:$0x3F8F];
	_ =	swait.ge [sflag:s4], $0x0  }
0x19: {  	s7 =	sld [smem:$0x3F90]  }
0x1a: {  	s8 =	sadd.s32 $0xFFFFE003, lr  }
0x1b: {  	s9 =	sadd.s32 $0xFFFFFEF7, lr;
	s5 =	simm.s32 $0xFFFFFFFF;
	p2 =	slt.u32 s8, $0xFFFFF086  }
0x1c: {  	p1 =	slt.u32 s9, $0xF7A;
	s5 =	simm.s32 @!p2 $0x0  }
0x1d: {  	s5 =	simm.s32 @p1 $0x1;
	p0 =	seq.s32 s7, s2  }
0x1e: {  	s7 =	smul.u32 @!p0 $0xF7A, s2;
	p2 =	seq.s32 @!p0 s5, $0x0  }
0x1f: {  	s9 =	smul.u32 $0xF7A, s1;
	s8 =	simm.s32 @!p0 $0x1BF5;
	p2 =	por !p2, p0  }
0x20: {  	[sflag:s8] =	ssyncset.s32 @!p0 $0xFFFFF086;
	s6 =	sadd.s32 @!p0 s3, s7;
	s7 =	simm.s32 @!p0 $0x108  }
0x21: {  	s3 =	sadd.s32 s3, s9;
	s6 =	sadd.s32 @!p0 $0x88, s6;
	s7 =	simm.s32 @p2 $0x1082  }
0x22: {  	[simem:s7], [sflag:s8] =	dma.local @!p0 [hbm:s6], $0xF7A  }
0x23: {  	s9 =	sor.u32 $0xD0000000, s2;
	s6 =	simm.s32 $0x108;
	_ =	swait.ge @!p0 [sflag:s8], $0x0  }
0x24: {  	s3 =	sadd.s32 $0x88, s3;
	s6 =	simm.s32 @!p1 $0x1082;
	[sflag:s4] =	ssyncset.s32 $0xFFFFF086  }
0x25: {  	[simem:s6], [sflag:s4] =	dma.local [hbm:s3], $0xF7A  }
0x26: {  	[smem:$0x3F90] =	sst s1;
	(tag) =	ssettag s2;
	_ =	strace s9  }
0x27: {  	s1 =	sld [smem:$0x3FA0]  }
0x28: {  	s2 =	sld [smem:$0x3FA1]  }
0x29: {  	s4 =	sld [smem:$0x3FA3]  }
0x2a: {  	p0 =	seq.s32 s5, $0x0;
	s5 =	sld [smem:$0x3FA4]  }
0x2b: {  	s6 =	sld [smem:$0x3FA5]  }
0x2c: {  	s7 =	sld [smem:$0x3FA6]  }
0x2d: {  	s3 =	simm.s32 $0x108;
	s8 =	sld [smem:$0x3FA7]  }
0x2e: {  	s3 =	simm.s32 @!p0 $0x1082;
	s9 =	sld [smem:$0x3FA8]  }
0x2f: {  	lr =	sadd.s32 s0, s3;
	s0 =	sld [smem:$0x3F9F]  }
0x30: {  	s3 =	sld [smem:$0x3FA2]  }
0x31: {  	[smem:$0x3FAB] =	sst s10  }
0x32: {  	s10 =	sld [smem:$0x3FA9];
	_ =	sdelay $0x3  }
0x33: {  	p0 =	seq.s32 s10, $0x1;
	s10 =	sld [smem:$0x3FAB];
	_ =	sdelay $0x3  }
0x34: {  	[smem:$0x3FAB] =	sst s10  }
0x35: {  	s10 =	sld [smem:$0x3FAA];
	_ =	sdelay $0x3  }
0x36: {  	p1 =	seq.s32 s10, $0x1;
	s10 =	sld [smem:$0x3FAB];
	_ =	sdelay $0x3  }
0x37: {  	[smem:$0x3FAB] =	sst s10  }
0x38: {  	s10 =	sld [smem:$0x3FAC]  }
0x39: {  	_ = 	snop;
	(pc) =	sbr.ind lr, $3  }
0x3a: {  	_ = 	snop  }
0x3b: {  	_ = 	snop  }
0x3c: {  	p2 =	seq.s32 s10, $0x1;
	s10 =	sld [smem:$0x3FAB]  }
0x3d: {  	_ =	shalt  }
0x3e: {  	_ =	shalt  }
0x3f: {  	_ =	shalt  }
0x40: {  	_ =	shalt  }
0x41: {  	_ =	shalt  }
0x42: {  	_ =	shalt  }
0x43: {  	_ =	shalt  }
0x44: {  	_ =	shalt  }
0x45: {  	_ =	shalt  }
0x46: {  	_ =	shalt  }
0x47: {  	_ =	shalt  }
0x48: {  	_ =	shalt  }
0x49: {  	_ =	shalt  }
0x4a: {  	_ =	shalt  }
0x4b: {  	_ =	shalt  }
0x4c: {  	_ =	shalt  }
0x4d: {  	_ =	shalt  }
0x4e: {  	_ =	shalt  }
0x4f: {  	_ =	shalt  }
0x50: {  	_ =	shalt  }
0x51: {  	_ =	shalt  }
0x52: {  	_ =	shalt  }
0x53: {  	_ =	shalt  }
0x54: {  	_ =	shalt  }
0x55: {  	_ =	shalt  }
0x56: {  	_ =	shalt  }
0x57: {  	_ =	shalt  }
0x58: {  	_ =	shalt  }
0x59: {  	_ =	shalt  }
0x5a: {  	_ =	shalt  }
0x5b: {  	_ =	shalt  }
0x5c: {  	_ =	shalt  }
0x5d: {  	_ =	shalt  }
0x5e: {  	_ =	shalt  }
0x5f: {  	_ =	shalt  }
0x60: {  	_ =	shalt  }
0x61: {  	_ =	shalt  }
0x62: {  	_ =	shalt  }
0x63: {  	_ =	shalt  }
0x64: {  	_ =	shalt  }
0x65: {  	_ =	shalt  }
0x66: {  	_ =	shalt  }
0x67: {  	_ =	shalt  }
0x68: {  	_ =	shalt  }
0x69: {  	_ =	shalt  }
0x6a: {  	_ =	shalt  }
0x6b: {  	_ =	shalt  }
0x6c: {  	_ =	shalt  }
0x6d: {  	_ =	shalt  }
0x6e: {  	_ =	shalt  }
0x6f: {  	_ =	shalt  }
0x70: {  	_ =	shalt  }
0x71: {  	_ =	shalt  }
0x72: {  	_ =	shalt  }
0x73: {  	_ =	shalt  }
0x74: {  	_ =	shalt  }
0x75: {  	_ =	shalt  }
0x76: {  	_ =	shalt  }
0x77: {  	_ =	shalt  }
0x78: {  	_ =	shalt  }
0x79: {  	_ =	shalt  }
0x7a: {  	_ =	shalt  }
0x7b: {  	_ =	shalt  }
0x7c: {  	_ =	shalt  }
0x7d: {  	_ =	shalt  }
0x7e: {  	_ =	shalt  }
0x7f: {  	_ =	shalt  }
0x80: {  	_ =	shalt  }
0x81: {  	_ =	shalt  }
0x82: {  	_ =	shalt  }
0x83: {  	_ =	shalt  }
0x84: {  	_ =	shalt  }
0x85: {  	_ =	shalt  }
0x86: {  	_ =	shalt  }
0x87: {  	_ =	shalt  }
.Lfunc_end0:
.L_simem_size_0:
called_computation_lowered:
.L_overlay_start_0:
0x88: {  	s2 =	sld [smem:$0x3FD9]  }
0x89: {  	s3 =	sld [smem:$0x3FFE];
	_ =	sdelay $0x1  }
0x8a: {  	s1 =	srdreg.scid  }
0x8b: {  	s0 =	sand.u32 $0x1, s1  }
0x8c: {  	s17 =	sshll.u32 s0, $0xA;
	s2 =	sadd.s32 s3, s2  }
0x8d: {  	s2 =	sadd.s32 s2, s17  }
0x8e: {  	[smem:$0x3FB7] =	sst s2  }
0x8f: {  	_ = 	snop  }
0x90: {  	s2 =	sld [smem:$0x3FD0];
	(tm) =	ssettm $0x1  }
0x91: {  	s18 =	sld [smem:$0x3FFB];
	_ =	sdelay $0x3  }
0x92: {  	_ =	strace s18  }
0x93: {  	s3 =	sld [smem:$0x3FFC];
	_ =	sdelay $0x3  }
0x94: {  	_ =	strace s3  }
0x95: {  	s3 =	sld [smem:$0x3FFD];
	_ =	sdelay $0x3  }
0x96: {  	_ =	strace s3  }
0x97: {  	_ =	strace $0x8FFFFFFF  }
0x98: {  	s19 =	sld [smem:$0x3FDB];
	_ =	sdelay $0x1  }
0x99: {  	s4 =	simm.s32 $_scs_section_size  }
0x9a: {  	s5 =	simm.s32 $_size__tile_overlayer_lowered;
	s6 =	simm.s32 $_tile_overlayer_lowered  }
0x9b: {  	s22 =	simm.s32 $0x1BFF;
	s21 =	sshll.u32 s6, $0x1;
	s3 =	sadd.s32 s4, s19  }
0x9c: {  	s7 =	simm.s32 $0x0;
	s20 =	sshll.u32 s5, $0x1;
	s5 =	sadd.s32 s21, s3  }
0x9d: {  	[timem:s7], [sflag:s22] =	dma.local [hbm:s5], s20  }
0x9e: {  	_ =	swait.ge [sflag:s22], s20  }
0x9f: {  	s4 =	ssub.s32 $0x0, s20;
	[sflag:s22] =	ssyncset.done $0x0  }
0xa0: {  	[sflag:s22] =	ssyncadd.s32 s4;
	_ =	sdelay $0x1  }
0xa1: {  	s23 =	simm.s32 $0x1B8B  }
0xa2: {  	_ =	swait.ge [sflag:s23], $0x1  }
0xa3: {  	[sflag:s23] =	ssyncset.done $0x0  }
0xa4: {  	s25 =	simm.s32 $0x1B8E;
	s24 =	sld [smem:$0x3FFE];
	[sflag:s23] =	ssyncadd.s32 $0xFFFFFFFF  }
0xa5: {  	s26 =	simm.s32 $execute0_lowered;
	[smem:$0x3FD2] =	sst s25  }
0xa6: {  	s5 =	sshll.u32 s26, $0x1;
	_ =	strace $0x80000046;
	[dreg:$0x1] =	wrdreg $0xFFFFFFFF  }
0xa7: {  	s28 =	simm.s32 $_size_execute0_lowered;
	s3 =	sadd.s32 s3, s5;
	[dreg:$0x0] =	wrdreg $0x0  }
0xa8: {  	s5 =	sshll.u32 s28, $0x1;
	[dreg:$0x2] =	wrdreg s3  }
0xa9: {  	[dreg:$0x3] =	wrdreg s5  }
0xaa: {  	[dreg:$0x4] =	wrdreg $0xC0  }
0xab: {  	_ =	task [dreg:s7], $0x5FFFF  }
0xac: {  	[dreg:$0x1] =	wrdreg $0xFFFFFFFF  }
0xad: {  	[dreg:$0x0] =	wrdreg $0x60  }
0xae: {  	[dreg:$0x2] =	wrdreg s24  }
0xaf: {  	[dreg:$0x3] =	wrdreg s2  }
0xb0: {  	[dreg:$0x4] =	wrdreg $0x0  }
0xb1: {  	[dreg:$0x5] =	wrdreg $0x9  }
0xb2: {  	_ =	task.clear_ibuf [dreg:s7], $0x6FFFF;
	_ =	strace $0x90000046  }
0xb3: {  	s29 =	simm.s32 $0x9;
	_ =	strace $0x80000048  }
0xb4: {  	_ =	swait.ge [sflag:s29], $0x1  }
0xb5: {  	[sflag:s29] =	ssyncadd.s32 $0xFFFFFFFF  }
0xb6: {  	_ =	strace $0x90000048  }
0xb7: {  	_ =	sfence  }
0xb8: {  	s30 =	sld [smem:$0x0];
	_ =	sdelay $0x2  }
0xb9: {  	s31 =	sshll.u32 s1, $0xD;
	s1 =	sshrl.u32 s1, $0x2  }
0xba: {  	s3 =	sand.u32 $0x4000, s31;
	s1 =	sadd.s32 s1, s30  }
0xbb: {  	s0 =	sor.u32 s3, s0;
	s1 =	sshll.u32 s1, $0x11  }
0xbc: {  	s0 =	sor.u32 s1, s0  }
0xbd: {  	s0 =	sadd.s32 $0x8F2B, s0  }
0xbe: {  	[sflag:s0] =	ssyncadd.remote.s32 $0x1  }
0xbf: {  	_ =	sfence.sel $0xFFFF  }
0xc0: {  	[dreg:$0x0] =	wrdreg $0xFFFFFFFF;
	(pc) =	sbr.abs _section_cstart, $3  }
0xc1: {  	[dreg:$0x1] =	wrdreg $0xFFFFFFFF  }
0xc2: {  	_ =	task.clear_ibuf [dreg:s7], $0x2FFFF;
	_ =	strace $0x9FFFFFFF  }
0xc3: {  	(tm) =	ssettm $0x7FFFFFFF  }
tec
execute0_lowered:
.L_overlay_start_1:
0x0: {  	(tag) =	ssettag $0x1  }
0x1: {  	s0 =	rddreg [dreg:$0x0]  }
0x2: {  	s2 =	rddreg [dreg:$0x1]  }
0x3: {  	s1 =	rddreg [dreg:$0x2];
	s3 =	simm.s32 $0x0  }
0x4: {  	s4 =	srdreg.scid;
	s12 =	stileid.u32;
	s5 =	simm.s32 $0x20400  }
0x5: {  	s28 =	simm.s32 $0x2;
	s29 =	simm.s32 $0x5;
	s30 =	simm.s32 $0x3  }
0x6: {  	s31 =	simm.s32 $0x6;
	[smem:$0x7FF] =	sst s3;
	s4 =	sand.u32 $0x1, s4  }
0x7: {  	s6 =	smul.u32 $0x1880, s12;
	s8 =	sadd.s32 $0x4200, s0;
	_ =	strace $0x80000047  }
0x8: {  	p0 =	seq.s32 s4, $0x0;
	s7 =	smul.u32 $0x204000, s4;
	s10 =	ssub.s32 $0x2, s4  }
0x9: {  	s4 =	smul.u32 $0x18800, s4;
	s5 =	simm.s32 @!p0 $0x11400;
	s9 =	sshrl.u32 s6, $0x3  }
0xa: {  	s14 =	sshrl.u32 s10, $0x1;
	s11 =	sadd.s32 s6, s1;
	s5 =	smul.u32 s12, s5  }
0xb: {  	s9 =	sadd.s32 s9, s0;
	s0 =	sadd.s32 $0xCD400, s0;
	s12 =	sshll.u32 s12, $0x6  }
0xc: {  	s4 =	sadd.s32 s6, s4;
	s6 =	simm.s32 $0x0;
	[dreg:$0x4] =	wrdreg s0  }
0xd: {  	s0 =	ssub.s32 s10, s14;
	s16 =	sadd.s32 $0xCA200, s9;
	s4 =	sshrl.u32 s4, $0x3  }
0xe: {  	s15 =	sadd.s32 s7, s5;
	s5 =	simm.s32 $0x2A;
	[dreg:$0x5] =	wrdreg s16  }
0xf: {  	s2 =	sadd.s32 s2, s4;
	s4 =	simm.s32 $0x8;
	s5 =	simm.s32 @!p0 $0x16  }
0x10: {  	s7 =	sshrl.u32 s15, $0x3;
	s21 =	sadd.s32 $0x319500, s15;
	s23 =	sadd.s32 $0x319200, s15  }
0x11: {  	[dreg:$0xa] =	wrdreg s2;
	s24 =	sadd.s32 $0x318F00, s15;
	s25 =	sadd.s32 $0x318C00, s15  }
0x12: {  	s13 =	sadd.s32 s8, s7;
	s7 =	sor.u32 $0x1C09, s12;
	s22 =	sshrl.u32 s21, $0x3  }
0x13: {  	s2 =	sshrl.u32 s24, $0x3;
	s26 =	sshrl.u32 s25, $0x3;
	s21 =	simm.s32 $0x1880  }
0x14: {  	s24 =	simm.s32 $0x1;
	s25 =	simm.s32 $0x300;
	s17 =	sadd.s32 $0x63000, s13  }
0x15: {  	s18 =	sadd.s32 $0x63060, s13;
	s19 =	sadd.s32 $0x630C0, s13;
	s20 =	sadd.s32 $0x63120, s13  }
0x16: {  	s13 =	smax.u32 s0, $0x1;
	s14 =	sadd.s32 s22, s8;
	[dreg:$0x6] =	wrdreg s17  }
0x17: {  	s0 =	sshrl.u32 s23, $0x3;
	s16 =	sadd.s32 s2, s8;
	[dreg:$0x7] =	wrdreg s18  }
0x18: {  	s22 =	simm.s32 $0x1B80;
	s23 =	simm.s32 $0x1E80;
	[dreg:$0x8] =	wrdreg s19  }
0x19: {  	s2 =	simm.s32 $0x7;
	[dreg:$0x9] =	wrdreg s20;
	s15 =	sadd.s32 s0, s8  }
0x1a: {  	s17 =	sadd.s32 s26, s8;
	s18 =	sshrl.u32 s11, $0x3;
	s19 =	simm.s32 $0x9  }
0x1b: {  	s20 =	simm.s32 $0x2480;
	s26 =	simm.s32 $0x2180;
	s0 =	simm.s32 $0x4  }
.LBB2_1:
0x1c: {  	s8 =	rddreg [dreg:$0x5]  }
0x1d: {  	[spmem:s18], [sflag:s7] =	dma.local [hbm:s8], $0x310  }
0x1e: {  	_ =	swait.ge [sflag:s19], $0x310  }
0x1f: {  	[sflag:s19] =	ssyncset.done $0x0  }
0x20: {  	s12 =	rddreg [dreg:$0x4];
	[sflag:s19] =	ssyncadd.s32 $0xFFFFFCF0  }
0x21: {  	[tilespmem:s20], [sflag:$0x9] =	stream.linear.gather [hbm4b:s12+s3], $0x300, $0x38;
	[tilespmem:$0x2780] =	vst v63  }
0x22: {  	_ =	swait.ge [sflag:s19], $0x300  }
0x23: {  	[sflag:s19] =	ssyncset.done $0x0  }
0x24: {  	[sflag:s19] =	ssyncadd.s32 $0xFFFFFD00  }
0x25: {  	[bflag:$0x0] =	sbarrier.arrive $0xFFFF  }
0x26: {  	s9 =	rddreg [dreg:$0x6]  }
0x27: {  	[tilespmem:s21], [sflag:$0x1] =	stream.linear.gather [hbm4b:s9+s3], $0x300, $0x38;
	[tilespmem:$0x2780] =	vst v63  }
0x28: {  	s10 =	rddreg [dreg:$0x7]  }
0x29: {  	[tilespmem:s22], [sflag:$0x2] =	stream.linear.gather [hbm4b:s10+s3], $0x300, $0x38;
	[tilespmem:$0x2780] =	vst v63  }
0x2a: {  	s11 =	rddreg [dreg:$0x8]  }
0x2b: {  	[tilespmem:s23], [sflag:$0x3] =	stream.linear.gather [hbm4b:s11+s3], $0x300, $0x38;
	[tilespmem:$0x2780] =	vst v63  }
0x2c: {  	_ =	swait.ge [sflag:s24], $0x300  }
0x2d: {  	[sflag:s24] =	ssyncset.done $0x0  }
0x2e: {  	[sflag:s24] =	ssyncadd.s32 $0xFFFFFD00  }
0x2f: {  	[spmem:s1] =	stream.indirect.scatter.add.f32 [tilespmem:s20], [sflag:$0x5], $0x1, s21, s25, $0xb8;
	[tilespmem:$0x2780] =	vst v63  }
0x30: {  	s12 =	rddreg [dreg:$0x9]  }
0x31: {  	[tilespmem:s26], [sflag:$0x4] =	stream.linear.gather [hbm4b:s12+s3], $0x300, $0x38;
	[tilespmem:$0x2780] =	vst v63  }
0x32: {  	_ =	swait.ge [sflag:s28], $0x300  }
0x33: {  	[sflag:s28] =	ssyncset.done $0x0  }
0x34: {  	[sflag:s28] =	ssyncadd.s32 $0xFFFFFD00  }
0x35: {  	[spmem:s1] =	stream.indirect.scatter.add.f32 [tilespmem:s20], [sflag:$0x6], $0x1, s22, s25, $0xb8;
	[tilespmem:$0x2780] =	vst v63  }
0x36: {  	_ =	swait.ge [sflag:s29], $0x300  }
0x37: {  	[sflag:s29] =	ssyncset.done $0x0  }
0x38: {  	[sflag:s29] =	ssyncadd.s32 $0xFFFFFD00  }
0x39: {  	[tilespmem:s21], [sflag:$0x1] =	stream.linear.gather [hbm4b:s17+s3], $0x300, $0x38;
	[tilespmem:$0x2780] =	vst v63  }
0x3a: {  	_ =	swait.ge [sflag:s30], $0x300  }
0x3b: {  	[sflag:s30] =	ssyncset.done $0x0  }
0x3c: {  	[sflag:s30] =	ssyncadd.s32 $0xFFFFFD00  }
0x3d: {  	[spmem:s1] =	stream.indirect.scatter.add.f32 [tilespmem:s20], [sflag:$0x7], $0x1, s23, s25, $0xb8;
	[tilespmem:$0x2780] =	vst v63  }
0x3e: {  	_ =	swait.ge [sflag:s31], $0x300  }
0x3f: {  	[sflag:s31] =	ssyncset.done $0x0  }
0x40: {  	[sflag:s31] =	ssyncadd.s32 $0xFFFFFD00  }
0x41: {  	[tilespmem:s22], [sflag:$0x2] =	stream.linear.gather [hbm4b:s16+s3], $0x300, $0x38;
	[tilespmem:$0x2780] =	vst v63  }
0x42: {  	_ =	swait.ge [sflag:s0], $0x300  }
0x43: {  	[sflag:s0] =	ssyncset.done $0x0  }
0x44: {  	[sflag:s0] =	ssyncadd.s32 $0xFFFFFD00  }
0x45: {  	[spmem:s1] =	stream.indirect.scatter.add.f32 [tilespmem:s20], [sflag:$0x8], $0x1, s26, s25, $0xb8;
	[tilespmem:$0x2780] =	vst v63  }
0x46: {  	_ =	swait.ge [sflag:s2], $0x300  }
0x47: {  	[sflag:s2] =	ssyncset.done $0x0  }
0x48: {  	[sflag:s2] =	ssyncadd.s32 $0xFFFFFD00  }
0x49: {  	[tilespmem:s23], [sflag:$0x3] =	stream.linear.gather [hbm4b:s15+s3], $0x300, $0x38;
	[tilespmem:$0x2780] =	vst v63  }
0x4a: {  	_ =	swait.ge [sflag:s24], $0x300  }
0x4b: {  	[sflag:s24] =	ssyncset.done $0x0  }
0x4c: {  	[sflag:s24] =	ssyncadd.s32 $0xFFFFFD00  }
0x4d: {  	[spmem:s1] =	stream.indirect.scatter.add.f32 [tilespmem:s20], [sflag:$0x5], $0x1, s21, s25, $0xb8;
	[tilespmem:$0x2780] =	vst v63  }
0x4e: {  	_ =	swait.ge [sflag:s4], $0x300  }
0x4f: {  	p0 =	sne.s32 s5, $0x1;
	[sflag:s4] =	ssyncset.done $0x0  }
.Ltmp0:
0x50: {  	[sflag:s4] =	ssyncadd.s32 $0xFFFFFD00;
	(pc) =	sbr.rel @!p0 .LBB2_3-.Ltmp0, $4  }
0x51: {  	[tilespmem:s26], [sflag:$0x4] =	stream.linear.gather [hbm4b:s14+s3], $0x300, $0x38;
	[tilespmem:$0x2780] =	vst v63  }
0x52: {  	s8 =	sadd.s32 $0xFFFFFFFF, s5;
	_ =	swait.ge [sflag:s28], $0x300  }
0x53: {  	s9 =	sadd.s32 $0x180, s16;
	s10 =	sadd.s32 $0x180, s17;
	[sflag:s28] =	ssyncset.done $0x0  }
0x54: {  	s11 =	sadd.s32 $0x180, s14;
	s12 =	sadd.s32 $0x180, s15;
	[sflag:s28] =	ssyncadd.s32 $0xFFFFFD00  }
.LBB2_2:
0x55: {  	[spmem:s1] =	stream.indirect.scatter.add.f32 [tilespmem:s20], [sflag:$0x6], $0x1, s22, s25, $0xb8;
	[tilespmem:$0x2780] =	vst v63  }
0x56: {  	p0 =	sne.s32 s8, $0x1;
	s8 =	sadd.s32 $0xFFFFFFFF, s8;
	_ =	swait.ge [sflag:s29], $0x300  }
0x57: {  	[sflag:s29] =	ssyncset.done $0x0  }
0x58: {  	[sflag:s29] =	ssyncadd.s32 $0xFFFFFD00  }
0x59: {  	[tilespmem:s21], [sflag:$0x1] =	stream.linear.gather [hbm4b:s10+s3], $0x300, $0x38;
	[tilespmem:$0x2780] =	vst v63  }
0x5a: {  	_ =	swait.ge [sflag:s30], $0x300  }
0x5b: {  	[sflag:s30] =	ssyncset.done $0x0  }
0x5c: {  	[sflag:s30] =	ssyncadd.s32 $0xFFFFFD00  }
0x5d: {  	[spmem:s1] =	stream.indirect.scatter.add.f32 [tilespmem:s20], [sflag:$0x7], $0x1, s23, s25, $0xb8;
	[tilespmem:$0x2780] =	vst v63  }
0x5e: {  	_ =	swait.ge [sflag:s31], $0x300  }
0x5f: {  	[sflag:s31] =	ssyncset.done $0x0  }
0x60: {  	[sflag:s31] =	ssyncadd.s32 $0xFFFFFD00  }
0x61: {  	[tilespmem:s22], [sflag:$0x2] =	stream.linear.gather [hbm4b:s9+s3], $0x300, $0x38;
	[tilespmem:$0x2780] =	vst v63  }
0x62: {  	_ =	swait.ge [sflag:s0], $0x300  }
0x63: {  	[sflag:s0] =	ssyncset.done $0x0  }
0x64: {  	[sflag:s0] =	ssyncadd.s32 $0xFFFFFD00  }
0x65: {  	[spmem:s1] =	stream.indirect.scatter.add.f32 [tilespmem:s20], [sflag:$0x8], $0x1, s26, s25, $0xb8;
	[tilespmem:$0x2780] =	vst v63  }
0x66: {  	_ =	swait.ge [sflag:s2], $0x300  }
0x67: {  	[sflag:s2] =	ssyncset.done $0x0  }
0x68: {  	[sflag:s2] =	ssyncadd.s32 $0xFFFFFD00  }
0x69: {  	[tilespmem:s23], [sflag:$0x3] =	stream.linear.gather [hbm4b:s12+s3], $0x300, $0x38;
	[tilespmem:$0x2780] =	vst v63  }
0x6a: {  	_ =	swait.ge [sflag:s24], $0x300  }
0x6b: {  	[sflag:s24] =	ssyncset.done $0x0  }
0x6c: {  	[sflag:s24] =	ssyncadd.s32 $0xFFFFFD00  }
0x6d: {  	[spmem:s1] =	stream.indirect.scatter.add.f32 [tilespmem:s20], [sflag:$0x5], $0x1, s21, s25, $0xb8;
	[tilespmem:$0x2780] =	vst v63  }
0x6e: {  	_ =	swait.ge [sflag:s4], $0x300  }
0x6f: {  	[sflag:s4] =	ssyncset.done $0x0  }
.Ltmp1:
0x70: {  	[sflag:s4] =	ssyncadd.s32 $0xFFFFFD00;
	(pc) =	sbr.rel @p0 .LBB2_2-.Ltmp1, $4  }
0x71: {  	[tilespmem:s26], [sflag:$0x4] =	stream.linear.gather [hbm4b:s11+s3], $0x300, $0x38;
	[tilespmem:$0x2780] =	vst v63  }
0x72: {  	_ =	swait.ge [sflag:s28], $0x300  }
0x73: {  	s10 =	sadd.s32 $0x180, s10;
	s9 =	sadd.s32 $0x180, s9;
	[sflag:s28] =	ssyncset.done $0x0  }
0x74: {  	s12 =	sadd.s32 $0x180, s12;
	s11 =	sadd.s32 $0x180, s11;
	[sflag:s28] =	ssyncadd.s32 $0xFFFFFD00  }
.LBB2_3:
0x75: {  	[spmem:s1] =	stream.indirect.scatter.add.f32 [tilespmem:s20], [sflag:$0x6], $0x1, s22, s25, $0xb8;
	[tilespmem:$0x2780] =	vst v63  }
0x76: {  	_ =	swait.ge [sflag:s29], $0x300  }
0x77: {  	[sflag:s29] =	ssyncset.done $0x0  }
0x78: {  	[sflag:s29] =	ssyncadd.s32 $0xFFFFFD00  }
0x79: {  	_ =	swait.ge [sflag:s30], $0x300  }
0x7a: {  	[sflag:s30] =	ssyncset.done $0x0  }
0x7b: {  	[sflag:s30] =	ssyncadd.s32 $0xFFFFFD00  }
0x7c: {  	[spmem:s1] =	stream.indirect.scatter.add.f32 [tilespmem:s20], [sflag:$0x7], $0x1, s23, s25, $0xb8;
	[tilespmem:$0x2780] =	vst v63  }
0x7d: {  	_ =	swait.ge [sflag:s31], $0x300  }
0x7e: {  	[sflag:s31] =	ssyncset.done $0x0  }
0x7f: {  	[sflag:s31] =	ssyncadd.s32 $0xFFFFFD00  }
0x80: {  	_ =	swait.ge [sflag:s0], $0x300  }
0x81: {  	[sflag:s0] =	ssyncset.done $0x0  }
0x82: {  	[sflag:s0] =	ssyncadd.s32 $0xFFFFFD00  }
0x83: {  	[spmem:s1] =	stream.indirect.scatter.add.f32 [tilespmem:s20], [sflag:$0x8], $0x1, s26, s25, $0xb8;
	[tilespmem:$0x2780] =	vst v63  }
0x84: {  	_ =	swait.ge [sflag:s2], $0x300  }
0x85: {  	[sflag:s2] =	ssyncset.done $0x0  }
0x86: {  	[sflag:s2] =	ssyncadd.s32 $0xFFFFFD00  }
0x87: {  	_ =	swait.ge [sflag:s4], $0x300  }
0x88: {  	[sflag:s4] =	ssyncset.done $0x0  }
0x89: {  	s6 =	sadd.s32 $0x1, s6;
	[sflag:s4] =	ssyncadd.s32 $0xFFFFFD00  }
0x8a: {  	p0 =	sne.s32 s6, s13;
	[bflag:$0x0] =	sbarrier.arrive $0xFFFF  }
.Ltmp2:
0x8b: {  	s8 =	rddreg [dreg:$0xa];
	(pc) =	sbr.rel @p0 .LBB2_1-.Ltmp2, $4  }
0x8c: {  	[hbm:s8], [sflag:s7] =	dma.local [spmem:s18], $0x310  }
0x8d: {  	_ =	swait.ge [sflag:s19], $0x310  }
0x8e: {  	[sflag:s19] =	ssyncset.done $0x0  }
0x8f: {  	[sflag:s19] =	ssyncadd.s32 $0xFFFFFCF0  }
0x90: {  	_ =	sfence.sel $0x180000  }
0x91: {  	[bflag:$0x0] =	sbarrier.arrive $0xFFFF  }
0x92: {  	_ =	strace $0x90000047  }
0x93: {  	s0 =	stileid.u32;
	[bflag:$0x2] =	sbarrier.arrive $0xFFFF  }
0x94: {  	p0 =	sne.s32 s0, $0x0;
	s0 =	rddreg [dreg:$0x3]  }
0x95: {  	s0 =	sadd.s32 @!p0 $0x100000, s0  }
0x96: {  	[sflag:s0] =	ssyncadd.tile.s32 @!p0 $0x1;
	_ =	shalt  }
.Lfunc_end2:
_tile_overlayer_lowered:
.L_overlay_start_2:
0x97: {  	(tag) =	ssettag $0x2  }
0x98: {  	s0 =	rddreg [dreg:$0x0];
	s2 =	stileid.u32  }
0x99: {  	s1 =	rddreg [dreg:$0x1];
	p0 =	sne.s32 s2, $0x0  }
0x9a: {  	s3 =	rddreg [dreg:$0x2];
	[bflag:$0x3] =	sbarrier.arrive $0xFFFF;
	s2 =	simm.s32 @!p0 $0x1C09  }
0x9b: {  	[timem:s3], [sflag:s2] =	dma.local @!p0 [hbm:s0], s1  }
0x9c: {  	s0 =	simm.s32 @!p0 $0x9  }
0x9d: {  	_ =	swait.ge @!p0 [sflag:s0], s1  }
0x9e: {  	s1 =	ssub.s32 @!p0 $0x0, s1;
	[sflag:s0] =	ssyncset.done @!p0 $0x0  }
0x9f: {  	[sflag:s0] =	ssyncadd.s32 @!p0 s1  }
0xa0: {  	[bflag:$0x3] =	sbarrier.arrive $0xFFFF  }
0xa1: {  	_ =	shalt  }

</sc_bundles>
